<compile_context>
chip_gen: v7x
topology: tpu7x:2x2x1
jax: 0.10.2.dev20260603
libtpu: 0.0.44.dev20260713+nightly
codegen_flags: <defaults>
</compile_context>

<pallas_src>
import functools

import jax
import jax.numpy as jnp
from jax import lax
from jax.experimental import pallas as pl
from jax.experimental.pallas import tpu as pltpu
from jax.experimental.pallas import tpu_sc as plsc

T = 26
B = 4096
ROWS = 100000
D = 64
L = 20

NC = 2
NS = 16
NW = NC * NS
NBAGS = T * B
BAGS_PER_TILE = NBAGS // NW
NB = 16
NCH = BAGS_PER_TILE // NB
E = NB * L
KS = 64
KSUB = E // KS
NBUF = 2


def _tbe_body(idx_hbm, w_hbm, out_hbm, idx_v, gidx_v, rows_v, out_v,
              isem, gsem, osem):
    cid = lax.axis_index("c")
    sid = lax.axis_index("s")
    wid = sid * NC + cid
    tile_base = wid * BAGS_PER_TILE

    def chunk_coords(c):
        g0 = tile_base + c * NB
        t = g0 // B
        b0 = g0 - t * B
        return g0, t, b0

    def idx_copy(c, buf):
        g0, _, _ = chunk_coords(c)
        return pltpu.make_async_copy(
            idx_hbm.at[pl.ds(g0 * L, E)], idx_v.at[buf], isem.at[buf]
        )

    def gathers(c, buf):
        return [
            pltpu.make_async_copy(
                w_hbm.at[gidx_v.at[buf, k]],
                rows_v.at[buf, pl.ds(k * KS, KS)],
                gsem.at[buf],
            )
            for k in range(KSUB)
        ]

    def issue(c, buf):
        _, t, _ = chunk_coords(c)
        idx_copy(c, buf).wait()

        @pl.when(c + 1 < NCH)
        def _():
            nb = (buf + 1) % NBUF
            idx_copy(c + 1, nb).start()

        off = t * ROWS
        for k in range(KSUB):
            for j in range(KS // 16):
                gidx_v[buf, k, pl.ds(j * 16, 16)] = (
                    idx_v[buf, pl.ds(k * KS + j * 16, 16)] + off
                )
        for cp in gathers(c, buf):
            cp.start()

    def out_copy(c, buf):
        _, t, b0 = chunk_coords(c)
        return pltpu.make_async_copy(
            out_v.at[buf],
            out_hbm.at[pl.ds(b0, NB), pl.ds(t * D, D)],
            osem.at[buf],
        )

    def reduce_chunk(buf):
        def bag_body(n, carry):
            for j in range(D // 16):
                s = rows_v[buf, n * L, pl.ds(j * 16, 16)]
                for l in range(1, L):
                    s = s + rows_v[buf, n * L + l, pl.ds(j * 16, 16)]
                out_v[buf, n, pl.ds(j * 16, 16)] = s
            return carry

        lax.fori_loop(0, NB, bag_body, 0, unroll=False)

    idx_copy(0, 0).start()
    for p in range(NBUF - 1):
        issue(p, p)

    def step(g, carry):
        for b in range(NBUF):
            c = g * NBUF + b
            look = c + NBUF - 1

            @pl.when(look < NCH)
            def _():
                issue(look, (b + NBUF - 1) % NBUF)

            for cp in gathers(c, b):
                cp.wait()

            @pl.when(c >= NBUF)
            def _():
                out_copy(c - NBUF, b).wait()

            reduce_chunk(b)
            out_copy(c, b).start()
        return carry

    lax.fori_loop(0, NCH // NBUF, step, 0, unroll=False)

    for b in range(NBUF):
        out_copy(NCH - NBUF + b, b).wait()


_tbe_kernel = functools.partial(
    pl.kernel,
    out_type=jax.ShapeDtypeStruct((B, T * D), jnp.float32),
    mesh=plsc.VectorSubcoreMesh(core_axis_name="c", subcore_axis_name="s"),
    scratch_types=[
        pltpu.VMEM((NBUF, E), jnp.int32),
        pltpu.VMEM((NBUF, KSUB, KS), jnp.int32),
        pltpu.VMEM((NBUF, E, D), jnp.float32),
        pltpu.VMEM((NBUF, NB, D), jnp.float32),
        pltpu.SemaphoreType.DMA((NBUF,)),
        pltpu.SemaphoreType.DMA((NBUF,)),
        pltpu.SemaphoreType.DMA((NBUF,)),
    ],
    compiler_params=pltpu.CompilerParams(use_tc_tiling_on_sc=False),
)(_tbe_body)


@jax.jit
def kernel(indices, offsets, weights):
    del offsets
    return _tbe_kernel(indices, weights)

# --- scband reference (transcript-rebuilt; emitter-appended) ---
"""Pipeline reference for scband-ssdtable-batched-embedding-bags-13305808683301 (READ-ONLY COPY).

The authoritative reference and input builder live on the scoring server;
editing this copy changes nothing except your own understanding.
"""

import jax, jax.numpy as jnp
import numpy as np

T = 26      # number of tables/features
B = 4096    # batch size
ROWS = 100000  # rows per table
D = 64      # embedding dim (uniform across tables)
L = 20      # fixed bag length


def setup_inputs(seed: int = 0) -> dict:
    key = jax.random.key(seed)
    k1, k2 = jax.random.split(key)
    # TBE layout: bags are table-major: bag_id = t * B + b
    indices = jax.random.randint(k1, (T * B * L,), 0, ROWS, dtype=jnp.int32)
    offsets = (jnp.arange(T * B + 1, dtype=jnp.int32) * L).astype(jnp.int32)
    # concatenated weight storage for all tables, rows laid out per hash_size_cumsum
    weights = jax.random.uniform(k2, (T * ROWS, D), dtype=jnp.float32, minval=-0.01, maxval=0.01)
    return {"indices": indices, "offsets": offsets, "weights": weights}


def reference(indices, offsets, weights):
    total = indices.shape[0]
    n_bags = offsets.shape[0] - 1  # = T * B
    positions = jnp.arange(total, dtype=jnp.int32)
    # bag id for each index element (handles ragged offsets)
    seg = jnp.searchsorted(offsets, positions, side='right').astype(jnp.int32) - 1
    # per-table local indices are offset by hash_size_cumsum (= table_id * ROWS here)
    table_id = seg // B
    global_idx = indices + table_id * ROWS
    gathered = jnp.take(weights, global_idx, axis=0)  # [total, D]
    pooled = jax.ops.segment_sum(gathered, seg, num_segments=n_bags)  # [T*B, D] sum pooling
    # reorder table-major bags to [B, total_D] with total_D = T * D
    out = pooled.reshape(T, B, D).transpose(1, 0, 2).reshape(B, T * D)
    return out

if __name__ == "__main__":
    import jax
    _d = setup_inputs()
    print(jax.jit(kernel)(*tuple(_d.values())))

</pallas_src>

<mosaic_0001>
#map = affine_map<(d0, d1) -> (0)>
#map1 = affine_map<(d0, d1) -> (0, 0)>
module attributes {stable_mosaic.version = 14 : i64} {
  func.func @_tbe_body(%arg0: i32, %arg1: i32, %arg2: memref<2129920xi32, #tpu.memory_space<hbm>>, %arg3: memref<2600000x64xf32, #tpu.memory_space<hbm>>, %arg4: memref<4096x1664xf32, #tpu.memory_space<hbm>>, %arg5: memref<2x320xi32, #tpu.memory_space<vmem>>, %arg6: memref<2x5x64xi32, #tpu.memory_space<vmem>>, %arg7: memref<2x320x64xf32, #tpu.memory_space<vmem>>, %arg8: memref<2x16x64xf32, #tpu.memory_space<vmem>>, %arg9: memref<2x!tpu.dma_semaphore, #tpu.memory_space<semaphore_mem>>, %arg10: memref<2x!tpu.dma_semaphore, #tpu.memory_space<semaphore_mem>>, %arg11: memref<2x!tpu.dma_semaphore, #tpu.memory_space<semaphore_mem>>) attributes {dimension_semantics = [#tpu.dimension_semantics<core_parallel>, #tpu.dimension_semantics<subcore_parallel>], iteration_bounds = array<i64: 2, 16>, scalar_prefetch = 0 : i64, scratch_operands = 7 : i64, tpu.core_type = #tpu.core_type<sc_vector_subcore>, window_params = [{transform_indices = #map}, {transform_indices = #map1}, {transform_indices = #map1}]} {
    %mul3A = arith.constant 2 : i32
    %mul3A_0 = arith.muli %arg1, %mul3A : i32
    %add3A = arith.addi %mul3A_0, %arg0 : i32
    %mul3A_1 = arith.constant 3328 : i32
    %mul3A_2 = arith.muli %add3A, %mul3A_1 : i32
    %add3A_3 = arith.constant 0 : i32
    %add3A_4 = arith.addi %mul3A_2, %add3A_3 : i32
    %jit3A = arith.constant 4096 : i32
    %div3A = arith.divsi %add3A_4, %jit3A : i32
    %sign3A = arith.constant 0 : i32
    %sign3A_5 = arith.cmpi sgt, %add3A_4, %sign3A : i32
    %sign3A_6 = arith.extui %sign3A_5 : i1 to i32
    %sign3A_7 = arith.constant 0 : i32
    %sign3A_8 = arith.cmpi slt, %add3A_4, %sign3A_7 : i32
    %sign3A_9 = arith.extui %sign3A_8 : i1 to i32
    %sign3A_10 = arith.subi %sign3A_6, %sign3A_9 : i32
    %sign3A_11 = arith.constant 0 : i32
    %sign3A_12 = arith.cmpi sgt, %jit3A, %sign3A_11 : i32
    %sign3A_13 = arith.extui %sign3A_12 : i1 to i32
    %sign3A_14 = arith.constant 0 : i32
    %sign3A_15 = arith.cmpi slt, %jit3A, %sign3A_14 : i32
    %sign3A_16 = arith.extui %sign3A_15 : i1 to i32
    %sign3A_17 = arith.subi %sign3A_13, %sign3A_16 : i32
    %ne3A = arith.cmpi ne, %sign3A_10, %sign3A_17 : i32
    %rem3A = arith.remsi %add3A_4, %jit3A : i32
    %ne3A_18 = arith.constant 0 : i32
    %ne3A_19 = arith.cmpi ne, %rem3A, %ne3A_18 : i32
    %and3A = arith.andi %ne3A, %ne3A_19 : i1
    %sub3A = arith.constant 1 : i32
    %sub3A_20 = arith.subi %div3A, %sub3A : i32
    %select_n3A = arith.select %and3A, %sub3A_20, %div3A : i32
    %mul3A_21 = arith.constant 4096 : i32
    %mul3A_22 = arith.muli %select_n3A, %mul3A_21 : i32
    %sub3A_23 = arith.subi %add3A_4, %mul3A_22 : i32
    %mul3A_24 = arith.constant 20 : i32
    %mul3A_25 = arith.muli %add3A_4, %mul3A_24 : i32
    %dma_start3A = arith.constant 0 : i32
    %dma_start3A_26 = arith.constant 0 : i32
    %dma_start3A_27 = arith.constant 0 : i32
    %dma_start3A_28 = tpu.memref_slice %arg5[%dma_start3A, %dma_start3A_27] : memref<2x320xi32, #tpu.memory_space<vmem>> -> memref<1x320xi32, #tpu.memory_space<vmem>>
    %dma_start3A_29 = tpu.memref_squeeze %dma_start3A_28 : memref<1x320xi32, #tpu.memory_space<vmem>> -> memref<320xi32, #tpu.memory_space<vmem>>
    %dma_start3A_30 = tpu.memref_slice %arg2[%mul3A_25] : memref<2129920xi32, #tpu.memory_space<hbm>> -> memref<320xi32, #tpu.memory_space<hbm>>
    %dma_start3A_31 = tpu.memref_slice %arg9[%dma_start3A_26] : memref<2x!tpu.dma_semaphore, #tpu.memory_space<semaphore_mem>> -> memref<1x!tpu.dma_semaphore, #tpu.memory_space<semaphore_mem>>
    %dma_start3A_32 = tpu.memref_squeeze %dma_start3A_31 : memref<1x!tpu.dma_semaphore, #tpu.memory_space<semaphore_mem>> -> memref<!tpu.dma_semaphore, #tpu.memory_space<semaphore_mem>>
    %dma_start3A_33 = arith.constant 0 : i32
    %dma_start3A_34 = tpu.memref_slice %arg5[%dma_start3A, %dma_start3A_33] : memref<2x320xi32, #tpu.memory_space<vmem>> -> memref<1x320xi32, #tpu.memory_space<vmem>>
    %dma_start3A_35 = tpu.memref_squeeze %dma_start3A_34 : memref<1x320xi32, #tpu.memory_space<vmem>> -> memref<320xi32, #tpu.memory_space<vmem>>
    %dma_start3A_36 = tpu.memref_slice %arg2[%mul3A_25] : memref<2129920xi32, #tpu.memory_space<hbm>> -> memref<320xi32, #tpu.memory_space<hbm>>
    tpu.enqueue_dma source(%dma_start3A_36 : memref<320xi32, #tpu.memory_space<hbm>>) target(%dma_start3A_35 : memref<320xi32, #tpu.memory_space<vmem>>) target_semaphore(%dma_start3A_32 : memref<!tpu.dma_semaphore, #tpu.memory_space<semaphore_mem>>)
    %add3A_37 = arith.constant 0 : i32
    %add3A_38 = arith.addi %mul3A_2, %add3A_37 : i32
    %jit3A_39 = arith.constant 4096 : i32
    %div3A_40 = arith.divsi %add3A_38, %jit3A_39 : i32
    %sign3A_41 = arith.constant 0 : i32
    %sign3A_42 = arith.cmpi sgt, %add3A_38, %sign3A_41 : i32
    %sign3A_43 = arith.extui %sign3A_42 : i1 to i32
    %sign3A_44 = arith.constant 0 : i32
    %sign3A_45 = arith.cmpi slt, %add3A_38, %sign3A_44 : i32
    %sign3A_46 = arith.extui %sign3A_45 : i1 to i32
    %sign3A_47 = arith.subi %sign3A_43, %sign3A_46 : i32
    %sign3A_48 = arith.constant 0 : i32
    %sign3A_49 = arith.cmpi sgt, %jit3A_39, %sign3A_48 : i32
    %sign3A_50 = arith.extui %sign3A_49 : i1 to i32
    %sign3A_51 = arith.constant 0 : i32
    %sign3A_52 = arith.cmpi slt, %jit3A_39, %sign3A_51 : i32
    %sign3A_53 = arith.extui %sign3A_52 : i1 to i32
    %sign3A_54 = arith.subi %sign3A_50, %sign3A_53 : i32
    %ne3A_55 = arith.cmpi ne, %sign3A_47, %sign3A_54 : i32
    %rem3A_56 = arith.remsi %add3A_38, %jit3A_39 : i32
    %ne3A_57 = arith.constant 0 : i32
    %ne3A_58 = arith.cmpi ne, %rem3A_56, %ne3A_57 : i32
    %and3A_59 = arith.andi %ne3A_55, %ne3A_58 : i1
    %sub3A_60 = arith.constant 1 : i32
    %sub3A_61 = arith.subi %div3A_40, %sub3A_60 : i32
    %select_n3A_62 = arith.select %and3A_59, %sub3A_61, %div3A_40 : i32
    %mul3A_63 = arith.constant 4096 : i32
    %mul3A_64 = arith.muli %select_n3A_62, %mul3A_63 : i32
    %sub3A_65 = arith.subi %add3A_38, %mul3A_64 : i32
    %add3A_66 = arith.constant 0 : i32
    %add3A_67 = arith.addi %mul3A_2, %add3A_66 : i32
    %jit3A_68 = arith.constant 4096 : i32
    %div3A_69 = arith.divsi %add3A_67, %jit3A_68 : i32
    %sign3A_70 = arith.constant 0 : i32
    %sign3A_71 = arith.cmpi sgt, %add3A_67, %sign3A_70 : i32
    %sign3A_72 = arith.extui %sign3A_71 : i1 to i32
    %sign3A_73 = arith.constant 0 : i32
    %sign3A_74 = arith.cmpi slt, %add3A_67, %sign3A_73 : i32
    %sign3A_75 = arith.extui %sign3A_74 : i1 to i32
    %sign3A_76 = arith.subi %sign3A_72, %sign3A_75 : i32
    %sign3A_77 = arith.constant 0 : i32
    %sign3A_78 = arith.cmpi sgt, %jit3A_68, %sign3A_77 : i32
    %sign3A_79 = arith.extui %sign3A_78 : i1 to i32
    %sign3A_80 = arith.constant 0 : i32
    %sign3A_81 = arith.cmpi slt, %jit3A_68, %sign3A_80 : i32
    %sign3A_82 = arith.extui %sign3A_81 : i1 to i32
    %sign3A_83 = arith.subi %sign3A_79, %sign3A_82 : i32
    %ne3A_84 = arith.cmpi ne, %sign3A_76, %sign3A_83 : i32
    %rem3A_85 = arith.remsi %add3A_67, %jit3A_68 : i32
    %ne3A_86 = arith.constant 0 : i32
    %ne3A_87 = arith.cmpi ne, %rem3A_85, %ne3A_86 : i32
    %and3A_88 = arith.andi %ne3A_84, %ne3A_87 : i1
    %sub3A_89 = arith.constant 1 : i32
    %sub3A_90 = arith.subi %div3A_69, %sub3A_89 : i32
    %select_n3A_91 = arith.select %and3A_88, %sub3A_90, %div3A_69 : i32
    %mul3A_92 = arith.constant 4096 : i32
    %mul3A_93 = arith.muli %select_n3A_91, %mul3A_92 : i32
    %sub3A_94 = arith.subi %add3A_67, %mul3A_93 : i32
    %mul3A_95 = arith.constant 20 : i32
    %mul3A_96 = arith.muli %add3A_67, %mul3A_95 : i32
    %dma_wait3A = arith.constant 0 : i32
    %dma_wait3A_97 = arith.constant 0 : i32
    %dma_wait3A_98 = arith.constant 0 : i32
    %dma_wait3A_99 = tpu.memref_slice %arg5[%dma_wait3A, %dma_wait3A_98] : memref<2x320xi32, #tpu.memory_space<vmem>> -> memref<1x320xi32, #tpu.memory_space<vmem>>
    %dma_wait3A_100 = tpu.memref_squeeze %dma_wait3A_99 : memref<1x320xi32, #tpu.memory_space<vmem>> -> memref<320xi32, #tpu.memory_space<vmem>>
    %dma_wait3A_101 = tpu.memref_slice %arg2[%mul3A_96] : memref<2129920xi32, #tpu.memory_space<hbm>> -> memref<320xi32, #tpu.memory_space<hbm>>
    %dma_wait3A_102 = tpu.memref_slice %arg9[%dma_wait3A_97] : memref<2x!tpu.dma_semaphore, #tpu.memory_space<semaphore_mem>> -> memref<1x!tpu.dma_semaphore, #tpu.memory_space<semaphore_mem>>
    %dma_wait3A_103 = tpu.memref_squeeze %dma_wait3A_102 : memref<1x!tpu.dma_semaphore, #tpu.memory_space<semaphore_mem>> -> memref<!tpu.dma_semaphore, #tpu.memory_space<semaphore_mem>>
    %dma_wait3A_104 = arith.constant 0 : i32
    %dma_wait3A_105 = tpu.memref_slice %arg5[%dma_wait3A, %dma_wait3A_104] : memref<2x320xi32, #tpu.memory_space<vmem>> -> memref<1x320xi32, #tpu.memory_space<vmem>>
    %dma_wait3A_106 = tpu.memref_squeeze %dma_wait3A_105 : memref<1x320xi32, #tpu.memory_space<vmem>> -> memref<320xi32, #tpu.memory_space<vmem>>
    %dma_wait3A_107 = tpu.memref_slice %arg2[%mul3A_96] : memref<2129920xi32, #tpu.memory_space<hbm>> -> memref<320xi32, #tpu.memory_space<hbm>>
    tpu.wait_dma2 semaphore(%dma_wait3A_103 : memref<!tpu.dma_semaphore, #tpu.memory_space<semaphore_mem>>) src(%dma_wait3A_107 : memref<320xi32, #tpu.memory_space<hbm>>) dst(%dma_wait3A_106 : memref<320xi32, #tpu.memory_space<vmem>>)
    %add3A_108 = arith.constant 16 : i32
    %add3A_109 = arith.addi %mul3A_2, %add3A_108 : i32
    %jit3A_110 = arith.constant 4096 : i32
    %div3A_111 = arith.divsi %add3A_109, %jit3A_110 : i32
    %sign3A_112 = arith.constant 0 : i32
    %sign3A_113 = arith.cmpi sgt, %add3A_109, %sign3A_112 : i32
    %sign3A_114 = arith.extui %sign3A_113 : i1 to i32
    %sign3A_115 = arith.constant 0 : i32
    %sign3A_116 = arith.cmpi slt, %add3A_109, %sign3A_115 : i32
    %sign3A_117 = arith.extui %sign3A_116 : i1 to i32
    %sign3A_118 = arith.subi %sign3A_114, %sign3A_117 : i32
    %sign3A_119 = arith.constant 0 : i32
    %sign3A_120 = arith.cmpi sgt, %jit3A_110, %sign3A_119 : i32
    %sign3A_121 = arith.extui %sign3A_120 : i1 to i32
    %sign3A_122 = arith.constant 0 : i32
    %sign3A_123 = arith.cmpi slt, %jit3A_110, %sign3A_122 : i32
    %sign3A_124 = arith.extui %sign3A_123 : i1 to i32
    %sign3A_125 = arith.subi %sign3A_121, %sign3A_124 : i32
    %ne3A_126 = arith.cmpi ne, %sign3A_118, %sign3A_125 : i32
    %rem3A_127 = arith.remsi %add3A_109, %jit3A_110 : i32
    %ne3A_128 = arith.constant 0 : i32
    %ne3A_129 = arith.cmpi ne, %rem3A_127, %ne3A_128 : i32
    %and3A_130 = arith.andi %ne3A_126, %ne3A_129 : i1
    %sub3A_131 = arith.constant 1 : i32
    %sub3A_132 = arith.subi %div3A_111, %sub3A_131 : i32
    %select_n3A_133 = arith.select %and3A_130, %sub3A_132, %div3A_111 : i32
    %mul3A_134 = arith.constant 4096 : i32
    %mul3A_135 = arith.muli %select_n3A_133, %mul3A_134 : i32
    %sub3A_136 = arith.subi %add3A_109, %mul3A_135 : i32
    %mul3A_137 = arith.constant 20 : i32
    %mul3A_138 = arith.muli %add3A_109, %mul3A_137 : i32
    %dma_start3A_139 = arith.constant 1 : i32
    %dma_start3A_140 = arith.constant 1 : i32
    %dma_start3A_141 = arith.constant 0 : i32
    %dma_start3A_142 = tpu.memref_slice %arg5[%dma_start3A_139, %dma_start3A_141] : memref<2x320xi32, #tpu.memory_space<vmem>> -> memref<1x320xi32, #tpu.memory_space<vmem>>
    %dma_start3A_143 = tpu.memref_squeeze %dma_start3A_142 : memref<1x320xi32, #tpu.memory_space<vmem>> -> memref<320xi32, #tpu.memory_space<vmem>>
    %dma_start3A_144 = tpu.memref_slice %arg2[%mul3A_138] : memref<2129920xi32, #tpu.memory_space<hbm>> -> memref<320xi32, #tpu.memory_space<hbm>>
    %dma_start3A_145 = tpu.memref_slice %arg9[%dma_start3A_140] : memref<2x!tpu.dma_semaphore, #tpu.memory_space<semaphore_mem>> -> memref<1x!tpu.dma_semaphore, #tpu.memory_space<semaphore_mem>>
    %dma_start3A_146 = tpu.memref_squeeze %dma_start3A_145 : memref<1x!tpu.dma_semaphore, #tpu.memory_space<semaphore_mem>> -> memref<!tpu.dma_semaphore, #tpu.memory_space<semaphore_mem>>
    %dma_start3A_147 = arith.constant 0 : i32
    %dma_start3A_148 = tpu.memref_slice %arg5[%dma_start3A_139, %dma_start3A_147] : memref<2x320xi32, #tpu.memory_space<vmem>> -> memref<1x320xi32, #tpu.memory_space<vmem>>
    %dma_start3A_149 = tpu.memref_squeeze %dma_start3A_148 : memref<1x320xi32, #tpu.memory_space<vmem>> -> memref<320xi32, #tpu.memory_space<vmem>>
    %dma_start3A_150 = tpu.memref_slice %arg2[%mul3A_138] : memref<2129920xi32, #tpu.memory_space<hbm>> -> memref<320xi32, #tpu.memory_space<hbm>>
    tpu.enqueue_dma source(%dma_start3A_150 : memref<320xi32, #tpu.memory_space<hbm>>) target(%dma_start3A_149 : memref<320xi32, #tpu.memory_space<vmem>>) target_semaphore(%dma_start3A_146 : memref<!tpu.dma_semaphore, #tpu.memory_space<semaphore_mem>>)
    %mul3A_151 = arith.constant 100000 : i32
    %mul3A_152 = arith.muli %select_n3A_62, %mul3A_151 : i32
    %get3A = arith.constant 0 : i32
    %get3A_153 = arith.index_cast %get3A : i32 to index
    %get3A_154 = arith.constant 0 : index
    %get3A_155 = tpu.vector_load %arg5[%get3A_153, %get3A_154] {strides = array<i32>} : memref<2x320xi32, #tpu.memory_space<vmem>>, vector<1x16xi32>,
    %get3A_156 = vector.shape_cast %get3A_155 : vector<1x16xi32> to vector<16xi32>
    %add3A_157 = vector.broadcast %mul3A_152 : i32 to vector<16xi32>
    %add3A_158 = arith.addi %get3A_156, %add3A_157 : vector<16xi32>
    %swap3A = arith.constant 0 : i32
    %swap3A_159 = arith.constant 0 : i32
    %swap3A_160 = arith.index_cast %swap3A : i32 to index
    %swap3A_161 = arith.index_cast %swap3A_159 : i32 to index
    %swap3A_162 = arith.constant 0 : index
    %swap3A_163 = tpu.vector_load %arg6[%swap3A_160, %swap3A_161, %swap3A_162] {strides = array<i32>} : memref<2x5x64xi32, #tpu.memory_space<vmem>>, vector<1x1x16xi32>,
    %swap3A_164 = vector.shape_cast %swap3A_163 : vector<1x1x16xi32> to vector<16xi32>
    %swap3A_165 = vector.shape_cast %add3A_158 : vector<16xi32> to vector<1x1x16xi32>
    tpu.vector_store %arg6[%swap3A_160, %swap3A_161, %swap3A_162], %swap3A_165 {strides = array<i32>} : memref<2x5x64xi32, #tpu.memory_space<vmem>>, vector<1x1x16xi32>,
    %get3A_166 = arith.constant 0 : i32
    %get3A_167 = arith.index_cast %get3A_166 : i32 to index
    %get3A_168 = arith.constant 16 : index
    %get3A_169 = tpu.vector_load %arg5[%get3A_167, %get3A_168] {strides = array<i32>} : memref<2x320xi32, #tpu.memory_space<vmem>>, vector<1x16xi32>,
    %get3A_170 = vector.shape_cast %get3A_169 : vector<1x16xi32> to vector<16xi32>
    %add3A_171 = vector.broadcast %mul3A_152 : i32 to vector<16xi32>
    %add3A_172 = arith.addi %get3A_170, %add3A_171 : vector<16xi32>
    %swap3A_173 = arith.constant 0 : i32
    %swap3A_174 = arith.constant 0 : i32
    %swap3A_175 = arith.index_cast %swap3A_173 : i32 to index
    %swap3A_176 = arith.index_cast %swap3A_174 : i32 to index
    %swap3A_177 = arith.constant 16 : index
    %swap3A_178 = tpu.vector_load %arg6[%swap3A_175, %swap3A_176, %swap3A_177] {strides = array<i32>} : memref<2x5x64xi32, #tpu.memory_space<vmem>>, vector<1x1x16xi32>,
    %swap3A_179 = vector.shape_cast %swap3A_178 : vector<1x1x16xi32> to vector<16xi32>
    %swap3A_180 = vector.shape_cast %add3A_172 : vector<16xi32> to vector<1x1x16xi32>
    tpu.vector_store %arg6[%swap3A_175, %swap3A_176, %swap3A_177], %swap3A_180 {strides = array<i32>} : memref<2x5x64xi32, #tpu.memory_space<vmem>>, vector<1x1x16xi32>,
    %get3A_181 = arith.constant 0 : i32
    %get3A_182 = arith.index_cast %get3A_181 : i32 to index
    %get3A_183 = arith.constant 32 : index
    %get3A_184 = tpu.vector_load %arg5[%get3A_182, %get3A_183] {strides = array<i32>} : memref<2x320xi32, #tpu.memory_space<vmem>>, vector<1x16xi32>,
    %get3A_185 = vector.shape_cast %get3A_184 : vector<1x16xi32> to vector<16xi32>
    %add3A_186 = vector.broadcast %mul3A_152 : i32 to vector<16xi32>
    %add3A_187 = arith.addi %get3A_185, %add3A_186 : vector<16xi32>
    %swap3A_188 = arith.constant 0 : i32
    %swap3A_189 = arith.constant 0 : i32
    %swap3A_190 = arith.index_cast %swap3A_188 : i32 to index
    %swap3A_191 = arith.index_cast %swap3A_189 : i32 to index
    %swap3A_192 = arith.constant 32 : index
    %swap3A_193 = tpu.vector_load %arg6[%swap3A_190, %swap3A_191, %swap3A_192] {strides = array<i32>} : memref<2x5x64xi32, #tpu.memory_space<vmem>>, vector<1x1x16xi32>,
    %swap3A_194 = vector.shape_cast %swap3A_193 : vector<1x1x16xi32> to vector<16xi32>
    %swap3A_195 = vector.shape_cast %add3A_187 : vector<16xi32> to vector<1x1x16xi32>
    tpu.vector_store %arg6[%swap3A_190, %swap3A_191, %swap3A_192], %swap3A_195 {strides = array<i32>} : memref<2x5x64xi32, #tpu.memory_space<vmem>>, vector<1x1x16xi32>,
    %get3A_196 = arith.constant 0 : i32
    %get3A_197 = arith.index_cast %get3A_196 : i32 to index
    %get3A_198 = arith.constant 48 : index
    %get3A_199 = tpu.vector_load %arg5[%get3A_197, %get3A_198] {strides = array<i32>} : memref<2x320xi32, #tpu.memory_space<vmem>>, vector<1x16xi32>,
    %get3A_200 = vector.shape_cast %get3A_199 : vector<1x16xi32> to vector<16xi32>
    %add3A_201 = vector.broadcast %mul3A_152 : i32 to vector<16xi32>
    %add3A_202 = arith.addi %get3A_200, %add3A_201 : vector<16xi32>
    %swap3A_203 = arith.constant 0 : i32
    %swap3A_204 = arith.constant 0 : i32
    %swap3A_205 = arith.index_cast %swap3A_203 : i32 to index
    %swap3A_206 = arith.index_cast %swap3A_204 : i32 to index
    %swap3A_207 = arith.constant 48 : index
    %swap3A_208 = tpu.vector_load %arg6[%swap3A_205, %swap3A_206, %swap3A_207] {strides = array<i32>} : memref<2x5x64xi32, #tpu.memory_space<vmem>>, vector<1x1x16xi32>,
    %swap3A_209 = vector.shape_cast %swap3A_208 : vector<1x1x16xi32> to vector<16xi32>
    %swap3A_210 = vector.shape_cast %add3A_202 : vector<16xi32> to vector<1x1x16xi32>
    tpu.vector_store %arg6[%swap3A_205, %swap3A_206, %swap3A_207], %swap3A_210 {strides = array<i32>} : memref<2x5x64xi32, #tpu.memory_space<vmem>>, vector<1x1x16xi32>,
    %get3A_211 = arith.constant 0 : i32
    %get3A_212 = arith.index_cast %get3A_211 : i32 to index
    %get3A_213 = arith.constant 64 : index
    %get3A_214 = tpu.vector_load %arg5[%get3A_212, %get3A_213] {strides = array<i32>} : memref<2x320xi32, #tpu.memory_space<vmem>>, vector<1x16xi32>,
    %get3A_215 = vector.shape_cast %get3A_214 : vector<1x16xi32> to vector<16xi32>
    %add3A_216 = vector.broadcast %mul3A_152 : i32 to vector<16xi32>
    %add3A_217 = arith.addi %get3A_215, %add3A_216 : vector<16xi32>
    %swap3A_218 = arith.constant 0 : i32
    %swap3A_219 = arith.constant 1 : i32
    %swap3A_220 = arith.index_cast %swap3A_218 : i32 to index
    %swap3A_221 = arith.index_cast %swap3A_219 : i32 to index
    %swap3A_222 = arith.constant 0 : index
    %swap3A_223 = tpu.vector_load %arg6[%swap3A_220, %swap3A_221, %swap3A_222] {strides = array<i32>} : memref<2x5x64xi32, #tpu.memory_space<vmem>>, vector<1x1x16xi32>,
    %swap3A_224 = vector.shape_cast %swap3A_223 : vector<1x1x16xi32> to vector<16xi32>
    %swap3A_225 = vector.shape_cast %add3A_217 : vector<16xi32> to vector<1x1x16xi32>
    tpu.vector_store %arg6[%swap3A_220, %swap3A_221, %swap3A_222], %swap3A_225 {strides = array<i32>} : memref<2x5x64xi32, #tpu.memory_space<vmem>>, vector<1x1x16xi32>,
    %get3A_226 = arith.constant 0 : i32
    %get3A_227 = arith.index_cast %get3A_226 : i32 to index
    %get3A_228 = arith.constant 80 : index
    %get3A_229 = tpu.vector_load %arg5[%get3A_227, %get3A_228] {strides = array<i32>} : memref<2x320xi32, #tpu.memory_space<vmem>>, vector<1x16xi32>,
    %get3A_230 = vector.shape_cast %get3A_229 : vector<1x16xi32> to vector<16xi32>
    %add3A_231 = vector.broadcast %mul3A_152 : i32 to vector<16xi32>
    %add3A_232 = arith.addi %get3A_230, %add3A_231 : vector<16xi32>
    %swap3A_233 = arith.constant 0 : i32
    %swap3A_234 = arith.constant 1 : i32
    %swap3A_235 = arith.index_cast %swap3A_233 : i32 to index
    %swap3A_236 = arith.index_cast %swap3A_234 : i32 to index
    %swap3A_237 = arith.constant 16 : index
    %swap3A_238 = tpu.vector_load %arg6[%swap3A_235, %swap3A_236, %swap3A_237] {strides = array<i32>} : memref<2x5x64xi32, #tpu.memory_space<vmem>>, vector<1x1x16xi32>,
    %swap3A_239 = vector.shape_cast %swap3A_238 : vector<1x1x16xi32> to vector<16xi32>
    %swap3A_240 = vector.shape_cast %add3A_232 : vector<16xi32> to vector<1x1x16xi32>
    tpu.vector_store %arg6[%swap3A_235, %swap3A_236, %swap3A_237], %swap3A_240 {strides = array<i32>} : memref<2x5x64xi32, #tpu.memory_space<vmem>>, vector<1x1x16xi32>,
    %get3A_241 = arith.constant 0 : i32
    %get3A_242 = arith.index_cast %get3A_241 : i32 to index
    %get3A_243 = arith.constant 96 : index
    %get3A_244 = tpu.vector_load %arg5[%get3A_242, %get3A_243] {strides = array<i32>} : memref<2x320xi32, #tpu.memory_space<vmem>>, vector<1x16xi32>,
    %get3A_245 = vector.shape_cast %get3A_244 : vector<1x16xi32> to vector<16xi32>
    %add3A_246 = vector.broadcast %mul3A_152 : i32 to vector<16xi32>
    %add3A_247 = arith.addi %get3A_245, %add3A_246 : vector<16xi32>
    %swap3A_248 = arith.constant 0 : i32
    %swap3A_249 = arith.constant 1 : i32
    %swap3A_250 = arith.index_cast %swap3A_248 : i32 to index
    %swap3A_251 = arith.index_cast %swap3A_249 : i32 to index
    %swap3A_252 = arith.constant 32 : index
    %swap3A_253 = tpu.vector_load %arg6[%swap3A_250, %swap3A_251, %swap3A_252] {strides = array<i32>} : memref<2x5x64xi32, #tpu.memory_space<vmem>>, vector<1x1x16xi32>,
    %swap3A_254 = vector.shape_cast %swap3A_253 : vector<1x1x16xi32> to vector<16xi32>
    %swap3A_255 = vector.shape_cast %add3A_247 : vector<16xi32> to vector<1x1x16xi32>
    tpu.vector_store %arg6[%swap3A_250, %swap3A_251, %swap3A_252], %swap3A_255 {strides = array<i32>} : memref<2x5x64xi32, #tpu.memory_space<vmem>>, vector<1x1x16xi32>,
    %get3A_256 = arith.constant 0 : i32
    %get3A_257 = arith.index_cast %get3A_256 : i32 to index
    %get3A_258 = arith.constant 112 : index
    %get3A_259 = tpu.vector_load %arg5[%get3A_257, %get3A_258] {strides = array<i32>} : memref<2x320xi32, #tpu.memory_space<vmem>>, vector<1x16xi32>,
    %get3A_260 = vector.shape_cast %get3A_259 : vector<1x16xi32> to vector<16xi32>
    %add3A_261 = vector.broadcast %mul3A_152 : i32 to vector<16xi32>
    %add3A_262 = arith.addi %get3A_260, %add3A_261 : vector<16xi32>
    %swap3A_263 = arith.constant 0 : i32
    %swap3A_264 = arith.constant 1 : i32
    %swap3A_265 = arith.index_cast %swap3A_263 : i32 to index
    %swap3A_266 = arith.index_cast %swap3A_264 : i32 to index
    %swap3A_267 = arith.constant 48 : index
    %swap3A_268 = tpu.vector_load %arg6[%swap3A_265, %swap3A_266, %swap3A_267] {strides = array<i32>} : memref<2x5x64xi32, #tpu.memory_space<vmem>>, vector<1x1x16xi32>,
    %swap3A_269 = vector.shape_cast %swap3A_268 : vector<1x1x16xi32> to vector<16xi32>
    %swap3A_270 = vector.shape_cast %add3A_262 : vector<16xi32> to vector<1x1x16xi32>
    tpu.vector_store %arg6[%swap3A_265, %swap3A_266, %swap3A_267], %swap3A_270 {strides = array<i32>} : memref<2x5x64xi32, #tpu.memory_space<vmem>>, vector<1x1x16xi32>,
    %get3A_271 = arith.constant 0 : i32
    %get3A_272 = arith.index_cast %get3A_271 : i32 to index
    %get3A_273 = arith.constant 128 : index
    %get3A_274 = tpu.vector_load %arg5[%get3A_272, %get3A_273] {strides = array<i32>} : memref<2x320xi32, #tpu.memory_space<vmem>>, vector<1x16xi32>,
    %get3A_275 = vector.shape_cast %get3A_274 : vector<1x16xi32> to vector<16xi32>
    %add3A_276 = vector.broadcast %mul3A_152 : i32 to vector<16xi32>
    %add3A_277 = arith.addi %get3A_275, %add3A_276 : vector<16xi32>
    %swap3A_278 = arith.constant 0 : i32
    %swap3A_279 = arith.constant 2 : i32
    %swap3A_280 = arith.index_cast %swap3A_278 : i32 to index
    %swap3A_281 = arith.index_cast %swap3A_279 : i32 to index
    %swap3A_282 = arith.constant 0 : index
    %swap3A_283 = tpu.vector_load %arg6[%swap3A_280, %swap3A_281, %swap3A_282] {strides = array<i32>} : memref<2x5x64xi32, #tpu.memory_space<vmem>>, vector<1x1x16xi32>,
    %swap3A_284 = vector.shape_cast %swap3A_283 : vector<1x1x16xi32> to vector<16xi32>
    %swap3A_285 = vector.shape_cast %add3A_277 : vector<16xi32> to vector<1x1x16xi32>
    tpu.vector_store %arg6[%swap3A_280, %swap3A_281, %swap3A_282], %swap3A_285 {strides = array<i32>} : memref<2x5x64xi32, #tpu.memory_space<vmem>>, vector<1x1x16xi32>,
    %get3A_286 = arith.constant 0 : i32
    %get3A_287 = arith.index_cast %get3A_286 : i32 to index
    %get3A_288 = arith.constant 144 : index
    %get3A_289 = tpu.vector_load %arg5[%get3A_287, %get3A_288] {strides = array<i32>} : memref<2x320xi32, #tpu.memory_space<vmem>>, vector<1x16xi32>,
    %get3A_290 = vector.shape_cast %get3A_289 : vector<1x16xi32> to vector<16xi32>
    %add3A_291 = vector.broadcast %mul3A_152 : i32 to vector<16xi32>
    %add3A_292 = arith.addi %get3A_290, %add3A_291 : vector<16xi32>
    %swap3A_293 = arith.constant 0 : i32
    %swap3A_294 = arith.constant 2 : i32
    %swap3A_295 = arith.index_cast %swap3A_293 : i32 to index
    %swap3A_296 = arith.index_cast %swap3A_294 : i32 to index
    %swap3A_297 = arith.constant 16 : index
    %swap3A_298 = tpu.vector_load %arg6[%swap3A_295, %swap3A_296, %swap3A_297] {strides = array<i32>} : memref<2x5x64xi32, #tpu.memory_space<vmem>>, vector<1x1x16xi32>,
    %swap3A_299 = vector.shape_cast %swap3A_298 : vector<1x1x16xi32> to vector<16xi32>
    %swap3A_300 = vector.shape_cast %add3A_292 : vector<16xi32> to vector<1x1x16xi32>
    tpu.vector_store %arg6[%swap3A_295, %swap3A_296, %swap3A_297], %swap3A_300 {strides = array<i32>} : memref<2x5x64xi32, #tpu.memory_space<vmem>>, vector<1x1x16xi32>,
    %get3A_301 = arith.constant 0 : i32
    %get3A_302 = arith.index_cast %get3A_301 : i32 to index
    %get3A_303 = arith.constant 160 : index
    %get3A_304 = tpu.vector_load %arg5[%get3A_302, %get3A_303] {strides = array<i32>} : memref<2x320xi32, #tpu.memory_space<vmem>>, vector<1x16xi32>,
    %get3A_305 = vector.shape_cast %get3A_304 : vector<1x16xi32> to vector<16xi32>
    %add3A_306 = vector.broadcast %mul3A_152 : i32 to vector<16xi32>
    %add3A_307 = arith.addi %get3A_305, %add3A_306 : vector<16xi32>
    %swap3A_308 = arith.constant 0 : i32
    %swap3A_309 = arith.constant 2 : i32
    %swap3A_310 = arith.index_cast %swap3A_308 : i32 to index
    %swap3A_311 = arith.index_cast %swap3A_309 : i32 to index
    %swap3A_312 = arith.constant 32 : index
    %swap3A_313 = tpu.vector_load %arg6[%swap3A_310, %swap3A_311, %swap3A_312] {strides = array<i32>} : memref<2x5x64xi32, #tpu.memory_space<vmem>>, vector<1x1x16xi32>,
    %swap3A_314 = vector.shape_cast %swap3A_313 : vector<1x1x16xi32> to vector<16xi32>
    %swap3A_315 = vector.shape_cast %add3A_307 : vector<16xi32> to vector<1x1x16xi32>
    tpu.vector_store %arg6[%swap3A_310, %swap3A_311, %swap3A_312], %swap3A_315 {strides = array<i32>} : memref<2x5x64xi32, #tpu.memory_space<vmem>>, vector<1x1x16xi32>,
    %get3A_316 = arith.constant 0 : i32
    %get3A_317 = arith.index_cast %get3A_316 : i32 to index
    %get3A_318 = arith.constant 176 : index
    %get3A_319 = tpu.vector_load %arg5[%get3A_317, %get3A_318] {strides = array<i32>} : memref<2x320xi32, #tpu.memory_space<vmem>>, vector<1x16xi32>,
    %get3A_320 = vector.shape_cast %get3A_319 : vector<1x16xi32> to vector<16xi32>
    %add3A_321 = vector.broadcast %mul3A_152 : i32 to vector<16xi32>
    %add3A_322 = arith.addi %get3A_320, %add3A_321 : vector<16xi32>
    %swap3A_323 = arith.constant 0 : i32
    %swap3A_324 = arith.constant 2 : i32
    %swap3A_325 = arith.index_cast %swap3A_323 : i32 to index
    %swap3A_326 = arith.index_cast %swap3A_324 : i32 to index
    %swap3A_327 = arith.constant 48 : index
    %swap3A_328 = tpu.vector_load %arg6[%swap3A_325, %swap3A_326, %swap3A_327] {strides = array<i32>} : memref<2x5x64xi32, #tpu.memory_space<vmem>>, vector<1x1x16xi32>,
    %swap3A_329 = vector.shape_cast %swap3A_328 : vector<1x1x16xi32> to vector<16xi32>
    %swap3A_330 = vector.shape_cast %add3A_322 : vector<16xi32> to vector<1x1x16xi32>
    tpu.vector_store %arg6[%swap3A_325, %swap3A_326, %swap3A_327], %swap3A_330 {strides = array<i32>} : memref<2x5x64xi32, #tpu.memory_space<vmem>>, vector<1x1x16xi32>,
    %get3A_331 = arith.constant 0 : i32
    %get3A_332 = arith.index_cast %get3A_331 : i32 to index
    %get3A_333 = arith.constant 192 : index
    %get3A_334 = tpu.vector_load %arg5[%get3A_332, %get3A_333] {strides = array<i32>} : memref<2x320xi32, #tpu.memory_space<vmem>>, vector<1x16xi32>,
    %get3A_335 = vector.shape_cast %get3A_334 : vector<1x16xi32> to vector<16xi32>
    %add3A_336 = vector.broadcast %mul3A_152 : i32 to vector<16xi32>
    %add3A_337 = arith.addi %get3A_335, %add3A_336 : vector<16xi32>
    %swap3A_338 = arith.constant 0 : i32
    %swap3A_339 = arith.constant 3 : i32
    %swap3A_340 = arith.index_cast %swap3A_338 : i32 to index
    %swap3A_341 = arith.index_cast %swap3A_339 : i32 to index
    %swap3A_342 = arith.constant 0 : index
    %swap3A_343 = tpu.vector_load %arg6[%swap3A_340, %swap3A_341, %swap3A_342] {strides = array<i32>} : memref<2x5x64xi32, #tpu.memory_space<vmem>>, vector<1x1x16xi32>,
    %swap3A_344 = vector.shape_cast %swap3A_343 : vector<1x1x16xi32> to vector<16xi32>
    %swap3A_345 = vector.shape_cast %add3A_337 : vector<16xi32> to vector<1x1x16xi32>
    tpu.vector_store %arg6[%swap3A_340, %swap3A_341, %swap3A_342], %swap3A_345 {strides = array<i32>} : memref<2x5x64xi32, #tpu.memory_space<vmem>>, vector<1x1x16xi32>,
    %get3A_346 = arith.constant 0 : i32
    %get3A_347 = arith.index_cast %get3A_346 : i32 to index
    %get3A_348 = arith.constant 208 : index
    %get3A_349 = tpu.vector_load %arg5[%get3A_347, %get3A_348] {strides = array<i32>} : memref<2x320xi32, #tpu.memory_space<vmem>>, vector<1x16xi32>,
    %get3A_350 = vector.shape_cast %get3A_349 : vector<1x16xi32> to vector<16xi32>
    %add3A_351 = vector.broadcast %mul3A_152 : i32 to vector<16xi32>
    %add3A_352 = arith.addi %get3A_350, %add3A_351 : vector<16xi32>
    %swap3A_353 = arith.constant 0 : i32
    %swap3A_354 = arith.constant 3 : i32
    %swap3A_355 = arith.index_cast %swap3A_353 : i32 to index
    %swap3A_356 = arith.index_cast %swap3A_354 : i32 to index
    %swap3A_357 = arith.constant 16 : index
    %swap3A_358 = tpu.vector_load %arg6[%swap3A_355, %swap3A_356, %swap3A_357] {strides = array<i32>} : memref<2x5x64xi32, #tpu.memory_space<vmem>>, vector<1x1x16xi32>,
    %swap3A_359 = vector.shape_cast %swap3A_358 : vector<1x1x16xi32> to vector<16xi32>
    %swap3A_360 = vector.shape_cast %add3A_352 : vector<16xi32> to vector<1x1x16xi32>
    tpu.vector_store %arg6[%swap3A_355, %swap3A_356, %swap3A_357], %swap3A_360 {strides = array<i32>} : memref<2x5x64xi32, #tpu.memory_space<vmem>>, vector<1x1x16xi32>,
    %get3A_361 = arith.constant 0 : i32
    %get3A_362 = arith.index_cast %get3A_361 : i32 to index
    %get3A_363 = arith.constant 224 : index
    %get3A_364 = tpu.vector_load %arg5[%get3A_362, %get3A_363] {strides = array<i32>} : memref<2x320xi32, #tpu.memory_space<vmem>>, vector<1x16xi32>,
    %get3A_365 = vector.shape_cast %get3A_364 : vector<1x16xi32> to vector<16xi32>
    %add3A_366 = vector.broadcast %mul3A_152 : i32 to vector<16xi32>
    %add3A_367 = arith.addi %get3A_365, %add3A_366 : vector<16xi32>
    %swap3A_368 = arith.constant 0 : i32
    %swap3A_369 = arith.constant 3 : i32
    %swap3A_370 = arith.index_cast %swap3A_368 : i32 to index
    %swap3A_371 = arith.index_cast %swap3A_369 : i32 to index
    %swap3A_372 = arith.constant 32 : index
    %swap3A_373 = tpu.vector_load %arg6[%swap3A_370, %swap3A_371, %swap3A_372] {strides = array<i32>} : memref<2x5x64xi32, #tpu.memory_space<vmem>>, vector<1x1x16xi32>,
    %swap3A_374 = vector.shape_cast %swap3A_373 : vector<1x1x16xi32> to vector<16xi32>
    %swap3A_375 = vector.shape_cast %add3A_367 : vector<16xi32> to vector<1x1x16xi32>
    tpu.vector_store %arg6[%swap3A_370, %swap3A_371, %swap3A_372], %swap3A_375 {strides = array<i32>} : memref<2x5x64xi32, #tpu.memory_space<vmem>>, vector<1x1x16xi32>,
    %get3A_376 = arith.constant 0 : i32
    %get3A_377 = arith.index_cast %get3A_376 : i32 to index
    %get3A_378 = arith.constant 240 : index
    %get3A_379 = tpu.vector_load %arg5[%get3A_377, %get3A_378] {strides = array<i32>} : memref<2x320xi32, #tpu.memory_space<vmem>>, vector<1x16xi32>,
    %get3A_380 = vector.shape_cast %get3A_379 : vector<1x16xi32> to vector<16xi32>
    %add3A_381 = vector.broadcast %mul3A_152 : i32 to vector<16xi32>
    %add3A_382 = arith.addi %get3A_380, %add3A_381 : vector<16xi32>
    %swap3A_383 = arith.constant 0 : i32
    %swap3A_384 = arith.constant 3 : i32
    %swap3A_385 = arith.index_cast %swap3A_383 : i32 to index
    %swap3A_386 = arith.index_cast %swap3A_384 : i32 to index
    %swap3A_387 = arith.constant 48 : index
    %swap3A_388 = tpu.vector_load %arg6[%swap3A_385, %swap3A_386, %swap3A_387] {strides = array<i32>} : memref<2x5x64xi32, #tpu.memory_space<vmem>>, vector<1x1x16xi32>,
    %swap3A_389 = vector.shape_cast %swap3A_388 : vector<1x1x16xi32> to vector<16xi32>
    %swap3A_390 = vector.shape_cast %add3A_382 : vector<16xi32> to vector<1x1x16xi32>
    tpu.vector_store %arg6[%swap3A_385, %swap3A_386, %swap3A_387], %swap3A_390 {strides = array<i32>} : memref<2x5x64xi32, #tpu.memory_space<vmem>>, vector<1x1x16xi32>,
    %get3A_391 = arith.constant 0 : i32
    %get3A_392 = arith.index_cast %get3A_391 : i32 to index
    %get3A_393 = arith.constant 256 : index
    %get3A_394 = tpu.vector_load %arg5[%get3A_392, %get3A_393] {strides = array<i32>} : memref<2x320xi32, #tpu.memory_space<vmem>>, vector<1x16xi32>,
    %get3A_395 = vector.shape_cast %get3A_394 : vector<1x16xi32> to vector<16xi32>
    %add3A_396 = vector.broadcast %mul3A_152 : i32 to vector<16xi32>
    %add3A_397 = arith.addi %get3A_395, %add3A_396 : vector<16xi32>
    %swap3A_398 = arith.constant 0 : i32
    %swap3A_399 = arith.constant 4 : i32
    %swap3A_400 = arith.index_cast %swap3A_398 : i32 to index
    %swap3A_401 = arith.index_cast %swap3A_399 : i32 to index
    %swap3A_402 = arith.constant 0 : index
    %swap3A_403 = tpu.vector_load %arg6[%swap3A_400, %swap3A_401, %swap3A_402] {strides = array<i32>} : memref<2x5x64xi32, #tpu.memory_space<vmem>>, vector<1x1x16xi32>,
    %swap3A_404 = vector.shape_cast %swap3A_403 : vector<1x1x16xi32> to vector<16xi32>
    %swap3A_405 = vector.shape_cast %add3A_397 : vector<16xi32> to vector<1x1x16xi32>
    tpu.vector_store %arg6[%swap3A_400, %swap3A_401, %swap3A_402], %swap3A_405 {strides = array<i32>} : memref<2x5x64xi32, #tpu.memory_space<vmem>>, vector<1x1x16xi32>,
    %get3A_406 = arith.constant 0 : i32
    %get3A_407 = arith.index_cast %get3A_406 : i32 to index
    %get3A_408 = arith.constant 272 : index
    %get3A_409 = tpu.vector_load %arg5[%get3A_407, %get3A_408] {strides = array<i32>} : memref<2x320xi32, #tpu.memory_space<vmem>>, vector<1x16xi32>,
    %get3A_410 = vector.shape_cast %get3A_409 : vector<1x16xi32> to vector<16xi32>
    %add3A_411 = vector.broadcast %mul3A_152 : i32 to vector<16xi32>
    %add3A_412 = arith.addi %get3A_410, %add3A_411 : vector<16xi32>
    %swap3A_413 = arith.constant 0 : i32
    %swap3A_414 = arith.constant 4 : i32
    %swap3A_415 = arith.index_cast %swap3A_413 : i32 to index
    %swap3A_416 = arith.index_cast %swap3A_414 : i32 to index
    %swap3A_417 = arith.constant 16 : index
    %swap3A_418 = tpu.vector_load %arg6[%swap3A_415, %swap3A_416, %swap3A_417] {strides = array<i32>} : memref<2x5x64xi32, #tpu.memory_space<vmem>>, vector<1x1x16xi32>,
    %swap3A_419 = vector.shape_cast %swap3A_418 : vector<1x1x16xi32> to vector<16xi32>
    %swap3A_420 = vector.shape_cast %add3A_412 : vector<16xi32> to vector<1x1x16xi32>
    tpu.vector_store %arg6[%swap3A_415, %swap3A_416, %swap3A_417], %swap3A_420 {strides = array<i32>} : memref<2x5x64xi32, #tpu.memory_space<vmem>>, vector<1x1x16xi32>,
    %get3A_421 = arith.constant 0 : i32
    %get3A_422 = arith.index_cast %get3A_421 : i32 to index
    %get3A_423 = arith.constant 288 : index
    %get3A_424 = tpu.vector_load %arg5[%get3A_422, %get3A_423] {strides = array<i32>} : memref<2x320xi32, #tpu.memory_space<vmem>>, vector<1x16xi32>,
    %get3A_425 = vector.shape_cast %get3A_424 : vector<1x16xi32> to vector<16xi32>
    %add3A_426 = vector.broadcast %mul3A_152 : i32 to vector<16xi32>
    %add3A_427 = arith.addi %get3A_425, %add3A_426 : vector<16xi32>
    %swap3A_428 = arith.constant 0 : i32
    %swap3A_429 = arith.constant 4 : i32
    %swap3A_430 = arith.index_cast %swap3A_428 : i32 to index
    %swap3A_431 = arith.index_cast %swap3A_429 : i32 to index
    %swap3A_432 = arith.constant 32 : index
    %swap3A_433 = tpu.vector_load %arg6[%swap3A_430, %swap3A_431, %swap3A_432] {strides = array<i32>} : memref<2x5x64xi32, #tpu.memory_space<vmem>>, vector<1x1x16xi32>,
    %swap3A_434 = vector.shape_cast %swap3A_433 : vector<1x1x16xi32> to vector<16xi32>
    %swap3A_435 = vector.shape_cast %add3A_427 : vector<16xi32> to vector<1x1x16xi32>
    tpu.vector_store %arg6[%swap3A_430, %swap3A_431, %swap3A_432], %swap3A_435 {strides = array<i32>} : memref<2x5x64xi32, #tpu.memory_space<vmem>>, vector<1x1x16xi32>,
    %get3A_436 = arith.constant 0 : i32
    %get3A_437 = arith.index_cast %get3A_436 : i32 to index
    %get3A_438 = arith.constant 304 : index
    %get3A_439 = tpu.vector_load %arg5[%get3A_437, %get3A_438] {strides = array<i32>} : memref<2x320xi32, #tpu.memory_space<vmem>>, vector<1x16xi32>,
    %get3A_440 = vector.shape_cast %get3A_439 : vector<1x16xi32> to vector<16xi32>
    %add3A_441 = vector.broadcast %mul3A_152 : i32 to vector<16xi32>
    %add3A_442 = arith.addi %get3A_440, %add3A_441 : vector<16xi32>
    %swap3A_443 = arith.constant 0 : i32
    %swap3A_444 = arith.constant 4 : i32
    %swap3A_445 = arith.index_cast %swap3A_443 : i32 to index
    %swap3A_446 = arith.index_cast %swap3A_444 : i32 to index
    %swap3A_447 = arith.constant 48 : index
    %swap3A_448 = tpu.vector_load %arg6[%swap3A_445, %swap3A_446, %swap3A_447] {strides = array<i32>} : memref<2x5x64xi32, #tpu.memory_space<vmem>>, vector<1x1x16xi32>,
    %swap3A_449 = vector.shape_cast %swap3A_448 : vector<1x1x16xi32> to vector<16xi32>
    %swap3A_450 = vector.shape_cast %add3A_442 : vector<16xi32> to vector<1x1x16xi32>
    tpu.vector_store %arg6[%swap3A_445, %swap3A_446, %swap3A_447], %swap3A_450 {strides = array<i32>} : memref<2x5x64xi32, #tpu.memory_space<vmem>>, vector<1x1x16xi32>,
    %dma_start3A_451 = arith.constant 0 : i32
    %dma_start3A_452 = arith.constant 0 : i32
    %dma_start3A_453 = arith.constant 0 : i32
    %dma_start3A_454 = arith.constant 0 : i32
    %dma_start3A_455 = arith.constant 0 : i32
    %dma_start3A_456 = arith.constant 0 : i32
    %dma_start3A_457 = tpu.memref_slice %arg7[%dma_start3A_453, %dma_start3A_455, %dma_start3A_456] : memref<2x320x64xf32, #tpu.memory_space<vmem>> -> memref<1x64x64xf32, #tpu.memory_space<vmem>>
    %dma_start3A_458 = tpu.memref_squeeze %dma_start3A_457 : memref<1x64x64xf32, #tpu.memory_space<vmem>> -> memref<64x64xf32, #tpu.memory_space<vmem>>
    %dma_start3A_459 = arith.constant 0 : i32
    %dma_start3A_460 = tpu.memref_slice %arg6[%dma_start3A_451, %dma_start3A_452, %dma_start3A_459] : memref<2x5x64xi32, #tpu.memory_space<vmem>> -> memref<1x1x64xi32, #tpu.memory_space<vmem>>
    %dma_start3A_461 = tpu.memref_squeeze %dma_start3A_460 : memref<1x1x64xi32, #tpu.memory_space<vmem>> -> memref<64xi32, #tpu.memory_space<vmem>>
    %dma_start3A_462 = arith.constant 0 : i32
    %dma_start3A_463 = arith.constant 0 : i32
    %dma_start3A_464 = tpu.memref_slice %arg3[%dma_start3A_462, %dma_start3A_463] : memref<2600000x64xf32, #tpu.memory_space<hbm>> -> memref<2600000x64xf32, #tpu.memory_space<hbm>>
    %dma_start3A_465 = tpu.memref_slice %arg10[%dma_start3A_454] : memref<2x!tpu.dma_semaphore, #tpu.memory_space<semaphore_mem>> -> memref<1x!tpu.dma_semaphore, #tpu.memory_space<semaphore_mem>>
    %dma_start3A_466 = tpu.memref_squeeze %dma_start3A_465 : memref<1x!tpu.dma_semaphore, #tpu.memory_space<semaphore_mem>> -> memref<!tpu.dma_semaphore, #tpu.memory_space<semaphore_mem>>
    tpu.enqueue_indirect_dma source(%dma_start3A_464 : memref<2600000x64xf32, #tpu.memory_space<hbm>>) target(%dma_start3A_458 : memref<64x64xf32, #tpu.memory_space<vmem>>) offsets(%dma_start3A_461 : memref<64xi32, #tpu.memory_space<vmem>>) semaphore(%dma_start3A_466 : memref<!tpu.dma_semaphore, #tpu.memory_space<semaphore_mem>>)
    %dma_start3A_467 = arith.constant 0 : i32
    %dma_start3A_468 = arith.constant 1 : i32
    %dma_start3A_469 = arith.constant 0 : i32
    %dma_start3A_470 = arith.constant 0 : i32
    %dma_start3A_471 = arith.constant 64 : i32
    %dma_start3A_472 = arith.constant 0 : i32
    %dma_start3A_473 = tpu.memref_slice %arg7[%dma_start3A_469, %dma_start3A_471, %dma_start3A_472] : memref<2x320x64xf32, #tpu.memory_space<vmem>> -> memref<1x64x64xf32, #tpu.memory_space<vmem>>
    %dma_start3A_474 = tpu.memref_squeeze %dma_start3A_473 : memref<1x64x64xf32, #tpu.memory_space<vmem>> -> memref<64x64xf32, #tpu.memory_space<vmem>>
    %dma_start3A_475 = arith.constant 0 : i32
    %dma_start3A_476 = tpu.memref_slice %arg6[%dma_start3A_467, %dma_start3A_468, %dma_start3A_475] : memref<2x5x64xi32, #tpu.memory_space<vmem>> -> memref<1x1x64xi32, #tpu.memory_space<vmem>>
    %dma_start3A_477 = tpu.memref_squeeze %dma_start3A_476 : memref<1x1x64xi32, #tpu.memory_space<vmem>> -> memref<64xi32, #tpu.memory_space<vmem>>
    %dma_start3A_478 = arith.constant 0 : i32
    %dma_start3A_479 = arith.constant 0 : i32
    %dma_start3A_480 = tpu.memref_slice %arg3[%dma_start3A_478, %dma_start3A_479] : memref<2600000x64xf32, #tpu.memory_space<hbm>> -> memref<2600000x64xf32, #tpu.memory_space<hbm>>
    %dma_start3A_481 = tpu.memref_slice %arg10[%dma_start3A_470] : memref<2x!tpu.dma_semaphore, #tpu.memory_space<semaphore_mem>> -> memref<1x!tpu.dma_semaphore, #tpu.memory_space<semaphore_mem>>
    %dma_start3A_482 = tpu.memref_squeeze %dma_start3A_481 : memref<1x!tpu.dma_semaphore, #tpu.memory_space<semaphore_mem>> -> memref<!tpu.dma_semaphore, #tpu.memory_space<semaphore_mem>>
    tpu.enqueue_indirect_dma source(%dma_start3A_480 : memref<2600000x64xf32, #tpu.memory_space<hbm>>) target(%dma_start3A_474 : memref<64x64xf32, #tpu.memory_space<vmem>>) offsets(%dma_start3A_477 : memref<64xi32, #tpu.memory_space<vmem>>) semaphore(%dma_start3A_482 : memref<!tpu.dma_semaphore, #tpu.memory_space<semaphore_mem>>)
    %dma_start3A_483 = arith.constant 0 : i32
    %dma_start3A_484 = arith.constant 2 : i32
    %dma_start3A_485 = arith.constant 0 : i32
    %dma_start3A_486 = arith.constant 0 : i32
    %dma_start3A_487 = arith.constant 128 : i32
    %dma_start3A_488 = arith.constant 0 : i32
    %dma_start3A_489 = tpu.memref_slice %arg7[%dma_start3A_485, %dma_start3A_487, %dma_start3A_488] : memref<2x320x64xf32, #tpu.memory_space<vmem>> -> memref<1x64x64xf32, #tpu.memory_space<vmem>>
    %dma_start3A_490 = tpu.memref_squeeze %dma_start3A_489 : memref<1x64x64xf32, #tpu.memory_space<vmem>> -> memref<64x64xf32, #tpu.memory_space<vmem>>
    %dma_start3A_491 = arith.constant 0 : i32
    %dma_start3A_492 = tpu.memref_slice %arg6[%dma_start3A_483, %dma_start3A_484, %dma_start3A_491] : memref<2x5x64xi32, #tpu.memory_space<vmem>> -> memref<1x1x64xi32, #tpu.memory_space<vmem>>
    %dma_start3A_493 = tpu.memref_squeeze %dma_start3A_492 : memref<1x1x64xi32, #tpu.memory_space<vmem>> -> memref<64xi32, #tpu.memory_space<vmem>>
    %dma_start3A_494 = arith.constant 0 : i32
    %dma_start3A_495 = arith.constant 0 : i32
    %dma_start3A_496 = tpu.memref_slice %arg3[%dma_start3A_494, %dma_start3A_495] : memref<2600000x64xf32, #tpu.memory_space<hbm>> -> memref<2600000x64xf32, #tpu.memory_space<hbm>>
    %dma_start3A_497 = tpu.memref_slice %arg10[%dma_start3A_486] : memref<2x!tpu.dma_semaphore, #tpu.memory_space<semaphore_mem>> -> memref<1x!tpu.dma_semaphore, #tpu.memory_space<semaphore_mem>>
    %dma_start3A_498 = tpu.memref_squeeze %dma_start3A_497 : memref<1x!tpu.dma_semaphore, #tpu.memory_space<semaphore_mem>> -> memref<!tpu.dma_semaphore, #tpu.memory_space<semaphore_mem>>
    tpu.enqueue_indirect_dma source(%dma_start3A_496 : memref<2600000x64xf32, #tpu.memory_space<hbm>>) target(%dma_start3A_490 : memref<64x64xf32, #tpu.memory_space<vmem>>) offsets(%dma_start3A_493 : memref<64xi32, #tpu.memory_space<vmem>>) semaphore(%dma_start3A_498 : memref<!tpu.dma_semaphore, #tpu.memory_space<semaphore_mem>>)
    %dma_start3A_499 = arith.constant 0 : i32
    %dma_start3A_500 = arith.constant 3 : i32
    %dma_start3A_501 = arith.constant 0 : i32
    %dma_start3A_502 = arith.constant 0 : i32
    %dma_start3A_503 = arith.constant 192 : i32
    %dma_start3A_504 = arith.constant 0 : i32
    %dma_start3A_505 = tpu.memref_slice %arg7[%dma_start3A_501, %dma_start3A_503, %dma_start3A_504] : memref<2x320x64xf32, #tpu.memory_space<vmem>> -> memref<1x64x64xf32, #tpu.memory_space<vmem>>
    %dma_start3A_506 = tpu.memref_squeeze %dma_start3A_505 : memref<1x64x64xf32, #tpu.memory_space<vmem>> -> memref<64x64xf32, #tpu.memory_space<vmem>>
    %dma_start3A_507 = arith.constant 0 : i32
    %dma_start3A_508 = tpu.memref_slice %arg6[%dma_start3A_499, %dma_start3A_500, %dma_start3A_507] : memref<2x5x64xi32, #tpu.memory_space<vmem>> -> memref<1x1x64xi32, #tpu.memory_space<vmem>>
    %dma_start3A_509 = tpu.memref_squeeze %dma_start3A_508 : memref<1x1x64xi32, #tpu.memory_space<vmem>> -> memref<64xi32, #tpu.memory_space<vmem>>
    %dma_start3A_510 = arith.constant 0 : i32
    %dma_start3A_511 = arith.constant 0 : i32
    %dma_start3A_512 = tpu.memref_slice %arg3[%dma_start3A_510, %dma_start3A_511] : memref<2600000x64xf32, #tpu.memory_space<hbm>> -> memref<2600000x64xf32, #tpu.memory_space<hbm>>
    %dma_start3A_513 = tpu.memref_slice %arg10[%dma_start3A_502] : memref<2x!tpu.dma_semaphore, #tpu.memory_space<semaphore_mem>> -> memref<1x!tpu.dma_semaphore, #tpu.memory_space<semaphore_mem>>
    %dma_start3A_514 = tpu.memref_squeeze %dma_start3A_513 : memref<1x!tpu.dma_semaphore, #tpu.memory_space<semaphore_mem>> -> memref<!tpu.dma_semaphore, #tpu.memory_space<semaphore_mem>>
    tpu.enqueue_indirect_dma source(%dma_start3A_512 : memref<2600000x64xf32, #tpu.memory_space<hbm>>) target(%dma_start3A_506 : memref<64x64xf32, #tpu.memory_space<vmem>>) offsets(%dma_start3A_509 : memref<64xi32, #tpu.memory_space<vmem>>) semaphore(%dma_start3A_514 : memref<!tpu.dma_semaphore, #tpu.memory_space<semaphore_mem>>)
    %dma_start3A_515 = arith.constant 0 : i32
    %dma_start3A_516 = arith.constant 4 : i32
    %dma_start3A_517 = arith.constant 0 : i32
    %dma_start3A_518 = arith.constant 0 : i32
    %dma_start3A_519 = arith.constant 256 : i32
    %dma_start3A_520 = arith.constant 0 : i32
    %dma_start3A_521 = tpu.memref_slice %arg7[%dma_start3A_517, %dma_start3A_519, %dma_start3A_520] : memref<2x320x64xf32, #tpu.memory_space<vmem>> -> memref<1x64x64xf32, #tpu.memory_space<vmem>>
    %dma_start3A_522 = tpu.memref_squeeze %dma_start3A_521 : memref<1x64x64xf32, #tpu.memory_space<vmem>> -> memref<64x64xf32, #tpu.memory_space<vmem>>
    %dma_start3A_523 = arith.constant 0 : i32
    %dma_start3A_524 = tpu.memref_slice %arg6[%dma_start3A_515, %dma_start3A_516, %dma_start3A_523] : memref<2x5x64xi32, #tpu.memory_space<vmem>> -> memref<1x1x64xi32, #tpu.memory_space<vmem>>
    %dma_start3A_525 = tpu.memref_squeeze %dma_start3A_524 : memref<1x1x64xi32, #tpu.memory_space<vmem>> -> memref<64xi32, #tpu.memory_space<vmem>>
    %dma_start3A_526 = arith.constant 0 : i32
    %dma_start3A_527 = arith.constant 0 : i32
    %dma_start3A_528 = tpu.memref_slice %arg3[%dma_start3A_526, %dma_start3A_527] : memref<2600000x64xf32, #tpu.memory_space<hbm>> -> memref<2600000x64xf32, #tpu.memory_space<hbm>>
    %dma_start3A_529 = tpu.memref_slice %arg10[%dma_start3A_518] : memref<2x!tpu.dma_semaphore, #tpu.memory_space<semaphore_mem>> -> memref<1x!tpu.dma_semaphore, #tpu.memory_space<semaphore_mem>>
    %dma_start3A_530 = tpu.memref_squeeze %dma_start3A_529 : memref<1x!tpu.dma_semaphore, #tpu.memory_space<semaphore_mem>> -> memref<!tpu.dma_semaphore, #tpu.memory_space<semaphore_mem>>
    tpu.enqueue_indirect_dma source(%dma_start3A_528 : memref<2600000x64xf32, #tpu.memory_space<hbm>>) target(%dma_start3A_522 : memref<64x64xf32, #tpu.memory_space<vmem>>) offsets(%dma_start3A_525 : memref<64xi32, #tpu.memory_space<vmem>>) semaphore(%dma_start3A_530 : memref<!tpu.dma_semaphore, #tpu.memory_space<semaphore_mem>>)
    %scan3A = arith.constant 0 : i32
    %scan3A_531 = arith.constant 0 : i32
    %scan3A_532 = arith.constant 104 : i32
    %scan3A_533 = arith.addi %scan3A_531, %scan3A_532 : i32
    %scan3A_534 = arith.constant 1 : i32
    scf.for %scan3A_626 = %scan3A_531 to %scan3A_533 step %scan3A_534  : i32 {
      %mul3A_627 = arith.constant 2 : i32
      %mul3A_628 = arith.muli %scan3A_626, %mul3A_627 : i32
      %add3A_629 = arith.constant 0 : i32
      %add3A_630 = arith.addi %mul3A_628, %add3A_629 : i32
      %add3A_631 = arith.constant 2 : i32
      %add3A_632 = arith.addi %add3A_630, %add3A_631 : i32
      %sub3A_633 = arith.constant 1 : i32
      %sub3A_634 = arith.subi %add3A_632, %sub3A_633 : i32
      %lt3A = arith.constant 208 : i32
      %lt3A_635 = arith.cmpi slt, %sub3A_634, %lt3A : i32
      %convert_element_type3A = arith.extui %lt3A_635 : i1 to i32
      %cond3A = arith.constant 0 : i32
      %cond3A_636 = arith.cmpi ne, %convert_element_type3A, %cond3A : i32
      scf.if %cond3A_636 {
        %mul3A_923 = arith.constant 16 : i32
        %mul3A_924 = arith.muli %sub3A_634, %mul3A_923 : i32
        %add3A_925 = arith.addi %mul3A_2, %mul3A_924 : i32
        %jit3A_926 = arith.constant 4096 : i32
        %div3A_927 = arith.divsi %add3A_925, %jit3A_926 : i32
        %sign3A_928 = arith.constant 0 : i32
        %sign3A_929 = arith.cmpi sgt, %add3A_925, %sign3A_928 : i32
        %sign3A_930 = arith.extui %sign3A_929 : i1 to i32
        %sign3A_931 = arith.constant 0 : i32
        %sign3A_932 = arith.cmpi slt, %add3A_925, %sign3A_931 : i32
        %sign3A_933 = arith.extui %sign3A_932 : i1 to i32
        %sign3A_934 = arith.subi %sign3A_930, %sign3A_933 : i32
        %sign3A_935 = arith.constant 0 : i32
        %sign3A_936 = arith.cmpi sgt, %jit3A_926, %sign3A_935 : i32
        %sign3A_937 = arith.extui %sign3A_936 : i1 to i32
        %sign3A_938 = arith.constant 0 : i32
        %sign3A_939 = arith.cmpi slt, %jit3A_926, %sign3A_938 : i32
        %sign3A_940 = arith.extui %sign3A_939 : i1 to i32
        %sign3A_941 = arith.subi %sign3A_937, %sign3A_940 : i32
        %ne3A_942 = arith.cmpi ne, %sign3A_934, %sign3A_941 : i32
        %rem3A_943 = arith.remsi %add3A_925, %jit3A_926 : i32
        %ne3A_944 = arith.constant 0 : i32
        %ne3A_945 = arith.cmpi ne, %rem3A_943, %ne3A_944 : i32
        %and3A_946 = arith.andi %ne3A_942, %ne3A_945 : i1
        %sub3A_947 = arith.constant 1 : i32
        %sub3A_948 = arith.subi %div3A_927, %sub3A_947 : i32
        %select_n3A_949 = arith.select %and3A_946, %sub3A_948, %div3A_927 : i32
        %mul3A_950 = arith.constant 4096 : i32
        %mul3A_951 = arith.muli %select_n3A_949, %mul3A_950 : i32
        %sub3A_952 = arith.subi %add3A_925, %mul3A_951 : i32
        %mul3A_953 = arith.constant 16 : i32
        %mul3A_954 = arith.muli %sub3A_634, %mul3A_953 : i32
        %add3A_955 = arith.addi %mul3A_2, %mul3A_954 : i32
        %jit3A_956 = arith.constant 4096 : i32
        %div3A_957 = arith.divsi %add3A_955, %jit3A_956 : i32
        %sign3A_958 = arith.constant 0 : i32
        %sign3A_959 = arith.cmpi sgt, %add3A_955, %sign3A_958 : i32
        %sign3A_960 = arith.extui %sign3A_959 : i1 to i32
        %sign3A_961 = arith.constant 0 : i32
        %sign3A_962 = arith.cmpi slt, %add3A_955, %sign3A_961 : i32
        %sign3A_963 = arith.extui %sign3A_962 : i1 to i32
        %sign3A_964 = arith.subi %sign3A_960, %sign3A_963 : i32
        %sign3A_965 = arith.constant 0 : i32
        %sign3A_966 = arith.cmpi sgt, %jit3A_956, %sign3A_965 : i32
        %sign3A_967 = arith.extui %sign3A_966 : i1 to i32
        %sign3A_968 = arith.constant 0 : i32
        %sign3A_969 = arith.cmpi slt, %jit3A_956, %sign3A_968 : i32
        %sign3A_970 = arith.extui %sign3A_969 : i1 to i32
        %sign3A_971 = arith.subi %sign3A_967, %sign3A_970 : i32
        %ne3A_972 = arith.cmpi ne, %sign3A_964, %sign3A_971 : i32
        %rem3A_973 = arith.remsi %add3A_955, %jit3A_956 : i32
        %ne3A_974 = arith.constant 0 : i32
        %ne3A_975 = arith.cmpi ne, %rem3A_973, %ne3A_974 : i32
        %and3A_976 = arith.andi %ne3A_972, %ne3A_975 : i1
        %sub3A_977 = arith.constant 1 : i32
        %sub3A_978 = arith.subi %div3A_957, %sub3A_977 : i32
        %select_n3A_979 = arith.select %and3A_976, %sub3A_978, %div3A_957 : i32
        %mul3A_980 = arith.constant 4096 : i32
        %mul3A_981 = arith.muli %select_n3A_979, %mul3A_980 : i32
        %sub3A_982 = arith.subi %add3A_955, %mul3A_981 : i32
        %mul3A_983 = arith.constant 20 : i32
        %mul3A_984 = arith.muli %add3A_955, %mul3A_983 : i32
        %dma_wait3A_985 = arith.constant 1 : i32
        %dma_wait3A_986 = arith.constant 1 : i32
        %dma_wait3A_987 = arith.constant 0 : i32
        %dma_wait3A_988 = tpu.memref_slice %arg5[%dma_wait3A_985, %dma_wait3A_987] : memref<2x320xi32, #tpu.memory_space<vmem>> -> memref<1x320xi32, #tpu.memory_space<vmem>>
        %dma_wait3A_989 = tpu.memref_squeeze %dma_wait3A_988 : memref<1x320xi32, #tpu.memory_space<vmem>> -> memref<320xi32, #tpu.memory_space<vmem>>
        %dma_wait3A_990 = tpu.memref_slice %arg2[%mul3A_984] : memref<2129920xi32, #tpu.memory_space<hbm>> -> memref<320xi32, #tpu.memory_space<hbm>>
        %dma_wait3A_991 = tpu.memref_slice %arg9[%dma_wait3A_986] : memref<2x!tpu.dma_semaphore, #tpu.memory_space<semaphore_mem>> -> memref<1x!tpu.dma_semaphore, #tpu.memory_space<semaphore_mem>>
        %dma_wait3A_992 = tpu.memref_squeeze %dma_wait3A_991 : memref<1x!tpu.dma_semaphore, #tpu.memory_space<semaphore_mem>> -> memref<!tpu.dma_semaphore, #tpu.memory_space<semaphore_mem>>
        %dma_wait3A_993 = arith.constant 0 : i32
        %dma_wait3A_994 = tpu.memref_slice %arg5[%dma_wait3A_985, %dma_wait3A_993] : memref<2x320xi32, #tpu.memory_space<vmem>> -> memref<1x320xi32, #tpu.memory_space<vmem>>
        %dma_wait3A_995 = tpu.memref_squeeze %dma_wait3A_994 : memref<1x320xi32, #tpu.memory_space<vmem>> -> memref<320xi32, #tpu.memory_space<vmem>>
        %dma_wait3A_996 = tpu.memref_slice %arg2[%mul3A_984] : memref<2129920xi32, #tpu.memory_space<hbm>> -> memref<320xi32, #tpu.memory_space<hbm>>
        tpu.wait_dma2 semaphore(%dma_wait3A_992 : memref<!tpu.dma_semaphore, #tpu.memory_space<semaphore_mem>>) src(%dma_wait3A_996 : memref<320xi32, #tpu.memory_space<hbm>>) dst(%dma_wait3A_995 : memref<320xi32, #tpu.memory_space<vmem>>)
        %add3A_997 = arith.constant 1 : i32
        %add3A_998 = arith.addi %sub3A_634, %add3A_997 : i32
        %lt3A_999 = arith.constant 208 : i32
        %lt3A_1000 = arith.cmpi slt, %add3A_998, %lt3A_999 : i32
        %convert_element_type3A_1001 = arith.extui %lt3A_1000 : i1 to i32
        %cond3A_1002 = arith.constant 0 : i32
        %cond3A_1003 = arith.cmpi ne, %convert_element_type3A_1001, %cond3A_1002 : i32
        scf.if %cond3A_1003 {
          %add3A_1386 = arith.constant 1 : i32
          %add3A_1387 = arith.addi %sub3A_634, %add3A_1386 : i32
          %mul3A_1388 = arith.constant 16 : i32
          %mul3A_1389 = arith.muli %add3A_1387, %mul3A_1388 : i32
          %add3A_1390 = arith.addi %mul3A_2, %mul3A_1389 : i32
          %jit3A_1391 = arith.constant 4096 : i32
          %div3A_1392 = arith.divsi %add3A_1390, %jit3A_1391 : i32
          %sign3A_1393 = arith.constant 0 : i32
          %sign3A_1394 = arith.cmpi sgt, %add3A_1390, %sign3A_1393 : i32
          %sign3A_1395 = arith.extui %sign3A_1394 : i1 to i32
          %sign3A_1396 = arith.constant 0 : i32
          %sign3A_1397 = arith.cmpi slt, %add3A_1390, %sign3A_1396 : i32
          %sign3A_1398 = arith.extui %sign3A_1397 : i1 to i32
          %sign3A_1399 = arith.subi %sign3A_1395, %sign3A_1398 : i32
          %sign3A_1400 = arith.constant 0 : i32
          %sign3A_1401 = arith.cmpi sgt, %jit3A_1391, %sign3A_1400 : i32
          %sign3A_1402 = arith.extui %sign3A_1401 : i1 to i32
          %sign3A_1403 = arith.constant 0 : i32
          %sign3A_1404 = arith.cmpi slt, %jit3A_1391, %sign3A_1403 : i32
          %sign3A_1405 = arith.extui %sign3A_1404 : i1 to i32
          %sign3A_1406 = arith.subi %sign3A_1402, %sign3A_1405 : i32
          %ne3A_1407 = arith.cmpi ne, %sign3A_1399, %sign3A_1406 : i32
          %rem3A_1408 = arith.remsi %add3A_1390, %jit3A_1391 : i32
          %ne3A_1409 = arith.constant 0 : i32
          %ne3A_1410 = arith.cmpi ne, %rem3A_1408, %ne3A_1409 : i32
          %and3A_1411 = arith.andi %ne3A_1407, %ne3A_1410 : i1
          %sub3A_1412 = arith.constant 1 : i32
          %sub3A_1413 = arith.subi %div3A_1392, %sub3A_1412 : i32
          %select_n3A_1414 = arith.select %and3A_1411, %sub3A_1413, %div3A_1392 : i32
          %mul3A_1415 = arith.constant 4096 : i32
          %mul3A_1416 = arith.muli %select_n3A_1414, %mul3A_1415 : i32
          %sub3A_1417 = arith.subi %add3A_1390, %mul3A_1416 : i32
          %mul3A_1418 = arith.constant 20 : i32
          %mul3A_1419 = arith.muli %add3A_1390, %mul3A_1418 : i32
          %dma_start3A_1420 = arith.constant 0 : i32
          %dma_start3A_1421 = arith.constant 0 : i32
          %dma_start3A_1422 = arith.constant 0 : i32
          %dma_start3A_1423 = tpu.memref_slice %arg5[%dma_start3A_1420, %dma_start3A_1422] : memref<2x320xi32, #tpu.memory_space<vmem>> -> memref<1x320xi32, #tpu.memory_space<vmem>>
          %dma_start3A_1424 = tpu.memref_squeeze %dma_start3A_1423 : memref<1x320xi32, #tpu.memory_space<vmem>> -> memref<320xi32, #tpu.memory_space<vmem>>
          %dma_start3A_1425 = tpu.memref_slice %arg2[%mul3A_1419] : memref<2129920xi32, #tpu.memory_space<hbm>> -> memref<320xi32, #tpu.memory_space<hbm>>
          %dma_start3A_1426 = tpu.memref_slice %arg9[%dma_start3A_1421] : memref<2x!tpu.dma_semaphore, #tpu.memory_space<semaphore_mem>> -> memref<1x!tpu.dma_semaphore, #tpu.memory_space<semaphore_mem>>
          %dma_start3A_1427 = tpu.memref_squeeze %dma_start3A_1426 : memref<1x!tpu.dma_semaphore, #tpu.memory_space<semaphore_mem>> -> memref<!tpu.dma_semaphore, #tpu.memory_space<semaphore_mem>>
          %dma_start3A_1428 = arith.constant 0 : i32
          %dma_start3A_1429 = tpu.memref_slice %arg5[%dma_start3A_1420, %dma_start3A_1428] : memref<2x320xi32, #tpu.memory_space<vmem>> -> memref<1x320xi32, #tpu.memory_space<vmem>>
          %dma_start3A_1430 = tpu.memref_squeeze %dma_start3A_1429 : memref<1x320xi32, #tpu.memory_space<vmem>> -> memref<320xi32, #tpu.memory_space<vmem>>
          %dma_start3A_1431 = tpu.memref_slice %arg2[%mul3A_1419] : memref<2129920xi32, #tpu.memory_space<hbm>> -> memref<320xi32, #tpu.memory_space<hbm>>
          tpu.enqueue_dma source(%dma_start3A_1431 : memref<320xi32, #tpu.memory_space<hbm>>) target(%dma_start3A_1430 : memref<320xi32, #tpu.memory_space<vmem>>) target_semaphore(%dma_start3A_1427 : memref<!tpu.dma_semaphore, #tpu.memory_space<semaphore_mem>>)
        } else {
        }
        %mul3A_1004 = arith.constant 100000 : i32
        %mul3A_1005 = arith.muli %select_n3A_949, %mul3A_1004 : i32
        %get3A_1006 = arith.constant 1 : i32
        %get3A_1007 = arith.index_cast %get3A_1006 : i32 to index
        %get3A_1008 = arith.constant 0 : index
        %get3A_1009 = tpu.vector_load %arg5[%get3A_1007, %get3A_1008] {strides = array<i32>} : memref<2x320xi32, #tpu.memory_space<vmem>>, vector<1x16xi32>,
        %get3A_1010 = vector.shape_cast %get3A_1009 : vector<1x16xi32> to vector<16xi32>
        %add3A_1011 = vector.broadcast %mul3A_1005 : i32 to vector<16xi32>
        %add3A_1012 = arith.addi %get3A_1010, %add3A_1011 : vector<16xi32>
        %swap3A_1013 = arith.constant 1 : i32
        %swap3A_1014 = arith.constant 0 : i32
        %swap3A_1015 = arith.index_cast %swap3A_1013 : i32 to index
        %swap3A_1016 = arith.index_cast %swap3A_1014 : i32 to index
        %swap3A_1017 = arith.constant 0 : index
        %swap3A_1018 = tpu.vector_load %arg6[%swap3A_1015, %swap3A_1016, %swap3A_1017] {strides = array<i32>} : memref<2x5x64xi32, #tpu.memory_space<vmem>>, vector<1x1x16xi32>,
        %swap3A_1019 = vector.shape_cast %swap3A_1018 : vector<1x1x16xi32> to vector<16xi32>
        %swap3A_1020 = vector.shape_cast %add3A_1012 : vector<16xi32> to vector<1x1x16xi32>
        tpu.vector_store %arg6[%swap3A_1015, %swap3A_1016, %swap3A_1017], %swap3A_1020 {strides = array<i32>} : memref<2x5x64xi32, #tpu.memory_space<vmem>>, vector<1x1x16xi32>,
        %get3A_1021 = arith.constant 1 : i32
        %get3A_1022 = arith.index_cast %get3A_1021 : i32 to index
        %get3A_1023 = arith.constant 16 : index
        %get3A_1024 = tpu.vector_load %arg5[%get3A_1022, %get3A_1023] {strides = array<i32>} : memref<2x320xi32, #tpu.memory_space<vmem>>, vector<1x16xi32>,
        %get3A_1025 = vector.shape_cast %get3A_1024 : vector<1x16xi32> to vector<16xi32>
        %add3A_1026 = vector.broadcast %mul3A_1005 : i32 to vector<16xi32>
        %add3A_1027 = arith.addi %get3A_1025, %add3A_1026 : vector<16xi32>
        %swap3A_1028 = arith.constant 1 : i32
        %swap3A_1029 = arith.constant 0 : i32
        %swap3A_1030 = arith.index_cast %swap3A_1028 : i32 to index
        %swap3A_1031 = arith.index_cast %swap3A_1029 : i32 to index
        %swap3A_1032 = arith.constant 16 : index
        %swap3A_1033 = tpu.vector_load %arg6[%swap3A_1030, %swap3A_1031, %swap3A_1032] {strides = array<i32>} : memref<2x5x64xi32, #tpu.memory_space<vmem>>, vector<1x1x16xi32>,
        %swap3A_1034 = vector.shape_cast %swap3A_1033 : vector<1x1x16xi32> to vector<16xi32>
        %swap3A_1035 = vector.shape_cast %add3A_1027 : vector<16xi32> to vector<1x1x16xi32>
        tpu.vector_store %arg6[%swap3A_1030, %swap3A_1031, %swap3A_1032], %swap3A_1035 {strides = array<i32>} : memref<2x5x64xi32, #tpu.memory_space<vmem>>, vector<1x1x16xi32>,
        %get3A_1036 = arith.constant 1 : i32
        %get3A_1037 = arith.index_cast %get3A_1036 : i32 to index
        %get3A_1038 = arith.constant 32 : index
        %get3A_1039 = tpu.vector_load %arg5[%get3A_1037, %get3A_1038] {strides = array<i32>} : memref<2x320xi32, #tpu.memory_space<vmem>>, vector<1x16xi32>,
        %get3A_1040 = vector.shape_cast %get3A_1039 : vector<1x16xi32> to vector<16xi32>
        %add3A_1041 = vector.broadcast %mul3A_1005 : i32 to vector<16xi32>
        %add3A_1042 = arith.addi %get3A_1040, %add3A_1041 : vector<16xi32>
        %swap3A_1043 = arith.constant 1 : i32
        %swap3A_1044 = arith.constant 0 : i32
        %swap3A_1045 = arith.index_cast %swap3A_1043 : i32 to index
        %swap3A_1046 = arith.index_cast %swap3A_1044 : i32 to index
        %swap3A_1047 = arith.constant 32 : index
        %swap3A_1048 = tpu.vector_load %arg6[%swap3A_1045, %swap3A_1046, %swap3A_1047] {strides = array<i32>} : memref<2x5x64xi32, #tpu.memory_space<vmem>>, vector<1x1x16xi32>,
        %swap3A_1049 = vector.shape_cast %swap3A_1048 : vector<1x1x16xi32> to vector<16xi32>
        %swap3A_1050 = vector.shape_cast %add3A_1042 : vector<16xi32> to vector<1x1x16xi32>
        tpu.vector_store %arg6[%swap3A_1045, %swap3A_1046, %swap3A_1047], %swap3A_1050 {strides = array<i32>} : memref<2x5x64xi32, #tpu.memory_space<vmem>>, vector<1x1x16xi32>,
        %get3A_1051 = arith.constant 1 : i32
        %get3A_1052 = arith.index_cast %get3A_1051 : i32 to index
        %get3A_1053 = arith.constant 48 : index
        %get3A_1054 = tpu.vector_load %arg5[%get3A_1052, %get3A_1053] {strides = array<i32>} : memref<2x320xi32, #tpu.memory_space<vmem>>, vector<1x16xi32>,
        %get3A_1055 = vector.shape_cast %get3A_1054 : vector<1x16xi32> to vector<16xi32>
        %add3A_1056 = vector.broadcast %mul3A_1005 : i32 to vector<16xi32>
        %add3A_1057 = arith.addi %get3A_1055, %add3A_1056 : vector<16xi32>
        %swap3A_1058 = arith.constant 1 : i32
        %swap3A_1059 = arith.constant 0 : i32
        %swap3A_1060 = arith.index_cast %swap3A_1058 : i32 to index
        %swap3A_1061 = arith.index_cast %swap3A_1059 : i32 to index
        %swap3A_1062 = arith.constant 48 : index
        %swap3A_1063 = tpu.vector_load %arg6[%swap3A_1060, %swap3A_1061, %swap3A_1062] {strides = array<i32>} : memref<2x5x64xi32, #tpu.memory_space<vmem>>, vector<1x1x16xi32>,
        %swap3A_1064 = vector.shape_cast %swap3A_1063 : vector<1x1x16xi32> to vector<16xi32>
        %swap3A_1065 = vector.shape_cast %add3A_1057 : vector<16xi32> to vector<1x1x16xi32>
        tpu.vector_store %arg6[%swap3A_1060, %swap3A_1061, %swap3A_1062], %swap3A_1065 {strides = array<i32>} : memref<2x5x64xi32, #tpu.memory_space<vmem>>, vector<1x1x16xi32>,
        %get3A_1066 = arith.constant 1 : i32
        %get3A_1067 = arith.index_cast %get3A_1066 : i32 to index
        %get3A_1068 = arith.constant 64 : index
        %get3A_1069 = tpu.vector_load %arg5[%get3A_1067, %get3A_1068] {strides = array<i32>} : memref<2x320xi32, #tpu.memory_space<vmem>>, vector<1x16xi32>,
        %get3A_1070 = vector.shape_cast %get3A_1069 : vector<1x16xi32> to vector<16xi32>
        %add3A_1071 = vector.broadcast %mul3A_1005 : i32 to vector<16xi32>
        %add3A_1072 = arith.addi %get3A_1070, %add3A_1071 : vector<16xi32>
        %swap3A_1073 = arith.constant 1 : i32
        %swap3A_1074 = arith.constant 1 : i32
        %swap3A_1075 = arith.index_cast %swap3A_1073 : i32 to index
        %swap3A_1076 = arith.index_cast %swap3A_1074 : i32 to index
        %swap3A_1077 = arith.constant 0 : index
        %swap3A_1078 = tpu.vector_load %arg6[%swap3A_1075, %swap3A_1076, %swap3A_1077] {strides = array<i32>} : memref<2x5x64xi32, #tpu.memory_space<vmem>>, vector<1x1x16xi32>,
        %swap3A_1079 = vector.shape_cast %swap3A_1078 : vector<1x1x16xi32> to vector<16xi32>
        %swap3A_1080 = vector.shape_cast %add3A_1072 : vector<16xi32> to vector<1x1x16xi32>
        tpu.vector_store %arg6[%swap3A_1075, %swap3A_1076, %swap3A_1077], %swap3A_1080 {strides = array<i32>} : memref<2x5x64xi32, #tpu.memory_space<vmem>>, vector<1x1x16xi32>,
        %get3A_1081 = arith.constant 1 : i32
        %get3A_1082 = arith.index_cast %get3A_1081 : i32 to index
        %get3A_1083 = arith.constant 80 : index
        %get3A_1084 = tpu.vector_load %arg5[%get3A_1082, %get3A_1083] {strides = array<i32>} : memref<2x320xi32, #tpu.memory_space<vmem>>, vector<1x16xi32>,
        %get3A_1085 = vector.shape_cast %get3A_1084 : vector<1x16xi32> to vector<16xi32>
        %add3A_1086 = vector.broadcast %mul3A_1005 : i32 to vector<16xi32>
        %add3A_1087 = arith.addi %get3A_1085, %add3A_1086 : vector<16xi32>
        %swap3A_1088 = arith.constant 1 : i32
        %swap3A_1089 = arith.constant 1 : i32
        %swap3A_1090 = arith.index_cast %swap3A_1088 : i32 to index
        %swap3A_1091 = arith.index_cast %swap3A_1089 : i32 to index
        %swap3A_1092 = arith.constant 16 : index
        %swap3A_1093 = tpu.vector_load %arg6[%swap3A_1090, %swap3A_1091, %swap3A_1092] {strides = array<i32>} : memref<2x5x64xi32, #tpu.memory_space<vmem>>, vector<1x1x16xi32>,
        %swap3A_1094 = vector.shape_cast %swap3A_1093 : vector<1x1x16xi32> to vector<16xi32>
        %swap3A_1095 = vector.shape_cast %add3A_1087 : vector<16xi32> to vector<1x1x16xi32>
        tpu.vector_store %arg6[%swap3A_1090, %swap3A_1091, %swap3A_1092], %swap3A_1095 {strides = array<i32>} : memref<2x5x64xi32, #tpu.memory_space<vmem>>, vector<1x1x16xi32>,
        %get3A_1096 = arith.constant 1 : i32
        %get3A_1097 = arith.index_cast %get3A_1096 : i32 to index
        %get3A_1098 = arith.constant 96 : index
        %get3A_1099 = tpu.vector_load %arg5[%get3A_1097, %get3A_1098] {strides = array<i32>} : memref<2x320xi32, #tpu.memory_space<vmem>>, vector<1x16xi32>,
        %get3A_1100 = vector.shape_cast %get3A_1099 : vector<1x16xi32> to vector<16xi32>
        %add3A_1101 = vector.broadcast %mul3A_1005 : i32 to vector<16xi32>
        %add3A_1102 = arith.addi %get3A_1100, %add3A_1101 : vector<16xi32>
        %swap3A_1103 = arith.constant 1 : i32
        %swap3A_1104 = arith.constant 1 : i32
        %swap3A_1105 = arith.index_cast %swap3A_1103 : i32 to index
        %swap3A_1106 = arith.index_cast %swap3A_1104 : i32 to index
        %swap3A_1107 = arith.constant 32 : index
        %swap3A_1108 = tpu.vector_load %arg6[%swap3A_1105, %swap3A_1106, %swap3A_1107] {strides = array<i32>} : memref<2x5x64xi32, #tpu.memory_space<vmem>>, vector<1x1x16xi32>,
        %swap3A_1109 = vector.shape_cast %swap3A_1108 : vector<1x1x16xi32> to vector<16xi32>
        %swap3A_1110 = vector.shape_cast %add3A_1102 : vector<16xi32> to vector<1x1x16xi32>
        tpu.vector_store %arg6[%swap3A_1105, %swap3A_1106, %swap3A_1107], %swap3A_1110 {strides = array<i32>} : memref<2x5x64xi32, #tpu.memory_space<vmem>>, vector<1x1x16xi32>,
        %get3A_1111 = arith.constant 1 : i32
        %get3A_1112 = arith.index_cast %get3A_1111 : i32 to index
        %get3A_1113 = arith.constant 112 : index
        %get3A_1114 = tpu.vector_load %arg5[%get3A_1112, %get3A_1113] {strides = array<i32>} : memref<2x320xi32, #tpu.memory_space<vmem>>, vector<1x16xi32>,
        %get3A_1115 = vector.shape_cast %get3A_1114 : vector<1x16xi32> to vector<16xi32>
        %add3A_1116 = vector.broadcast %mul3A_1005 : i32 to vector<16xi32>
        %add3A_1117 = arith.addi %get3A_1115, %add3A_1116 : vector<16xi32>
        %swap3A_1118 = arith.constant 1 : i32
        %swap3A_1119 = arith.constant 1 : i32
        %swap3A_1120 = arith.index_cast %swap3A_1118 : i32 to index
        %swap3A_1121 = arith.index_cast %swap3A_1119 : i32 to index
        %swap3A_1122 = arith.constant 48 : index
        %swap3A_1123 = tpu.vector_load %arg6[%swap3A_1120, %swap3A_1121, %swap3A_1122] {strides = array<i32>} : memref<2x5x64xi32, #tpu.memory_space<vmem>>, vector<1x1x16xi32>,
        %swap3A_1124 = vector.shape_cast %swap3A_1123 : vector<1x1x16xi32> to vector<16xi32>
        %swap3A_1125 = vector.shape_cast %add3A_1117 : vector<16xi32> to vector<1x1x16xi32>
        tpu.vector_store %arg6[%swap3A_1120, %swap3A_1121, %swap3A_1122], %swap3A_1125 {strides = array<i32>} : memref<2x5x64xi32, #tpu.memory_space<vmem>>, vector<1x1x16xi32>,
        %get3A_1126 = arith.constant 1 : i32
        %get3A_1127 = arith.index_cast %get3A_1126 : i32 to index
        %get3A_1128 = arith.constant 128 : index
        %get3A_1129 = tpu.vector_load %arg5[%get3A_1127, %get3A_1128] {strides = array<i32>} : memref<2x320xi32, #tpu.memory_space<vmem>>, vector<1x16xi32>,
        %get3A_1130 = vector.shape_cast %get3A_1129 : vector<1x16xi32> to vector<16xi32>
        %add3A_1131 = vector.broadcast %mul3A_1005 : i32 to vector<16xi32>
        %add3A_1132 = arith.addi %get3A_1130, %add3A_1131 : vector<16xi32>
        %swap3A_1133 = arith.constant 1 : i32
        %swap3A_1134 = arith.constant 2 : i32
        %swap3A_1135 = arith.index_cast %swap3A_1133 : i32 to index
        %swap3A_1136 = arith.index_cast %swap3A_1134 : i32 to index
        %swap3A_1137 = arith.constant 0 : index
        %swap3A_1138 = tpu.vector_load %arg6[%swap3A_1135, %swap3A_1136, %swap3A_1137] {strides = array<i32>} : memref<2x5x64xi32, #tpu.memory_space<vmem>>, vector<1x1x16xi32>,
        %swap3A_1139 = vector.shape_cast %swap3A_1138 : vector<1x1x16xi32> to vector<16xi32>
        %swap3A_1140 = vector.shape_cast %add3A_1132 : vector<16xi32> to vector<1x1x16xi32>
        tpu.vector_store %arg6[%swap3A_1135, %swap3A_1136, %swap3A_1137], %swap3A_1140 {strides = array<i32>} : memref<2x5x64xi32, #tpu.memory_space<vmem>>, vector<1x1x16xi32>,
        %get3A_1141 = arith.constant 1 : i32
        %get3A_1142 = arith.index_cast %get3A_1141 : i32 to index
        %get3A_1143 = arith.constant 144 : index
        %get3A_1144 = tpu.vector_load %arg5[%get3A_1142, %get3A_1143] {strides = array<i32>} : memref<2x320xi32, #tpu.memory_space<vmem>>, vector<1x16xi32>,
        %get3A_1145 = vector.shape_cast %get3A_1144 : vector<1x16xi32> to vector<16xi32>
        %add3A_1146 = vector.broadcast %mul3A_1005 : i32 to vector<16xi32>
        %add3A_1147 = arith.addi %get3A_1145, %add3A_1146 : vector<16xi32>
        %swap3A_1148 = arith.constant 1 : i32
        %swap3A_1149 = arith.constant 2 : i32
        %swap3A_1150 = arith.index_cast %swap3A_1148 : i32 to index
        %swap3A_1151 = arith.index_cast %swap3A_1149 : i32 to index
        %swap3A_1152 = arith.constant 16 : index
        %swap3A_1153 = tpu.vector_load %arg6[%swap3A_1150, %swap3A_1151, %swap3A_1152] {strides = array<i32>} : memref<2x5x64xi32, #tpu.memory_space<vmem>>, vector<1x1x16xi32>,
        %swap3A_1154 = vector.shape_cast %swap3A_1153 : vector<1x1x16xi32> to vector<16xi32>
        %swap3A_1155 = vector.shape_cast %add3A_1147 : vector<16xi32> to vector<1x1x16xi32>
        tpu.vector_store %arg6[%swap3A_1150, %swap3A_1151, %swap3A_1152], %swap3A_1155 {strides = array<i32>} : memref<2x5x64xi32, #tpu.memory_space<vmem>>, vector<1x1x16xi32>,
        %get3A_1156 = arith.constant 1 : i32
        %get3A_1157 = arith.index_cast %get3A_1156 : i32 to index
        %get3A_1158 = arith.constant 160 : index
        %get3A_1159 = tpu.vector_load %arg5[%get3A_1157, %get3A_1158] {strides = array<i32>} : memref<2x320xi32, #tpu.memory_space<vmem>>, vector<1x16xi32>,
        %get3A_1160 = vector.shape_cast %get3A_1159 : vector<1x16xi32> to vector<16xi32>
        %add3A_1161 = vector.broadcast %mul3A_1005 : i32 to vector<16xi32>
        %add3A_1162 = arith.addi %get3A_1160, %add3A_1161 : vector<16xi32>
        %swap3A_1163 = arith.constant 1 : i32
        %swap3A_1164 = arith.constant 2 : i32
        %swap3A_1165 = arith.index_cast %swap3A_1163 : i32 to index
        %swap3A_1166 = arith.index_cast %swap3A_1164 : i32 to index
        %swap3A_1167 = arith.constant 32 : index
        %swap3A_1168 = tpu.vector_load %arg6[%swap3A_1165, %swap3A_1166, %swap3A_1167] {strides = array<i32>} : memref<2x5x64xi32, #tpu.memory_space<vmem>>, vector<1x1x16xi32>,
        %swap3A_1169 = vector.shape_cast %swap3A_1168 : vector<1x1x16xi32> to vector<16xi32>
        %swap3A_1170 = vector.shape_cast %add3A_1162 : vector<16xi32> to vector<1x1x16xi32>
        tpu.vector_store %arg6[%swap3A_1165, %swap3A_1166, %swap3A_1167], %swap3A_1170 {strides = array<i32>} : memref<2x5x64xi32, #tpu.memory_space<vmem>>, vector<1x1x16xi32>,
        %get3A_1171 = arith.constant 1 : i32
        %get3A_1172 = arith.index_cast %get3A_1171 : i32 to index
        %get3A_1173 = arith.constant 176 : index
        %get3A_1174 = tpu.vector_load %arg5[%get3A_1172, %get3A_1173] {strides = array<i32>} : memref<2x320xi32, #tpu.memory_space<vmem>>, vector<1x16xi32>,
        %get3A_1175 = vector.shape_cast %get3A_1174 : vector<1x16xi32> to vector<16xi32>
        %add3A_1176 = vector.broadcast %mul3A_1005 : i32 to vector<16xi32>
        %add3A_1177 = arith.addi %get3A_1175, %add3A_1176 : vector<16xi32>
        %swap3A_1178 = arith.constant 1 : i32
        %swap3A_1179 = arith.constant 2 : i32
        %swap3A_1180 = arith.index_cast %swap3A_1178 : i32 to index
        %swap3A_1181 = arith.index_cast %swap3A_1179 : i32 to index
        %swap3A_1182 = arith.constant 48 : index
        %swap3A_1183 = tpu.vector_load %arg6[%swap3A_1180, %swap3A_1181, %swap3A_1182] {strides = array<i32>} : memref<2x5x64xi32, #tpu.memory_space<vmem>>, vector<1x1x16xi32>,
        %swap3A_1184 = vector.shape_cast %swap3A_1183 : vector<1x1x16xi32> to vector<16xi32>
        %swap3A_1185 = vector.shape_cast %add3A_1177 : vector<16xi32> to vector<1x1x16xi32>
        tpu.vector_store %arg6[%swap3A_1180, %swap3A_1181, %swap3A_1182], %swap3A_1185 {strides = array<i32>} : memref<2x5x64xi32, #tpu.memory_space<vmem>>, vector<1x1x16xi32>,
        %get3A_1186 = arith.constant 1 : i32
        %get3A_1187 = arith.index_cast %get3A_1186 : i32 to index
        %get3A_1188 = arith.constant 192 : index
        %get3A_1189 = tpu.vector_load %arg5[%get3A_1187, %get3A_1188] {strides = array<i32>} : memref<2x320xi32, #tpu.memory_space<vmem>>, vector<1x16xi32>,
        %get3A_1190 = vector.shape_cast %get3A_1189 : vector<1x16xi32> to vector<16xi32>
        %add3A_1191 = vector.broadcast %mul3A_1005 : i32 to vector<16xi32>
        %add3A_1192 = arith.addi %get3A_1190, %add3A_1191 : vector<16xi32>
        %swap3A_1193 = arith.constant 1 : i32
        %swap3A_1194 = arith.constant 3 : i32
        %swap3A_1195 = arith.index_cast %swap3A_1193 : i32 to index
        %swap3A_1196 = arith.index_cast %swap3A_1194 : i32 to index
        %swap3A_1197 = arith.constant 0 : index
        %swap3A_1198 = tpu.vector_load %arg6[%swap3A_1195, %swap3A_1196, %swap3A_1197] {strides = array<i32>} : memref<2x5x64xi32, #tpu.memory_space<vmem>>, vector<1x1x16xi32>,
        %swap3A_1199 = vector.shape_cast %swap3A_1198 : vector<1x1x16xi32> to vector<16xi32>
        %swap3A_1200 = vector.shape_cast %add3A_1192 : vector<16xi32> to vector<1x1x16xi32>
        tpu.vector_store %arg6[%swap3A_1195, %swap3A_1196, %swap3A_1197], %swap3A_1200 {strides = array<i32>} : memref<2x5x64xi32, #tpu.memory_space<vmem>>, vector<1x1x16xi32>,
        %get3A_1201 = arith.constant 1 : i32
        %get3A_1202 = arith.index_cast %get3A_1201 : i32 to index
        %get3A_1203 = arith.constant 208 : index
        %get3A_1204 = tpu.vector_load %arg5[%get3A_1202, %get3A_1203] {strides = array<i32>} : memref<2x320xi32, #tpu.memory_space<vmem>>, vector<1x16xi32>,
        %get3A_1205 = vector.shape_cast %get3A_1204 : vector<1x16xi32> to vector<16xi32>
        %add3A_1206 = vector.broadcast %mul3A_1005 : i32 to vector<16xi32>
        %add3A_1207 = arith.addi %get3A_1205, %add3A_1206 : vector<16xi32>
        %swap3A_1208 = arith.constant 1 : i32
        %swap3A_1209 = arith.constant 3 : i32
        %swap3A_1210 = arith.index_cast %swap3A_1208 : i32 to index
        %swap3A_1211 = arith.index_cast %swap3A_1209 : i32 to index
        %swap3A_1212 = arith.constant 16 : index
        %swap3A_1213 = tpu.vector_load %arg6[%swap3A_1210, %swap3A_1211, %swap3A_1212] {strides = array<i32>} : memref<2x5x64xi32, #tpu.memory_space<vmem>>, vector<1x1x16xi32>,
        %swap3A_1214 = vector.shape_cast %swap3A_1213 : vector<1x1x16xi32> to vector<16xi32>
        %swap3A_1215 = vector.shape_cast %add3A_1207 : vector<16xi32> to vector<1x1x16xi32>
        tpu.vector_store %arg6[%swap3A_1210, %swap3A_1211, %swap3A_1212], %swap3A_1215 {strides = array<i32>} : memref<2x5x64xi32, #tpu.memory_space<vmem>>, vector<1x1x16xi32>,
        %get3A_1216 = arith.constant 1 : i32
        %get3A_1217 = arith.index_cast %get3A_1216 : i32 to index
        %get3A_1218 = arith.constant 224 : index
        %get3A_1219 = tpu.vector_load %arg5[%get3A_1217, %get3A_1218] {strides = array<i32>} : memref<2x320xi32, #tpu.memory_space<vmem>>, vector<1x16xi32>,
        %get3A_1220 = vector.shape_cast %get3A_1219 : vector<1x16xi32> to vector<16xi32>
        %add3A_1221 = vector.broadcast %mul3A_1005 : i32 to vector<16xi32>
        %add3A_1222 = arith.addi %get3A_1220, %add3A_1221 : vector<16xi32>
        %swap3A_1223 = arith.constant 1 : i32
        %swap3A_1224 = arith.constant 3 : i32
        %swap3A_1225 = arith.index_cast %swap3A_1223 : i32 to index
        %swap3A_1226 = arith.index_cast %swap3A_1224 : i32 to index
        %swap3A_1227 = arith.constant 32 : index
        %swap3A_1228 = tpu.vector_load %arg6[%swap3A_1225, %swap3A_1226, %swap3A_1227] {strides = array<i32>} : memref<2x5x64xi32, #tpu.memory_space<vmem>>, vector<1x1x16xi32>,
        %swap3A_1229 = vector.shape_cast %swap3A_1228 : vector<1x1x16xi32> to vector<16xi32>
        %swap3A_1230 = vector.shape_cast %add3A_1222 : vector<16xi32> to vector<1x1x16xi32>
        tpu.vector_store %arg6[%swap3A_1225, %swap3A_1226, %swap3A_1227], %swap3A_1230 {strides = array<i32>} : memref<2x5x64xi32, #tpu.memory_space<vmem>>, vector<1x1x16xi32>,
        %get3A_1231 = arith.constant 1 : i32
        %get3A_1232 = arith.index_cast %get3A_1231 : i32 to index
        %get3A_1233 = arith.constant 240 : index
        %get3A_1234 = tpu.vector_load %arg5[%get3A_1232, %get3A_1233] {strides = array<i32>} : memref<2x320xi32, #tpu.memory_space<vmem>>, vector<1x16xi32>,
        %get3A_1235 = vector.shape_cast %get3A_1234 : vector<1x16xi32> to vector<16xi32>
        %add3A_1236 = vector.broadcast %mul3A_1005 : i32 to vector<16xi32>
        %add3A_1237 = arith.addi %get3A_1235, %add3A_1236 : vector<16xi32>
        %swap3A_1238 = arith.constant 1 : i32
        %swap3A_1239 = arith.constant 3 : i32
        %swap3A_1240 = arith.index_cast %swap3A_1238 : i32 to index
        %swap3A_1241 = arith.index_cast %swap3A_1239 : i32 to index
        %swap3A_1242 = arith.constant 48 : index
        %swap3A_1243 = tpu.vector_load %arg6[%swap3A_1240, %swap3A_1241, %swap3A_1242] {strides = array<i32>} : memref<2x5x64xi32, #tpu.memory_space<vmem>>, vector<1x1x16xi32>,
        %swap3A_1244 = vector.shape_cast %swap3A_1243 : vector<1x1x16xi32> to vector<16xi32>
        %swap3A_1245 = vector.shape_cast %add3A_1237 : vector<16xi32> to vector<1x1x16xi32>
        tpu.vector_store %arg6[%swap3A_1240, %swap3A_1241, %swap3A_1242], %swap3A_1245 {strides = array<i32>} : memref<2x5x64xi32, #tpu.memory_space<vmem>>, vector<1x1x16xi32>,
        %get3A_1246 = arith.constant 1 : i32
        %get3A_1247 = arith.index_cast %get3A_1246 : i32 to index
        %get3A_1248 = arith.constant 256 : index
        %get3A_1249 = tpu.vector_load %arg5[%get3A_1247, %get3A_1248] {strides = array<i32>} : memref<2x320xi32, #tpu.memory_space<vmem>>, vector<1x16xi32>,
        %get3A_1250 = vector.shape_cast %get3A_1249 : vector<1x16xi32> to vector<16xi32>
        %add3A_1251 = vector.broadcast %mul3A_1005 : i32 to vector<16xi32>
        %add3A_1252 = arith.addi %get3A_1250, %add3A_1251 : vector<16xi32>
        %swap3A_1253 = arith.constant 1 : i32
        %swap3A_1254 = arith.constant 4 : i32
        %swap3A_1255 = arith.index_cast %swap3A_1253 : i32 to index
        %swap3A_1256 = arith.index_cast %swap3A_1254 : i32 to index
        %swap3A_1257 = arith.constant 0 : index
        %swap3A_1258 = tpu.vector_load %arg6[%swap3A_1255, %swap3A_1256, %swap3A_1257] {strides = array<i32>} : memref<2x5x64xi32, #tpu.memory_space<vmem>>, vector<1x1x16xi32>,
        %swap3A_1259 = vector.shape_cast %swap3A_1258 : vector<1x1x16xi32> to vector<16xi32>
        %swap3A_1260 = vector.shape_cast %add3A_1252 : vector<16xi32> to vector<1x1x16xi32>
        tpu.vector_store %arg6[%swap3A_1255, %swap3A_1256, %swap3A_1257], %swap3A_1260 {strides = array<i32>} : memref<2x5x64xi32, #tpu.memory_space<vmem>>, vector<1x1x16xi32>,
        %get3A_1261 = arith.constant 1 : i32
        %get3A_1262 = arith.index_cast %get3A_1261 : i32 to index
        %get3A_1263 = arith.constant 272 : index
        %get3A_1264 = tpu.vector_load %arg5[%get3A_1262, %get3A_1263] {strides = array<i32>} : memref<2x320xi32, #tpu.memory_space<vmem>>, vector<1x16xi32>,
        %get3A_1265 = vector.shape_cast %get3A_1264 : vector<1x16xi32> to vector<16xi32>
        %add3A_1266 = vector.broadcast %mul3A_1005 : i32 to vector<16xi32>
        %add3A_1267 = arith.addi %get3A_1265, %add3A_1266 : vector<16xi32>
        %swap3A_1268 = arith.constant 1 : i32
        %swap3A_1269 = arith.constant 4 : i32
        %swap3A_1270 = arith.index_cast %swap3A_1268 : i32 to index
        %swap3A_1271 = arith.index_cast %swap3A_1269 : i32 to index
        %swap3A_1272 = arith.constant 16 : index
        %swap3A_1273 = tpu.vector_load %arg6[%swap3A_1270, %swap3A_1271, %swap3A_1272] {strides = array<i32>} : memref<2x5x64xi32, #tpu.memory_space<vmem>>, vector<1x1x16xi32>,
        %swap3A_1274 = vector.shape_cast %swap3A_1273 : vector<1x1x16xi32> to vector<16xi32>
        %swap3A_1275 = vector.shape_cast %add3A_1267 : vector<16xi32> to vector<1x1x16xi32>
        tpu.vector_store %arg6[%swap3A_1270, %swap3A_1271, %swap3A_1272], %swap3A_1275 {strides = array<i32>} : memref<2x5x64xi32, #tpu.memory_space<vmem>>, vector<1x1x16xi32>,
        %get3A_1276 = arith.constant 1 : i32
        %get3A_1277 = arith.index_cast %get3A_1276 : i32 to index
        %get3A_1278 = arith.constant 288 : index
        %get3A_1279 = tpu.vector_load %arg5[%get3A_1277, %get3A_1278] {strides = array<i32>} : memref<2x320xi32, #tpu.memory_space<vmem>>, vector<1x16xi32>,
        %get3A_1280 = vector.shape_cast %get3A_1279 : vector<1x16xi32> to vector<16xi32>
        %add3A_1281 = vector.broadcast %mul3A_1005 : i32 to vector<16xi32>
        %add3A_1282 = arith.addi %get3A_1280, %add3A_1281 : vector<16xi32>
        %swap3A_1283 = arith.constant 1 : i32
        %swap3A_1284 = arith.constant 4 : i32
        %swap3A_1285 = arith.index_cast %swap3A_1283 : i32 to index
        %swap3A_1286 = arith.index_cast %swap3A_1284 : i32 to index
        %swap3A_1287 = arith.constant 32 : index
        %swap3A_1288 = tpu.vector_load %arg6[%swap3A_1285, %swap3A_1286, %swap3A_1287] {strides = array<i32>} : memref<2x5x64xi32, #tpu.memory_space<vmem>>, vector<1x1x16xi32>,
        %swap3A_1289 = vector.shape_cast %swap3A_1288 : vector<1x1x16xi32> to vector<16xi32>
        %swap3A_1290 = vector.shape_cast %add3A_1282 : vector<16xi32> to vector<1x1x16xi32>
        tpu.vector_store %arg6[%swap3A_1285, %swap3A_1286, %swap3A_1287], %swap3A_1290 {strides = array<i32>} : memref<2x5x64xi32, #tpu.memory_space<vmem>>, vector<1x1x16xi32>,
        %get3A_1291 = arith.constant 1 : i32
        %get3A_1292 = arith.index_cast %get3A_1291 : i32 to index
        %get3A_1293 = arith.constant 304 : index
        %get3A_1294 = tpu.vector_load %arg5[%get3A_1292, %get3A_1293] {strides = array<i32>} : memref<2x320xi32, #tpu.memory_space<vmem>>, vector<1x16xi32>,
        %get3A_1295 = vector.shape_cast %get3A_1294 : vector<1x16xi32> to vector<16xi32>
        %add3A_1296 = vector.broadcast %mul3A_1005 : i32 to vector<16xi32>
        %add3A_1297 = arith.addi %get3A_1295, %add3A_1296 : vector<16xi32>
        %swap3A_1298 = arith.constant 1 : i32
        %swap3A_1299 = arith.constant 4 : i32
        %swap3A_1300 = arith.index_cast %swap3A_1298 : i32 to index
        %swap3A_1301 = arith.index_cast %swap3A_1299 : i32 to index
        %swap3A_1302 = arith.constant 48 : index
        %swap3A_1303 = tpu.vector_load %arg6[%swap3A_1300, %swap3A_1301, %swap3A_1302] {strides = array<i32>} : memref<2x5x64xi32, #tpu.memory_space<vmem>>, vector<1x1x16xi32>,
        %swap3A_1304 = vector.shape_cast %swap3A_1303 : vector<1x1x16xi32> to vector<16xi32>
        %swap3A_1305 = vector.shape_cast %add3A_1297 : vector<16xi32> to vector<1x1x16xi32>
        tpu.vector_store %arg6[%swap3A_1300, %swap3A_1301, %swap3A_1302], %swap3A_1305 {strides = array<i32>} : memref<2x5x64xi32, #tpu.memory_space<vmem>>, vector<1x1x16xi32>,
        %dma_start3A_1306 = arith.constant 1 : i32
        %dma_start3A_1307 = arith.constant 0 : i32
        %dma_start3A_1308 = arith.constant 1 : i32
        %dma_start3A_1309 = arith.constant 1 : i32
        %dma_start3A_1310 = arith.constant 0 : i32
        %dma_start3A_1311 = arith.constant 0 : i32
        %dma_start3A_1312 = tpu.memref_slice %arg7[%dma_start3A_1308, %dma_start3A_1310, %dma_start3A_1311] : memref<2x320x64xf32, #tpu.memory_space<vmem>> -> memref<1x64x64xf32, #tpu.memory_space<vmem>>
        %dma_start3A_1313 = tpu.memref_squeeze %dma_start3A_1312 : memref<1x64x64xf32, #tpu.memory_space<vmem>> -> memref<64x64xf32, #tpu.memory_space<vmem>>
        %dma_start3A_1314 = arith.constant 0 : i32
        %dma_start3A_1315 = tpu.memref_slice %arg6[%dma_start3A_1306, %dma_start3A_1307, %dma_start3A_1314] : memref<2x5x64xi32, #tpu.memory_space<vmem>> -> memref<1x1x64xi32, #tpu.memory_space<vmem>>
        %dma_start3A_1316 = tpu.memref_squeeze %dma_start3A_1315 : memref<1x1x64xi32, #tpu.memory_space<vmem>> -> memref<64xi32, #tpu.memory_space<vmem>>
        %dma_start3A_1317 = arith.constant 0 : i32
        %dma_start3A_1318 = arith.constant 0 : i32
        %dma_start3A_1319 = tpu.memref_slice %arg3[%dma_start3A_1317, %dma_start3A_1318] : memref<2600000x64xf32, #tpu.memory_space<hbm>> -> memref<2600000x64xf32, #tpu.memory_space<hbm>>
        %dma_start3A_1320 = tpu.memref_slice %arg10[%dma_start3A_1309] : memref<2x!tpu.dma_semaphore, #tpu.memory_space<semaphore_mem>> -> memref<1x!tpu.dma_semaphore, #tpu.memory_space<semaphore_mem>>
        %dma_start3A_1321 = tpu.memref_squeeze %dma_start3A_1320 : memref<1x!tpu.dma_semaphore, #tpu.memory_space<semaphore_mem>> -> memref<!tpu.dma_semaphore, #tpu.memory_space<semaphore_mem>>
        tpu.enqueue_indirect_dma source(%dma_start3A_1319 : memref<2600000x64xf32, #tpu.memory_space<hbm>>) target(%dma_start3A_1313 : memref<64x64xf32, #tpu.memory_space<vmem>>) offsets(%dma_start3A_1316 : memref<64xi32, #tpu.memory_space<vmem>>) semaphore(%dma_start3A_1321 : memref<!tpu.dma_semaphore, #tpu.memory_space<semaphore_mem>>)
        %dma_start3A_1322 = arith.constant 1 : i32
        %dma_start3A_1323 = arith.constant 1 : i32
        %dma_start3A_1324 = arith.constant 1 : i32
        %dma_start3A_1325 = arith.constant 1 : i32
        %dma_start3A_1326 = arith.constant 64 : i32
        %dma_start3A_1327 = arith.constant 0 : i32
        %dma_start3A_1328 = tpu.memref_slice %arg7[%dma_start3A_1324, %dma_start3A_1326, %dma_start3A_1327] : memref<2x320x64xf32, #tpu.memory_space<vmem>> -> memref<1x64x64xf32, #tpu.memory_space<vmem>>
        %dma_start3A_1329 = tpu.memref_squeeze %dma_start3A_1328 : memref<1x64x64xf32, #tpu.memory_space<vmem>> -> memref<64x64xf32, #tpu.memory_space<vmem>>
        %dma_start3A_1330 = arith.constant 0 : i32
        %dma_start3A_1331 = tpu.memref_slice %arg6[%dma_start3A_1322, %dma_start3A_1323, %dma_start3A_1330] : memref<2x5x64xi32, #tpu.memory_space<vmem>> -> memref<1x1x64xi32, #tpu.memory_space<vmem>>
        %dma_start3A_1332 = tpu.memref_squeeze %dma_start3A_1331 : memref<1x1x64xi32, #tpu.memory_space<vmem>> -> memref<64xi32, #tpu.memory_space<vmem>>
        %dma_start3A_1333 = arith.constant 0 : i32
        %dma_start3A_1334 = arith.constant 0 : i32
        %dma_start3A_1335 = tpu.memref_slice %arg3[%dma_start3A_1333, %dma_start3A_1334] : memref<2600000x64xf32, #tpu.memory_space<hbm>> -> memref<2600000x64xf32, #tpu.memory_space<hbm>>
        %dma_start3A_1336 = tpu.memref_slice %arg10[%dma_start3A_1325] : memref<2x!tpu.dma_semaphore, #tpu.memory_space<semaphore_mem>> -> memref<1x!tpu.dma_semaphore, #tpu.memory_space<semaphore_mem>>
        %dma_start3A_1337 = tpu.memref_squeeze %dma_start3A_1336 : memref<1x!tpu.dma_semaphore, #tpu.memory_space<semaphore_mem>> -> memref<!tpu.dma_semaphore, #tpu.memory_space<semaphore_mem>>
        tpu.enqueue_indirect_dma source(%dma_start3A_1335 : memref<2600000x64xf32, #tpu.memory_space<hbm>>) target(%dma_start3A_1329 : memref<64x64xf32, #tpu.memory_space<vmem>>) offsets(%dma_start3A_1332 : memref<64xi32, #tpu.memory_space<vmem>>) semaphore(%dma_start3A_1337 : memref<!tpu.dma_semaphore, #tpu.memory_space<semaphore_mem>>)
        %dma_start3A_1338 = arith.constant 1 : i32
        %dma_start3A_1339 = arith.constant 2 : i32
        %dma_start3A_1340 = arith.constant 1 : i32
        %dma_start3A_1341 = arith.constant 1 : i32
        %dma_start3A_1342 = arith.constant 128 : i32
        %dma_start3A_1343 = arith.constant 0 : i32
        %dma_start3A_1344 = tpu.memref_slice %arg7[%dma_start3A_1340, %dma_start3A_1342, %dma_start3A_1343] : memref<2x320x64xf32, #tpu.memory_space<vmem>> -> memref<1x64x64xf32, #tpu.memory_space<vmem>>
        %dma_start3A_1345 = tpu.memref_squeeze %dma_start3A_1344 : memref<1x64x64xf32, #tpu.memory_space<vmem>> -> memref<64x64xf32, #tpu.memory_space<vmem>>
        %dma_start3A_1346 = arith.constant 0 : i32
        %dma_start3A_1347 = tpu.memref_slice %arg6[%dma_start3A_1338, %dma_start3A_1339, %dma_start3A_1346] : memref<2x5x64xi32, #tpu.memory_space<vmem>> -> memref<1x1x64xi32, #tpu.memory_space<vmem>>
        %dma_start3A_1348 = tpu.memref_squeeze %dma_start3A_1347 : memref<1x1x64xi32, #tpu.memory_space<vmem>> -> memref<64xi32, #tpu.memory_space<vmem>>
        %dma_start3A_1349 = arith.constant 0 : i32
        %dma_start3A_1350 = arith.constant 0 : i32
        %dma_start3A_1351 = tpu.memref_slice %arg3[%dma_start3A_1349, %dma_start3A_1350] : memref<2600000x64xf32, #tpu.memory_space<hbm>> -> memref<2600000x64xf32, #tpu.memory_space<hbm>>
        %dma_start3A_1352 = tpu.memref_slice %arg10[%dma_start3A_1341] : memref<2x!tpu.dma_semaphore, #tpu.memory_space<semaphore_mem>> -> memref<1x!tpu.dma_semaphore, #tpu.memory_space<semaphore_mem>>
        %dma_start3A_1353 = tpu.memref_squeeze %dma_start3A_1352 : memref<1x!tpu.dma_semaphore, #tpu.memory_space<semaphore_mem>> -> memref<!tpu.dma_semaphore, #tpu.memory_space<semaphore_mem>>
        tpu.enqueue_indirect_dma source(%dma_start3A_1351 : memref<2600000x64xf32, #tpu.memory_space<hbm>>) target(%dma_start3A_1345 : memref<64x64xf32, #tpu.memory_space<vmem>>) offsets(%dma_start3A_1348 : memref<64xi32, #tpu.memory_space<vmem>>) semaphore(%dma_start3A_1353 : memref<!tpu.dma_semaphore, #tpu.memory_space<semaphore_mem>>)
        %dma_start3A_1354 = arith.constant 1 : i32
        %dma_start3A_1355 = arith.constant 3 : i32
        %dma_start3A_1356 = arith.constant 1 : i32
        %dma_start3A_1357 = arith.constant 1 : i32
        %dma_start3A_1358 = arith.constant 192 : i32
        %dma_start3A_1359 = arith.constant 0 : i32
        %dma_start3A_1360 = tpu.memref_slice %arg7[%dma_start3A_1356, %dma_start3A_1358, %dma_start3A_1359] : memref<2x320x64xf32, #tpu.memory_space<vmem>> -> memref<1x64x64xf32, #tpu.memory_space<vmem>>
        %dma_start3A_1361 = tpu.memref_squeeze %dma_start3A_1360 : memref<1x64x64xf32, #tpu.memory_space<vmem>> -> memref<64x64xf32, #tpu.memory_space<vmem>>
        %dma_start3A_1362 = arith.constant 0 : i32
        %dma_start3A_1363 = tpu.memref_slice %arg6[%dma_start3A_1354, %dma_start3A_1355, %dma_start3A_1362] : memref<2x5x64xi32, #tpu.memory_space<vmem>> -> memref<1x1x64xi32, #tpu.memory_space<vmem>>
        %dma_start3A_1364 = tpu.memref_squeeze %dma_start3A_1363 : memref<1x1x64xi32, #tpu.memory_space<vmem>> -> memref<64xi32, #tpu.memory_space<vmem>>
        %dma_start3A_1365 = arith.constant 0 : i32
        %dma_start3A_1366 = arith.constant 0 : i32
        %dma_start3A_1367 = tpu.memref_slice %arg3[%dma_start3A_1365, %dma_start3A_1366] : memref<2600000x64xf32, #tpu.memory_space<hbm>> -> memref<2600000x64xf32, #tpu.memory_space<hbm>>
        %dma_start3A_1368 = tpu.memref_slice %arg10[%dma_start3A_1357] : memref<2x!tpu.dma_semaphore, #tpu.memory_space<semaphore_mem>> -> memref<1x!tpu.dma_semaphore, #tpu.memory_space<semaphore_mem>>
        %dma_start3A_1369 = tpu.memref_squeeze %dma_start3A_1368 : memref<1x!tpu.dma_semaphore, #tpu.memory_space<semaphore_mem>> -> memref<!tpu.dma_semaphore, #tpu.memory_space<semaphore_mem>>
        tpu.enqueue_indirect_dma source(%dma_start3A_1367 : memref<2600000x64xf32, #tpu.memory_space<hbm>>) target(%dma_start3A_1361 : memref<64x64xf32, #tpu.memory_space<vmem>>) offsets(%dma_start3A_1364 : memref<64xi32, #tpu.memory_space<vmem>>) semaphore(%dma_start3A_1369 : memref<!tpu.dma_semaphore, #tpu.memory_space<semaphore_mem>>)
        %dma_start3A_1370 = arith.constant 1 : i32
        %dma_start3A_1371 = arith.constant 4 : i32
        %dma_start3A_1372 = arith.constant 1 : i32
        %dma_start3A_1373 = arith.constant 1 : i32
        %dma_start3A_1374 = arith.constant 256 : i32
        %dma_start3A_1375 = arith.constant 0 : i32
        %dma_start3A_1376 = tpu.memref_slice %arg7[%dma_start3A_1372, %dma_start3A_1374, %dma_start3A_1375] : memref<2x320x64xf32, #tpu.memory_space<vmem>> -> memref<1x64x64xf32, #tpu.memory_space<vmem>>
        %dma_start3A_1377 = tpu.memref_squeeze %dma_start3A_1376 : memref<1x64x64xf32, #tpu.memory_space<vmem>> -> memref<64x64xf32, #tpu.memory_space<vmem>>
        %dma_start3A_1378 = arith.constant 0 : i32
        %dma_start3A_1379 = tpu.memref_slice %arg6[%dma_start3A_1370, %dma_start3A_1371, %dma_start3A_1378] : memref<2x5x64xi32, #tpu.memory_space<vmem>> -> memref<1x1x64xi32, #tpu.memory_space<vmem>>
        %dma_start3A_1380 = tpu.memref_squeeze %dma_start3A_1379 : memref<1x1x64xi32, #tpu.memory_space<vmem>> -> memref<64xi32, #tpu.memory_space<vmem>>
        %dma_start3A_1381 = arith.constant 0 : i32
        %dma_start3A_1382 = arith.constant 0 : i32
        %dma_start3A_1383 = tpu.memref_slice %arg3[%dma_start3A_1381, %dma_start3A_1382] : memref<2600000x64xf32, #tpu.memory_space<hbm>> -> memref<2600000x64xf32, #tpu.memory_space<hbm>>
        %dma_start3A_1384 = tpu.memref_slice %arg10[%dma_start3A_1373] : memref<2x!tpu.dma_semaphore, #tpu.memory_space<semaphore_mem>> -> memref<1x!tpu.dma_semaphore, #tpu.memory_space<semaphore_mem>>
        %dma_start3A_1385 = tpu.memref_squeeze %dma_start3A_1384 : memref<1x!tpu.dma_semaphore, #tpu.memory_space<semaphore_mem>> -> memref<!tpu.dma_semaphore, #tpu.memory_space<semaphore_mem>>
        tpu.enqueue_indirect_dma source(%dma_start3A_1383 : memref<2600000x64xf32, #tpu.memory_space<hbm>>) target(%dma_start3A_1377 : memref<64x64xf32, #tpu.memory_space<vmem>>) offsets(%dma_start3A_1380 : memref<64xi32, #tpu.memory_space<vmem>>) semaphore(%dma_start3A_1385 : memref<!tpu.dma_semaphore, #tpu.memory_space<semaphore_mem>>)
      } else {
      }
      %dma_wait3A_637 = arith.constant 0 : i32
      %dma_wait3A_638 = arith.constant 0 : i32
      %dma_wait3A_639 = arith.constant 0 : i32
      %dma_wait3A_640 = arith.constant 0 : i32
      %dma_wait3A_641 = arith.constant 0 : i32
      %dma_wait3A_642 = arith.constant 0 : i32
      %dma_wait3A_643 = tpu.memref_slice %arg7[%dma_wait3A_639, %dma_wait3A_641, %dma_wait3A_642] : memref<2x320x64xf32, #tpu.memory_space<vmem>> -> memref<1x64x64xf32, #tpu.memory_space<vmem>>
      %dma_wait3A_644 = tpu.memref_squeeze %dma_wait3A_643 : memref<1x64x64xf32, #tpu.memory_space<vmem>> -> memref<64x64xf32, #tpu.memory_space<vmem>>
      %dma_wait3A_645 = arith.constant 0 : i32
      %dma_wait3A_646 = tpu.memref_slice %arg6[%dma_wait3A_637, %dma_wait3A_638, %dma_wait3A_645] : memref<2x5x64xi32, #tpu.memory_space<vmem>> -> memref<1x1x64xi32, #tpu.memory_space<vmem>>
      %dma_wait3A_647 = tpu.memref_squeeze %dma_wait3A_646 : memref<1x1x64xi32, #tpu.memory_space<vmem>> -> memref<64xi32, #tpu.memory_space<vmem>>
      %dma_wait3A_648 = arith.constant 0 : i32
      %dma_wait3A_649 = arith.constant 0 : i32
      %dma_wait3A_650 = tpu.memref_slice %arg3[%dma_wait3A_648, %dma_wait3A_649] : memref<2600000x64xf32, #tpu.memory_space<hbm>> -> memref<2600000x64xf32, #tpu.memory_space<hbm>>
      %dma_wait3A_651 = tpu.memref_slice %arg10[%dma_wait3A_640] : memref<2x!tpu.dma_semaphore, #tpu.memory_space<semaphore_mem>> -> memref<1x!tpu.dma_semaphore, #tpu.memory_space<semaphore_mem>>
      %dma_wait3A_652 = tpu.memref_squeeze %dma_wait3A_651 : memref<1x!tpu.dma_semaphore, #tpu.memory_space<semaphore_mem>> -> memref<!tpu.dma_semaphore, #tpu.memory_space<semaphore_mem>>
      tpu.wait_indirect_dma semaphore(%dma_wait3A_652 : memref<!tpu.dma_semaphore, #tpu.memory_space<semaphore_mem>>) src(%dma_wait3A_650 : memref<2600000x64xf32, #tpu.memory_space<hbm>>) dst(%dma_wait3A_644 : memref<64x64xf32, #tpu.memory_space<vmem>>)
      %dma_wait3A_653 = arith.constant 0 : i32
      %dma_wait3A_654 = arith.constant 1 : i32
      %dma_wait3A_655 = arith.constant 0 : i32
      %dma_wait3A_656 = arith.constant 0 : i32
      %dma_wait3A_657 = arith.constant 64 : i32
      %dma_wait3A_658 = arith.constant 0 : i32
      %dma_wait3A_659 = tpu.memref_slice %arg7[%dma_wait3A_655, %dma_wait3A_657, %dma_wait3A_658] : memref<2x320x64xf32, #tpu.memory_space<vmem>> -> memref<1x64x64xf32, #tpu.memory_space<vmem>>
      %dma_wait3A_660 = tpu.memref_squeeze %dma_wait3A_659 : memref<1x64x64xf32, #tpu.memory_space<vmem>> -> memref<64x64xf32, #tpu.memory_space<vmem>>
      %dma_wait3A_661 = arith.constant 0 : i32
      %dma_wait3A_662 = tpu.memref_slice %arg6[%dma_wait3A_653, %dma_wait3A_654, %dma_wait3A_661] : memref<2x5x64xi32, #tpu.memory_space<vmem>> -> memref<1x1x64xi32, #tpu.memory_space<vmem>>
      %dma_wait3A_663 = tpu.memref_squeeze %dma_wait3A_662 : memref<1x1x64xi32, #tpu.memory_space<vmem>> -> memref<64xi32, #tpu.memory_space<vmem>>
      %dma_wait3A_664 = arith.constant 0 : i32
      %dma_wait3A_665 = arith.constant 0 : i32
      %dma_wait3A_666 = tpu.memref_slice %arg3[%dma_wait3A_664, %dma_wait3A_665] : memref<2600000x64xf32, #tpu.memory_space<hbm>> -> memref<2600000x64xf32, #tpu.memory_space<hbm>>
      %dma_wait3A_667 = tpu.memref_slice %arg10[%dma_wait3A_656] : memref<2x!tpu.dma_semaphore, #tpu.memory_space<semaphore_mem>> -> memref<1x!tpu.dma_semaphore, #tpu.memory_space<semaphore_mem>>
      %dma_wait3A_668 = tpu.memref_squeeze %dma_wait3A_667 : memref<1x!tpu.dma_semaphore, #tpu.memory_space<semaphore_mem>> -> memref<!tpu.dma_semaphore, #tpu.memory_space<semaphore_mem>>
      tpu.wait_indirect_dma semaphore(%dma_wait3A_668 : memref<!tpu.dma_semaphore, #tpu.memory_space<semaphore_mem>>) src(%dma_wait3A_666 : memref<2600000x64xf32, #tpu.memory_space<hbm>>) dst(%dma_wait3A_660 : memref<64x64xf32, #tpu.memory_space<vmem>>)
      %dma_wait3A_669 = arith.constant 0 : i32
      %dma_wait3A_670 = arith.constant 2 : i32
      %dma_wait3A_671 = arith.constant 0 : i32
      %dma_wait3A_672 = arith.constant 0 : i32
      %dma_wait3A_673 = arith.constant 128 : i32
      %dma_wait3A_674 = arith.constant 0 : i32
      %dma_wait3A_675 = tpu.memref_slice %arg7[%dma_wait3A_671, %dma_wait3A_673, %dma_wait3A_674] : memref<2x320x64xf32, #tpu.memory_space<vmem>> -> memref<1x64x64xf32, #tpu.memory_space<vmem>>
      %dma_wait3A_676 = tpu.memref_squeeze %dma_wait3A_675 : memref<1x64x64xf32, #tpu.memory_space<vmem>> -> memref<64x64xf32, #tpu.memory_space<vmem>>
      %dma_wait3A_677 = arith.constant 0 : i32
      %dma_wait3A_678 = tpu.memref_slice %arg6[%dma_wait3A_669, %dma_wait3A_670, %dma_wait3A_677] : memref<2x5x64xi32, #tpu.memory_space<vmem>> -> memref<1x1x64xi32, #tpu.memory_space<vmem>>
      %dma_wait3A_679 = tpu.memref_squeeze %dma_wait3A_678 : memref<1x1x64xi32, #tpu.memory_space<vmem>> -> memref<64xi32, #tpu.memory_space<vmem>>
      %dma_wait3A_680 = arith.constant 0 : i32
      %dma_wait3A_681 = arith.constant 0 : i32
      %dma_wait3A_682 = tpu.memref_slice %arg3[%dma_wait3A_680, %dma_wait3A_681] : memref<2600000x64xf32, #tpu.memory_space<hbm>> -> memref<2600000x64xf32, #tpu.memory_space<hbm>>
      %dma_wait3A_683 = tpu.memref_slice %arg10[%dma_wait3A_672] : memref<2x!tpu.dma_semaphore, #tpu.memory_space<semaphore_mem>> -> memref<1x!tpu.dma_semaphore, #tpu.memory_space<semaphore_mem>>
      %dma_wait3A_684 = tpu.memref_squeeze %dma_wait3A_683 : memref<1x!tpu.dma_semaphore, #tpu.memory_space<semaphore_mem>> -> memref<!tpu.dma_semaphore, #tpu.memory_space<semaphore_mem>>
      tpu.wait_indirect_dma semaphore(%dma_wait3A_684 : memref<!tpu.dma_semaphore, #tpu.memory_space<semaphore_mem>>) src(%dma_wait3A_682 : memref<2600000x64xf32, #tpu.memory_space<hbm>>) dst(%dma_wait3A_676 : memref<64x64xf32, #tpu.memory_space<vmem>>)
      %dma_wait3A_685 = arith.constant 0 : i32
      %dma_wait3A_686 = arith.constant 3 : i32
      %dma_wait3A_687 = arith.constant 0 : i32
      %dma_wait3A_688 = arith.constant 0 : i32
      %dma_wait3A_689 = arith.constant 192 : i32
      %dma_wait3A_690 = arith.constant 0 : i32
      %dma_wait3A_691 = tpu.memref_slice %arg7[%dma_wait3A_687, %dma_wait3A_689, %dma_wait3A_690] : memref<2x320x64xf32, #tpu.memory_space<vmem>> -> memref<1x64x64xf32, #tpu.memory_space<vmem>>
      %dma_wait3A_692 = tpu.memref_squeeze %dma_wait3A_691 : memref<1x64x64xf32, #tpu.memory_space<vmem>> -> memref<64x64xf32, #tpu.memory_space<vmem>>
      %dma_wait3A_693 = arith.constant 0 : i32
      %dma_wait3A_694 = tpu.memref_slice %arg6[%dma_wait3A_685, %dma_wait3A_686, %dma_wait3A_693] : memref<2x5x64xi32, #tpu.memory_space<vmem>> -> memref<1x1x64xi32, #tpu.memory_space<vmem>>
      %dma_wait3A_695 = tpu.memref_squeeze %dma_wait3A_694 : memref<1x1x64xi32, #tpu.memory_space<vmem>> -> memref<64xi32, #tpu.memory_space<vmem>>
      %dma_wait3A_696 = arith.constant 0 : i32
      %dma_wait3A_697 = arith.constant 0 : i32
      %dma_wait3A_698 = tpu.memref_slice %arg3[%dma_wait3A_696, %dma_wait3A_697] : memref<2600000x64xf32, #tpu.memory_space<hbm>> -> memref<2600000x64xf32, #tpu.memory_space<hbm>>
      %dma_wait3A_699 = tpu.memref_slice %arg10[%dma_wait3A_688] : memref<2x!tpu.dma_semaphore, #tpu.memory_space<semaphore_mem>> -> memref<1x!tpu.dma_semaphore, #tpu.memory_space<semaphore_mem>>
      %dma_wait3A_700 = tpu.memref_squeeze %dma_wait3A_699 : memref<1x!tpu.dma_semaphore, #tpu.memory_space<semaphore_mem>> -> memref<!tpu.dma_semaphore, #tpu.memory_space<semaphore_mem>>
      tpu.wait_indirect_dma semaphore(%dma_wait3A_700 : memref<!tpu.dma_semaphore, #tpu.memory_space<semaphore_mem>>) src(%dma_wait3A_698 : memref<2600000x64xf32, #tpu.memory_space<hbm>>) dst(%dma_wait3A_692 : memref<64x64xf32, #tpu.memory_space<vmem>>)
      %dma_wait3A_701 = arith.constant 0 : i32
      %dma_wait3A_702 = arith.constant 4 : i32
      %dma_wait3A_703 = arith.constant 0 : i32
      %dma_wait3A_704 = arith.constant 0 : i32
      %dma_wait3A_705 = arith.constant 256 : i32
      %dma_wait3A_706 = arith.constant 0 : i32
      %dma_wait3A_707 = tpu.memref_slice %arg7[%dma_wait3A_703, %dma_wait3A_705, %dma_wait3A_706] : memref<2x320x64xf32, #tpu.memory_space<vmem>> -> memref<1x64x64xf32, #tpu.memory_space<vmem>>
      %dma_wait3A_708 = tpu.memref_squeeze %dma_wait3A_707 : memref<1x64x64xf32, #tpu.memory_space<vmem>> -> memref<64x64xf32, #tpu.memory_space<vmem>>
      %dma_wait3A_709 = arith.constant 0 : i32
      %dma_wait3A_710 = tpu.memref_slice %arg6[%dma_wait3A_701, %dma_wait3A_702, %dma_wait3A_709] : memref<2x5x64xi32, #tpu.memory_space<vmem>> -> memref<1x1x64xi32, #tpu.memory_space<vmem>>
      %dma_wait3A_711 = tpu.memref_squeeze %dma_wait3A_710 : memref<1x1x64xi32, #tpu.memory_space<vmem>> -> memref<64xi32, #tpu.memory_space<vmem>>
      %dma_wait3A_712 = arith.constant 0 : i32
      %dma_wait3A_713 = arith.constant 0 : i32
      %dma_wait3A_714 = tpu.memref_slice %arg3[%dma_wait3A_712, %dma_wait3A_713] : memref<2600000x64xf32, #tpu.memory_space<hbm>> -> memref<2600000x64xf32, #tpu.memory_space<hbm>>
      %dma_wait3A_715 = tpu.memref_slice %arg10[%dma_wait3A_704] : memref<2x!tpu.dma_semaphore, #tpu.memory_space<semaphore_mem>> -> memref<1x!tpu.dma_semaphore, #tpu.memory_space<semaphore_mem>>
      %dma_wait3A_716 = tpu.memref_squeeze %dma_wait3A_715 : memref<1x!tpu.dma_semaphore, #tpu.memory_space<semaphore_mem>> -> memref<!tpu.dma_semaphore, #tpu.memory_space<semaphore_mem>>
      tpu.wait_indirect_dma semaphore(%dma_wait3A_716 : memref<!tpu.dma_semaphore, #tpu.memory_space<semaphore_mem>>) src(%dma_wait3A_714 : memref<2600000x64xf32, #tpu.memory_space<hbm>>) dst(%dma_wait3A_708 : memref<64x64xf32, #tpu.memory_space<vmem>>)
      %ge3A = arith.constant 2 : i32
      %ge3A_717 = arith.cmpi sge, %add3A_630, %ge3A : i32
      %convert_element_type3A_718 = arith.extui %ge3A_717 : i1 to i32
      %cond3A_719 = arith.constant 0 : i32
      %cond3A_720 = arith.cmpi ne, %convert_element_type3A_718, %cond3A_719 : i32
      scf.if %cond3A_720 {
        %sub3A_923 = arith.constant 2 : i32
        %sub3A_924 = arith.subi %add3A_630, %sub3A_923 : i32
        %mul3A_925 = arith.constant 16 : i32
        %mul3A_926 = arith.muli %sub3A_924, %mul3A_925 : i32
        %add3A_927 = arith.addi %mul3A_2, %mul3A_926 : i32
        %jit3A_928 = arith.constant 4096 : i32
        %div3A_929 = arith.divsi %add3A_927, %jit3A_928 : i32
        %sign3A_930 = arith.constant 0 : i32
        %sign3A_931 = arith.cmpi sgt, %add3A_927, %sign3A_930 : i32
        %sign3A_932 = arith.extui %sign3A_931 : i1 to i32
        %sign3A_933 = arith.constant 0 : i32
        %sign3A_934 = arith.cmpi slt, %add3A_927, %sign3A_933 : i32
        %sign3A_935 = arith.extui %sign3A_934 : i1 to i32
        %sign3A_936 = arith.subi %sign3A_932, %sign3A_935 : i32
        %sign3A_937 = arith.constant 0 : i32
        %sign3A_938 = arith.cmpi sgt, %jit3A_928, %sign3A_937 : i32
        %sign3A_939 = arith.extui %sign3A_938 : i1 to i32
        %sign3A_940 = arith.constant 0 : i32
        %sign3A_941 = arith.cmpi slt, %jit3A_928, %sign3A_940 : i32
        %sign3A_942 = arith.extui %sign3A_941 : i1 to i32
        %sign3A_943 = arith.subi %sign3A_939, %sign3A_942 : i32
        %ne3A_944 = arith.cmpi ne, %sign3A_936, %sign3A_943 : i32
        %rem3A_945 = arith.remsi %add3A_927, %jit3A_928 : i32
        %ne3A_946 = arith.constant 0 : i32
        %ne3A_947 = arith.cmpi ne, %rem3A_945, %ne3A_946 : i32
        %and3A_948 = arith.andi %ne3A_944, %ne3A_947 : i1
        %sub3A_949 = arith.constant 1 : i32
        %sub3A_950 = arith.subi %div3A_929, %sub3A_949 : i32
        %select_n3A_951 = arith.select %and3A_948, %sub3A_950, %div3A_929 : i32
        %mul3A_952 = arith.constant 4096 : i32
        %mul3A_953 = arith.muli %select_n3A_951, %mul3A_952 : i32
        %sub3A_954 = arith.subi %add3A_927, %mul3A_953 : i32
        %mul3A_955 = arith.constant 64 : i32
        %mul3A_956 = arith.muli %select_n3A_951, %mul3A_955 : i32
        %dma_wait3A_957 = arith.constant 0 : i32
        %dma_wait3A_958 = arith.constant 0 : i32
        %dma_wait3A_959 = arith.constant 0 : i32
        %dma_wait3A_960 = arith.constant 0 : i32
        %dma_wait3A_961 = tpu.memref_slice %arg8[%dma_wait3A_957, %dma_wait3A_959, %dma_wait3A_960] : memref<2x16x64xf32, #tpu.memory_space<vmem>> -> memref<1x16x64xf32, #tpu.memory_space<vmem>>
        %dma_wait3A_962 = tpu.memref_squeeze %dma_wait3A_961 : memref<1x16x64xf32, #tpu.memory_space<vmem>> -> memref<16x64xf32, #tpu.memory_space<vmem>>
        %dma_wait3A_963 = tpu.memref_slice %arg4[%sub3A_954, %mul3A_956] : memref<4096x1664xf32, #tpu.memory_space<hbm>> -> memref<16x64xf32, #tpu.memory_space<hbm>>
        %dma_wait3A_964 = tpu.memref_slice %arg11[%dma_wait3A_958] : memref<2x!tpu.dma_semaphore, #tpu.memory_space<semaphore_mem>> -> memref<1x!tpu.dma_semaphore, #tpu.memory_space<semaphore_mem>>
        %dma_wait3A_965 = tpu.memref_squeeze %dma_wait3A_964 : memref<1x!tpu.dma_semaphore, #tpu.memory_space<semaphore_mem>> -> memref<!tpu.dma_semaphore, #tpu.memory_space<semaphore_mem>>
        %dma_wait3A_966 = tpu.memref_slice %arg4[%sub3A_954, %mul3A_956] : memref<4096x1664xf32, #tpu.memory_space<hbm>> -> memref<16x64xf32, #tpu.memory_space<hbm>>
        %dma_wait3A_967 = arith.constant 0 : i32
        %dma_wait3A_968 = arith.constant 0 : i32
        %dma_wait3A_969 = tpu.memref_slice %arg8[%dma_wait3A_957, %dma_wait3A_967, %dma_wait3A_968] : memref<2x16x64xf32, #tpu.memory_space<vmem>> -> memref<1x16x64xf32, #tpu.memory_space<vmem>>
        %dma_wait3A_970 = tpu.memref_squeeze %dma_wait3A_969 : memref<1x16x64xf32, #tpu.memory_space<vmem>> -> memref<16x64xf32, #tpu.memory_space<vmem>>
        tpu.wait_dma2 semaphore(%dma_wait3A_965 : memref<!tpu.dma_semaphore, #tpu.memory_space<semaphore_mem>>) src(%dma_wait3A_970 : memref<16x64xf32, #tpu.memory_space<vmem>>) dst(%dma_wait3A_966 : memref<16x64xf32, #tpu.memory_space<hbm>>)
      } else {
      }
      %scan3A_721 = arith.constant 0 : i32
      %scan3A_722 = arith.constant 0 : i32
      %scan3A_723 = arith.constant 16 : i32
      %scan3A_724 = arith.addi %scan3A_722, %scan3A_723 : i32
      %scan3A_725 = arith.constant 1 : i32
      scf.for %scan3A_923 = %scan3A_722 to %scan3A_724 step %scan3A_725  : i32 {
        %mul3A_924 = arith.constant 20 : i32
        %mul3A_925 = arith.muli %scan3A_923, %mul3A_924 : i32
        %get3A_926 = arith.constant 0 : i32
        %get3A_927 = arith.index_cast %get3A_926 : i32 to index
        %get3A_928 = arith.index_cast %mul3A_925 : i32 to index
        %get3A_929 = arith.constant 0 : index
        %get3A_930 = tpu.vector_load %arg7[%get3A_927, %get3A_928, %get3A_929] {strides = array<i32>} : memref<2x320x64xf32, #tpu.memory_space<vmem>>, vector<1x1x16xf32>,
        %get3A_931 = vector.shape_cast %get3A_930 : vector<1x1x16xf32> to vector<16xf32>
        %mul3A_932 = arith.constant 20 : i32
        %mul3A_933 = arith.muli %scan3A_923, %mul3A_932 : i32
        %add3A_934 = arith.constant 1 : i32
        %add3A_935 = arith.addi %mul3A_933, %add3A_934 : i32
        %get3A_936 = arith.constant 0 : i32
        %get3A_937 = arith.index_cast %get3A_936 : i32 to index
        %get3A_938 = arith.index_cast %add3A_935 : i32 to index
        %get3A_939 = arith.constant 0 : index
        %get3A_940 = tpu.vector_load %arg7[%get3A_937, %get3A_938, %get3A_939] {strides = array<i32>} : memref<2x320x64xf32, #tpu.memory_space<vmem>>, vector<1x1x16xf32>,
        %get3A_941 = vector.shape_cast %get3A_940 : vector<1x1x16xf32> to vector<16xf32>
        %add3A_942 = arith.addf %get3A_931, %get3A_941 : vector<16xf32>
        %mul3A_943 = arith.constant 20 : i32
        %mul3A_944 = arith.muli %scan3A_923, %mul3A_943 : i32
        %add3A_945 = arith.constant 2 : i32
        %add3A_946 = arith.addi %mul3A_944, %add3A_945 : i32
        %get3A_947 = arith.constant 0 : i32
        %get3A_948 = arith.index_cast %get3A_947 : i32 to index
        %get3A_949 = arith.index_cast %add3A_946 : i32 to index
        %get3A_950 = arith.constant 0 : index
        %get3A_951 = tpu.vector_load %arg7[%get3A_948, %get3A_949, %get3A_950] {strides = array<i32>} : memref<2x320x64xf32, #tpu.memory_space<vmem>>, vector<1x1x16xf32>,
        %get3A_952 = vector.shape_cast %get3A_951 : vector<1x1x16xf32> to vector<16xf32>
        %add3A_953 = arith.addf %add3A_942, %get3A_952 : vector<16xf32>
        %mul3A_954 = arith.constant 20 : i32
        %mul3A_955 = arith.muli %scan3A_923, %mul3A_954 : i32
        %add3A_956 = arith.constant 3 : i32
        %add3A_957 = arith.addi %mul3A_955, %add3A_956 : i32
        %get3A_958 = arith.constant 0 : i32
        %get3A_959 = arith.index_cast %get3A_958 : i32 to index
        %get3A_960 = arith.index_cast %add3A_957 : i32 to index
        %get3A_961 = arith.constant 0 : index
        %get3A_962 = tpu.vector_load %arg7[%get3A_959, %get3A_960, %get3A_961] {strides = array<i32>} : memref<2x320x64xf32, #tpu.memory_space<vmem>>, vector<1x1x16xf32>,
        %get3A_963 = vector.shape_cast %get3A_962 : vector<1x1x16xf32> to vector<16xf32>
        %add3A_964 = arith.addf %add3A_953, %get3A_963 : vector<16xf32>
        %mul3A_965 = arith.constant 20 : i32
        %mul3A_966 = arith.muli %scan3A_923, %mul3A_965 : i32
        %add3A_967 = arith.constant 4 : i32
        %add3A_968 = arith.addi %mul3A_966, %add3A_967 : i32
        %get3A_969 = arith.constant 0 : i32
        %get3A_970 = arith.index_cast %get3A_969 : i32 to index
        %get3A_971 = arith.index_cast %add3A_968 : i32 to index
        %get3A_972 = arith.constant 0 : index
        %get3A_973 = tpu.vector_load %arg7[%get3A_970, %get3A_971, %get3A_972] {strides = array<i32>} : memref<2x320x64xf32, #tpu.memory_space<vmem>>, vector<1x1x16xf32>,
        %get3A_974 = vector.shape_cast %get3A_973 : vector<1x1x16xf32> to vector<16xf32>
        %add3A_975 = arith.addf %add3A_964, %get3A_974 : vector<16xf32>
        %mul3A_976 = arith.constant 20 : i32
        %mul3A_977 = arith.muli %scan3A_923, %mul3A_976 : i32
        %add3A_978 = arith.constant 5 : i32
        %add3A_979 = arith.addi %mul3A_977, %add3A_978 : i32
        %get3A_980 = arith.constant 0 : i32
        %get3A_981 = arith.index_cast %get3A_980 : i32 to index
        %get3A_982 = arith.index_cast %add3A_979 : i32 to index
        %get3A_983 = arith.constant 0 : index
        %get3A_984 = tpu.vector_load %arg7[%get3A_981, %get3A_982, %get3A_983] {strides = array<i32>} : memref<2x320x64xf32, #tpu.memory_space<vmem>>, vector<1x1x16xf32>,
        %get3A_985 = vector.shape_cast %get3A_984 : vector<1x1x16xf32> to vector<16xf32>
        %add3A_986 = arith.addf %add3A_975, %get3A_985 : vector<16xf32>
        %mul3A_987 = arith.constant 20 : i32
        %mul3A_988 = arith.muli %scan3A_923, %mul3A_987 : i32
        %add3A_989 = arith.constant 6 : i32
        %add3A_990 = arith.addi %mul3A_988, %add3A_989 : i32
        %get3A_991 = arith.constant 0 : i32
        %get3A_992 = arith.index_cast %get3A_991 : i32 to index
        %get3A_993 = arith.index_cast %add3A_990 : i32 to index
        %get3A_994 = arith.constant 0 : index
        %get3A_995 = tpu.vector_load %arg7[%get3A_992, %get3A_993, %get3A_994] {strides = array<i32>} : memref<2x320x64xf32, #tpu.memory_space<vmem>>, vector<1x1x16xf32>,
        %get3A_996 = vector.shape_cast %get3A_995 : vector<1x1x16xf32> to vector<16xf32>
        %add3A_997 = arith.addf %add3A_986, %get3A_996 : vector<16xf32>
        %mul3A_998 = arith.constant 20 : i32
        %mul3A_999 = arith.muli %scan3A_923, %mul3A_998 : i32
        %add3A_1000 = arith.constant 7 : i32
        %add3A_1001 = arith.addi %mul3A_999, %add3A_1000 : i32
        %get3A_1002 = arith.constant 0 : i32
        %get3A_1003 = arith.index_cast %get3A_1002 : i32 to index
        %get3A_1004 = arith.index_cast %add3A_1001 : i32 to index
        %get3A_1005 = arith.constant 0 : index
        %get3A_1006 = tpu.vector_load %arg7[%get3A_1003, %get3A_1004, %get3A_1005] {strides = array<i32>} : memref<2x320x64xf32, #tpu.memory_space<vmem>>, vector<1x1x16xf32>,
        %get3A_1007 = vector.shape_cast %get3A_1006 : vector<1x1x16xf32> to vector<16xf32>
        %add3A_1008 = arith.addf %add3A_997, %get3A_1007 : vector<16xf32>
        %mul3A_1009 = arith.constant 20 : i32
        %mul3A_1010 = arith.muli %scan3A_923, %mul3A_1009 : i32
        %add3A_1011 = arith.constant 8 : i32
        %add3A_1012 = arith.addi %mul3A_1010, %add3A_1011 : i32
        %get3A_1013 = arith.constant 0 : i32
        %get3A_1014 = arith.index_cast %get3A_1013 : i32 to index
        %get3A_1015 = arith.index_cast %add3A_1012 : i32 to index
        %get3A_1016 = arith.constant 0 : index
        %get3A_1017 = tpu.vector_load %arg7[%get3A_1014, %get3A_1015, %get3A_1016] {strides = array<i32>} : memref<2x320x64xf32, #tpu.memory_space<vmem>>, vector<1x1x16xf32>,
        %get3A_1018 = vector.shape_cast %get3A_1017 : vector<1x1x16xf32> to vector<16xf32>
        %add3A_1019 = arith.addf %add3A_1008, %get3A_1018 : vector<16xf32>
        %mul3A_1020 = arith.constant 20 : i32
        %mul3A_1021 = arith.muli %scan3A_923, %mul3A_1020 : i32
        %add3A_1022 = arith.constant 9 : i32
        %add3A_1023 = arith.addi %mul3A_1021, %add3A_1022 : i32
        %get3A_1024 = arith.constant 0 : i32
        %get3A_1025 = arith.index_cast %get3A_1024 : i32 to index
        %get3A_1026 = arith.index_cast %add3A_1023 : i32 to index
        %get3A_1027 = arith.constant 0 : index
        %get3A_1028 = tpu.vector_load %arg7[%get3A_1025, %get3A_1026, %get3A_1027] {strides = array<i32>} : memref<2x320x64xf32, #tpu.memory_space<vmem>>, vector<1x1x16xf32>,
        %get3A_1029 = vector.shape_cast %get3A_1028 : vector<1x1x16xf32> to vector<16xf32>
        %add3A_1030 = arith.addf %add3A_1019, %get3A_1029 : vector<16xf32>
        %mul3A_1031 = arith.constant 20 : i32
        %mul3A_1032 = arith.muli %scan3A_923, %mul3A_1031 : i32
        %add3A_1033 = arith.constant 10 : i32
        %add3A_1034 = arith.addi %mul3A_1032, %add3A_1033 : i32
        %get3A_1035 = arith.constant 0 : i32
        %get3A_1036 = arith.index_cast %get3A_1035 : i32 to index
        %get3A_1037 = arith.index_cast %add3A_1034 : i32 to index
        %get3A_1038 = arith.constant 0 : index
        %get3A_1039 = tpu.vector_load %arg7[%get3A_1036, %get3A_1037, %get3A_1038] {strides = array<i32>} : memref<2x320x64xf32, #tpu.memory_space<vmem>>, vector<1x1x16xf32>,
        %get3A_1040 = vector.shape_cast %get3A_1039 : vector<1x1x16xf32> to vector<16xf32>
        %add3A_1041 = arith.addf %add3A_1030, %get3A_1040 : vector<16xf32>
        %mul3A_1042 = arith.constant 20 : i32
        %mul3A_1043 = arith.muli %scan3A_923, %mul3A_1042 : i32
        %add3A_1044 = arith.constant 11 : i32
        %add3A_1045 = arith.addi %mul3A_1043, %add3A_1044 : i32
        %get3A_1046 = arith.constant 0 : i32
        %get3A_1047 = arith.index_cast %get3A_1046 : i32 to index
        %get3A_1048 = arith.index_cast %add3A_1045 : i32 to index
        %get3A_1049 = arith.constant 0 : index
        %get3A_1050 = tpu.vector_load %arg7[%get3A_1047, %get3A_1048, %get3A_1049] {strides = array<i32>} : memref<2x320x64xf32, #tpu.memory_space<vmem>>, vector<1x1x16xf32>,
        %get3A_1051 = vector.shape_cast %get3A_1050 : vector<1x1x16xf32> to vector<16xf32>
        %add3A_1052 = arith.addf %add3A_1041, %get3A_1051 : vector<16xf32>
        %mul3A_1053 = arith.constant 20 : i32
        %mul3A_1054 = arith.muli %scan3A_923, %mul3A_1053 : i32
        %add3A_1055 = arith.constant 12 : i32
        %add3A_1056 = arith.addi %mul3A_1054, %add3A_1055 : i32
        %get3A_1057 = arith.constant 0 : i32
        %get3A_1058 = arith.index_cast %get3A_1057 : i32 to index
        %get3A_1059 = arith.index_cast %add3A_1056 : i32 to index
        %get3A_1060 = arith.constant 0 : index
        %get3A_1061 = tpu.vector_load %arg7[%get3A_1058, %get3A_1059, %get3A_1060] {strides = array<i32>} : memref<2x320x64xf32, #tpu.memory_space<vmem>>, vector<1x1x16xf32>,
        %get3A_1062 = vector.shape_cast %get3A_1061 : vector<1x1x16xf32> to vector<16xf32>
        %add3A_1063 = arith.addf %add3A_1052, %get3A_1062 : vector<16xf32>
        %mul3A_1064 = arith.constant 20 : i32
        %mul3A_1065 = arith.muli %scan3A_923, %mul3A_1064 : i32
        %add3A_1066 = arith.constant 13 : i32
        %add3A_1067 = arith.addi %mul3A_1065, %add3A_1066 : i32
        %get3A_1068 = arith.constant 0 : i32
        %get3A_1069 = arith.index_cast %get3A_1068 : i32 to index
        %get3A_1070 = arith.index_cast %add3A_1067 : i32 to index
        %get3A_1071 = arith.constant 0 : index
        %get3A_1072 = tpu.vector_load %arg7[%get3A_1069, %get3A_1070, %get3A_1071] {strides = array<i32>} : memref<2x320x64xf32, #tpu.memory_space<vmem>>, vector<1x1x16xf32>,
        %get3A_1073 = vector.shape_cast %get3A_1072 : vector<1x1x16xf32> to vector<16xf32>
        %add3A_1074 = arith.addf %add3A_1063, %get3A_1073 : vector<16xf32>
        %mul3A_1075 = arith.constant 20 : i32
        %mul3A_1076 = arith.muli %scan3A_923, %mul3A_1075 : i32
        %add3A_1077 = arith.constant 14 : i32
        %add3A_1078 = arith.addi %mul3A_1076, %add3A_1077 : i32
        %get3A_1079 = arith.constant 0 : i32
        %get3A_1080 = arith.index_cast %get3A_1079 : i32 to index
        %get3A_1081 = arith.index_cast %add3A_1078 : i32 to index
        %get3A_1082 = arith.constant 0 : index
        %get3A_1083 = tpu.vector_load %arg7[%get3A_1080, %get3A_1081, %get3A_1082] {strides = array<i32>} : memref<2x320x64xf32, #tpu.memory_space<vmem>>, vector<1x1x16xf32>,
        %get3A_1084 = vector.shape_cast %get3A_1083 : vector<1x1x16xf32> to vector<16xf32>
        %add3A_1085 = arith.addf %add3A_1074, %get3A_1084 : vector<16xf32>
        %mul3A_1086 = arith.constant 20 : i32
        %mul3A_1087 = arith.muli %scan3A_923, %mul3A_1086 : i32
        %add3A_1088 = arith.constant 15 : i32
        %add3A_1089 = arith.addi %mul3A_1087, %add3A_1088 : i32
        %get3A_1090 = arith.constant 0 : i32
        %get3A_1091 = arith.index_cast %get3A_1090 : i32 to index
        %get3A_1092 = arith.index_cast %add3A_1089 : i32 to index
        %get3A_1093 = arith.constant 0 : index
        %get3A_1094 = tpu.vector_load %arg7[%get3A_1091, %get3A_1092, %get3A_1093] {strides = array<i32>} : memref<2x320x64xf32, #tpu.memory_space<vmem>>, vector<1x1x16xf32>,
        %get3A_1095 = vector.shape_cast %get3A_1094 : vector<1x1x16xf32> to vector<16xf32>
        %add3A_1096 = arith.addf %add3A_1085, %get3A_1095 : vector<16xf32>
        %mul3A_1097 = arith.constant 20 : i32
        %mul3A_1098 = arith.muli %scan3A_923, %mul3A_1097 : i32
        %add3A_1099 = arith.constant 16 : i32
        %add3A_1100 = arith.addi %mul3A_1098, %add3A_1099 : i32
        %get3A_1101 = arith.constant 0 : i32
        %get3A_1102 = arith.index_cast %get3A_1101 : i32 to index
        %get3A_1103 = arith.index_cast %add3A_1100 : i32 to index
        %get3A_1104 = arith.constant 0 : index
        %get3A_1105 = tpu.vector_load %arg7[%get3A_1102, %get3A_1103, %get3A_1104] {strides = array<i32>} : memref<2x320x64xf32, #tpu.memory_space<vmem>>, vector<1x1x16xf32>,
        %get3A_1106 = vector.shape_cast %get3A_1105 : vector<1x1x16xf32> to vector<16xf32>
        %add3A_1107 = arith.addf %add3A_1096, %get3A_1106 : vector<16xf32>
        %mul3A_1108 = arith.constant 20 : i32
        %mul3A_1109 = arith.muli %scan3A_923, %mul3A_1108 : i32
        %add3A_1110 = arith.constant 17 : i32
        %add3A_1111 = arith.addi %mul3A_1109, %add3A_1110 : i32
        %get3A_1112 = arith.constant 0 : i32
        %get3A_1113 = arith.index_cast %get3A_1112 : i32 to index
        %get3A_1114 = arith.index_cast %add3A_1111 : i32 to index
        %get3A_1115 = arith.constant 0 : index
        %get3A_1116 = tpu.vector_load %arg7[%get3A_1113, %get3A_1114, %get3A_1115] {strides = array<i32>} : memref<2x320x64xf32, #tpu.memory_space<vmem>>, vector<1x1x16xf32>,
        %get3A_1117 = vector.shape_cast %get3A_1116 : vector<1x1x16xf32> to vector<16xf32>
        %add3A_1118 = arith.addf %add3A_1107, %get3A_1117 : vector<16xf32>
        %mul3A_1119 = arith.constant 20 : i32
        %mul3A_1120 = arith.muli %scan3A_923, %mul3A_1119 : i32
        %add3A_1121 = arith.constant 18 : i32
        %add3A_1122 = arith.addi %mul3A_1120, %add3A_1121 : i32
        %get3A_1123 = arith.constant 0 : i32
        %get3A_1124 = arith.index_cast %get3A_1123 : i32 to index
        %get3A_1125 = arith.index_cast %add3A_1122 : i32 to index
        %get3A_1126 = arith.constant 0 : index
        %get3A_1127 = tpu.vector_load %arg7[%get3A_1124, %get3A_1125, %get3A_1126] {strides = array<i32>} : memref<2x320x64xf32, #tpu.memory_space<vmem>>, vector<1x1x16xf32>,
        %get3A_1128 = vector.shape_cast %get3A_1127 : vector<1x1x16xf32> to vector<16xf32>
        %add3A_1129 = arith.addf %add3A_1118, %get3A_1128 : vector<16xf32>
        %mul3A_1130 = arith.constant 20 : i32
        %mul3A_1131 = arith.muli %scan3A_923, %mul3A_1130 : i32
        %add3A_1132 = arith.constant 19 : i32
        %add3A_1133 = arith.addi %mul3A_1131, %add3A_1132 : i32
        %get3A_1134 = arith.constant 0 : i32
        %get3A_1135 = arith.index_cast %get3A_1134 : i32 to index
        %get3A_1136 = arith.index_cast %add3A_1133 : i32 to index
        %get3A_1137 = arith.constant 0 : index
        %get3A_1138 = tpu.vector_load %arg7[%get3A_1135, %get3A_1136, %get3A_1137] {strides = array<i32>} : memref<2x320x64xf32, #tpu.memory_space<vmem>>, vector<1x1x16xf32>,
        %get3A_1139 = vector.shape_cast %get3A_1138 : vector<1x1x16xf32> to vector<16xf32>
        %add3A_1140 = arith.addf %add3A_1129, %get3A_1139 : vector<16xf32>
        %swap3A_1141 = arith.constant 0 : i32
        %swap3A_1142 = arith.index_cast %swap3A_1141 : i32 to index
        %swap3A_1143 = arith.index_cast %scan3A_923 : i32 to index
        %swap3A_1144 = arith.constant 0 : index
        %swap3A_1145 = tpu.vector_load %arg8[%swap3A_1142, %swap3A_1143, %swap3A_1144] {strides = array<i32>} : memref<2x16x64xf32, #tpu.memory_space<vmem>>, vector<1x1x16xf32>,
        %swap3A_1146 = vector.shape_cast %swap3A_1145 : vector<1x1x16xf32> to vector<16xf32>
        %swap3A_1147 = vector.shape_cast %add3A_1140 : vector<16xf32> to vector<1x1x16xf32>
        tpu.vector_store %arg8[%swap3A_1142, %swap3A_1143, %swap3A_1144], %swap3A_1147 {strides = array<i32>} : memref<2x16x64xf32, #tpu.memory_space<vmem>>, vector<1x1x16xf32>,
        %mul3A_1148 = arith.constant 20 : i32
        %mul3A_1149 = arith.muli %scan3A_923, %mul3A_1148 : i32
        %get3A_1150 = arith.constant 0 : i32
        %get3A_1151 = arith.index_cast %get3A_1150 : i32 to index
        %get3A_1152 = arith.index_cast %mul3A_1149 : i32 to index
        %get3A_1153 = arith.constant 16 : index
        %get3A_1154 = tpu.vector_load %arg7[%get3A_1151, %get3A_1152, %get3A_1153] {strides = array<i32>} : memref<2x320x64xf32, #tpu.memory_space<vmem>>, vector<1x1x16xf32>,
        %get3A_1155 = vector.shape_cast %get3A_1154 : vector<1x1x16xf32> to vector<16xf32>
        %mul3A_1156 = arith.constant 20 : i32
        %mul3A_1157 = arith.muli %scan3A_923, %mul3A_1156 : i32
        %add3A_1158 = arith.constant 1 : i32
        %add3A_1159 = arith.addi %mul3A_1157, %add3A_1158 : i32
        %get3A_1160 = arith.constant 0 : i32
        %get3A_1161 = arith.index_cast %get3A_1160 : i32 to index
        %get3A_1162 = arith.index_cast %add3A_1159 : i32 to index
        %get3A_1163 = arith.constant 16 : index
        %get3A_1164 = tpu.vector_load %arg7[%get3A_1161, %get3A_1162, %get3A_1163] {strides = array<i32>} : memref<2x320x64xf32, #tpu.memory_space<vmem>>, vector<1x1x16xf32>,
        %get3A_1165 = vector.shape_cast %get3A_1164 : vector<1x1x16xf32> to vector<16xf32>
        %add3A_1166 = arith.addf %get3A_1155, %get3A_1165 : vector<16xf32>
        %mul3A_1167 = arith.constant 20 : i32
        %mul3A_1168 = arith.muli %scan3A_923, %mul3A_1167 : i32
        %add3A_1169 = arith.constant 2 : i32
        %add3A_1170 = arith.addi %mul3A_1168, %add3A_1169 : i32
        %get3A_1171 = arith.constant 0 : i32
        %get3A_1172 = arith.index_cast %get3A_1171 : i32 to index
        %get3A_1173 = arith.index_cast %add3A_1170 : i32 to index
        %get3A_1174 = arith.constant 16 : index
        %get3A_1175 = tpu.vector_load %arg7[%get3A_1172, %get3A_1173, %get3A_1174] {strides = array<i32>} : memref<2x320x64xf32, #tpu.memory_space<vmem>>, vector<1x1x16xf32>,
        %get3A_1176 = vector.shape_cast %get3A_1175 : vector<1x1x16xf32> to vector<16xf32>
        %add3A_1177 = arith.addf %add3A_1166, %get3A_1176 : vector<16xf32>
        %mul3A_1178 = arith.constant 20 : i32
        %mul3A_1179 = arith.muli %scan3A_923, %mul3A_1178 : i32
        %add3A_1180 = arith.constant 3 : i32
        %add3A_1181 = arith.addi %mul3A_1179, %add3A_1180 : i32
        %get3A_1182 = arith.constant 0 : i32
        %get3A_1183 = arith.index_cast %get3A_1182 : i32 to index
        %get3A_1184 = arith.index_cast %add3A_1181 : i32 to index
        %get3A_1185 = arith.constant 16 : index
        %get3A_1186 = tpu.vector_load %arg7[%get3A_1183, %get3A_1184, %get3A_1185] {strides = array<i32>} : memref<2x320x64xf32, #tpu.memory_space<vmem>>, vector<1x1x16xf32>,
        %get3A_1187 = vector.shape_cast %get3A_1186 : vector<1x1x16xf32> to vector<16xf32>
        %add3A_1188 = arith.addf %add3A_1177, %get3A_1187 : vector<16xf32>
        %mul3A_1189 = arith.constant 20 : i32
        %mul3A_1190 = arith.muli %scan3A_923, %mul3A_1189 : i32
        %add3A_1191 = arith.constant 4 : i32
        %add3A_1192 = arith.addi %mul3A_1190, %add3A_1191 : i32
        %get3A_1193 = arith.constant 0 : i32
        %get3A_1194 = arith.index_cast %get3A_1193 : i32 to index
        %get3A_1195 = arith.index_cast %add3A_1192 : i32 to index
        %get3A_1196 = arith.constant 16 : index
        %get3A_1197 = tpu.vector_load %arg7[%get3A_1194, %get3A_1195, %get3A_1196] {strides = array<i32>} : memref<2x320x64xf32, #tpu.memory_space<vmem>>, vector<1x1x16xf32>,
        %get3A_1198 = vector.shape_cast %get3A_1197 : vector<1x1x16xf32> to vector<16xf32>
        %add3A_1199 = arith.addf %add3A_1188, %get3A_1198 : vector<16xf32>
        %mul3A_1200 = arith.constant 20 : i32
        %mul3A_1201 = arith.muli %scan3A_923, %mul3A_1200 : i32
        %add3A_1202 = arith.constant 5 : i32
        %add3A_1203 = arith.addi %mul3A_1201, %add3A_1202 : i32
        %get3A_1204 = arith.constant 0 : i32
        %get3A_1205 = arith.index_cast %get3A_1204 : i32 to index
        %get3A_1206 = arith.index_cast %add3A_1203 : i32 to index
        %get3A_1207 = arith.constant 16 : index
        %get3A_1208 = tpu.vector_load %arg7[%get3A_1205, %get3A_1206, %get3A_1207] {strides = array<i32>} : memref<2x320x64xf32, #tpu.memory_space<vmem>>, vector<1x1x16xf32>,
        %get3A_1209 = vector.shape_cast %get3A_1208 : vector<1x1x16xf32> to vector<16xf32>
        %add3A_1210 = arith.addf %add3A_1199, %get3A_1209 : vector<16xf32>
        %mul3A_1211 = arith.constant 20 : i32
        %mul3A_1212 = arith.muli %scan3A_923, %mul3A_1211 : i32
        %add3A_1213 = arith.constant 6 : i32
        %add3A_1214 = arith.addi %mul3A_1212, %add3A_1213 : i32
        %get3A_1215 = arith.constant 0 : i32
        %get3A_1216 = arith.index_cast %get3A_1215 : i32 to index
        %get3A_1217 = arith.index_cast %add3A_1214 : i32 to index
        %get3A_1218 = arith.constant 16 : index
        %get3A_1219 = tpu.vector_load %arg7[%get3A_1216, %get3A_1217, %get3A_1218] {strides = array<i32>} : memref<2x320x64xf32, #tpu.memory_space<vmem>>, vector<1x1x16xf32>,
        %get3A_1220 = vector.shape_cast %get3A_1219 : vector<1x1x16xf32> to vector<16xf32>
        %add3A_1221 = arith.addf %add3A_1210, %get3A_1220 : vector<16xf32>
        %mul3A_1222 = arith.constant 20 : i32
        %mul3A_1223 = arith.muli %scan3A_923, %mul3A_1222 : i32
        %add3A_1224 = arith.constant 7 : i32
        %add3A_1225 = arith.addi %mul3A_1223, %add3A_1224 : i32
        %get3A_1226 = arith.constant 0 : i32
        %get3A_1227 = arith.index_cast %get3A_1226 : i32 to index
        %get3A_1228 = arith.index_cast %add3A_1225 : i32 to index
        %get3A_1229 = arith.constant 16 : index
        %get3A_1230 = tpu.vector_load %arg7[%get3A_1227, %get3A_1228, %get3A_1229] {strides = array<i32>} : memref<2x320x64xf32, #tpu.memory_space<vmem>>, vector<1x1x16xf32>,
        %get3A_1231 = vector.shape_cast %get3A_1230 : vector<1x1x16xf32> to vector<16xf32>
        %add3A_1232 = arith.addf %add3A_1221, %get3A_1231 : vector<16xf32>
        %mul3A_1233 = arith.constant 20 : i32
        %mul3A_1234 = arith.muli %scan3A_923, %mul3A_1233 : i32
        %add3A_1235 = arith.constant 8 : i32
        %add3A_1236 = arith.addi %mul3A_1234, %add3A_1235 : i32
        %get3A_1237 = arith.constant 0 : i32
        %get3A_1238 = arith.index_cast %get3A_1237 : i32 to index
        %get3A_1239 = arith.index_cast %add3A_1236 : i32 to index
        %get3A_1240 = arith.constant 16 : index
        %get3A_1241 = tpu.vector_load %arg7[%get3A_1238, %get3A_1239, %get3A_1240] {strides = array<i32>} : memref<2x320x64xf32, #tpu.memory_space<vmem>>, vector<1x1x16xf32>,
        %get3A_1242 = vector.shape_cast %get3A_1241 : vector<1x1x16xf32> to vector<16xf32>
        %add3A_1243 = arith.addf %add3A_1232, %get3A_1242 : vector<16xf32>
        %mul3A_1244 = arith.constant 20 : i32
        %mul3A_1245 = arith.muli %scan3A_923, %mul3A_1244 : i32
        %add3A_1246 = arith.constant 9 : i32
        %add3A_1247 = arith.addi %mul3A_1245, %add3A_1246 : i32
        %get3A_1248 = arith.constant 0 : i32
        %get3A_1249 = arith.index_cast %get3A_1248 : i32 to index
        %get3A_1250 = arith.index_cast %add3A_1247 : i32 to index
        %get3A_1251 = arith.constant 16 : index
        %get3A_1252 = tpu.vector_load %arg7[%get3A_1249, %get3A_1250, %get3A_1251] {strides = array<i32>} : memref<2x320x64xf32, #tpu.memory_space<vmem>>, vector<1x1x16xf32>,
        %get3A_1253 = vector.shape_cast %get3A_1252 : vector<1x1x16xf32> to vector<16xf32>
        %add3A_1254 = arith.addf %add3A_1243, %get3A_1253 : vector<16xf32>
        %mul3A_1255 = arith.constant 20 : i32
        %mul3A_1256 = arith.muli %scan3A_923, %mul3A_1255 : i32
        %add3A_1257 = arith.constant 10 : i32
        %add3A_1258 = arith.addi %mul3A_1256, %add3A_1257 : i32
        %get3A_1259 = arith.constant 0 : i32
        %get3A_1260 = arith.index_cast %get3A_1259 : i32 to index
        %get3A_1261 = arith.index_cast %add3A_1258 : i32 to index
        %get3A_1262 = arith.constant 16 : index
        %get3A_1263 = tpu.vector_load %arg7[%get3A_1260, %get3A_1261, %get3A_1262] {strides = array<i32>} : memref<2x320x64xf32, #tpu.memory_space<vmem>>, vector<1x1x16xf32>,
        %get3A_1264 = vector.shape_cast %get3A_1263 : vector<1x1x16xf32> to vector<16xf32>
        %add3A_1265 = arith.addf %add3A_1254, %get3A_1264 : vector<16xf32>
        %mul3A_1266 = arith.constant 20 : i32
        %mul3A_1267 = arith.muli %scan3A_923, %mul3A_1266 : i32
        %add3A_1268 = arith.constant 11 : i32
        %add3A_1269 = arith.addi %mul3A_1267, %add3A_1268 : i32
        %get3A_1270 = arith.constant 0 : i32
        %get3A_1271 = arith.index_cast %get3A_1270 : i32 to index
        %get3A_1272 = arith.index_cast %add3A_1269 : i32 to index
        %get3A_1273 = arith.constant 16 : index
        %get3A_1274 = tpu.vector_load %arg7[%get3A_1271, %get3A_1272, %get3A_1273] {strides = array<i32>} : memref<2x320x64xf32, #tpu.memory_space<vmem>>, vector<1x1x16xf32>,
        %get3A_1275 = vector.shape_cast %get3A_1274 : vector<1x1x16xf32> to vector<16xf32>
        %add3A_1276 = arith.addf %add3A_1265, %get3A_1275 : vector<16xf32>
        %mul3A_1277 = arith.constant 20 : i32
        %mul3A_1278 = arith.muli %scan3A_923, %mul3A_1277 : i32
        %add3A_1279 = arith.constant 12 : i32
        %add3A_1280 = arith.addi %mul3A_1278, %add3A_1279 : i32
        %get3A_1281 = arith.constant 0 : i32
        %get3A_1282 = arith.index_cast %get3A_1281 : i32 to index
        %get3A_1283 = arith.index_cast %add3A_1280 : i32 to index
        %get3A_1284 = arith.constant 16 : index
        %get3A_1285 = tpu.vector_load %arg7[%get3A_1282, %get3A_1283, %get3A_1284] {strides = array<i32>} : memref<2x320x64xf32, #tpu.memory_space<vmem>>, vector<1x1x16xf32>,
        %get3A_1286 = vector.shape_cast %get3A_1285 : vector<1x1x16xf32> to vector<16xf32>
        %add3A_1287 = arith.addf %add3A_1276, %get3A_1286 : vector<16xf32>
        %mul3A_1288 = arith.constant 20 : i32
        %mul3A_1289 = arith.muli %scan3A_923, %mul3A_1288 : i32
        %add3A_1290 = arith.constant 13 : i32
        %add3A_1291 = arith.addi %mul3A_1289, %add3A_1290 : i32
        %get3A_1292 = arith.constant 0 : i32
        %get3A_1293 = arith.index_cast %get3A_1292 : i32 to index
        %get3A_1294 = arith.index_cast %add3A_1291 : i32 to index
        %get3A_1295 = arith.constant 16 : index
        %get3A_1296 = tpu.vector_load %arg7[%get3A_1293, %get3A_1294, %get3A_1295] {strides = array<i32>} : memref<2x320x64xf32, #tpu.memory_space<vmem>>, vector<1x1x16xf32>,
        %get3A_1297 = vector.shape_cast %get3A_1296 : vector<1x1x16xf32> to vector<16xf32>
        %add3A_1298 = arith.addf %add3A_1287, %get3A_1297 : vector<16xf32>
        %mul3A_1299 = arith.constant 20 : i32
        %mul3A_1300 = arith.muli %scan3A_923, %mul3A_1299 : i32
        %add3A_1301 = arith.constant 14 : i32
        %add3A_1302 = arith.addi %mul3A_1300, %add3A_1301 : i32
        %get3A_1303 = arith.constant 0 : i32
        %get3A_1304 = arith.index_cast %get3A_1303 : i32 to index
        %get3A_1305 = arith.index_cast %add3A_1302 : i32 to index
        %get3A_1306 = arith.constant 16 : index
        %get3A_1307 = tpu.vector_load %arg7[%get3A_1304, %get3A_1305, %get3A_1306] {strides = array<i32>} : memref<2x320x64xf32, #tpu.memory_space<vmem>>, vector<1x1x16xf32>,
        %get3A_1308 = vector.shape_cast %get3A_1307 : vector<1x1x16xf32> to vector<16xf32>
        %add3A_1309 = arith.addf %add3A_1298, %get3A_1308 : vector<16xf32>
        %mul3A_1310 = arith.constant 20 : i32
        %mul3A_1311 = arith.muli %scan3A_923, %mul3A_1310 : i32
        %add3A_1312 = arith.constant 15 : i32
        %add3A_1313 = arith.addi %mul3A_1311, %add3A_1312 : i32
        %get3A_1314 = arith.constant 0 : i32
        %get3A_1315 = arith.index_cast %get3A_1314 : i32 to index
        %get3A_1316 = arith.index_cast %add3A_1313 : i32 to index
        %get3A_1317 = arith.constant 16 : index
        %get3A_1318 = tpu.vector_load %arg7[%get3A_1315, %get3A_1316, %get3A_1317] {strides = array<i32>} : memref<2x320x64xf32, #tpu.memory_space<vmem>>, vector<1x1x16xf32>,
        %get3A_1319 = vector.shape_cast %get3A_1318 : vector<1x1x16xf32> to vector<16xf32>
        %add3A_1320 = arith.addf %add3A_1309, %get3A_1319 : vector<16xf32>
        %mul3A_1321 = arith.constant 20 : i32
        %mul3A_1322 = arith.muli %scan3A_923, %mul3A_1321 : i32
        %add3A_1323 = arith.constant 16 : i32
        %add3A_1324 = arith.addi %mul3A_1322, %add3A_1323 : i32
        %get3A_1325 = arith.constant 0 : i32
        %get3A_1326 = arith.index_cast %get3A_1325 : i32 to index
        %get3A_1327 = arith.index_cast %add3A_1324 : i32 to index
        %get3A_1328 = arith.constant 16 : index
        %get3A_1329 = tpu.vector_load %arg7[%get3A_1326, %get3A_1327, %get3A_1328] {strides = array<i32>} : memref<2x320x64xf32, #tpu.memory_space<vmem>>, vector<1x1x16xf32>,
        %get3A_1330 = vector.shape_cast %get3A_1329 : vector<1x1x16xf32> to vector<16xf32>
        %add3A_1331 = arith.addf %add3A_1320, %get3A_1330 : vector<16xf32>
        %mul3A_1332 = arith.constant 20 : i32
        %mul3A_1333 = arith.muli %scan3A_923, %mul3A_1332 : i32
        %add3A_1334 = arith.constant 17 : i32
        %add3A_1335 = arith.addi %mul3A_1333, %add3A_1334 : i32
        %get3A_1336 = arith.constant 0 : i32
        %get3A_1337 = arith.index_cast %get3A_1336 : i32 to index
        %get3A_1338 = arith.index_cast %add3A_1335 : i32 to index
        %get3A_1339 = arith.constant 16 : index
        %get3A_1340 = tpu.vector_load %arg7[%get3A_1337, %get3A_1338, %get3A_1339] {strides = array<i32>} : memref<2x320x64xf32, #tpu.memory_space<vmem>>, vector<1x1x16xf32>,
        %get3A_1341 = vector.shape_cast %get3A_1340 : vector<1x1x16xf32> to vector<16xf32>
        %add3A_1342 = arith.addf %add3A_1331, %get3A_1341 : vector<16xf32>
        %mul3A_1343 = arith.constant 20 : i32
        %mul3A_1344 = arith.muli %scan3A_923, %mul3A_1343 : i32
        %add3A_1345 = arith.constant 18 : i32
        %add3A_1346 = arith.addi %mul3A_1344, %add3A_1345 : i32
        %get3A_1347 = arith.constant 0 : i32
        %get3A_1348 = arith.index_cast %get3A_1347 : i32 to index
        %get3A_1349 = arith.index_cast %add3A_1346 : i32 to index
        %get3A_1350 = arith.constant 16 : index
        %get3A_1351 = tpu.vector_load %arg7[%get3A_1348, %get3A_1349, %get3A_1350] {strides = array<i32>} : memref<2x320x64xf32, #tpu.memory_space<vmem>>, vector<1x1x16xf32>,
        %get3A_1352 = vector.shape_cast %get3A_1351 : vector<1x1x16xf32> to vector<16xf32>
        %add3A_1353 = arith.addf %add3A_1342, %get3A_1352 : vector<16xf32>
        %mul3A_1354 = arith.constant 20 : i32
        %mul3A_1355 = arith.muli %scan3A_923, %mul3A_1354 : i32
        %add3A_1356 = arith.constant 19 : i32
        %add3A_1357 = arith.addi %mul3A_1355, %add3A_1356 : i32
        %get3A_1358 = arith.constant 0 : i32
        %get3A_1359 = arith.index_cast %get3A_1358 : i32 to index
        %get3A_1360 = arith.index_cast %add3A_1357 : i32 to index
        %get3A_1361 = arith.constant 16 : index
        %get3A_1362 = tpu.vector_load %arg7[%get3A_1359, %get3A_1360, %get3A_1361] {strides = array<i32>} : memref<2x320x64xf32, #tpu.memory_space<vmem>>, vector<1x1x16xf32>,
        %get3A_1363 = vector.shape_cast %get3A_1362 : vector<1x1x16xf32> to vector<16xf32>
        %add3A_1364 = arith.addf %add3A_1353, %get3A_1363 : vector<16xf32>
        %swap3A_1365 = arith.constant 0 : i32
        %swap3A_1366 = arith.index_cast %swap3A_1365 : i32 to index
        %swap3A_1367 = arith.index_cast %scan3A_923 : i32 to index
        %swap3A_1368 = arith.constant 16 : index
        %swap3A_1369 = tpu.vector_load %arg8[%swap3A_1366, %swap3A_1367, %swap3A_1368] {strides = array<i32>} : memref<2x16x64xf32, #tpu.memory_space<vmem>>, vector<1x1x16xf32>,
        %swap3A_1370 = vector.shape_cast %swap3A_1369 : vector<1x1x16xf32> to vector<16xf32>
        %swap3A_1371 = vector.shape_cast %add3A_1364 : vector<16xf32> to vector<1x1x16xf32>
        tpu.vector_store %arg8[%swap3A_1366, %swap3A_1367, %swap3A_1368], %swap3A_1371 {strides = array<i32>} : memref<2x16x64xf32, #tpu.memory_space<vmem>>, vector<1x1x16xf32>,
        %mul3A_1372 = arith.constant 20 : i32
        %mul3A_1373 = arith.muli %scan3A_923, %mul3A_1372 : i32
        %get3A_1374 = arith.constant 0 : i32
        %get3A_1375 = arith.index_cast %get3A_1374 : i32 to index
        %get3A_1376 = arith.index_cast %mul3A_1373 : i32 to index
        %get3A_1377 = arith.constant 32 : index
        %get3A_1378 = tpu.vector_load %arg7[%get3A_1375, %get3A_1376, %get3A_1377] {strides = array<i32>} : memref<2x320x64xf32, #tpu.memory_space<vmem>>, vector<1x1x16xf32>,
        %get3A_1379 = vector.shape_cast %get3A_1378 : vector<1x1x16xf32> to vector<16xf32>
        %mul3A_1380 = arith.constant 20 : i32
        %mul3A_1381 = arith.muli %scan3A_923, %mul3A_1380 : i32
        %add3A_1382 = arith.constant 1 : i32
        %add3A_1383 = arith.addi %mul3A_1381, %add3A_1382 : i32
        %get3A_1384 = arith.constant 0 : i32
        %get3A_1385 = arith.index_cast %get3A_1384 : i32 to index
        %get3A_1386 = arith.index_cast %add3A_1383 : i32 to index
        %get3A_1387 = arith.constant 32 : index
        %get3A_1388 = tpu.vector_load %arg7[%get3A_1385, %get3A_1386, %get3A_1387] {strides = array<i32>} : memref<2x320x64xf32, #tpu.memory_space<vmem>>, vector<1x1x16xf32>,
        %get3A_1389 = vector.shape_cast %get3A_1388 : vector<1x1x16xf32> to vector<16xf32>
        %add3A_1390 = arith.addf %get3A_1379, %get3A_1389 : vector<16xf32>
        %mul3A_1391 = arith.constant 20 : i32
        %mul3A_1392 = arith.muli %scan3A_923, %mul3A_1391 : i32
        %add3A_1393 = arith.constant 2 : i32
        %add3A_1394 = arith.addi %mul3A_1392, %add3A_1393 : i32
        %get3A_1395 = arith.constant 0 : i32
        %get3A_1396 = arith.index_cast %get3A_1395 : i32 to index
        %get3A_1397 = arith.index_cast %add3A_1394 : i32 to index
        %get3A_1398 = arith.constant 32 : index
        %get3A_1399 = tpu.vector_load %arg7[%get3A_1396, %get3A_1397, %get3A_1398] {strides = array<i32>} : memref<2x320x64xf32, #tpu.memory_space<vmem>>, vector<1x1x16xf32>,
        %get3A_1400 = vector.shape_cast %get3A_1399 : vector<1x1x16xf32> to vector<16xf32>
        %add3A_1401 = arith.addf %add3A_1390, %get3A_1400 : vector<16xf32>
        %mul3A_1402 = arith.constant 20 : i32
        %mul3A_1403 = arith.muli %scan3A_923, %mul3A_1402 : i32
        %add3A_1404 = arith.constant 3 : i32
        %add3A_1405 = arith.addi %mul3A_1403, %add3A_1404 : i32
        %get3A_1406 = arith.constant 0 : i32
        %get3A_1407 = arith.index_cast %get3A_1406 : i32 to index
        %get3A_1408 = arith.index_cast %add3A_1405 : i32 to index
        %get3A_1409 = arith.constant 32 : index
        %get3A_1410 = tpu.vector_load %arg7[%get3A_1407, %get3A_1408, %get3A_1409] {strides = array<i32>} : memref<2x320x64xf32, #tpu.memory_space<vmem>>, vector<1x1x16xf32>,
        %get3A_1411 = vector.shape_cast %get3A_1410 : vector<1x1x16xf32> to vector<16xf32>
        %add3A_1412 = arith.addf %add3A_1401, %get3A_1411 : vector<16xf32>
        %mul3A_1413 = arith.constant 20 : i32
        %mul3A_1414 = arith.muli %scan3A_923, %mul3A_1413 : i32
        %add3A_1415 = arith.constant 4 : i32
        %add3A_1416 = arith.addi %mul3A_1414, %add3A_1415 : i32
        %get3A_1417 = arith.constant 0 : i32
        %get3A_1418 = arith.index_cast %get3A_1417 : i32 to index
        %get3A_1419 = arith.index_cast %add3A_1416 : i32 to index
        %get3A_1420 = arith.constant 32 : index
        %get3A_1421 = tpu.vector_load %arg7[%get3A_1418, %get3A_1419, %get3A_1420] {strides = array<i32>} : memref<2x320x64xf32, #tpu.memory_space<vmem>>, vector<1x1x16xf32>,
        %get3A_1422 = vector.shape_cast %get3A_1421 : vector<1x1x16xf32> to vector<16xf32>
        %add3A_1423 = arith.addf %add3A_1412, %get3A_1422 : vector<16xf32>
        %mul3A_1424 = arith.constant 20 : i32
        %mul3A_1425 = arith.muli %scan3A_923, %mul3A_1424 : i32
        %add3A_1426 = arith.constant 5 : i32
        %add3A_1427 = arith.addi %mul3A_1425, %add3A_1426 : i32
        %get3A_1428 = arith.constant 0 : i32
        %get3A_1429 = arith.index_cast %get3A_1428 : i32 to index
        %get3A_1430 = arith.index_cast %add3A_1427 : i32 to index
        %get3A_1431 = arith.constant 32 : index
        %get3A_1432 = tpu.vector_load %arg7[%get3A_1429, %get3A_1430, %get3A_1431] {strides = array<i32>} : memref<2x320x64xf32, #tpu.memory_space<vmem>>, vector<1x1x16xf32>,
        %get3A_1433 = vector.shape_cast %get3A_1432 : vector<1x1x16xf32> to vector<16xf32>
        %add3A_1434 = arith.addf %add3A_1423, %get3A_1433 : vector<16xf32>
        %mul3A_1435 = arith.constant 20 : i32
        %mul3A_1436 = arith.muli %scan3A_923, %mul3A_1435 : i32
        %add3A_1437 = arith.constant 6 : i32
        %add3A_1438 = arith.addi %mul3A_1436, %add3A_1437 : i32
        %get3A_1439 = arith.constant 0 : i32
        %get3A_1440 = arith.index_cast %get3A_1439 : i32 to index
        %get3A_1441 = arith.index_cast %add3A_1438 : i32 to index
        %get3A_1442 = arith.constant 32 : index
        %get3A_1443 = tpu.vector_load %arg7[%get3A_1440, %get3A_1441, %get3A_1442] {strides = array<i32>} : memref<2x320x64xf32, #tpu.memory_space<vmem>>, vector<1x1x16xf32>,
        %get3A_1444 = vector.shape_cast %get3A_1443 : vector<1x1x16xf32> to vector<16xf32>
        %add3A_1445 = arith.addf %add3A_1434, %get3A_1444 : vector<16xf32>
        %mul3A_1446 = arith.constant 20 : i32
        %mul3A_1447 = arith.muli %scan3A_923, %mul3A_1446 : i32
        %add3A_1448 = arith.constant 7 : i32
        %add3A_1449 = arith.addi %mul3A_1447, %add3A_1448 : i32
        %get3A_1450 = arith.constant 0 : i32
        %get3A_1451 = arith.index_cast %get3A_1450 : i32 to index
        %get3A_1452 = arith.index_cast %add3A_1449 : i32 to index
        %get3A_1453 = arith.constant 32 : index
        %get3A_1454 = tpu.vector_load %arg7[%get3A_1451, %get3A_1452, %get3A_1453] {strides = array<i32>} : memref<2x320x64xf32, #tpu.memory_space<vmem>>, vector<1x1x16xf32>,
        %get3A_1455 = vector.shape_cast %get3A_1454 : vector<1x1x16xf32> to vector<16xf32>
        %add3A_1456 = arith.addf %add3A_1445, %get3A_1455 : vector<16xf32>
        %mul3A_1457 = arith.constant 20 : i32
        %mul3A_1458 = arith.muli %scan3A_923, %mul3A_1457 : i32
        %add3A_1459 = arith.constant 8 : i32
        %add3A_1460 = arith.addi %mul3A_1458, %add3A_1459 : i32
        %get3A_1461 = arith.constant 0 : i32
        %get3A_1462 = arith.index_cast %get3A_1461 : i32 to index
        %get3A_1463 = arith.index_cast %add3A_1460 : i32 to index
        %get3A_1464 = arith.constant 32 : index
        %get3A_1465 = tpu.vector_load %arg7[%get3A_1462, %get3A_1463, %get3A_1464] {strides = array<i32>} : memref<2x320x64xf32, #tpu.memory_space<vmem>>, vector<1x1x16xf32>,
        %get3A_1466 = vector.shape_cast %get3A_1465 : vector<1x1x16xf32> to vector<16xf32>
        %add3A_1467 = arith.addf %add3A_1456, %get3A_1466 : vector<16xf32>
        %mul3A_1468 = arith.constant 20 : i32
        %mul3A_1469 = arith.muli %scan3A_923, %mul3A_1468 : i32
        %add3A_1470 = arith.constant 9 : i32
        %add3A_1471 = arith.addi %mul3A_1469, %add3A_1470 : i32
        %get3A_1472 = arith.constant 0 : i32
        %get3A_1473 = arith.index_cast %get3A_1472 : i32 to index
        %get3A_1474 = arith.index_cast %add3A_1471 : i32 to index
        %get3A_1475 = arith.constant 32 : index
        %get3A_1476 = tpu.vector_load %arg7[%get3A_1473, %get3A_1474, %get3A_1475] {strides = array<i32>} : memref<2x320x64xf32, #tpu.memory_space<vmem>>, vector<1x1x16xf32>,
        %get3A_1477 = vector.shape_cast %get3A_1476 : vector<1x1x16xf32> to vector<16xf32>
        %add3A_1478 = arith.addf %add3A_1467, %get3A_1477 : vector<16xf32>
        %mul3A_1479 = arith.constant 20 : i32
        %mul3A_1480 = arith.muli %scan3A_923, %mul3A_1479 : i32
        %add3A_1481 = arith.constant 10 : i32
        %add3A_1482 = arith.addi %mul3A_1480, %add3A_1481 : i32
        %get3A_1483 = arith.constant 0 : i32
        %get3A_1484 = arith.index_cast %get3A_1483 : i32 to index
        %get3A_1485 = arith.index_cast %add3A_1482 : i32 to index
        %get3A_1486 = arith.constant 32 : index
        %get3A_1487 = tpu.vector_load %arg7[%get3A_1484, %get3A_1485, %get3A_1486] {strides = array<i32>} : memref<2x320x64xf32, #tpu.memory_space<vmem>>, vector<1x1x16xf32>,
        %get3A_1488 = vector.shape_cast %get3A_1487 : vector<1x1x16xf32> to vector<16xf32>
        %add3A_1489 = arith.addf %add3A_1478, %get3A_1488 : vector<16xf32>
        %mul3A_1490 = arith.constant 20 : i32
        %mul3A_1491 = arith.muli %scan3A_923, %mul3A_1490 : i32
        %add3A_1492 = arith.constant 11 : i32
        %add3A_1493 = arith.addi %mul3A_1491, %add3A_1492 : i32
        %get3A_1494 = arith.constant 0 : i32
        %get3A_1495 = arith.index_cast %get3A_1494 : i32 to index
        %get3A_1496 = arith.index_cast %add3A_1493 : i32 to index
        %get3A_1497 = arith.constant 32 : index
        %get3A_1498 = tpu.vector_load %arg7[%get3A_1495, %get3A_1496, %get3A_1497] {strides = array<i32>} : memref<2x320x64xf32, #tpu.memory_space<vmem>>, vector<1x1x16xf32>,
        %get3A_1499 = vector.shape_cast %get3A_1498 : vector<1x1x16xf32> to vector<16xf32>
        %add3A_1500 = arith.addf %add3A_1489, %get3A_1499 : vector<16xf32>
        %mul3A_1501 = arith.constant 20 : i32
        %mul3A_1502 = arith.muli %scan3A_923, %mul3A_1501 : i32
        %add3A_1503 = arith.constant 12 : i32
        %add3A_1504 = arith.addi %mul3A_1502, %add3A_1503 : i32
        %get3A_1505 = arith.constant 0 : i32
        %get3A_1506 = arith.index_cast %get3A_1505 : i32 to index
        %get3A_1507 = arith.index_cast %add3A_1504 : i32 to index
        %get3A_1508 = arith.constant 32 : index
        %get3A_1509 = tpu.vector_load %arg7[%get3A_1506, %get3A_1507, %get3A_1508] {strides = array<i32>} : memref<2x320x64xf32, #tpu.memory_space<vmem>>, vector<1x1x16xf32>,
        %get3A_1510 = vector.shape_cast %get3A_1509 : vector<1x1x16xf32> to vector<16xf32>
        %add3A_1511 = arith.addf %add3A_1500, %get3A_1510 : vector<16xf32>
        %mul3A_1512 = arith.constant 20 : i32
        %mul3A_1513 = arith.muli %scan3A_923, %mul3A_1512 : i32
        %add3A_1514 = arith.constant 13 : i32
        %add3A_1515 = arith.addi %mul3A_1513, %add3A_1514 : i32
        %get3A_1516 = arith.constant 0 : i32
        %get3A_1517 = arith.index_cast %get3A_1516 : i32 to index
        %get3A_1518 = arith.index_cast %add3A_1515 : i32 to index
        %get3A_1519 = arith.constant 32 : index
        %get3A_1520 = tpu.vector_load %arg7[%get3A_1517, %get3A_1518, %get3A_1519] {strides = array<i32>} : memref<2x320x64xf32, #tpu.memory_space<vmem>>, vector<1x1x16xf32>,
        %get3A_1521 = vector.shape_cast %get3A_1520 : vector<1x1x16xf32> to vector<16xf32>
        %add3A_1522 = arith.addf %add3A_1511, %get3A_1521 : vector<16xf32>
        %mul3A_1523 = arith.constant 20 : i32
        %mul3A_1524 = arith.muli %scan3A_923, %mul3A_1523 : i32
        %add3A_1525 = arith.constant 14 : i32
        %add3A_1526 = arith.addi %mul3A_1524, %add3A_1525 : i32
        %get3A_1527 = arith.constant 0 : i32
        %get3A_1528 = arith.index_cast %get3A_1527 : i32 to index
        %get3A_1529 = arith.index_cast %add3A_1526 : i32 to index
        %get3A_1530 = arith.constant 32 : index
        %get3A_1531 = tpu.vector_load %arg7[%get3A_1528, %get3A_1529, %get3A_1530] {strides = array<i32>} : memref<2x320x64xf32, #tpu.memory_space<vmem>>, vector<1x1x16xf32>,
        %get3A_1532 = vector.shape_cast %get3A_1531 : vector<1x1x16xf32> to vector<16xf32>
        %add3A_1533 = arith.addf %add3A_1522, %get3A_1532 : vector<16xf32>
        %mul3A_1534 = arith.constant 20 : i32
        %mul3A_1535 = arith.muli %scan3A_923, %mul3A_1534 : i32
        %add3A_1536 = arith.constant 15 : i32
        %add3A_1537 = arith.addi %mul3A_1535, %add3A_1536 : i32
        %get3A_1538 = arith.constant 0 : i32
        %get3A_1539 = arith.index_cast %get3A_1538 : i32 to index
        %get3A_1540 = arith.index_cast %add3A_1537 : i32 to index
        %get3A_1541 = arith.constant 32 : index
        %get3A_1542 = tpu.vector_load %arg7[%get3A_1539, %get3A_1540, %get3A_1541] {strides = array<i32>} : memref<2x320x64xf32, #tpu.memory_space<vmem>>, vector<1x1x16xf32>,
        %get3A_1543 = vector.shape_cast %get3A_1542 : vector<1x1x16xf32> to vector<16xf32>
        %add3A_1544 = arith.addf %add3A_1533, %get3A_1543 : vector<16xf32>
        %mul3A_1545 = arith.constant 20 : i32
        %mul3A_1546 = arith.muli %scan3A_923, %mul3A_1545 : i32
        %add3A_1547 = arith.constant 16 : i32
        %add3A_1548 = arith.addi %mul3A_1546, %add3A_1547 : i32
        %get3A_1549 = arith.constant 0 : i32
        %get3A_1550 = arith.index_cast %get3A_1549 : i32 to index
        %get3A_1551 = arith.index_cast %add3A_1548 : i32 to index
        %get3A_1552 = arith.constant 32 : index
        %get3A_1553 = tpu.vector_load %arg7[%get3A_1550, %get3A_1551, %get3A_1552] {strides = array<i32>} : memref<2x320x64xf32, #tpu.memory_space<vmem>>, vector<1x1x16xf32>,
        %get3A_1554 = vector.shape_cast %get3A_1553 : vector<1x1x16xf32> to vector<16xf32>
        %add3A_1555 = arith.addf %add3A_1544, %get3A_1554 : vector<16xf32>
        %mul3A_1556 = arith.constant 20 : i32
        %mul3A_1557 = arith.muli %scan3A_923, %mul3A_1556 : i32
        %add3A_1558 = arith.constant 17 : i32
        %add3A_1559 = arith.addi %mul3A_1557, %add3A_1558 : i32
        %get3A_1560 = arith.constant 0 : i32
        %get3A_1561 = arith.index_cast %get3A_1560 : i32 to index
        %get3A_1562 = arith.index_cast %add3A_1559 : i32 to index
        %get3A_1563 = arith.constant 32 : index
        %get3A_1564 = tpu.vector_load %arg7[%get3A_1561, %get3A_1562, %get3A_1563] {strides = array<i32>} : memref<2x320x64xf32, #tpu.memory_space<vmem>>, vector<1x1x16xf32>,
        %get3A_1565 = vector.shape_cast %get3A_1564 : vector<1x1x16xf32> to vector<16xf32>
        %add3A_1566 = arith.addf %add3A_1555, %get3A_1565 : vector<16xf32>
        %mul3A_1567 = arith.constant 20 : i32
        %mul3A_1568 = arith.muli %scan3A_923, %mul3A_1567 : i32
        %add3A_1569 = arith.constant 18 : i32
        %add3A_1570 = arith.addi %mul3A_1568, %add3A_1569 : i32
        %get3A_1571 = arith.constant 0 : i32
        %get3A_1572 = arith.index_cast %get3A_1571 : i32 to index
        %get3A_1573 = arith.index_cast %add3A_1570 : i32 to index
        %get3A_1574 = arith.constant 32 : index
        %get3A_1575 = tpu.vector_load %arg7[%get3A_1572, %get3A_1573, %get3A_1574] {strides = array<i32>} : memref<2x320x64xf32, #tpu.memory_space<vmem>>, vector<1x1x16xf32>,
        %get3A_1576 = vector.shape_cast %get3A_1575 : vector<1x1x16xf32> to vector<16xf32>
        %add3A_1577 = arith.addf %add3A_1566, %get3A_1576 : vector<16xf32>
        %mul3A_1578 = arith.constant 20 : i32
        %mul3A_1579 = arith.muli %scan3A_923, %mul3A_1578 : i32
        %add3A_1580 = arith.constant 19 : i32
        %add3A_1581 = arith.addi %mul3A_1579, %add3A_1580 : i32
        %get3A_1582 = arith.constant 0 : i32
        %get3A_1583 = arith.index_cast %get3A_1582 : i32 to index
        %get3A_1584 = arith.index_cast %add3A_1581 : i32 to index
        %get3A_1585 = arith.constant 32 : index
        %get3A_1586 = tpu.vector_load %arg7[%get3A_1583, %get3A_1584, %get3A_1585] {strides = array<i32>} : memref<2x320x64xf32, #tpu.memory_space<vmem>>, vector<1x1x16xf32>,
        %get3A_1587 = vector.shape_cast %get3A_1586 : vector<1x1x16xf32> to vector<16xf32>
        %add3A_1588 = arith.addf %add3A_1577, %get3A_1587 : vector<16xf32>
        %swap3A_1589 = arith.constant 0 : i32
        %swap3A_1590 = arith.index_cast %swap3A_1589 : i32 to index
        %swap3A_1591 = arith.index_cast %scan3A_923 : i32 to index
        %swap3A_1592 = arith.constant 32 : index
        %swap3A_1593 = tpu.vector_load %arg8[%swap3A_1590, %swap3A_1591, %swap3A_1592] {strides = array<i32>} : memref<2x16x64xf32, #tpu.memory_space<vmem>>, vector<1x1x16xf32>,
        %swap3A_1594 = vector.shape_cast %swap3A_1593 : vector<1x1x16xf32> to vector<16xf32>
        %swap3A_1595 = vector.shape_cast %add3A_1588 : vector<16xf32> to vector<1x1x16xf32>
        tpu.vector_store %arg8[%swap3A_1590, %swap3A_1591, %swap3A_1592], %swap3A_1595 {strides = array<i32>} : memref<2x16x64xf32, #tpu.memory_space<vmem>>, vector<1x1x16xf32>,
        %mul3A_1596 = arith.constant 20 : i32
        %mul3A_1597 = arith.muli %scan3A_923, %mul3A_1596 : i32
        %get3A_1598 = arith.constant 0 : i32
        %get3A_1599 = arith.index_cast %get3A_1598 : i32 to index
        %get3A_1600 = arith.index_cast %mul3A_1597 : i32 to index
        %get3A_1601 = arith.constant 48 : index
        %get3A_1602 = tpu.vector_load %arg7[%get3A_1599, %get3A_1600, %get3A_1601] {strides = array<i32>} : memref<2x320x64xf32, #tpu.memory_space<vmem>>, vector<1x1x16xf32>,
        %get3A_1603 = vector.shape_cast %get3A_1602 : vector<1x1x16xf32> to vector<16xf32>
        %mul3A_1604 = arith.constant 20 : i32
        %mul3A_1605 = arith.muli %scan3A_923, %mul3A_1604 : i32
        %add3A_1606 = arith.constant 1 : i32
        %add3A_1607 = arith.addi %mul3A_1605, %add3A_1606 : i32
        %get3A_1608 = arith.constant 0 : i32
        %get3A_1609 = arith.index_cast %get3A_1608 : i32 to index
        %get3A_1610 = arith.index_cast %add3A_1607 : i32 to index
        %get3A_1611 = arith.constant 48 : index
        %get3A_1612 = tpu.vector_load %arg7[%get3A_1609, %get3A_1610, %get3A_1611] {strides = array<i32>} : memref<2x320x64xf32, #tpu.memory_space<vmem>>, vector<1x1x16xf32>,
        %get3A_1613 = vector.shape_cast %get3A_1612 : vector<1x1x16xf32> to vector<16xf32>
        %add3A_1614 = arith.addf %get3A_1603, %get3A_1613 : vector<16xf32>
        %mul3A_1615 = arith.constant 20 : i32
        %mul3A_1616 = arith.muli %scan3A_923, %mul3A_1615 : i32
        %add3A_1617 = arith.constant 2 : i32
        %add3A_1618 = arith.addi %mul3A_1616, %add3A_1617 : i32
        %get3A_1619 = arith.constant 0 : i32
        %get3A_1620 = arith.index_cast %get3A_1619 : i32 to index
        %get3A_1621 = arith.index_cast %add3A_1618 : i32 to index
        %get3A_1622 = arith.constant 48 : index
        %get3A_1623 = tpu.vector_load %arg7[%get3A_1620, %get3A_1621, %get3A_1622] {strides = array<i32>} : memref<2x320x64xf32, #tpu.memory_space<vmem>>, vector<1x1x16xf32>,
        %get3A_1624 = vector.shape_cast %get3A_1623 : vector<1x1x16xf32> to vector<16xf32>
        %add3A_1625 = arith.addf %add3A_1614, %get3A_1624 : vector<16xf32>
        %mul3A_1626 = arith.constant 20 : i32
        %mul3A_1627 = arith.muli %scan3A_923, %mul3A_1626 : i32
        %add3A_1628 = arith.constant 3 : i32
        %add3A_1629 = arith.addi %mul3A_1627, %add3A_1628 : i32
        %get3A_1630 = arith.constant 0 : i32
        %get3A_1631 = arith.index_cast %get3A_1630 : i32 to index
        %get3A_1632 = arith.index_cast %add3A_1629 : i32 to index
        %get3A_1633 = arith.constant 48 : index
        %get3A_1634 = tpu.vector_load %arg7[%get3A_1631, %get3A_1632, %get3A_1633] {strides = array<i32>} : memref<2x320x64xf32, #tpu.memory_space<vmem>>, vector<1x1x16xf32>,
        %get3A_1635 = vector.shape_cast %get3A_1634 : vector<1x1x16xf32> to vector<16xf32>
        %add3A_1636 = arith.addf %add3A_1625, %get3A_1635 : vector<16xf32>
        %mul3A_1637 = arith.constant 20 : i32
        %mul3A_1638 = arith.muli %scan3A_923, %mul3A_1637 : i32
        %add3A_1639 = arith.constant 4 : i32
        %add3A_1640 = arith.addi %mul3A_1638, %add3A_1639 : i32
        %get3A_1641 = arith.constant 0 : i32
        %get3A_1642 = arith.index_cast %get3A_1641 : i32 to index
        %get3A_1643 = arith.index_cast %add3A_1640 : i32 to index
        %get3A_1644 = arith.constant 48 : index
        %get3A_1645 = tpu.vector_load %arg7[%get3A_1642, %get3A_1643, %get3A_1644] {strides = array<i32>} : memref<2x320x64xf32, #tpu.memory_space<vmem>>, vector<1x1x16xf32>,
        %get3A_1646 = vector.shape_cast %get3A_1645 : vector<1x1x16xf32> to vector<16xf32>
        %add3A_1647 = arith.addf %add3A_1636, %get3A_1646 : vector<16xf32>
        %mul3A_1648 = arith.constant 20 : i32
        %mul3A_1649 = arith.muli %scan3A_923, %mul3A_1648 : i32
        %add3A_1650 = arith.constant 5 : i32
        %add3A_1651 = arith.addi %mul3A_1649, %add3A_1650 : i32
        %get3A_1652 = arith.constant 0 : i32
        %get3A_1653 = arith.index_cast %get3A_1652 : i32 to index
        %get3A_1654 = arith.index_cast %add3A_1651 : i32 to index
        %get3A_1655 = arith.constant 48 : index
        %get3A_1656 = tpu.vector_load %arg7[%get3A_1653, %get3A_1654, %get3A_1655] {strides = array<i32>} : memref<2x320x64xf32, #tpu.memory_space<vmem>>, vector<1x1x16xf32>,
        %get3A_1657 = vector.shape_cast %get3A_1656 : vector<1x1x16xf32> to vector<16xf32>
        %add3A_1658 = arith.addf %add3A_1647, %get3A_1657 : vector<16xf32>
        %mul3A_1659 = arith.constant 20 : i32
        %mul3A_1660 = arith.muli %scan3A_923, %mul3A_1659 : i32
        %add3A_1661 = arith.constant 6 : i32
        %add3A_1662 = arith.addi %mul3A_1660, %add3A_1661 : i32
        %get3A_1663 = arith.constant 0 : i32
        %get3A_1664 = arith.index_cast %get3A_1663 : i32 to index
        %get3A_1665 = arith.index_cast %add3A_1662 : i32 to index
        %get3A_1666 = arith.constant 48 : index
        %get3A_1667 = tpu.vector_load %arg7[%get3A_1664, %get3A_1665, %get3A_1666] {strides = array<i32>} : memref<2x320x64xf32, #tpu.memory_space<vmem>>, vector<1x1x16xf32>,
        %get3A_1668 = vector.shape_cast %get3A_1667 : vector<1x1x16xf32> to vector<16xf32>
        %add3A_1669 = arith.addf %add3A_1658, %get3A_1668 : vector<16xf32>
        %mul3A_1670 = arith.constant 20 : i32
        %mul3A_1671 = arith.muli %scan3A_923, %mul3A_1670 : i32
        %add3A_1672 = arith.constant 7 : i32
        %add3A_1673 = arith.addi %mul3A_1671, %add3A_1672 : i32
        %get3A_1674 = arith.constant 0 : i32
        %get3A_1675 = arith.index_cast %get3A_1674 : i32 to index
        %get3A_1676 = arith.index_cast %add3A_1673 : i32 to index
        %get3A_1677 = arith.constant 48 : index
        %get3A_1678 = tpu.vector_load %arg7[%get3A_1675, %get3A_1676, %get3A_1677] {strides = array<i32>} : memref<2x320x64xf32, #tpu.memory_space<vmem>>, vector<1x1x16xf32>,
        %get3A_1679 = vector.shape_cast %get3A_1678 : vector<1x1x16xf32> to vector<16xf32>
        %add3A_1680 = arith.addf %add3A_1669, %get3A_1679 : vector<16xf32>
        %mul3A_1681 = arith.constant 20 : i32
        %mul3A_1682 = arith.muli %scan3A_923, %mul3A_1681 : i32
        %add3A_1683 = arith.constant 8 : i32
        %add3A_1684 = arith.addi %mul3A_1682, %add3A_1683 : i32
        %get3A_1685 = arith.constant 0 : i32
        %get3A_1686 = arith.index_cast %get3A_1685 : i32 to index
        %get3A_1687 = arith.index_cast %add3A_1684 : i32 to index
        %get3A_1688 = arith.constant 48 : index
        %get3A_1689 = tpu.vector_load %arg7[%get3A_1686, %get3A_1687, %get3A_1688] {strides = array<i32>} : memref<2x320x64xf32, #tpu.memory_space<vmem>>, vector<1x1x16xf32>,
        %get3A_1690 = vector.shape_cast %get3A_1689 : vector<1x1x16xf32> to vector<16xf32>
        %add3A_1691 = arith.addf %add3A_1680, %get3A_1690 : vector<16xf32>
        %mul3A_1692 = arith.constant 20 : i32
        %mul3A_1693 = arith.muli %scan3A_923, %mul3A_1692 : i32
        %add3A_1694 = arith.constant 9 : i32
        %add3A_1695 = arith.addi %mul3A_1693, %add3A_1694 : i32
        %get3A_1696 = arith.constant 0 : i32
        %get3A_1697 = arith.index_cast %get3A_1696 : i32 to index
        %get3A_1698 = arith.index_cast %add3A_1695 : i32 to index
        %get3A_1699 = arith.constant 48 : index
        %get3A_1700 = tpu.vector_load %arg7[%get3A_1697, %get3A_1698, %get3A_1699] {strides = array<i32>} : memref<2x320x64xf32, #tpu.memory_space<vmem>>, vector<1x1x16xf32>,
        %get3A_1701 = vector.shape_cast %get3A_1700 : vector<1x1x16xf32> to vector<16xf32>
        %add3A_1702 = arith.addf %add3A_1691, %get3A_1701 : vector<16xf32>
        %mul3A_1703 = arith.constant 20 : i32
        %mul3A_1704 = arith.muli %scan3A_923, %mul3A_1703 : i32
        %add3A_1705 = arith.constant 10 : i32
        %add3A_1706 = arith.addi %mul3A_1704, %add3A_1705 : i32
        %get3A_1707 = arith.constant 0 : i32
        %get3A_1708 = arith.index_cast %get3A_1707 : i32 to index
        %get3A_1709 = arith.index_cast %add3A_1706 : i32 to index
        %get3A_1710 = arith.constant 48 : index
        %get3A_1711 = tpu.vector_load %arg7[%get3A_1708, %get3A_1709, %get3A_1710] {strides = array<i32>} : memref<2x320x64xf32, #tpu.memory_space<vmem>>, vector<1x1x16xf32>,
        %get3A_1712 = vector.shape_cast %get3A_1711 : vector<1x1x16xf32> to vector<16xf32>
        %add3A_1713 = arith.addf %add3A_1702, %get3A_1712 : vector<16xf32>
        %mul3A_1714 = arith.constant 20 : i32
        %mul3A_1715 = arith.muli %scan3A_923, %mul3A_1714 : i32
        %add3A_1716 = arith.constant 11 : i32
        %add3A_1717 = arith.addi %mul3A_1715, %add3A_1716 : i32
        %get3A_1718 = arith.constant 0 : i32
        %get3A_1719 = arith.index_cast %get3A_1718 : i32 to index
        %get3A_1720 = arith.index_cast %add3A_1717 : i32 to index
        %get3A_1721 = arith.constant 48 : index
        %get3A_1722 = tpu.vector_load %arg7[%get3A_1719, %get3A_1720, %get3A_1721] {strides = array<i32>} : memref<2x320x64xf32, #tpu.memory_space<vmem>>, vector<1x1x16xf32>,
        %get3A_1723 = vector.shape_cast %get3A_1722 : vector<1x1x16xf32> to vector<16xf32>
        %add3A_1724 = arith.addf %add3A_1713, %get3A_1723 : vector<16xf32>
        %mul3A_1725 = arith.constant 20 : i32
        %mul3A_1726 = arith.muli %scan3A_923, %mul3A_1725 : i32
        %add3A_1727 = arith.constant 12 : i32
        %add3A_1728 = arith.addi %mul3A_1726, %add3A_1727 : i32
        %get3A_1729 = arith.constant 0 : i32
        %get3A_1730 = arith.index_cast %get3A_1729 : i32 to index
        %get3A_1731 = arith.index_cast %add3A_1728 : i32 to index
        %get3A_1732 = arith.constant 48 : index
        %get3A_1733 = tpu.vector_load %arg7[%get3A_1730, %get3A_1731, %get3A_1732] {strides = array<i32>} : memref<2x320x64xf32, #tpu.memory_space<vmem>>, vector<1x1x16xf32>,
        %get3A_1734 = vector.shape_cast %get3A_1733 : vector<1x1x16xf32> to vector<16xf32>
        %add3A_1735 = arith.addf %add3A_1724, %get3A_1734 : vector<16xf32>
        %mul3A_1736 = arith.constant 20 : i32
        %mul3A_1737 = arith.muli %scan3A_923, %mul3A_1736 : i32
        %add3A_1738 = arith.constant 13 : i32
        %add3A_1739 = arith.addi %mul3A_1737, %add3A_1738 : i32
        %get3A_1740 = arith.constant 0 : i32
        %get3A_1741 = arith.index_cast %get3A_1740 : i32 to index
        %get3A_1742 = arith.index_cast %add3A_1739 : i32 to index
        %get3A_1743 = arith.constant 48 : index
        %get3A_1744 = tpu.vector_load %arg7[%get3A_1741, %get3A_1742, %get3A_1743] {strides = array<i32>} : memref<2x320x64xf32, #tpu.memory_space<vmem>>, vector<1x1x16xf32>,
        %get3A_1745 = vector.shape_cast %get3A_1744 : vector<1x1x16xf32> to vector<16xf32>
        %add3A_1746 = arith.addf %add3A_1735, %get3A_1745 : vector<16xf32>
        %mul3A_1747 = arith.constant 20 : i32
        %mul3A_1748 = arith.muli %scan3A_923, %mul3A_1747 : i32
        %add3A_1749 = arith.constant 14 : i32
        %add3A_1750 = arith.addi %mul3A_1748, %add3A_1749 : i32
        %get3A_1751 = arith.constant 0 : i32
        %get3A_1752 = arith.index_cast %get3A_1751 : i32 to index
        %get3A_1753 = arith.index_cast %add3A_1750 : i32 to index
        %get3A_1754 = arith.constant 48 : index
        %get3A_1755 = tpu.vector_load %arg7[%get3A_1752, %get3A_1753, %get3A_1754] {strides = array<i32>} : memref<2x320x64xf32, #tpu.memory_space<vmem>>, vector<1x1x16xf32>,
        %get3A_1756 = vector.shape_cast %get3A_1755 : vector<1x1x16xf32> to vector<16xf32>
        %add3A_1757 = arith.addf %add3A_1746, %get3A_1756 : vector<16xf32>
        %mul3A_1758 = arith.constant 20 : i32
        %mul3A_1759 = arith.muli %scan3A_923, %mul3A_1758 : i32
        %add3A_1760 = arith.constant 15 : i32
        %add3A_1761 = arith.addi %mul3A_1759, %add3A_1760 : i32
        %get3A_1762 = arith.constant 0 : i32
        %get3A_1763 = arith.index_cast %get3A_1762 : i32 to index
        %get3A_1764 = arith.index_cast %add3A_1761 : i32 to index
        %get3A_1765 = arith.constant 48 : index
        %get3A_1766 = tpu.vector_load %arg7[%get3A_1763, %get3A_1764, %get3A_1765] {strides = array<i32>} : memref<2x320x64xf32, #tpu.memory_space<vmem>>, vector<1x1x16xf32>,
        %get3A_1767 = vector.shape_cast %get3A_1766 : vector<1x1x16xf32> to vector<16xf32>
        %add3A_1768 = arith.addf %add3A_1757, %get3A_1767 : vector<16xf32>
        %mul3A_1769 = arith.constant 20 : i32
        %mul3A_1770 = arith.muli %scan3A_923, %mul3A_1769 : i32
        %add3A_1771 = arith.constant 16 : i32
        %add3A_1772 = arith.addi %mul3A_1770, %add3A_1771 : i32
        %get3A_1773 = arith.constant 0 : i32
        %get3A_1774 = arith.index_cast %get3A_1773 : i32 to index
        %get3A_1775 = arith.index_cast %add3A_1772 : i32 to index
        %get3A_1776 = arith.constant 48 : index
        %get3A_1777 = tpu.vector_load %arg7[%get3A_1774, %get3A_1775, %get3A_1776] {strides = array<i32>} : memref<2x320x64xf32, #tpu.memory_space<vmem>>, vector<1x1x16xf32>,
        %get3A_1778 = vector.shape_cast %get3A_1777 : vector<1x1x16xf32> to vector<16xf32>
        %add3A_1779 = arith.addf %add3A_1768, %get3A_1778 : vector<16xf32>
        %mul3A_1780 = arith.constant 20 : i32
        %mul3A_1781 = arith.muli %scan3A_923, %mul3A_1780 : i32
        %add3A_1782 = arith.constant 17 : i32
        %add3A_1783 = arith.addi %mul3A_1781, %add3A_1782 : i32
        %get3A_1784 = arith.constant 0 : i32
        %get3A_1785 = arith.index_cast %get3A_1784 : i32 to index
        %get3A_1786 = arith.index_cast %add3A_1783 : i32 to index
        %get3A_1787 = arith.constant 48 : index
        %get3A_1788 = tpu.vector_load %arg7[%get3A_1785, %get3A_1786, %get3A_1787] {strides = array<i32>} : memref<2x320x64xf32, #tpu.memory_space<vmem>>, vector<1x1x16xf32>,
        %get3A_1789 = vector.shape_cast %get3A_1788 : vector<1x1x16xf32> to vector<16xf32>
        %add3A_1790 = arith.addf %add3A_1779, %get3A_1789 : vector<16xf32>
        %mul3A_1791 = arith.constant 20 : i32
        %mul3A_1792 = arith.muli %scan3A_923, %mul3A_1791 : i32
        %add3A_1793 = arith.constant 18 : i32
        %add3A_1794 = arith.addi %mul3A_1792, %add3A_1793 : i32
        %get3A_1795 = arith.constant 0 : i32
        %get3A_1796 = arith.index_cast %get3A_1795 : i32 to index
        %get3A_1797 = arith.index_cast %add3A_1794 : i32 to index
        %get3A_1798 = arith.constant 48 : index
        %get3A_1799 = tpu.vector_load %arg7[%get3A_1796, %get3A_1797, %get3A_1798] {strides = array<i32>} : memref<2x320x64xf32, #tpu.memory_space<vmem>>, vector<1x1x16xf32>,
        %get3A_1800 = vector.shape_cast %get3A_1799 : vector<1x1x16xf32> to vector<16xf32>
        %add3A_1801 = arith.addf %add3A_1790, %get3A_1800 : vector<16xf32>
        %mul3A_1802 = arith.constant 20 : i32
        %mul3A_1803 = arith.muli %scan3A_923, %mul3A_1802 : i32
        %add3A_1804 = arith.constant 19 : i32
        %add3A_1805 = arith.addi %mul3A_1803, %add3A_1804 : i32
        %get3A_1806 = arith.constant 0 : i32
        %get3A_1807 = arith.index_cast %get3A_1806 : i32 to index
        %get3A_1808 = arith.index_cast %add3A_1805 : i32 to index
        %get3A_1809 = arith.constant 48 : index
        %get3A_1810 = tpu.vector_load %arg7[%get3A_1807, %get3A_1808, %get3A_1809] {strides = array<i32>} : memref<2x320x64xf32, #tpu.memory_space<vmem>>, vector<1x1x16xf32>,
        %get3A_1811 = vector.shape_cast %get3A_1810 : vector<1x1x16xf32> to vector<16xf32>
        %add3A_1812 = arith.addf %add3A_1801, %get3A_1811 : vector<16xf32>
        %swap3A_1813 = arith.constant 0 : i32
        %swap3A_1814 = arith.index_cast %swap3A_1813 : i32 to index
        %swap3A_1815 = arith.index_cast %scan3A_923 : i32 to index
        %swap3A_1816 = arith.constant 48 : index
        %swap3A_1817 = tpu.vector_load %arg8[%swap3A_1814, %swap3A_1815, %swap3A_1816] {strides = array<i32>} : memref<2x16x64xf32, #tpu.memory_space<vmem>>, vector<1x1x16xf32>,
        %swap3A_1818 = vector.shape_cast %swap3A_1817 : vector<1x1x16xf32> to vector<16xf32>
        %swap3A_1819 = vector.shape_cast %add3A_1812 : vector<16xf32> to vector<1x1x16xf32>
        tpu.vector_store %arg8[%swap3A_1814, %swap3A_1815, %swap3A_1816], %swap3A_1819 {strides = array<i32>} : memref<2x16x64xf32, #tpu.memory_space<vmem>>, vector<1x1x16xf32>,
      }
      %scan3A_726 = arith.constant 16 : i32
      %mul3A_727 = arith.constant 16 : i32
      %mul3A_728 = arith.muli %add3A_630, %mul3A_727 : i32
      %add3A_729 = arith.addi %mul3A_2, %mul3A_728 : i32
      %jit3A_730 = arith.constant 4096 : i32
      %div3A_731 = arith.divsi %add3A_729, %jit3A_730 : i32
      %sign3A_732 = arith.constant 0 : i32
      %sign3A_733 = arith.cmpi sgt, %add3A_729, %sign3A_732 : i32
      %sign3A_734 = arith.extui %sign3A_733 : i1 to i32
      %sign3A_735 = arith.constant 0 : i32
      %sign3A_736 = arith.cmpi slt, %add3A_729, %sign3A_735 : i32
      %sign3A_737 = arith.extui %sign3A_736 : i1 to i32
      %sign3A_738 = arith.subi %sign3A_734, %sign3A_737 : i32
      %sign3A_739 = arith.constant 0 : i32
      %sign3A_740 = arith.cmpi sgt, %jit3A_730, %sign3A_739 : i32
      %sign3A_741 = arith.extui %sign3A_740 : i1 to i32
      %sign3A_742 = arith.constant 0 : i32
      %sign3A_743 = arith.cmpi slt, %jit3A_730, %sign3A_742 : i32
      %sign3A_744 = arith.extui %sign3A_743 : i1 to i32
      %sign3A_745 = arith.subi %sign3A_741, %sign3A_744 : i32
      %ne3A_746 = arith.cmpi ne, %sign3A_738, %sign3A_745 : i32
      %rem3A_747 = arith.remsi %add3A_729, %jit3A_730 : i32
      %ne3A_748 = arith.constant 0 : i32
      %ne3A_749 = arith.cmpi ne, %rem3A_747, %ne3A_748 : i32
      %and3A_750 = arith.andi %ne3A_746, %ne3A_749 : i1
      %sub3A_751 = arith.constant 1 : i32
      %sub3A_752 = arith.subi %div3A_731, %sub3A_751 : i32
      %select_n3A_753 = arith.select %and3A_750, %sub3A_752, %div3A_731 : i32
      %mul3A_754 = arith.constant 4096 : i32
      %mul3A_755 = arith.muli %select_n3A_753, %mul3A_754 : i32
      %sub3A_756 = arith.subi %add3A_729, %mul3A_755 : i32
      %mul3A_757 = arith.constant 64 : i32
      %mul3A_758 = arith.muli %select_n3A_753, %mul3A_757 : i32
      %dma_start3A_759 = arith.constant 0 : i32
      %dma_start3A_760 = arith.constant 0 : i32
      %dma_start3A_761 = arith.constant 0 : i32
      %dma_start3A_762 = arith.constant 0 : i32
      %dma_start3A_763 = tpu.memref_slice %arg8[%dma_start3A_759, %dma_start3A_761, %dma_start3A_762] : memref<2x16x64xf32, #tpu.memory_space<vmem>> -> memref<1x16x64xf32, #tpu.memory_space<vmem>>
      %dma_start3A_764 = tpu.memref_squeeze %dma_start3A_763 : memref<1x16x64xf32, #tpu.memory_space<vmem>> -> memref<16x64xf32, #tpu.memory_space<vmem>>
      %dma_start3A_765 = tpu.memref_slice %arg4[%sub3A_756, %mul3A_758] : memref<4096x1664xf32, #tpu.memory_space<hbm>> -> memref<16x64xf32, #tpu.memory_space<hbm>>
      %dma_start3A_766 = tpu.memref_slice %arg11[%dma_start3A_760] : memref<2x!tpu.dma_semaphore, #tpu.memory_space<semaphore_mem>> -> memref<1x!tpu.dma_semaphore, #tpu.memory_space<semaphore_mem>>
      %dma_start3A_767 = tpu.memref_squeeze %dma_start3A_766 : memref<1x!tpu.dma_semaphore, #tpu.memory_space<semaphore_mem>> -> memref<!tpu.dma_semaphore, #tpu.memory_space<semaphore_mem>>
      %dma_start3A_768 = tpu.memref_slice %arg4[%sub3A_756, %mul3A_758] : memref<4096x1664xf32, #tpu.memory_space<hbm>> -> memref<16x64xf32, #tpu.memory_space<hbm>>
      %dma_start3A_769 = arith.constant 0 : i32
      %dma_start3A_770 = arith.constant 0 : i32
      %dma_start3A_771 = tpu.memref_slice %arg8[%dma_start3A_759, %dma_start3A_769, %dma_start3A_770] : memref<2x16x64xf32, #tpu.memory_space<vmem>> -> memref<1x16x64xf32, #tpu.memory_space<vmem>>
      %dma_start3A_772 = tpu.memref_squeeze %dma_start3A_771 : memref<1x16x64xf32, #tpu.memory_space<vmem>> -> memref<16x64xf32, #tpu.memory_space<vmem>>
      tpu.enqueue_dma source(%dma_start3A_772 : memref<16x64xf32, #tpu.memory_space<vmem>>) target(%dma_start3A_768 : memref<16x64xf32, #tpu.memory_space<hbm>>) target_semaphore(%dma_start3A_767 : memref<!tpu.dma_semaphore, #tpu.memory_space<semaphore_mem>>)
      %mul3A_773 = arith.constant 2 : i32
      %mul3A_774 = arith.muli %scan3A_626, %mul3A_773 : i32
      %add3A_775 = arith.constant 1 : i32
      %add3A_776 = arith.addi %mul3A_774, %add3A_775 : i32
      %add3A_777 = arith.constant 2 : i32
      %add3A_778 = arith.addi %add3A_776, %add3A_777 : i32
      %sub3A_779 = arith.constant 1 : i32
      %sub3A_780 = arith.subi %add3A_778, %sub3A_779 : i32
      %lt3A_781 = arith.constant 208 : i32
      %lt3A_782 = arith.cmpi slt, %sub3A_780, %lt3A_781 : i32
      %convert_element_type3A_783 = arith.extui %lt3A_782 : i1 to i32
      %cond3A_784 = arith.constant 0 : i32
      %cond3A_785 = arith.cmpi ne, %convert_element_type3A_783, %cond3A_784 : i32
      scf.if %cond3A_785 {
        %mul3A_923 = arith.constant 16 : i32
        %mul3A_924 = arith.muli %sub3A_780, %mul3A_923 : i32
        %add3A_925 = arith.addi %mul3A_2, %mul3A_924 : i32
        %jit3A_926 = arith.constant 4096 : i32
        %div3A_927 = arith.divsi %add3A_925, %jit3A_926 : i32
        %sign3A_928 = arith.constant 0 : i32
        %sign3A_929 = arith.cmpi sgt, %add3A_925, %sign3A_928 : i32
        %sign3A_930 = arith.extui %sign3A_929 : i1 to i32
        %sign3A_931 = arith.constant 0 : i32
        %sign3A_932 = arith.cmpi slt, %add3A_925, %sign3A_931 : i32
        %sign3A_933 = arith.extui %sign3A_932 : i1 to i32
        %sign3A_934 = arith.subi %sign3A_930, %sign3A_933 : i32
        %sign3A_935 = arith.constant 0 : i32
        %sign3A_936 = arith.cmpi sgt, %jit3A_926, %sign3A_935 : i32
        %sign3A_937 = arith.extui %sign3A_936 : i1 to i32
        %sign3A_938 = arith.constant 0 : i32
        %sign3A_939 = arith.cmpi slt, %jit3A_926, %sign3A_938 : i32
        %sign3A_940 = arith.extui %sign3A_939 : i1 to i32
        %sign3A_941 = arith.subi %sign3A_937, %sign3A_940 : i32
        %ne3A_942 = arith.cmpi ne, %sign3A_934, %sign3A_941 : i32
        %rem3A_943 = arith.remsi %add3A_925, %jit3A_926 : i32
        %ne3A_944 = arith.constant 0 : i32
        %ne3A_945 = arith.cmpi ne, %rem3A_943, %ne3A_944 : i32
        %and3A_946 = arith.andi %ne3A_942, %ne3A_945 : i1
        %sub3A_947 = arith.constant 1 : i32
        %sub3A_948 = arith.subi %div3A_927, %sub3A_947 : i32
        %select_n3A_949 = arith.select %and3A_946, %sub3A_948, %div3A_927 : i32
        %mul3A_950 = arith.constant 4096 : i32
        %mul3A_951 = arith.muli %select_n3A_949, %mul3A_950 : i32
        %sub3A_952 = arith.subi %add3A_925, %mul3A_951 : i32
        %mul3A_953 = arith.constant 16 : i32
        %mul3A_954 = arith.muli %sub3A_780, %mul3A_953 : i32
        %add3A_955 = arith.addi %mul3A_2, %mul3A_954 : i32
        %jit3A_956 = arith.constant 4096 : i32
        %div3A_957 = arith.divsi %add3A_955, %jit3A_956 : i32
        %sign3A_958 = arith.constant 0 : i32
        %sign3A_959 = arith.cmpi sgt, %add3A_955, %sign3A_958 : i32
        %sign3A_960 = arith.extui %sign3A_959 : i1 to i32
        %sign3A_961 = arith.constant 0 : i32
        %sign3A_962 = arith.cmpi slt, %add3A_955, %sign3A_961 : i32
        %sign3A_963 = arith.extui %sign3A_962 : i1 to i32
        %sign3A_964 = arith.subi %sign3A_960, %sign3A_963 : i32
        %sign3A_965 = arith.constant 0 : i32
        %sign3A_966 = arith.cmpi sgt, %jit3A_956, %sign3A_965 : i32
        %sign3A_967 = arith.extui %sign3A_966 : i1 to i32
        %sign3A_968 = arith.constant 0 : i32
        %sign3A_969 = arith.cmpi slt, %jit3A_956, %sign3A_968 : i32
        %sign3A_970 = arith.extui %sign3A_969 : i1 to i32
        %sign3A_971 = arith.subi %sign3A_967, %sign3A_970 : i32
        %ne3A_972 = arith.cmpi ne, %sign3A_964, %sign3A_971 : i32
        %rem3A_973 = arith.remsi %add3A_955, %jit3A_956 : i32
        %ne3A_974 = arith.constant 0 : i32
        %ne3A_975 = arith.cmpi ne, %rem3A_973, %ne3A_974 : i32
        %and3A_976 = arith.andi %ne3A_972, %ne3A_975 : i1
        %sub3A_977 = arith.constant 1 : i32
        %sub3A_978 = arith.subi %div3A_957, %sub3A_977 : i32
        %select_n3A_979 = arith.select %and3A_976, %sub3A_978, %div3A_957 : i32
        %mul3A_980 = arith.constant 4096 : i32
        %mul3A_981 = arith.muli %select_n3A_979, %mul3A_980 : i32
        %sub3A_982 = arith.subi %add3A_955, %mul3A_981 : i32
        %mul3A_983 = arith.constant 20 : i32
        %mul3A_984 = arith.muli %add3A_955, %mul3A_983 : i32
        %dma_wait3A_985 = arith.constant 0 : i32
        %dma_wait3A_986 = arith.constant 0 : i32
        %dma_wait3A_987 = arith.constant 0 : i32
        %dma_wait3A_988 = tpu.memref_slice %arg5[%dma_wait3A_985, %dma_wait3A_987] : memref<2x320xi32, #tpu.memory_space<vmem>> -> memref<1x320xi32, #tpu.memory_space<vmem>>
        %dma_wait3A_989 = tpu.memref_squeeze %dma_wait3A_988 : memref<1x320xi32, #tpu.memory_space<vmem>> -> memref<320xi32, #tpu.memory_space<vmem>>
        %dma_wait3A_990 = tpu.memref_slice %arg2[%mul3A_984] : memref<2129920xi32, #tpu.memory_space<hbm>> -> memref<320xi32, #tpu.memory_space<hbm>>
        %dma_wait3A_991 = tpu.memref_slice %arg9[%dma_wait3A_986] : memref<2x!tpu.dma_semaphore, #tpu.memory_space<semaphore_mem>> -> memref<1x!tpu.dma_semaphore, #tpu.memory_space<semaphore_mem>>
        %dma_wait3A_992 = tpu.memref_squeeze %dma_wait3A_991 : memref<1x!tpu.dma_semaphore, #tpu.memory_space<semaphore_mem>> -> memref<!tpu.dma_semaphore, #tpu.memory_space<semaphore_mem>>
        %dma_wait3A_993 = arith.constant 0 : i32
        %dma_wait3A_994 = tpu.memref_slice %arg5[%dma_wait3A_985, %dma_wait3A_993] : memref<2x320xi32, #tpu.memory_space<vmem>> -> memref<1x320xi32, #tpu.memory_space<vmem>>
        %dma_wait3A_995 = tpu.memref_squeeze %dma_wait3A_994 : memref<1x320xi32, #tpu.memory_space<vmem>> -> memref<320xi32, #tpu.memory_space<vmem>>
        %dma_wait3A_996 = tpu.memref_slice %arg2[%mul3A_984] : memref<2129920xi32, #tpu.memory_space<hbm>> -> memref<320xi32, #tpu.memory_space<hbm>>
        tpu.wait_dma2 semaphore(%dma_wait3A_992 : memref<!tpu.dma_semaphore, #tpu.memory_space<semaphore_mem>>) src(%dma_wait3A_996 : memref<320xi32, #tpu.memory_space<hbm>>) dst(%dma_wait3A_995 : memref<320xi32, #tpu.memory_space<vmem>>)
        %add3A_997 = arith.constant 1 : i32
        %add3A_998 = arith.addi %sub3A_780, %add3A_997 : i32
        %lt3A_999 = arith.constant 208 : i32
        %lt3A_1000 = arith.cmpi slt, %add3A_998, %lt3A_999 : i32
        %convert_element_type3A_1001 = arith.extui %lt3A_1000 : i1 to i32
        %cond3A_1002 = arith.constant 0 : i32
        %cond3A_1003 = arith.cmpi ne, %convert_element_type3A_1001, %cond3A_1002 : i32
        scf.if %cond3A_1003 {
          %add3A_1386 = arith.constant 1 : i32
          %add3A_1387 = arith.addi %sub3A_780, %add3A_1386 : i32
          %mul3A_1388 = arith.constant 16 : i32
          %mul3A_1389 = arith.muli %add3A_1387, %mul3A_1388 : i32
          %add3A_1390 = arith.addi %mul3A_2, %mul3A_1389 : i32
          %jit3A_1391 = arith.constant 4096 : i32
          %div3A_1392 = arith.divsi %add3A_1390, %jit3A_1391 : i32
          %sign3A_1393 = arith.constant 0 : i32
          %sign3A_1394 = arith.cmpi sgt, %add3A_1390, %sign3A_1393 : i32
          %sign3A_1395 = arith.extui %sign3A_1394 : i1 to i32
          %sign3A_1396 = arith.constant 0 : i32
          %sign3A_1397 = arith.cmpi slt, %add3A_1390, %sign3A_1396 : i32
          %sign3A_1398 = arith.extui %sign3A_1397 : i1 to i32
          %sign3A_1399 = arith.subi %sign3A_1395, %sign3A_1398 : i32
          %sign3A_1400 = arith.constant 0 : i32
          %sign3A_1401 = arith.cmpi sgt, %jit3A_1391, %sign3A_1400 : i32
          %sign3A_1402 = arith.extui %sign3A_1401 : i1 to i32
          %sign3A_1403 = arith.constant 0 : i32
          %sign3A_1404 = arith.cmpi slt, %jit3A_1391, %sign3A_1403 : i32
          %sign3A_1405 = arith.extui %sign3A_1404 : i1 to i32
          %sign3A_1406 = arith.subi %sign3A_1402, %sign3A_1405 : i32
          %ne3A_1407 = arith.cmpi ne, %sign3A_1399, %sign3A_1406 : i32
          %rem3A_1408 = arith.remsi %add3A_1390, %jit3A_1391 : i32
          %ne3A_1409 = arith.constant 0 : i32
          %ne3A_1410 = arith.cmpi ne, %rem3A_1408, %ne3A_1409 : i32
          %and3A_1411 = arith.andi %ne3A_1407, %ne3A_1410 : i1
          %sub3A_1412 = arith.constant 1 : i32
          %sub3A_1413 = arith.subi %div3A_1392, %sub3A_1412 : i32
          %select_n3A_1414 = arith.select %and3A_1411, %sub3A_1413, %div3A_1392 : i32
          %mul3A_1415 = arith.constant 4096 : i32
          %mul3A_1416 = arith.muli %select_n3A_1414, %mul3A_1415 : i32
          %sub3A_1417 = arith.subi %add3A_1390, %mul3A_1416 : i32
          %mul3A_1418 = arith.constant 20 : i32
          %mul3A_1419 = arith.muli %add3A_1390, %mul3A_1418 : i32
          %dma_start3A_1420 = arith.constant 1 : i32
          %dma_start3A_1421 = arith.constant 1 : i32
          %dma_start3A_1422 = arith.constant 0 : i32
          %dma_start3A_1423 = tpu.memref_slice %arg5[%dma_start3A_1420, %dma_start3A_1422] : memref<2x320xi32, #tpu.memory_space<vmem>> -> memref<1x320xi32, #tpu.memory_space<vmem>>
          %dma_start3A_1424 = tpu.memref_squeeze %dma_start3A_1423 : memref<1x320xi32, #tpu.memory_space<vmem>> -> memref<320xi32, #tpu.memory_space<vmem>>
          %dma_start3A_1425 = tpu.memref_slice %arg2[%mul3A_1419] : memref<2129920xi32, #tpu.memory_space<hbm>> -> memref<320xi32, #tpu.memory_space<hbm>>
          %dma_start3A_1426 = tpu.memref_slice %arg9[%dma_start3A_1421] : memref<2x!tpu.dma_semaphore, #tpu.memory_space<semaphore_mem>> -> memref<1x!tpu.dma_semaphore, #tpu.memory_space<semaphore_mem>>
          %dma_start3A_1427 = tpu.memref_squeeze %dma_start3A_1426 : memref<1x!tpu.dma_semaphore, #tpu.memory_space<semaphore_mem>> -> memref<!tpu.dma_semaphore, #tpu.memory_space<semaphore_mem>>
          %dma_start3A_1428 = arith.constant 0 : i32
          %dma_start3A_1429 = tpu.memref_slice %arg5[%dma_start3A_1420, %dma_start3A_1428] : memref<2x320xi32, #tpu.memory_space<vmem>> -> memref<1x320xi32, #tpu.memory_space<vmem>>
          %dma_start3A_1430 = tpu.memref_squeeze %dma_start3A_1429 : memref<1x320xi32, #tpu.memory_space<vmem>> -> memref<320xi32, #tpu.memory_space<vmem>>
          %dma_start3A_1431 = tpu.memref_slice %arg2[%mul3A_1419] : memref<2129920xi32, #tpu.memory_space<hbm>> -> memref<320xi32, #tpu.memory_space<hbm>>
          tpu.enqueue_dma source(%dma_start3A_1431 : memref<320xi32, #tpu.memory_space<hbm>>) target(%dma_start3A_1430 : memref<320xi32, #tpu.memory_space<vmem>>) target_semaphore(%dma_start3A_1427 : memref<!tpu.dma_semaphore, #tpu.memory_space<semaphore_mem>>)
        } else {
        }
        %mul3A_1004 = arith.constant 100000 : i32
        %mul3A_1005 = arith.muli %select_n3A_949, %mul3A_1004 : i32
        %get3A_1006 = arith.constant 0 : i32
        %get3A_1007 = arith.index_cast %get3A_1006 : i32 to index
        %get3A_1008 = arith.constant 0 : index
        %get3A_1009 = tpu.vector_load %arg5[%get3A_1007, %get3A_1008] {strides = array<i32>} : memref<2x320xi32, #tpu.memory_space<vmem>>, vector<1x16xi32>,
        %get3A_1010 = vector.shape_cast %get3A_1009 : vector<1x16xi32> to vector<16xi32>
        %add3A_1011 = vector.broadcast %mul3A_1005 : i32 to vector<16xi32>
        %add3A_1012 = arith.addi %get3A_1010, %add3A_1011 : vector<16xi32>
        %swap3A_1013 = arith.constant 0 : i32
        %swap3A_1014 = arith.constant 0 : i32
        %swap3A_1015 = arith.index_cast %swap3A_1013 : i32 to index
        %swap3A_1016 = arith.index_cast %swap3A_1014 : i32 to index
        %swap3A_1017 = arith.constant 0 : index
        %swap3A_1018 = tpu.vector_load %arg6[%swap3A_1015, %swap3A_1016, %swap3A_1017] {strides = array<i32>} : memref<2x5x64xi32, #tpu.memory_space<vmem>>, vector<1x1x16xi32>,
        %swap3A_1019 = vector.shape_cast %swap3A_1018 : vector<1x1x16xi32> to vector<16xi32>
        %swap3A_1020 = vector.shape_cast %add3A_1012 : vector<16xi32> to vector<1x1x16xi32>
        tpu.vector_store %arg6[%swap3A_1015, %swap3A_1016, %swap3A_1017], %swap3A_1020 {strides = array<i32>} : memref<2x5x64xi32, #tpu.memory_space<vmem>>, vector<1x1x16xi32>,
        %get3A_1021 = arith.constant 0 : i32
        %get3A_1022 = arith.index_cast %get3A_1021 : i32 to index
        %get3A_1023 = arith.constant 16 : index
        %get3A_1024 = tpu.vector_load %arg5[%get3A_1022, %get3A_1023] {strides = array<i32>} : memref<2x320xi32, #tpu.memory_space<vmem>>, vector<1x16xi32>,
        %get3A_1025 = vector.shape_cast %get3A_1024 : vector<1x16xi32> to vector<16xi32>
        %add3A_1026 = vector.broadcast %mul3A_1005 : i32 to vector<16xi32>
        %add3A_1027 = arith.addi %get3A_1025, %add3A_1026 : vector<16xi32>
        %swap3A_1028 = arith.constant 0 : i32
        %swap3A_1029 = arith.constant 0 : i32
        %swap3A_1030 = arith.index_cast %swap3A_1028 : i32 to index
        %swap3A_1031 = arith.index_cast %swap3A_1029 : i32 to index
        %swap3A_1032 = arith.constant 16 : index
        %swap3A_1033 = tpu.vector_load %arg6[%swap3A_1030, %swap3A_1031, %swap3A_1032] {strides = array<i32>} : memref<2x5x64xi32, #tpu.memory_space<vmem>>, vector<1x1x16xi32>,
        %swap3A_1034 = vector.shape_cast %swap3A_1033 : vector<1x1x16xi32> to vector<16xi32>
        %swap3A_1035 = vector.shape_cast %add3A_1027 : vector<16xi32> to vector<1x1x16xi32>
        tpu.vector_store %arg6[%swap3A_1030, %swap3A_1031, %swap3A_1032], %swap3A_1035 {strides = array<i32>} : memref<2x5x64xi32, #tpu.memory_space<vmem>>, vector<1x1x16xi32>,
        %get3A_1036 = arith.constant 0 : i32
        %get3A_1037 = arith.index_cast %get3A_1036 : i32 to index
        %get3A_1038 = arith.constant 32 : index
        %get3A_1039 = tpu.vector_load %arg5[%get3A_1037, %get3A_1038] {strides = array<i32>} : memref<2x320xi32, #tpu.memory_space<vmem>>, vector<1x16xi32>,
        %get3A_1040 = vector.shape_cast %get3A_1039 : vector<1x16xi32> to vector<16xi32>
        %add3A_1041 = vector.broadcast %mul3A_1005 : i32 to vector<16xi32>
        %add3A_1042 = arith.addi %get3A_1040, %add3A_1041 : vector<16xi32>
        %swap3A_1043 = arith.constant 0 : i32
        %swap3A_1044 = arith.constant 0 : i32
        %swap3A_1045 = arith.index_cast %swap3A_1043 : i32 to index
        %swap3A_1046 = arith.index_cast %swap3A_1044 : i32 to index
        %swap3A_1047 = arith.constant 32 : index
        %swap3A_1048 = tpu.vector_load %arg6[%swap3A_1045, %swap3A_1046, %swap3A_1047] {strides = array<i32>} : memref<2x5x64xi32, #tpu.memory_space<vmem>>, vector<1x1x16xi32>,
        %swap3A_1049 = vector.shape_cast %swap3A_1048 : vector<1x1x16xi32> to vector<16xi32>
        %swap3A_1050 = vector.shape_cast %add3A_1042 : vector<16xi32> to vector<1x1x16xi32>
        tpu.vector_store %arg6[%swap3A_1045, %swap3A_1046, %swap3A_1047], %swap3A_1050 {strides = array<i32>} : memref<2x5x64xi32, #tpu.memory_space<vmem>>, vector<1x1x16xi32>,
        %get3A_1051 = arith.constant 0 : i32
        %get3A_1052 = arith.index_cast %get3A_1051 : i32 to index
        %get3A_1053 = arith.constant 48 : index
        %get3A_1054 = tpu.vector_load %arg5[%get3A_1052, %get3A_1053] {strides = array<i32>} : memref<2x320xi32, #tpu.memory_space<vmem>>, vector<1x16xi32>,
        %get3A_1055 = vector.shape_cast %get3A_1054 : vector<1x16xi32> to vector<16xi32>
        %add3A_1056 = vector.broadcast %mul3A_1005 : i32 to vector<16xi32>
        %add3A_1057 = arith.addi %get3A_1055, %add3A_1056 : vector<16xi32>
        %swap3A_1058 = arith.constant 0 : i32
        %swap3A_1059 = arith.constant 0 : i32
        %swap3A_1060 = arith.index_cast %swap3A_1058 : i32 to index
        %swap3A_1061 = arith.index_cast %swap3A_1059 : i32 to index
        %swap3A_1062 = arith.constant 48 : index
        %swap3A_1063 = tpu.vector_load %arg6[%swap3A_1060, %swap3A_1061, %swap3A_1062] {strides = array<i32>} : memref<2x5x64xi32, #tpu.memory_space<vmem>>, vector<1x1x16xi32>,
        %swap3A_1064 = vector.shape_cast %swap3A_1063 : vector<1x1x16xi32> to vector<16xi32>
        %swap3A_1065 = vector.shape_cast %add3A_1057 : vector<16xi32> to vector<1x1x16xi32>
        tpu.vector_store %arg6[%swap3A_1060, %swap3A_1061, %swap3A_1062], %swap3A_1065 {strides = array<i32>} : memref<2x5x64xi32, #tpu.memory_space<vmem>>, vector<1x1x16xi32>,
        %get3A_1066 = arith.constant 0 : i32
        %get3A_1067 = arith.index_cast %get3A_1066 : i32 to index
        %get3A_1068 = arith.constant 64 : index
        %get3A_1069 = tpu.vector_load %arg5[%get3A_1067, %get3A_1068] {strides = array<i32>} : memref<2x320xi32, #tpu.memory_space<vmem>>, vector<1x16xi32>,
        %get3A_1070 = vector.shape_cast %get3A_1069 : vector<1x16xi32> to vector<16xi32>
        %add3A_1071 = vector.broadcast %mul3A_1005 : i32 to vector<16xi32>
        %add3A_1072 = arith.addi %get3A_1070, %add3A_1071 : vector<16xi32>
        %swap3A_1073 = arith.constant 0 : i32
        %swap3A_1074 = arith.constant 1 : i32
        %swap3A_1075 = arith.index_cast %swap3A_1073 : i32 to index
        %swap3A_1076 = arith.index_cast %swap3A_1074 : i32 to index
        %swap3A_1077 = arith.constant 0 : index
        %swap3A_1078 = tpu.vector_load %arg6[%swap3A_1075, %swap3A_1076, %swap3A_1077] {strides = array<i32>} : memref<2x5x64xi32, #tpu.memory_space<vmem>>, vector<1x1x16xi32>,
        %swap3A_1079 = vector.shape_cast %swap3A_1078 : vector<1x1x16xi32> to vector<16xi32>
        %swap3A_1080 = vector.shape_cast %add3A_1072 : vector<16xi32> to vector<1x1x16xi32>
        tpu.vector_store %arg6[%swap3A_1075, %swap3A_1076, %swap3A_1077], %swap3A_1080 {strides = array<i32>} : memref<2x5x64xi32, #tpu.memory_space<vmem>>, vector<1x1x16xi32>,
        %get3A_1081 = arith.constant 0 : i32
        %get3A_1082 = arith.index_cast %get3A_1081 : i32 to index
        %get3A_1083 = arith.constant 80 : index
        %get3A_1084 = tpu.vector_load %arg5[%get3A_1082, %get3A_1083] {strides = array<i32>} : memref<2x320xi32, #tpu.memory_space<vmem>>, vector<1x16xi32>,
        %get3A_1085 = vector.shape_cast %get3A_1084 : vector<1x16xi32> to vector<16xi32>
        %add3A_1086 = vector.broadcast %mul3A_1005 : i32 to vector<16xi32>
        %add3A_1087 = arith.addi %get3A_1085, %add3A_1086 : vector<16xi32>
        %swap3A_1088 = arith.constant 0 : i32
        %swap3A_1089 = arith.constant 1 : i32
        %swap3A_1090 = arith.index_cast %swap3A_1088 : i32 to index
        %swap3A_1091 = arith.index_cast %swap3A_1089 : i32 to index
        %swap3A_1092 = arith.constant 16 : index
        %swap3A_1093 = tpu.vector_load %arg6[%swap3A_1090, %swap3A_1091, %swap3A_1092] {strides = array<i32>} : memref<2x5x64xi32, #tpu.memory_space<vmem>>, vector<1x1x16xi32>,
        %swap3A_1094 = vector.shape_cast %swap3A_1093 : vector<1x1x16xi32> to vector<16xi32>
        %swap3A_1095 = vector.shape_cast %add3A_1087 : vector<16xi32> to vector<1x1x16xi32>
        tpu.vector_store %arg6[%swap3A_1090, %swap3A_1091, %swap3A_1092], %swap3A_1095 {strides = array<i32>} : memref<2x5x64xi32, #tpu.memory_space<vmem>>, vector<1x1x16xi32>,
        %get3A_1096 = arith.constant 0 : i32
        %get3A_1097 = arith.index_cast %get3A_1096 : i32 to index
        %get3A_1098 = arith.constant 96 : index
        %get3A_1099 = tpu.vector_load %arg5[%get3A_1097, %get3A_1098] {strides = array<i32>} : memref<2x320xi32, #tpu.memory_space<vmem>>, vector<1x16xi32>,
        %get3A_1100 = vector.shape_cast %get3A_1099 : vector<1x16xi32> to vector<16xi32>
        %add3A_1101 = vector.broadcast %mul3A_1005 : i32 to vector<16xi32>
        %add3A_1102 = arith.addi %get3A_1100, %add3A_1101 : vector<16xi32>
        %swap3A_1103 = arith.constant 0 : i32
        %swap3A_1104 = arith.constant 1 : i32
        %swap3A_1105 = arith.index_cast %swap3A_1103 : i32 to index
        %swap3A_1106 = arith.index_cast %swap3A_1104 : i32 to index
        %swap3A_1107 = arith.constant 32 : index
        %swap3A_1108 = tpu.vector_load %arg6[%swap3A_1105, %swap3A_1106, %swap3A_1107] {strides = array<i32>} : memref<2x5x64xi32, #tpu.memory_space<vmem>>, vector<1x1x16xi32>,
        %swap3A_1109 = vector.shape_cast %swap3A_1108 : vector<1x1x16xi32> to vector<16xi32>
        %swap3A_1110 = vector.shape_cast %add3A_1102 : vector<16xi32> to vector<1x1x16xi32>
        tpu.vector_store %arg6[%swap3A_1105, %swap3A_1106, %swap3A_1107], %swap3A_1110 {strides = array<i32>} : memref<2x5x64xi32, #tpu.memory_space<vmem>>, vector<1x1x16xi32>,
        %get3A_1111 = arith.constant 0 : i32
        %get3A_1112 = arith.index_cast %get3A_1111 : i32 to index
        %get3A_1113 = arith.constant 112 : index
        %get3A_1114 = tpu.vector_load %arg5[%get3A_1112, %get3A_1113] {strides = array<i32>} : memref<2x320xi32, #tpu.memory_space<vmem>>, vector<1x16xi32>,
        %get3A_1115 = vector.shape_cast %get3A_1114 : vector<1x16xi32> to vector<16xi32>
        %add3A_1116 = vector.broadcast %mul3A_1005 : i32 to vector<16xi32>
        %add3A_1117 = arith.addi %get3A_1115, %add3A_1116 : vector<16xi32>
        %swap3A_1118 = arith.constant 0 : i32
        %swap3A_1119 = arith.constant 1 : i32
        %swap3A_1120 = arith.index_cast %swap3A_1118 : i32 to index
        %swap3A_1121 = arith.index_cast %swap3A_1119 : i32 to index
        %swap3A_1122 = arith.constant 48 : index
        %swap3A_1123 = tpu.vector_load %arg6[%swap3A_1120, %swap3A_1121, %swap3A_1122] {strides = array<i32>} : memref<2x5x64xi32, #tpu.memory_space<vmem>>, vector<1x1x16xi32>,
        %swap3A_1124 = vector.shape_cast %swap3A_1123 : vector<1x1x16xi32> to vector<16xi32>
        %swap3A_1125 = vector.shape_cast %add3A_1117 : vector<16xi32> to vector<1x1x16xi32>
        tpu.vector_store %arg6[%swap3A_1120, %swap3A_1121, %swap3A_1122], %swap3A_1125 {strides = array<i32>} : memref<2x5x64xi32, #tpu.memory_space<vmem>>, vector<1x1x16xi32>,
        %get3A_1126 = arith.constant 0 : i32
        %get3A_1127 = arith.index_cast %get3A_1126 : i32 to index
        %get3A_1128 = arith.constant 128 : index
        %get3A_1129 = tpu.vector_load %arg5[%get3A_1127, %get3A_1128] {strides = array<i32>} : memref<2x320xi32, #tpu.memory_space<vmem>>, vector<1x16xi32>,
        %get3A_1130 = vector.shape_cast %get3A_1129 : vector<1x16xi32> to vector<16xi32>
        %add3A_1131 = vector.broadcast %mul3A_1005 : i32 to vector<16xi32>
        %add3A_1132 = arith.addi %get3A_1130, %add3A_1131 : vector<16xi32>
        %swap3A_1133 = arith.constant 0 : i32
        %swap3A_1134 = arith.constant 2 : i32
        %swap3A_1135 = arith.index_cast %swap3A_1133 : i32 to index
        %swap3A_1136 = arith.index_cast %swap3A_1134 : i32 to index
        %swap3A_1137 = arith.constant 0 : index
        %swap3A_1138 = tpu.vector_load %arg6[%swap3A_1135, %swap3A_1136, %swap3A_1137] {strides = array<i32>} : memref<2x5x64xi32, #tpu.memory_space<vmem>>, vector<1x1x16xi32>,
        %swap3A_1139 = vector.shape_cast %swap3A_1138 : vector<1x1x16xi32> to vector<16xi32>
        %swap3A_1140 = vector.shape_cast %add3A_1132 : vector<16xi32> to vector<1x1x16xi32>
        tpu.vector_store %arg6[%swap3A_1135, %swap3A_1136, %swap3A_1137], %swap3A_1140 {strides = array<i32>} : memref<2x5x64xi32, #tpu.memory_space<vmem>>, vector<1x1x16xi32>,
        %get3A_1141 = arith.constant 0 : i32
        %get3A_1142 = arith.index_cast %get3A_1141 : i32 to index
        %get3A_1143 = arith.constant 144 : index
        %get3A_1144 = tpu.vector_load %arg5[%get3A_1142, %get3A_1143] {strides = array<i32>} : memref<2x320xi32, #tpu.memory_space<vmem>>, vector<1x16xi32>,
        %get3A_1145 = vector.shape_cast %get3A_1144 : vector<1x16xi32> to vector<16xi32>
        %add3A_1146 = vector.broadcast %mul3A_1005 : i32 to vector<16xi32>
        %add3A_1147 = arith.addi %get3A_1145, %add3A_1146 : vector<16xi32>
        %swap3A_1148 = arith.constant 0 : i32
        %swap3A_1149 = arith.constant 2 : i32
        %swap3A_1150 = arith.index_cast %swap3A_1148 : i32 to index
        %swap3A_1151 = arith.index_cast %swap3A_1149 : i32 to index
        %swap3A_1152 = arith.constant 16 : index
        %swap3A_1153 = tpu.vector_load %arg6[%swap3A_1150, %swap3A_1151, %swap3A_1152] {strides = array<i32>} : memref<2x5x64xi32, #tpu.memory_space<vmem>>, vector<1x1x16xi32>,
        %swap3A_1154 = vector.shape_cast %swap3A_1153 : vector<1x1x16xi32> to vector<16xi32>
        %swap3A_1155 = vector.shape_cast %add3A_1147 : vector<16xi32> to vector<1x1x16xi32>
        tpu.vector_store %arg6[%swap3A_1150, %swap3A_1151, %swap3A_1152], %swap3A_1155 {strides = array<i32>} : memref<2x5x64xi32, #tpu.memory_space<vmem>>, vector<1x1x16xi32>,
        %get3A_1156 = arith.constant 0 : i32
        %get3A_1157 = arith.index_cast %get3A_1156 : i32 to index
        %get3A_1158 = arith.constant 160 : index
        %get3A_1159 = tpu.vector_load %arg5[%get3A_1157, %get3A_1158] {strides = array<i32>} : memref<2x320xi32, #tpu.memory_space<vmem>>, vector<1x16xi32>,
        %get3A_1160 = vector.shape_cast %get3A_1159 : vector<1x16xi32> to vector<16xi32>
        %add3A_1161 = vector.broadcast %mul3A_1005 : i32 to vector<16xi32>
        %add3A_1162 = arith.addi %get3A_1160, %add3A_1161 : vector<16xi32>
        %swap3A_1163 = arith.constant 0 : i32
        %swap3A_1164 = arith.constant 2 : i32
        %swap3A_1165 = arith.index_cast %swap3A_1163 : i32 to index
        %swap3A_1166 = arith.index_cast %swap3A_1164 : i32 to index
        %swap3A_1167 = arith.constant 32 : index
        %swap3A_1168 = tpu.vector_load %arg6[%swap3A_1165, %swap3A_1166, %swap3A_1167] {strides = array<i32>} : memref<2x5x64xi32, #tpu.memory_space<vmem>>, vector<1x1x16xi32>,
        %swap3A_1169 = vector.shape_cast %swap3A_1168 : vector<1x1x16xi32> to vector<16xi32>
        %swap3A_1170 = vector.shape_cast %add3A_1162 : vector<16xi32> to vector<1x1x16xi32>
        tpu.vector_store %arg6[%swap3A_1165, %swap3A_1166, %swap3A_1167], %swap3A_1170 {strides = array<i32>} : memref<2x5x64xi32, #tpu.memory_space<vmem>>, vector<1x1x16xi32>,
        %get3A_1171 = arith.constant 0 : i32
        %get3A_1172 = arith.index_cast %get3A_1171 : i32 to index
        %get3A_1173 = arith.constant 176 : index
        %get3A_1174 = tpu.vector_load %arg5[%get3A_1172, %get3A_1173] {strides = array<i32>} : memref<2x320xi32, #tpu.memory_space<vmem>>, vector<1x16xi32>,
        %get3A_1175 = vector.shape_cast %get3A_1174 : vector<1x16xi32> to vector<16xi32>
        %add3A_1176 = vector.broadcast %mul3A_1005 : i32 to vector<16xi32>
        %add3A_1177 = arith.addi %get3A_1175, %add3A_1176 : vector<16xi32>
        %swap3A_1178 = arith.constant 0 : i32
        %swap3A_1179 = arith.constant 2 : i32
        %swap3A_1180 = arith.index_cast %swap3A_1178 : i32 to index
        %swap3A_1181 = arith.index_cast %swap3A_1179 : i32 to index
        %swap3A_1182 = arith.constant 48 : index
        %swap3A_1183 = tpu.vector_load %arg6[%swap3A_1180, %swap3A_1181, %swap3A_1182] {strides = array<i32>} : memref<2x5x64xi32, #tpu.memory_space<vmem>>, vector<1x1x16xi32>,
        %swap3A_1184 = vector.shape_cast %swap3A_1183 : vector<1x1x16xi32> to vector<16xi32>
        %swap3A_1185 = vector.shape_cast %add3A_1177 : vector<16xi32> to vector<1x1x16xi32>
        tpu.vector_store %arg6[%swap3A_1180, %swap3A_1181, %swap3A_1182], %swap3A_1185 {strides = array<i32>} : memref<2x5x64xi32, #tpu.memory_space<vmem>>, vector<1x1x16xi32>,
        %get3A_1186 = arith.constant 0 : i32
        %get3A_1187 = arith.index_cast %get3A_1186 : i32 to index
        %get3A_1188 = arith.constant 192 : index
        %get3A_1189 = tpu.vector_load %arg5[%get3A_1187, %get3A_1188] {strides = array<i32>} : memref<2x320xi32, #tpu.memory_space<vmem>>, vector<1x16xi32>,
        %get3A_1190 = vector.shape_cast %get3A_1189 : vector<1x16xi32> to vector<16xi32>
        %add3A_1191 = vector.broadcast %mul3A_1005 : i32 to vector<16xi32>
        %add3A_1192 = arith.addi %get3A_1190, %add3A_1191 : vector<16xi32>
        %swap3A_1193 = arith.constant 0 : i32
        %swap3A_1194 = arith.constant 3 : i32
        %swap3A_1195 = arith.index_cast %swap3A_1193 : i32 to index
        %swap3A_1196 = arith.index_cast %swap3A_1194 : i32 to index
        %swap3A_1197 = arith.constant 0 : index
        %swap3A_1198 = tpu.vector_load %arg6[%swap3A_1195, %swap3A_1196, %swap3A_1197] {strides = array<i32>} : memref<2x5x64xi32, #tpu.memory_space<vmem>>, vector<1x1x16xi32>,
        %swap3A_1199 = vector.shape_cast %swap3A_1198 : vector<1x1x16xi32> to vector<16xi32>
        %swap3A_1200 = vector.shape_cast %add3A_1192 : vector<16xi32> to vector<1x1x16xi32>
        tpu.vector_store %arg6[%swap3A_1195, %swap3A_1196, %swap3A_1197], %swap3A_1200 {strides = array<i32>} : memref<2x5x64xi32, #tpu.memory_space<vmem>>, vector<1x1x16xi32>,
        %get3A_1201 = arith.constant 0 : i32
        %get3A_1202 = arith.index_cast %get3A_1201 : i32 to index
        %get3A_1203 = arith.constant 208 : index
        %get3A_1204 = tpu.vector_load %arg5[%get3A_1202, %get3A_1203] {strides = array<i32>} : memref<2x320xi32, #tpu.memory_space<vmem>>, vector<1x16xi32>,
        %get3A_1205 = vector.shape_cast %get3A_1204 : vector<1x16xi32> to vector<16xi32>
        %add3A_1206 = vector.broadcast %mul3A_1005 : i32 to vector<16xi32>
        %add3A_1207 = arith.addi %get3A_1205, %add3A_1206 : vector<16xi32>
        %swap3A_1208 = arith.constant 0 : i32
        %swap3A_1209 = arith.constant 3 : i32
        %swap3A_1210 = arith.index_cast %swap3A_1208 : i32 to index
        %swap3A_1211 = arith.index_cast %swap3A_1209 : i32 to index
        %swap3A_1212 = arith.constant 16 : index
        %swap3A_1213 = tpu.vector_load %arg6[%swap3A_1210, %swap3A_1211, %swap3A_1212] {strides = array<i32>} : memref<2x5x64xi32, #tpu.memory_space<vmem>>, vector<1x1x16xi32>,
        %swap3A_1214 = vector.shape_cast %swap3A_1213 : vector<1x1x16xi32> to vector<16xi32>
        %swap3A_1215 = vector.shape_cast %add3A_1207 : vector<16xi32> to vector<1x1x16xi32>
        tpu.vector_store %arg6[%swap3A_1210, %swap3A_1211, %swap3A_1212], %swap3A_1215 {strides = array<i32>} : memref<2x5x64xi32, #tpu.memory_space<vmem>>, vector<1x1x16xi32>,
        %get3A_1216 = arith.constant 0 : i32
        %get3A_1217 = arith.index_cast %get3A_1216 : i32 to index
        %get3A_1218 = arith.constant 224 : index
        %get3A_1219 = tpu.vector_load %arg5[%get3A_1217, %get3A_1218] {strides = array<i32>} : memref<2x320xi32, #tpu.memory_space<vmem>>, vector<1x16xi32>,
        %get3A_1220 = vector.shape_cast %get3A_1219 : vector<1x16xi32> to vector<16xi32>
        %add3A_1221 = vector.broadcast %mul3A_1005 : i32 to vector<16xi32>
        %add3A_1222 = arith.addi %get3A_1220, %add3A_1221 : vector<16xi32>
        %swap3A_1223 = arith.constant 0 : i32
        %swap3A_1224 = arith.constant 3 : i32
        %swap3A_1225 = arith.index_cast %swap3A_1223 : i32 to index
        %swap3A_1226 = arith.index_cast %swap3A_1224 : i32 to index
        %swap3A_1227 = arith.constant 32 : index
        %swap3A_1228 = tpu.vector_load %arg6[%swap3A_1225, %swap3A_1226, %swap3A_1227] {strides = array<i32>} : memref<2x5x64xi32, #tpu.memory_space<vmem>>, vector<1x1x16xi32>,
        %swap3A_1229 = vector.shape_cast %swap3A_1228 : vector<1x1x16xi32> to vector<16xi32>
        %swap3A_1230 = vector.shape_cast %add3A_1222 : vector<16xi32> to vector<1x1x16xi32>
        tpu.vector_store %arg6[%swap3A_1225, %swap3A_1226, %swap3A_1227], %swap3A_1230 {strides = array<i32>} : memref<2x5x64xi32, #tpu.memory_space<vmem>>, vector<1x1x16xi32>,
        %get3A_1231 = arith.constant 0 : i32
        %get3A_1232 = arith.index_cast %get3A_1231 : i32 to index
        %get3A_1233 = arith.constant 240 : index
        %get3A_1234 = tpu.vector_load %arg5[%get3A_1232, %get3A_1233] {strides = array<i32>} : memref<2x320xi32, #tpu.memory_space<vmem>>, vector<1x16xi32>,
        %get3A_1235 = vector.shape_cast %get3A_1234 : vector<1x16xi32> to vector<16xi32>
        %add3A_1236 = vector.broadcast %mul3A_1005 : i32 to vector<16xi32>
        %add3A_1237 = arith.addi %get3A_1235, %add3A_1236 : vector<16xi32>
        %swap3A_1238 = arith.constant 0 : i32
        %swap3A_1239 = arith.constant 3 : i32
        %swap3A_1240 = arith.index_cast %swap3A_1238 : i32 to index
        %swap3A_1241 = arith.index_cast %swap3A_1239 : i32 to index
        %swap3A_1242 = arith.constant 48 : index
        %swap3A_1243 = tpu.vector_load %arg6[%swap3A_1240, %swap3A_1241, %swap3A_1242] {strides = array<i32>} : memref<2x5x64xi32, #tpu.memory_space<vmem>>, vector<1x1x16xi32>,
        %swap3A_1244 = vector.shape_cast %swap3A_1243 : vector<1x1x16xi32> to vector<16xi32>
        %swap3A_1245 = vector.shape_cast %add3A_1237 : vector<16xi32> to vector<1x1x16xi32>
        tpu.vector_store %arg6[%swap3A_1240, %swap3A_1241, %swap3A_1242], %swap3A_1245 {strides = array<i32>} : memref<2x5x64xi32, #tpu.memory_space<vmem>>, vector<1x1x16xi32>,
        %get3A_1246 = arith.constant 0 : i32
        %get3A_1247 = arith.index_cast %get3A_1246 : i32 to index
        %get3A_1248 = arith.constant 256 : index
        %get3A_1249 = tpu.vector_load %arg5[%get3A_1247, %get3A_1248] {strides = array<i32>} : memref<2x320xi32, #tpu.memory_space<vmem>>, vector<1x16xi32>,
        %get3A_1250 = vector.shape_cast %get3A_1249 : vector<1x16xi32> to vector<16xi32>
        %add3A_1251 = vector.broadcast %mul3A_1005 : i32 to vector<16xi32>
        %add3A_1252 = arith.addi %get3A_1250, %add3A_1251 : vector<16xi32>
        %swap3A_1253 = arith.constant 0 : i32
        %swap3A_1254 = arith.constant 4 : i32
        %swap3A_1255 = arith.index_cast %swap3A_1253 : i32 to index
        %swap3A_1256 = arith.index_cast %swap3A_1254 : i32 to index
        %swap3A_1257 = arith.constant 0 : index
        %swap3A_1258 = tpu.vector_load %arg6[%swap3A_1255, %swap3A_1256, %swap3A_1257] {strides = array<i32>} : memref<2x5x64xi32, #tpu.memory_space<vmem>>, vector<1x1x16xi32>,
        %swap3A_1259 = vector.shape_cast %swap3A_1258 : vector<1x1x16xi32> to vector<16xi32>
        %swap3A_1260 = vector.shape_cast %add3A_1252 : vector<16xi32> to vector<1x1x16xi32>
        tpu.vector_store %arg6[%swap3A_1255, %swap3A_1256, %swap3A_1257], %swap3A_1260 {strides = array<i32>} : memref<2x5x64xi32, #tpu.memory_space<vmem>>, vector<1x1x16xi32>,
        %get3A_1261 = arith.constant 0 : i32
        %get3A_1262 = arith.index_cast %get3A_1261 : i32 to index
        %get3A_1263 = arith.constant 272 : index
        %get3A_1264 = tpu.vector_load %arg5[%get3A_1262, %get3A_1263] {strides = array<i32>} : memref<2x320xi32, #tpu.memory_space<vmem>>, vector<1x16xi32>,
        %get3A_1265 = vector.shape_cast %get3A_1264 : vector<1x16xi32> to vector<16xi32>
        %add3A_1266 = vector.broadcast %mul3A_1005 : i32 to vector<16xi32>
        %add3A_1267 = arith.addi %get3A_1265, %add3A_1266 : vector<16xi32>
        %swap3A_1268 = arith.constant 0 : i32
        %swap3A_1269 = arith.constant 4 : i32
        %swap3A_1270 = arith.index_cast %swap3A_1268 : i32 to index
        %swap3A_1271 = arith.index_cast %swap3A_1269 : i32 to index
        %swap3A_1272 = arith.constant 16 : index
        %swap3A_1273 = tpu.vector_load %arg6[%swap3A_1270, %swap3A_1271, %swap3A_1272] {strides = array<i32>} : memref<2x5x64xi32, #tpu.memory_space<vmem>>, vector<1x1x16xi32>,
        %swap3A_1274 = vector.shape_cast %swap3A_1273 : vector<1x1x16xi32> to vector<16xi32>
        %swap3A_1275 = vector.shape_cast %add3A_1267 : vector<16xi32> to vector<1x1x16xi32>
        tpu.vector_store %arg6[%swap3A_1270, %swap3A_1271, %swap3A_1272], %swap3A_1275 {strides = array<i32>} : memref<2x5x64xi32, #tpu.memory_space<vmem>>, vector<1x1x16xi32>,
        %get3A_1276 = arith.constant 0 : i32
        %get3A_1277 = arith.index_cast %get3A_1276 : i32 to index
        %get3A_1278 = arith.constant 288 : index
        %get3A_1279 = tpu.vector_load %arg5[%get3A_1277, %get3A_1278] {strides = array<i32>} : memref<2x320xi32, #tpu.memory_space<vmem>>, vector<1x16xi32>,
        %get3A_1280 = vector.shape_cast %get3A_1279 : vector<1x16xi32> to vector<16xi32>
        %add3A_1281 = vector.broadcast %mul3A_1005 : i32 to vector<16xi32>
        %add3A_1282 = arith.addi %get3A_1280, %add3A_1281 : vector<16xi32>
        %swap3A_1283 = arith.constant 0 : i32
        %swap3A_1284 = arith.constant 4 : i32
        %swap3A_1285 = arith.index_cast %swap3A_1283 : i32 to index
        %swap3A_1286 = arith.index_cast %swap3A_1284 : i32 to index
        %swap3A_1287 = arith.constant 32 : index
        %swap3A_1288 = tpu.vector_load %arg6[%swap3A_1285, %swap3A_1286, %swap3A_1287] {strides = array<i32>} : memref<2x5x64xi32, #tpu.memory_space<vmem>>, vector<1x1x16xi32>,
        %swap3A_1289 = vector.shape_cast %swap3A_1288 : vector<1x1x16xi32> to vector<16xi32>
        %swap3A_1290 = vector.shape_cast %add3A_1282 : vector<16xi32> to vector<1x1x16xi32>
        tpu.vector_store %arg6[%swap3A_1285, %swap3A_1286, %swap3A_1287], %swap3A_1290 {strides = array<i32>} : memref<2x5x64xi32, #tpu.memory_space<vmem>>, vector<1x1x16xi32>,
        %get3A_1291 = arith.constant 0 : i32
        %get3A_1292 = arith.index_cast %get3A_1291 : i32 to index
        %get3A_1293 = arith.constant 304 : index
        %get3A_1294 = tpu.vector_load %arg5[%get3A_1292, %get3A_1293] {strides = array<i32>} : memref<2x320xi32, #tpu.memory_space<vmem>>, vector<1x16xi32>,
        %get3A_1295 = vector.shape_cast %get3A_1294 : vector<1x16xi32> to vector<16xi32>
        %add3A_1296 = vector.broadcast %mul3A_1005 : i32 to vector<16xi32>
        %add3A_1297 = arith.addi %get3A_1295, %add3A_1296 : vector<16xi32>
        %swap3A_1298 = arith.constant 0 : i32
        %swap3A_1299 = arith.constant 4 : i32
        %swap3A_1300 = arith.index_cast %swap3A_1298 : i32 to index
        %swap3A_1301 = arith.index_cast %swap3A_1299 : i32 to index
        %swap3A_1302 = arith.constant 48 : index
        %swap3A_1303 = tpu.vector_load %arg6[%swap3A_1300, %swap3A_1301, %swap3A_1302] {strides = array<i32>} : memref<2x5x64xi32, #tpu.memory_space<vmem>>, vector<1x1x16xi32>,
        %swap3A_1304 = vector.shape_cast %swap3A_1303 : vector<1x1x16xi32> to vector<16xi32>
        %swap3A_1305 = vector.shape_cast %add3A_1297 : vector<16xi32> to vector<1x1x16xi32>
        tpu.vector_store %arg6[%swap3A_1300, %swap3A_1301, %swap3A_1302], %swap3A_1305 {strides = array<i32>} : memref<2x5x64xi32, #tpu.memory_space<vmem>>, vector<1x1x16xi32>,
        %dma_start3A_1306 = arith.constant 0 : i32
        %dma_start3A_1307 = arith.constant 0 : i32
        %dma_start3A_1308 = arith.constant 0 : i32
        %dma_start3A_1309 = arith.constant 0 : i32
        %dma_start3A_1310 = arith.constant 0 : i32
        %dma_start3A_1311 = arith.constant 0 : i32
        %dma_start3A_1312 = tpu.memref_slice %arg7[%dma_start3A_1308, %dma_start3A_1310, %dma_start3A_1311] : memref<2x320x64xf32, #tpu.memory_space<vmem>> -> memref<1x64x64xf32, #tpu.memory_space<vmem>>
        %dma_start3A_1313 = tpu.memref_squeeze %dma_start3A_1312 : memref<1x64x64xf32, #tpu.memory_space<vmem>> -> memref<64x64xf32, #tpu.memory_space<vmem>>
        %dma_start3A_1314 = arith.constant 0 : i32
        %dma_start3A_1315 = tpu.memref_slice %arg6[%dma_start3A_1306, %dma_start3A_1307, %dma_start3A_1314] : memref<2x5x64xi32, #tpu.memory_space<vmem>> -> memref<1x1x64xi32, #tpu.memory_space<vmem>>
        %dma_start3A_1316 = tpu.memref_squeeze %dma_start3A_1315 : memref<1x1x64xi32, #tpu.memory_space<vmem>> -> memref<64xi32, #tpu.memory_space<vmem>>
        %dma_start3A_1317 = arith.constant 0 : i32
        %dma_start3A_1318 = arith.constant 0 : i32
        %dma_start3A_1319 = tpu.memref_slice %arg3[%dma_start3A_1317, %dma_start3A_1318] : memref<2600000x64xf32, #tpu.memory_space<hbm>> -> memref<2600000x64xf32, #tpu.memory_space<hbm>>
        %dma_start3A_1320 = tpu.memref_slice %arg10[%dma_start3A_1309] : memref<2x!tpu.dma_semaphore, #tpu.memory_space<semaphore_mem>> -> memref<1x!tpu.dma_semaphore, #tpu.memory_space<semaphore_mem>>
        %dma_start3A_1321 = tpu.memref_squeeze %dma_start3A_1320 : memref<1x!tpu.dma_semaphore, #tpu.memory_space<semaphore_mem>> -> memref<!tpu.dma_semaphore, #tpu.memory_space<semaphore_mem>>
        tpu.enqueue_indirect_dma source(%dma_start3A_1319 : memref<2600000x64xf32, #tpu.memory_space<hbm>>) target(%dma_start3A_1313 : memref<64x64xf32, #tpu.memory_space<vmem>>) offsets(%dma_start3A_1316 : memref<64xi32, #tpu.memory_space<vmem>>) semaphore(%dma_start3A_1321 : memref<!tpu.dma_semaphore, #tpu.memory_space<semaphore_mem>>)
        %dma_start3A_1322 = arith.constant 0 : i32
        %dma_start3A_1323 = arith.constant 1 : i32
        %dma_start3A_1324 = arith.constant 0 : i32
        %dma_start3A_1325 = arith.constant 0 : i32
        %dma_start3A_1326 = arith.constant 64 : i32
        %dma_start3A_1327 = arith.constant 0 : i32
        %dma_start3A_1328 = tpu.memref_slice %arg7[%dma_start3A_1324, %dma_start3A_1326, %dma_start3A_1327] : memref<2x320x64xf32, #tpu.memory_space<vmem>> -> memref<1x64x64xf32, #tpu.memory_space<vmem>>
        %dma_start3A_1329 = tpu.memref_squeeze %dma_start3A_1328 : memref<1x64x64xf32, #tpu.memory_space<vmem>> -> memref<64x64xf32, #tpu.memory_space<vmem>>
        %dma_start3A_1330 = arith.constant 0 : i32
        %dma_start3A_1331 = tpu.memref_slice %arg6[%dma_start3A_1322, %dma_start3A_1323, %dma_start3A_1330] : memref<2x5x64xi32, #tpu.memory_space<vmem>> -> memref<1x1x64xi32, #tpu.memory_space<vmem>>
        %dma_start3A_1332 = tpu.memref_squeeze %dma_start3A_1331 : memref<1x1x64xi32, #tpu.memory_space<vmem>> -> memref<64xi32, #tpu.memory_space<vmem>>
        %dma_start3A_1333 = arith.constant 0 : i32
        %dma_start3A_1334 = arith.constant 0 : i32
        %dma_start3A_1335 = tpu.memref_slice %arg3[%dma_start3A_1333, %dma_start3A_1334] : memref<2600000x64xf32, #tpu.memory_space<hbm>> -> memref<2600000x64xf32, #tpu.memory_space<hbm>>
        %dma_start3A_1336 = tpu.memref_slice %arg10[%dma_start3A_1325] : memref<2x!tpu.dma_semaphore, #tpu.memory_space<semaphore_mem>> -> memref<1x!tpu.dma_semaphore, #tpu.memory_space<semaphore_mem>>
        %dma_start3A_1337 = tpu.memref_squeeze %dma_start3A_1336 : memref<1x!tpu.dma_semaphore, #tpu.memory_space<semaphore_mem>> -> memref<!tpu.dma_semaphore, #tpu.memory_space<semaphore_mem>>
        tpu.enqueue_indirect_dma source(%dma_start3A_1335 : memref<2600000x64xf32, #tpu.memory_space<hbm>>) target(%dma_start3A_1329 : memref<64x64xf32, #tpu.memory_space<vmem>>) offsets(%dma_start3A_1332 : memref<64xi32, #tpu.memory_space<vmem>>) semaphore(%dma_start3A_1337 : memref<!tpu.dma_semaphore, #tpu.memory_space<semaphore_mem>>)
        %dma_start3A_1338 = arith.constant 0 : i32
        %dma_start3A_1339 = arith.constant 2 : i32
        %dma_start3A_1340 = arith.constant 0 : i32
        %dma_start3A_1341 = arith.constant 0 : i32
        %dma_start3A_1342 = arith.constant 128 : i32
        %dma_start3A_1343 = arith.constant 0 : i32
        %dma_start3A_1344 = tpu.memref_slice %arg7[%dma_start3A_1340, %dma_start3A_1342, %dma_start3A_1343] : memref<2x320x64xf32, #tpu.memory_space<vmem>> -> memref<1x64x64xf32, #tpu.memory_space<vmem>>
        %dma_start3A_1345 = tpu.memref_squeeze %dma_start3A_1344 : memref<1x64x64xf32, #tpu.memory_space<vmem>> -> memref<64x64xf32, #tpu.memory_space<vmem>>
        %dma_start3A_1346 = arith.constant 0 : i32
        %dma_start3A_1347 = tpu.memref_slice %arg6[%dma_start3A_1338, %dma_start3A_1339, %dma_start3A_1346] : memref<2x5x64xi32, #tpu.memory_space<vmem>> -> memref<1x1x64xi32, #tpu.memory_space<vmem>>
        %dma_start3A_1348 = tpu.memref_squeeze %dma_start3A_1347 : memref<1x1x64xi32, #tpu.memory_space<vmem>> -> memref<64xi32, #tpu.memory_space<vmem>>
        %dma_start3A_1349 = arith.constant 0 : i32
        %dma_start3A_1350 = arith.constant 0 : i32
        %dma_start3A_1351 = tpu.memref_slice %arg3[%dma_start3A_1349, %dma_start3A_1350] : memref<2600000x64xf32, #tpu.memory_space<hbm>> -> memref<2600000x64xf32, #tpu.memory_space<hbm>>
        %dma_start3A_1352 = tpu.memref_slice %arg10[%dma_start3A_1341] : memref<2x!tpu.dma_semaphore, #tpu.memory_space<semaphore_mem>> -> memref<1x!tpu.dma_semaphore, #tpu.memory_space<semaphore_mem>>
        %dma_start3A_1353 = tpu.memref_squeeze %dma_start3A_1352 : memref<1x!tpu.dma_semaphore, #tpu.memory_space<semaphore_mem>> -> memref<!tpu.dma_semaphore, #tpu.memory_space<semaphore_mem>>
        tpu.enqueue_indirect_dma source(%dma_start3A_1351 : memref<2600000x64xf32, #tpu.memory_space<hbm>>) target(%dma_start3A_1345 : memref<64x64xf32, #tpu.memory_space<vmem>>) offsets(%dma_start3A_1348 : memref<64xi32, #tpu.memory_space<vmem>>) semaphore(%dma_start3A_1353 : memref<!tpu.dma_semaphore, #tpu.memory_space<semaphore_mem>>)
        %dma_start3A_1354 = arith.constant 0 : i32
        %dma_start3A_1355 = arith.constant 3 : i32
        %dma_start3A_1356 = arith.constant 0 : i32
        %dma_start3A_1357 = arith.constant 0 : i32
        %dma_start3A_1358 = arith.constant 192 : i32
        %dma_start3A_1359 = arith.constant 0 : i32
        %dma_start3A_1360 = tpu.memref_slice %arg7[%dma_start3A_1356, %dma_start3A_1358, %dma_start3A_1359] : memref<2x320x64xf32, #tpu.memory_space<vmem>> -> memref<1x64x64xf32, #tpu.memory_space<vmem>>
        %dma_start3A_1361 = tpu.memref_squeeze %dma_start3A_1360 : memref<1x64x64xf32, #tpu.memory_space<vmem>> -> memref<64x64xf32, #tpu.memory_space<vmem>>
        %dma_start3A_1362 = arith.constant 0 : i32
        %dma_start3A_1363 = tpu.memref_slice %arg6[%dma_start3A_1354, %dma_start3A_1355, %dma_start3A_1362] : memref<2x5x64xi32, #tpu.memory_space<vmem>> -> memref<1x1x64xi32, #tpu.memory_space<vmem>>
        %dma_start3A_1364 = tpu.memref_squeeze %dma_start3A_1363 : memref<1x1x64xi32, #tpu.memory_space<vmem>> -> memref<64xi32, #tpu.memory_space<vmem>>
        %dma_start3A_1365 = arith.constant 0 : i32
        %dma_start3A_1366 = arith.constant 0 : i32
        %dma_start3A_1367 = tpu.memref_slice %arg3[%dma_start3A_1365, %dma_start3A_1366] : memref<2600000x64xf32, #tpu.memory_space<hbm>> -> memref<2600000x64xf32, #tpu.memory_space<hbm>>
        %dma_start3A_1368 = tpu.memref_slice %arg10[%dma_start3A_1357] : memref<2x!tpu.dma_semaphore, #tpu.memory_space<semaphore_mem>> -> memref<1x!tpu.dma_semaphore, #tpu.memory_space<semaphore_mem>>
        %dma_start3A_1369 = tpu.memref_squeeze %dma_start3A_1368 : memref<1x!tpu.dma_semaphore, #tpu.memory_space<semaphore_mem>> -> memref<!tpu.dma_semaphore, #tpu.memory_space<semaphore_mem>>
        tpu.enqueue_indirect_dma source(%dma_start3A_1367 : memref<2600000x64xf32, #tpu.memory_space<hbm>>) target(%dma_start3A_1361 : memref<64x64xf32, #tpu.memory_space<vmem>>) offsets(%dma_start3A_1364 : memref<64xi32, #tpu.memory_space<vmem>>) semaphore(%dma_start3A_1369 : memref<!tpu.dma_semaphore, #tpu.memory_space<semaphore_mem>>)
        %dma_start3A_1370 = arith.constant 0 : i32
        %dma_start3A_1371 = arith.constant 4 : i32
        %dma_start3A_1372 = arith.constant 0 : i32
        %dma_start3A_1373 = arith.constant 0 : i32
        %dma_start3A_1374 = arith.constant 256 : i32
        %dma_start3A_1375 = arith.constant 0 : i32
        %dma_start3A_1376 = tpu.memref_slice %arg7[%dma_start3A_1372, %dma_start3A_1374, %dma_start3A_1375] : memref<2x320x64xf32, #tpu.memory_space<vmem>> -> memref<1x64x64xf32, #tpu.memory_space<vmem>>
        %dma_start3A_1377 = tpu.memref_squeeze %dma_start3A_1376 : memref<1x64x64xf32, #tpu.memory_space<vmem>> -> memref<64x64xf32, #tpu.memory_space<vmem>>
        %dma_start3A_1378 = arith.constant 0 : i32
        %dma_start3A_1379 = tpu.memref_slice %arg6[%dma_start3A_1370, %dma_start3A_1371, %dma_start3A_1378] : memref<2x5x64xi32, #tpu.memory_space<vmem>> -> memref<1x1x64xi32, #tpu.memory_space<vmem>>
        %dma_start3A_1380 = tpu.memref_squeeze %dma_start3A_1379 : memref<1x1x64xi32, #tpu.memory_space<vmem>> -> memref<64xi32, #tpu.memory_space<vmem>>
        %dma_start3A_1381 = arith.constant 0 : i32
        %dma_start3A_1382 = arith.constant 0 : i32
        %dma_start3A_1383 = tpu.memref_slice %arg3[%dma_start3A_1381, %dma_start3A_1382] : memref<2600000x64xf32, #tpu.memory_space<hbm>> -> memref<2600000x64xf32, #tpu.memory_space<hbm>>
        %dma_start3A_1384 = tpu.memref_slice %arg10[%dma_start3A_1373] : memref<2x!tpu.dma_semaphore, #tpu.memory_space<semaphore_mem>> -> memref<1x!tpu.dma_semaphore, #tpu.memory_space<semaphore_mem>>
        %dma_start3A_1385 = tpu.memref_squeeze %dma_start3A_1384 : memref<1x!tpu.dma_semaphore, #tpu.memory_space<semaphore_mem>> -> memref<!tpu.dma_semaphore, #tpu.memory_space<semaphore_mem>>
        tpu.enqueue_indirect_dma source(%dma_start3A_1383 : memref<2600000x64xf32, #tpu.memory_space<hbm>>) target(%dma_start3A_1377 : memref<64x64xf32, #tpu.memory_space<vmem>>) offsets(%dma_start3A_1380 : memref<64xi32, #tpu.memory_space<vmem>>) semaphore(%dma_start3A_1385 : memref<!tpu.dma_semaphore, #tpu.memory_space<semaphore_mem>>)
      } else {
      }
      %dma_wait3A_786 = arith.constant 1 : i32
      %dma_wait3A_787 = arith.constant 0 : i32
      %dma_wait3A_788 = arith.constant 1 : i32
      %dma_wait3A_789 = arith.constant 1 : i32
      %dma_wait3A_790 = arith.constant 0 : i32
      %dma_wait3A_791 = arith.constant 0 : i32
      %dma_wait3A_792 = tpu.memref_slice %arg7[%dma_wait3A_788, %dma_wait3A_790, %dma_wait3A_791] : memref<2x320x64xf32, #tpu.memory_space<vmem>> -> memref<1x64x64xf32, #tpu.memory_space<vmem>>
      %dma_wait3A_793 = tpu.memref_squeeze %dma_wait3A_792 : memref<1x64x64xf32, #tpu.memory_space<vmem>> -> memref<64x64xf32, #tpu.memory_space<vmem>>
      %dma_wait3A_794 = arith.constant 0 : i32
      %dma_wait3A_795 = tpu.memref_slice %arg6[%dma_wait3A_786, %dma_wait3A_787, %dma_wait3A_794] : memref<2x5x64xi32, #tpu.memory_space<vmem>> -> memref<1x1x64xi32, #tpu.memory_space<vmem>>
      %dma_wait3A_796 = tpu.memref_squeeze %dma_wait3A_795 : memref<1x1x64xi32, #tpu.memory_space<vmem>> -> memref<64xi32, #tpu.memory_space<vmem>>
      %dma_wait3A_797 = arith.constant 0 : i32
      %dma_wait3A_798 = arith.constant 0 : i32
      %dma_wait3A_799 = tpu.memref_slice %arg3[%dma_wait3A_797, %dma_wait3A_798] : memref<2600000x64xf32, #tpu.memory_space<hbm>> -> memref<2600000x64xf32, #tpu.memory_space<hbm>>
      %dma_wait3A_800 = tpu.memref_slice %arg10[%dma_wait3A_789] : memref<2x!tpu.dma_semaphore, #tpu.memory_space<semaphore_mem>> -> memref<1x!tpu.dma_semaphore, #tpu.memory_space<semaphore_mem>>
      %dma_wait3A_801 = tpu.memref_squeeze %dma_wait3A_800 : memref<1x!tpu.dma_semaphore, #tpu.memory_space<semaphore_mem>> -> memref<!tpu.dma_semaphore, #tpu.memory_space<semaphore_mem>>
      tpu.wait_indirect_dma semaphore(%dma_wait3A_801 : memref<!tpu.dma_semaphore, #tpu.memory_space<semaphore_mem>>) src(%dma_wait3A_799 : memref<2600000x64xf32, #tpu.memory_space<hbm>>) dst(%dma_wait3A_793 : memref<64x64xf32, #tpu.memory_space<vmem>>)
      %dma_wait3A_802 = arith.constant 1 : i32
      %dma_wait3A_803 = arith.constant 1 : i32
      %dma_wait3A_804 = arith.constant 1 : i32
      %dma_wait3A_805 = arith.constant 1 : i32
      %dma_wait3A_806 = arith.constant 64 : i32
      %dma_wait3A_807 = arith.constant 0 : i32
      %dma_wait3A_808 = tpu.memref_slice %arg7[%dma_wait3A_804, %dma_wait3A_806, %dma_wait3A_807] : memref<2x320x64xf32, #tpu.memory_space<vmem>> -> memref<1x64x64xf32, #tpu.memory_space<vmem>>
      %dma_wait3A_809 = tpu.memref_squeeze %dma_wait3A_808 : memref<1x64x64xf32, #tpu.memory_space<vmem>> -> memref<64x64xf32, #tpu.memory_space<vmem>>
      %dma_wait3A_810 = arith.constant 0 : i32
      %dma_wait3A_811 = tpu.memref_slice %arg6[%dma_wait3A_802, %dma_wait3A_803, %dma_wait3A_810] : memref<2x5x64xi32, #tpu.memory_space<vmem>> -> memref<1x1x64xi32, #tpu.memory_space<vmem>>
      %dma_wait3A_812 = tpu.memref_squeeze %dma_wait3A_811 : memref<1x1x64xi32, #tpu.memory_space<vmem>> -> memref<64xi32, #tpu.memory_space<vmem>>
      %dma_wait3A_813 = arith.constant 0 : i32
      %dma_wait3A_814 = arith.constant 0 : i32
      %dma_wait3A_815 = tpu.memref_slice %arg3[%dma_wait3A_813, %dma_wait3A_814] : memref<2600000x64xf32, #tpu.memory_space<hbm>> -> memref<2600000x64xf32, #tpu.memory_space<hbm>>
      %dma_wait3A_816 = tpu.memref_slice %arg10[%dma_wait3A_805] : memref<2x!tpu.dma_semaphore, #tpu.memory_space<semaphore_mem>> -> memref<1x!tpu.dma_semaphore, #tpu.memory_space<semaphore_mem>>
      %dma_wait3A_817 = tpu.memref_squeeze %dma_wait3A_816 : memref<1x!tpu.dma_semaphore, #tpu.memory_space<semaphore_mem>> -> memref<!tpu.dma_semaphore, #tpu.memory_space<semaphore_mem>>
      tpu.wait_indirect_dma semaphore(%dma_wait3A_817 : memref<!tpu.dma_semaphore, #tpu.memory_space<semaphore_mem>>) src(%dma_wait3A_815 : memref<2600000x64xf32, #tpu.memory_space<hbm>>) dst(%dma_wait3A_809 : memref<64x64xf32, #tpu.memory_space<vmem>>)
      %dma_wait3A_818 = arith.constant 1 : i32
      %dma_wait3A_819 = arith.constant 2 : i32
      %dma_wait3A_820 = arith.constant 1 : i32
      %dma_wait3A_821 = arith.constant 1 : i32
      %dma_wait3A_822 = arith.constant 128 : i32
      %dma_wait3A_823 = arith.constant 0 : i32
      %dma_wait3A_824 = tpu.memref_slice %arg7[%dma_wait3A_820, %dma_wait3A_822, %dma_wait3A_823] : memref<2x320x64xf32, #tpu.memory_space<vmem>> -> memref<1x64x64xf32, #tpu.memory_space<vmem>>
      %dma_wait3A_825 = tpu.memref_squeeze %dma_wait3A_824 : memref<1x64x64xf32, #tpu.memory_space<vmem>> -> memref<64x64xf32, #tpu.memory_space<vmem>>
      %dma_wait3A_826 = arith.constant 0 : i32
      %dma_wait3A_827 = tpu.memref_slice %arg6[%dma_wait3A_818, %dma_wait3A_819, %dma_wait3A_826] : memref<2x5x64xi32, #tpu.memory_space<vmem>> -> memref<1x1x64xi32, #tpu.memory_space<vmem>>
      %dma_wait3A_828 = tpu.memref_squeeze %dma_wait3A_827 : memref<1x1x64xi32, #tpu.memory_space<vmem>> -> memref<64xi32, #tpu.memory_space<vmem>>
      %dma_wait3A_829 = arith.constant 0 : i32
      %dma_wait3A_830 = arith.constant 0 : i32
      %dma_wait3A_831 = tpu.memref_slice %arg3[%dma_wait3A_829, %dma_wait3A_830] : memref<2600000x64xf32, #tpu.memory_space<hbm>> -> memref<2600000x64xf32, #tpu.memory_space<hbm>>
      %dma_wait3A_832 = tpu.memref_slice %arg10[%dma_wait3A_821] : memref<2x!tpu.dma_semaphore, #tpu.memory_space<semaphore_mem>> -> memref<1x!tpu.dma_semaphore, #tpu.memory_space<semaphore_mem>>
      %dma_wait3A_833 = tpu.memref_squeeze %dma_wait3A_832 : memref<1x!tpu.dma_semaphore, #tpu.memory_space<semaphore_mem>> -> memref<!tpu.dma_semaphore, #tpu.memory_space<semaphore_mem>>
      tpu.wait_indirect_dma semaphore(%dma_wait3A_833 : memref<!tpu.dma_semaphore, #tpu.memory_space<semaphore_mem>>) src(%dma_wait3A_831 : memref<2600000x64xf32, #tpu.memory_space<hbm>>) dst(%dma_wait3A_825 : memref<64x64xf32, #tpu.memory_space<vmem>>)
      %dma_wait3A_834 = arith.constant 1 : i32
      %dma_wait3A_835 = arith.constant 3 : i32
      %dma_wait3A_836 = arith.constant 1 : i32
      %dma_wait3A_837 = arith.constant 1 : i32
      %dma_wait3A_838 = arith.constant 192 : i32
      %dma_wait3A_839 = arith.constant 0 : i32
      %dma_wait3A_840 = tpu.memref_slice %arg7[%dma_wait3A_836, %dma_wait3A_838, %dma_wait3A_839] : memref<2x320x64xf32, #tpu.memory_space<vmem>> -> memref<1x64x64xf32, #tpu.memory_space<vmem>>
      %dma_wait3A_841 = tpu.memref_squeeze %dma_wait3A_840 : memref<1x64x64xf32, #tpu.memory_space<vmem>> -> memref<64x64xf32, #tpu.memory_space<vmem>>
      %dma_wait3A_842 = arith.constant 0 : i32
      %dma_wait3A_843 = tpu.memref_slice %arg6[%dma_wait3A_834, %dma_wait3A_835, %dma_wait3A_842] : memref<2x5x64xi32, #tpu.memory_space<vmem>> -> memref<1x1x64xi32, #tpu.memory_space<vmem>>
      %dma_wait3A_844 = tpu.memref_squeeze %dma_wait3A_843 : memref<1x1x64xi32, #tpu.memory_space<vmem>> -> memref<64xi32, #tpu.memory_space<vmem>>
      %dma_wait3A_845 = arith.constant 0 : i32
      %dma_wait3A_846 = arith.constant 0 : i32
      %dma_wait3A_847 = tpu.memref_slice %arg3[%dma_wait3A_845, %dma_wait3A_846] : memref<2600000x64xf32, #tpu.memory_space<hbm>> -> memref<2600000x64xf32, #tpu.memory_space<hbm>>
      %dma_wait3A_848 = tpu.memref_slice %arg10[%dma_wait3A_837] : memref<2x!tpu.dma_semaphore, #tpu.memory_space<semaphore_mem>> -> memref<1x!tpu.dma_semaphore, #tpu.memory_space<semaphore_mem>>
      %dma_wait3A_849 = tpu.memref_squeeze %dma_wait3A_848 : memref<1x!tpu.dma_semaphore, #tpu.memory_space<semaphore_mem>> -> memref<!tpu.dma_semaphore, #tpu.memory_space<semaphore_mem>>
      tpu.wait_indirect_dma semaphore(%dma_wait3A_849 : memref<!tpu.dma_semaphore, #tpu.memory_space<semaphore_mem>>) src(%dma_wait3A_847 : memref<2600000x64xf32, #tpu.memory_space<hbm>>) dst(%dma_wait3A_841 : memref<64x64xf32, #tpu.memory_space<vmem>>)
      %dma_wait3A_850 = arith.constant 1 : i32
      %dma_wait3A_851 = arith.constant 4 : i32
      %dma_wait3A_852 = arith.constant 1 : i32
      %dma_wait3A_853 = arith.constant 1 : i32
      %dma_wait3A_854 = arith.constant 256 : i32
      %dma_wait3A_855 = arith.constant 0 : i32
      %dma_wait3A_856 = tpu.memref_slice %arg7[%dma_wait3A_852, %dma_wait3A_854, %dma_wait3A_855] : memref<2x320x64xf32, #tpu.memory_space<vmem>> -> memref<1x64x64xf32, #tpu.memory_space<vmem>>
      %dma_wait3A_857 = tpu.memref_squeeze %dma_wait3A_856 : memref<1x64x64xf32, #tpu.memory_space<vmem>> -> memref<64x64xf32, #tpu.memory_space<vmem>>
      %dma_wait3A_858 = arith.constant 0 : i32
      %dma_wait3A_859 = tpu.memref_slice %arg6[%dma_wait3A_850, %dma_wait3A_851, %dma_wait3A_858] : memref<2x5x64xi32, #tpu.memory_space<vmem>> -> memref<1x1x64xi32, #tpu.memory_space<vmem>>
      %dma_wait3A_860 = tpu.memref_squeeze %dma_wait3A_859 : memref<1x1x64xi32, #tpu.memory_space<vmem>> -> memref<64xi32, #tpu.memory_space<vmem>>
      %dma_wait3A_861 = arith.constant 0 : i32
      %dma_wait3A_862 = arith.constant 0 : i32
      %dma_wait3A_863 = tpu.memref_slice %arg3[%dma_wait3A_861, %dma_wait3A_862] : memref<2600000x64xf32, #tpu.memory_space<hbm>> -> memref<2600000x64xf32, #tpu.memory_space<hbm>>
      %dma_wait3A_864 = tpu.memref_slice %arg10[%dma_wait3A_853] : memref<2x!tpu.dma_semaphore, #tpu.memory_space<semaphore_mem>> -> memref<1x!tpu.dma_semaphore, #tpu.memory_space<semaphore_mem>>
      %dma_wait3A_865 = tpu.memref_squeeze %dma_wait3A_864 : memref<1x!tpu.dma_semaphore, #tpu.memory_space<semaphore_mem>> -> memref<!tpu.dma_semaphore, #tpu.memory_space<semaphore_mem>>
      tpu.wait_indirect_dma semaphore(%dma_wait3A_865 : memref<!tpu.dma_semaphore, #tpu.memory_space<semaphore_mem>>) src(%dma_wait3A_863 : memref<2600000x64xf32, #tpu.memory_space<hbm>>) dst(%dma_wait3A_857 : memref<64x64xf32, #tpu.memory_space<vmem>>)
      %ge3A_866 = arith.constant 2 : i32
      %ge3A_867 = arith.cmpi sge, %add3A_776, %ge3A_866 : i32
      %convert_element_type3A_868 = arith.extui %ge3A_867 : i1 to i32
      %cond3A_869 = arith.constant 0 : i32
      %cond3A_870 = arith.cmpi ne, %convert_element_type3A_868, %cond3A_869 : i32
      scf.if %cond3A_870 {
        %sub3A_923 = arith.constant 2 : i32
        %sub3A_924 = arith.subi %add3A_776, %sub3A_923 : i32
        %mul3A_925 = arith.constant 16 : i32
        %mul3A_926 = arith.muli %sub3A_924, %mul3A_925 : i32
        %add3A_927 = arith.addi %mul3A_2, %mul3A_926 : i32
        %jit3A_928 = arith.constant 4096 : i32
        %div3A_929 = arith.divsi %add3A_927, %jit3A_928 : i32
        %sign3A_930 = arith.constant 0 : i32
        %sign3A_931 = arith.cmpi sgt, %add3A_927, %sign3A_930 : i32
        %sign3A_932 = arith.extui %sign3A_931 : i1 to i32
        %sign3A_933 = arith.constant 0 : i32
        %sign3A_934 = arith.cmpi slt, %add3A_927, %sign3A_933 : i32
        %sign3A_935 = arith.extui %sign3A_934 : i1 to i32
        %sign3A_936 = arith.subi %sign3A_932, %sign3A_935 : i32
        %sign3A_937 = arith.constant 0 : i32
        %sign3A_938 = arith.cmpi sgt, %jit3A_928, %sign3A_937 : i32
        %sign3A_939 = arith.extui %sign3A_938 : i1 to i32
        %sign3A_940 = arith.constant 0 : i32
        %sign3A_941 = arith.cmpi slt, %jit3A_928, %sign3A_940 : i32
        %sign3A_942 = arith.extui %sign3A_941 : i1 to i32
        %sign3A_943 = arith.subi %sign3A_939, %sign3A_942 : i32
        %ne3A_944 = arith.cmpi ne, %sign3A_936, %sign3A_943 : i32
        %rem3A_945 = arith.remsi %add3A_927, %jit3A_928 : i32
        %ne3A_946 = arith.constant 0 : i32
        %ne3A_947 = arith.cmpi ne, %rem3A_945, %ne3A_946 : i32
        %and3A_948 = arith.andi %ne3A_944, %ne3A_947 : i1
        %sub3A_949 = arith.constant 1 : i32
        %sub3A_950 = arith.subi %div3A_929, %sub3A_949 : i32
        %select_n3A_951 = arith.select %and3A_948, %sub3A_950, %div3A_929 : i32
        %mul3A_952 = arith.constant 4096 : i32
        %mul3A_953 = arith.muli %select_n3A_951, %mul3A_952 : i32
        %sub3A_954 = arith.subi %add3A_927, %mul3A_953 : i32
        %mul3A_955 = arith.constant 64 : i32
        %mul3A_956 = arith.muli %select_n3A_951, %mul3A_955 : i32
        %dma_wait3A_957 = arith.constant 1 : i32
        %dma_wait3A_958 = arith.constant 1 : i32
        %dma_wait3A_959 = arith.constant 0 : i32
        %dma_wait3A_960 = arith.constant 0 : i32
        %dma_wait3A_961 = tpu.memref_slice %arg8[%dma_wait3A_957, %dma_wait3A_959, %dma_wait3A_960] : memref<2x16x64xf32, #tpu.memory_space<vmem>> -> memref<1x16x64xf32, #tpu.memory_space<vmem>>
        %dma_wait3A_962 = tpu.memref_squeeze %dma_wait3A_961 : memref<1x16x64xf32, #tpu.memory_space<vmem>> -> memref<16x64xf32, #tpu.memory_space<vmem>>
        %dma_wait3A_963 = tpu.memref_slice %arg4[%sub3A_954, %mul3A_956] : memref<4096x1664xf32, #tpu.memory_space<hbm>> -> memref<16x64xf32, #tpu.memory_space<hbm>>
        %dma_wait3A_964 = tpu.memref_slice %arg11[%dma_wait3A_958] : memref<2x!tpu.dma_semaphore, #tpu.memory_space<semaphore_mem>> -> memref<1x!tpu.dma_semaphore, #tpu.memory_space<semaphore_mem>>
        %dma_wait3A_965 = tpu.memref_squeeze %dma_wait3A_964 : memref<1x!tpu.dma_semaphore, #tpu.memory_space<semaphore_mem>> -> memref<!tpu.dma_semaphore, #tpu.memory_space<semaphore_mem>>
        %dma_wait3A_966 = tpu.memref_slice %arg4[%sub3A_954, %mul3A_956] : memref<4096x1664xf32, #tpu.memory_space<hbm>> -> memref<16x64xf32, #tpu.memory_space<hbm>>
        %dma_wait3A_967 = arith.constant 0 : i32
        %dma_wait3A_968 = arith.constant 0 : i32
        %dma_wait3A_969 = tpu.memref_slice %arg8[%dma_wait3A_957, %dma_wait3A_967, %dma_wait3A_968] : memref<2x16x64xf32, #tpu.memory_space<vmem>> -> memref<1x16x64xf32, #tpu.memory_space<vmem>>
        %dma_wait3A_970 = tpu.memref_squeeze %dma_wait3A_969 : memref<1x16x64xf32, #tpu.memory_space<vmem>> -> memref<16x64xf32, #tpu.memory_space<vmem>>
        tpu.wait_dma2 semaphore(%dma_wait3A_965 : memref<!tpu.dma_semaphore, #tpu.memory_space<semaphore_mem>>) src(%dma_wait3A_970 : memref<16x64xf32, #tpu.memory_space<vmem>>) dst(%dma_wait3A_966 : memref<16x64xf32, #tpu.memory_space<hbm>>)
      } else {
      }
      %scan3A_871 = arith.constant 0 : i32
      %scan3A_872 = arith.constant 0 : i32
      %scan3A_873 = arith.constant 16 : i32
      %scan3A_874 = arith.addi %scan3A_872, %scan3A_873 : i32
      %scan3A_875 = arith.constant 1 : i32
      scf.for %scan3A_923 = %scan3A_872 to %scan3A_874 step %scan3A_875  : i32 {
        %mul3A_924 = arith.constant 20 : i32
        %mul3A_925 = arith.muli %scan3A_923, %mul3A_924 : i32
        %get3A_926 = arith.constant 1 : i32
        %get3A_927 = arith.index_cast %get3A_926 : i32 to index
        %get3A_928 = arith.index_cast %mul3A_925 : i32 to index
        %get3A_929 = arith.constant 0 : index
        %get3A_930 = tpu.vector_load %arg7[%get3A_927, %get3A_928, %get3A_929] {strides = array<i32>} : memref<2x320x64xf32, #tpu.memory_space<vmem>>, vector<1x1x16xf32>,
        %get3A_931 = vector.shape_cast %get3A_930 : vector<1x1x16xf32> to vector<16xf32>
        %mul3A_932 = arith.constant 20 : i32
        %mul3A_933 = arith.muli %scan3A_923, %mul3A_932 : i32
        %add3A_934 = arith.constant 1 : i32
        %add3A_935 = arith.addi %mul3A_933, %add3A_934 : i32
        %get3A_936 = arith.constant 1 : i32
        %get3A_937 = arith.index_cast %get3A_936 : i32 to index
        %get3A_938 = arith.index_cast %add3A_935 : i32 to index
        %get3A_939 = arith.constant 0 : index
        %get3A_940 = tpu.vector_load %arg7[%get3A_937, %get3A_938, %get3A_939] {strides = array<i32>} : memref<2x320x64xf32, #tpu.memory_space<vmem>>, vector<1x1x16xf32>,
        %get3A_941 = vector.shape_cast %get3A_940 : vector<1x1x16xf32> to vector<16xf32>
        %add3A_942 = arith.addf %get3A_931, %get3A_941 : vector<16xf32>
        %mul3A_943 = arith.constant 20 : i32
        %mul3A_944 = arith.muli %scan3A_923, %mul3A_943 : i32
        %add3A_945 = arith.constant 2 : i32
        %add3A_946 = arith.addi %mul3A_944, %add3A_945 : i32
        %get3A_947 = arith.constant 1 : i32
        %get3A_948 = arith.index_cast %get3A_947 : i32 to index
        %get3A_949 = arith.index_cast %add3A_946 : i32 to index
        %get3A_950 = arith.constant 0 : index
        %get3A_951 = tpu.vector_load %arg7[%get3A_948, %get3A_949, %get3A_950] {strides = array<i32>} : memref<2x320x64xf32, #tpu.memory_space<vmem>>, vector<1x1x16xf32>,
        %get3A_952 = vector.shape_cast %get3A_951 : vector<1x1x16xf32> to vector<16xf32>
        %add3A_953 = arith.addf %add3A_942, %get3A_952 : vector<16xf32>
        %mul3A_954 = arith.constant 20 : i32
        %mul3A_955 = arith.muli %scan3A_923, %mul3A_954 : i32
        %add3A_956 = arith.constant 3 : i32
        %add3A_957 = arith.addi %mul3A_955, %add3A_956 : i32
        %get3A_958 = arith.constant 1 : i32
        %get3A_959 = arith.index_cast %get3A_958 : i32 to index
        %get3A_960 = arith.index_cast %add3A_957 : i32 to index
        %get3A_961 = arith.constant 0 : index
        %get3A_962 = tpu.vector_load %arg7[%get3A_959, %get3A_960, %get3A_961] {strides = array<i32>} : memref<2x320x64xf32, #tpu.memory_space<vmem>>, vector<1x1x16xf32>,
        %get3A_963 = vector.shape_cast %get3A_962 : vector<1x1x16xf32> to vector<16xf32>
        %add3A_964 = arith.addf %add3A_953, %get3A_963 : vector<16xf32>
        %mul3A_965 = arith.constant 20 : i32
        %mul3A_966 = arith.muli %scan3A_923, %mul3A_965 : i32
        %add3A_967 = arith.constant 4 : i32
        %add3A_968 = arith.addi %mul3A_966, %add3A_967 : i32
        %get3A_969 = arith.constant 1 : i32
        %get3A_970 = arith.index_cast %get3A_969 : i32 to index
        %get3A_971 = arith.index_cast %add3A_968 : i32 to index
        %get3A_972 = arith.constant 0 : index
        %get3A_973 = tpu.vector_load %arg7[%get3A_970, %get3A_971, %get3A_972] {strides = array<i32>} : memref<2x320x64xf32, #tpu.memory_space<vmem>>, vector<1x1x16xf32>,
        %get3A_974 = vector.shape_cast %get3A_973 : vector<1x1x16xf32> to vector<16xf32>
        %add3A_975 = arith.addf %add3A_964, %get3A_974 : vector<16xf32>
        %mul3A_976 = arith.constant 20 : i32
        %mul3A_977 = arith.muli %scan3A_923, %mul3A_976 : i32
        %add3A_978 = arith.constant 5 : i32
        %add3A_979 = arith.addi %mul3A_977, %add3A_978 : i32
        %get3A_980 = arith.constant 1 : i32
        %get3A_981 = arith.index_cast %get3A_980 : i32 to index
        %get3A_982 = arith.index_cast %add3A_979 : i32 to index
        %get3A_983 = arith.constant 0 : index
        %get3A_984 = tpu.vector_load %arg7[%get3A_981, %get3A_982, %get3A_983] {strides = array<i32>} : memref<2x320x64xf32, #tpu.memory_space<vmem>>, vector<1x1x16xf32>,
        %get3A_985 = vector.shape_cast %get3A_984 : vector<1x1x16xf32> to vector<16xf32>
        %add3A_986 = arith.addf %add3A_975, %get3A_985 : vector<16xf32>
        %mul3A_987 = arith.constant 20 : i32
        %mul3A_988 = arith.muli %scan3A_923, %mul3A_987 : i32
        %add3A_989 = arith.constant 6 : i32
        %add3A_990 = arith.addi %mul3A_988, %add3A_989 : i32
        %get3A_991 = arith.constant 1 : i32
        %get3A_992 = arith.index_cast %get3A_991 : i32 to index
        %get3A_993 = arith.index_cast %add3A_990 : i32 to index
        %get3A_994 = arith.constant 0 : index
        %get3A_995 = tpu.vector_load %arg7[%get3A_992, %get3A_993, %get3A_994] {strides = array<i32>} : memref<2x320x64xf32, #tpu.memory_space<vmem>>, vector<1x1x16xf32>,
        %get3A_996 = vector.shape_cast %get3A_995 : vector<1x1x16xf32> to vector<16xf32>
        %add3A_997 = arith.addf %add3A_986, %get3A_996 : vector<16xf32>
        %mul3A_998 = arith.constant 20 : i32
        %mul3A_999 = arith.muli %scan3A_923, %mul3A_998 : i32
        %add3A_1000 = arith.constant 7 : i32
        %add3A_1001 = arith.addi %mul3A_999, %add3A_1000 : i32
        %get3A_1002 = arith.constant 1 : i32
        %get3A_1003 = arith.index_cast %get3A_1002 : i32 to index
        %get3A_1004 = arith.index_cast %add3A_1001 : i32 to index
        %get3A_1005 = arith.constant 0 : index
        %get3A_1006 = tpu.vector_load %arg7[%get3A_1003, %get3A_1004, %get3A_1005] {strides = array<i32>} : memref<2x320x64xf32, #tpu.memory_space<vmem>>, vector<1x1x16xf32>,
        %get3A_1007 = vector.shape_cast %get3A_1006 : vector<1x1x16xf32> to vector<16xf32>
        %add3A_1008 = arith.addf %add3A_997, %get3A_1007 : vector<16xf32>
        %mul3A_1009 = arith.constant 20 : i32
        %mul3A_1010 = arith.muli %scan3A_923, %mul3A_1009 : i32
        %add3A_1011 = arith.constant 8 : i32
        %add3A_1012 = arith.addi %mul3A_1010, %add3A_1011 : i32
        %get3A_1013 = arith.constant 1 : i32
        %get3A_1014 = arith.index_cast %get3A_1013 : i32 to index
        %get3A_1015 = arith.index_cast %add3A_1012 : i32 to index
        %get3A_1016 = arith.constant 0 : index
        %get3A_1017 = tpu.vector_load %arg7[%get3A_1014, %get3A_1015, %get3A_1016] {strides = array<i32>} : memref<2x320x64xf32, #tpu.memory_space<vmem>>, vector<1x1x16xf32>,
        %get3A_1018 = vector.shape_cast %get3A_1017 : vector<1x1x16xf32> to vector<16xf32>
        %add3A_1019 = arith.addf %add3A_1008, %get3A_1018 : vector<16xf32>
        %mul3A_1020 = arith.constant 20 : i32
        %mul3A_1021 = arith.muli %scan3A_923, %mul3A_1020 : i32
        %add3A_1022 = arith.constant 9 : i32
        %add3A_1023 = arith.addi %mul3A_1021, %add3A_1022 : i32
        %get3A_1024 = arith.constant 1 : i32
        %get3A_1025 = arith.index_cast %get3A_1024 : i32 to index
        %get3A_1026 = arith.index_cast %add3A_1023 : i32 to index
        %get3A_1027 = arith.constant 0 : index
        %get3A_1028 = tpu.vector_load %arg7[%get3A_1025, %get3A_1026, %get3A_1027] {strides = array<i32>} : memref<2x320x64xf32, #tpu.memory_space<vmem>>, vector<1x1x16xf32>,
        %get3A_1029 = vector.shape_cast %get3A_1028 : vector<1x1x16xf32> to vector<16xf32>
        %add3A_1030 = arith.addf %add3A_1019, %get3A_1029 : vector<16xf32>
        %mul3A_1031 = arith.constant 20 : i32
        %mul3A_1032 = arith.muli %scan3A_923, %mul3A_1031 : i32
        %add3A_1033 = arith.constant 10 : i32
        %add3A_1034 = arith.addi %mul3A_1032, %add3A_1033 : i32
        %get3A_1035 = arith.constant 1 : i32
        %get3A_1036 = arith.index_cast %get3A_1035 : i32 to index
        %get3A_1037 = arith.index_cast %add3A_1034 : i32 to index
        %get3A_1038 = arith.constant 0 : index
        %get3A_1039 = tpu.vector_load %arg7[%get3A_1036, %get3A_1037, %get3A_1038] {strides = array<i32>} : memref<2x320x64xf32, #tpu.memory_space<vmem>>, vector<1x1x16xf32>,
        %get3A_1040 = vector.shape_cast %get3A_1039 : vector<1x1x16xf32> to vector<16xf32>
        %add3A_1041 = arith.addf %add3A_1030, %get3A_1040 : vector<16xf32>
        %mul3A_1042 = arith.constant 20 : i32
        %mul3A_1043 = arith.muli %scan3A_923, %mul3A_1042 : i32
        %add3A_1044 = arith.constant 11 : i32
        %add3A_1045 = arith.addi %mul3A_1043, %add3A_1044 : i32
        %get3A_1046 = arith.constant 1 : i32
        %get3A_1047 = arith.index_cast %get3A_1046 : i32 to index
        %get3A_1048 = arith.index_cast %add3A_1045 : i32 to index
        %get3A_1049 = arith.constant 0 : index
        %get3A_1050 = tpu.vector_load %arg7[%get3A_1047, %get3A_1048, %get3A_1049] {strides = array<i32>} : memref<2x320x64xf32, #tpu.memory_space<vmem>>, vector<1x1x16xf32>,
        %get3A_1051 = vector.shape_cast %get3A_1050 : vector<1x1x16xf32> to vector<16xf32>
        %add3A_1052 = arith.addf %add3A_1041, %get3A_1051 : vector<16xf32>
        %mul3A_1053 = arith.constant 20 : i32
        %mul3A_1054 = arith.muli %scan3A_923, %mul3A_1053 : i32
        %add3A_1055 = arith.constant 12 : i32
        %add3A_1056 = arith.addi %mul3A_1054, %add3A_1055 : i32
        %get3A_1057 = arith.constant 1 : i32
        %get3A_1058 = arith.index_cast %get3A_1057 : i32 to index
        %get3A_1059 = arith.index_cast %add3A_1056 : i32 to index
        %get3A_1060 = arith.constant 0 : index
        %get3A_1061 = tpu.vector_load %arg7[%get3A_1058, %get3A_1059, %get3A_1060] {strides = array<i32>} : memref<2x320x64xf32, #tpu.memory_space<vmem>>, vector<1x1x16xf32>,
        %get3A_1062 = vector.shape_cast %get3A_1061 : vector<1x1x16xf32> to vector<16xf32>
        %add3A_1063 = arith.addf %add3A_1052, %get3A_1062 : vector<16xf32>
        %mul3A_1064 = arith.constant 20 : i32
        %mul3A_1065 = arith.muli %scan3A_923, %mul3A_1064 : i32
        %add3A_1066 = arith.constant 13 : i32
        %add3A_1067 = arith.addi %mul3A_1065, %add3A_1066 : i32
        %get3A_1068 = arith.constant 1 : i32
        %get3A_1069 = arith.index_cast %get3A_1068 : i32 to index
        %get3A_1070 = arith.index_cast %add3A_1067 : i32 to index
        %get3A_1071 = arith.constant 0 : index
        %get3A_1072 = tpu.vector_load %arg7[%get3A_1069, %get3A_1070, %get3A_1071] {strides = array<i32>} : memref<2x320x64xf32, #tpu.memory_space<vmem>>, vector<1x1x16xf32>,
        %get3A_1073 = vector.shape_cast %get3A_1072 : vector<1x1x16xf32> to vector<16xf32>
        %add3A_1074 = arith.addf %add3A_1063, %get3A_1073 : vector<16xf32>
        %mul3A_1075 = arith.constant 20 : i32
        %mul3A_1076 = arith.muli %scan3A_923, %mul3A_1075 : i32
        %add3A_1077 = arith.constant 14 : i32
        %add3A_1078 = arith.addi %mul3A_1076, %add3A_1077 : i32
        %get3A_1079 = arith.constant 1 : i32
        %get3A_1080 = arith.index_cast %get3A_1079 : i32 to index
        %get3A_1081 = arith.index_cast %add3A_1078 : i32 to index
        %get3A_1082 = arith.constant 0 : index
        %get3A_1083 = tpu.vector_load %arg7[%get3A_1080, %get3A_1081, %get3A_1082] {strides = array<i32>} : memref<2x320x64xf32, #tpu.memory_space<vmem>>, vector<1x1x16xf32>,
        %get3A_1084 = vector.shape_cast %get3A_1083 : vector<1x1x16xf32> to vector<16xf32>
        %add3A_1085 = arith.addf %add3A_1074, %get3A_1084 : vector<16xf32>
        %mul3A_1086 = arith.constant 20 : i32
        %mul3A_1087 = arith.muli %scan3A_923, %mul3A_1086 : i32
        %add3A_1088 = arith.constant 15 : i32
        %add3A_1089 = arith.addi %mul3A_1087, %add3A_1088 : i32
        %get3A_1090 = arith.constant 1 : i32
        %get3A_1091 = arith.index_cast %get3A_1090 : i32 to index
        %get3A_1092 = arith.index_cast %add3A_1089 : i32 to index
        %get3A_1093 = arith.constant 0 : index
        %get3A_1094 = tpu.vector_load %arg7[%get3A_1091, %get3A_1092, %get3A_1093] {strides = array<i32>} : memref<2x320x64xf32, #tpu.memory_space<vmem>>, vector<1x1x16xf32>,
        %get3A_1095 = vector.shape_cast %get3A_1094 : vector<1x1x16xf32> to vector<16xf32>
        %add3A_1096 = arith.addf %add3A_1085, %get3A_1095 : vector<16xf32>
        %mul3A_1097 = arith.constant 20 : i32
        %mul3A_1098 = arith.muli %scan3A_923, %mul3A_1097 : i32
        %add3A_1099 = arith.constant 16 : i32
        %add3A_1100 = arith.addi %mul3A_1098, %add3A_1099 : i32
        %get3A_1101 = arith.constant 1 : i32
        %get3A_1102 = arith.index_cast %get3A_1101 : i32 to index
        %get3A_1103 = arith.index_cast %add3A_1100 : i32 to index
        %get3A_1104 = arith.constant 0 : index
        %get3A_1105 = tpu.vector_load %arg7[%get3A_1102, %get3A_1103, %get3A_1104] {strides = array<i32>} : memref<2x320x64xf32, #tpu.memory_space<vmem>>, vector<1x1x16xf32>,
        %get3A_1106 = vector.shape_cast %get3A_1105 : vector<1x1x16xf32> to vector<16xf32>
        %add3A_1107 = arith.addf %add3A_1096, %get3A_1106 : vector<16xf32>
        %mul3A_1108 = arith.constant 20 : i32
        %mul3A_1109 = arith.muli %scan3A_923, %mul3A_1108 : i32
        %add3A_1110 = arith.constant 17 : i32
        %add3A_1111 = arith.addi %mul3A_1109, %add3A_1110 : i32
        %get3A_1112 = arith.constant 1 : i32
        %get3A_1113 = arith.index_cast %get3A_1112 : i32 to index
        %get3A_1114 = arith.index_cast %add3A_1111 : i32 to index
        %get3A_1115 = arith.constant 0 : index
        %get3A_1116 = tpu.vector_load %arg7[%get3A_1113, %get3A_1114, %get3A_1115] {strides = array<i32>} : memref<2x320x64xf32, #tpu.memory_space<vmem>>, vector<1x1x16xf32>,
        %get3A_1117 = vector.shape_cast %get3A_1116 : vector<1x1x16xf32> to vector<16xf32>
        %add3A_1118 = arith.addf %add3A_1107, %get3A_1117 : vector<16xf32>
        %mul3A_1119 = arith.constant 20 : i32
        %mul3A_1120 = arith.muli %scan3A_923, %mul3A_1119 : i32
        %add3A_1121 = arith.constant 18 : i32
        %add3A_1122 = arith.addi %mul3A_1120, %add3A_1121 : i32
        %get3A_1123 = arith.constant 1 : i32
        %get3A_1124 = arith.index_cast %get3A_1123 : i32 to index
        %get3A_1125 = arith.index_cast %add3A_1122 : i32 to index
        %get3A_1126 = arith.constant 0 : index
        %get3A_1127 = tpu.vector_load %arg7[%get3A_1124, %get3A_1125, %get3A_1126] {strides = array<i32>} : memref<2x320x64xf32, #tpu.memory_space<vmem>>, vector<1x1x16xf32>,
        %get3A_1128 = vector.shape_cast %get3A_1127 : vector<1x1x16xf32> to vector<16xf32>
        %add3A_1129 = arith.addf %add3A_1118, %get3A_1128 : vector<16xf32>
        %mul3A_1130 = arith.constant 20 : i32
        %mul3A_1131 = arith.muli %scan3A_923, %mul3A_1130 : i32
        %add3A_1132 = arith.constant 19 : i32
        %add3A_1133 = arith.addi %mul3A_1131, %add3A_1132 : i32
        %get3A_1134 = arith.constant 1 : i32
        %get3A_1135 = arith.index_cast %get3A_1134 : i32 to index
        %get3A_1136 = arith.index_cast %add3A_1133 : i32 to index
        %get3A_1137 = arith.constant 0 : index
        %get3A_1138 = tpu.vector_load %arg7[%get3A_1135, %get3A_1136, %get3A_1137] {strides = array<i32>} : memref<2x320x64xf32, #tpu.memory_space<vmem>>, vector<1x1x16xf32>,
        %get3A_1139 = vector.shape_cast %get3A_1138 : vector<1x1x16xf32> to vector<16xf32>
        %add3A_1140 = arith.addf %add3A_1129, %get3A_1139 : vector<16xf32>
        %swap3A_1141 = arith.constant 1 : i32
        %swap3A_1142 = arith.index_cast %swap3A_1141 : i32 to index
        %swap3A_1143 = arith.index_cast %scan3A_923 : i32 to index
        %swap3A_1144 = arith.constant 0 : index
        %swap3A_1145 = tpu.vector_load %arg8[%swap3A_1142, %swap3A_1143, %swap3A_1144] {strides = array<i32>} : memref<2x16x64xf32, #tpu.memory_space<vmem>>, vector<1x1x16xf32>,
        %swap3A_1146 = vector.shape_cast %swap3A_1145 : vector<1x1x16xf32> to vector<16xf32>
        %swap3A_1147 = vector.shape_cast %add3A_1140 : vector<16xf32> to vector<1x1x16xf32>
        tpu.vector_store %arg8[%swap3A_1142, %swap3A_1143, %swap3A_1144], %swap3A_1147 {strides = array<i32>} : memref<2x16x64xf32, #tpu.memory_space<vmem>>, vector<1x1x16xf32>,
        %mul3A_1148 = arith.constant 20 : i32
        %mul3A_1149 = arith.muli %scan3A_923, %mul3A_1148 : i32
        %get3A_1150 = arith.constant 1 : i32
        %get3A_1151 = arith.index_cast %get3A_1150 : i32 to index
        %get3A_1152 = arith.index_cast %mul3A_1149 : i32 to index
        %get3A_1153 = arith.constant 16 : index
        %get3A_1154 = tpu.vector_load %arg7[%get3A_1151, %get3A_1152, %get3A_1153] {strides = array<i32>} : memref<2x320x64xf32, #tpu.memory_space<vmem>>, vector<1x1x16xf32>,
        %get3A_1155 = vector.shape_cast %get3A_1154 : vector<1x1x16xf32> to vector<16xf32>
        %mul3A_1156 = arith.constant 20 : i32
        %mul3A_1157 = arith.muli %scan3A_923, %mul3A_1156 : i32
        %add3A_1158 = arith.constant 1 : i32
        %add3A_1159 = arith.addi %mul3A_1157, %add3A_1158 : i32
        %get3A_1160 = arith.constant 1 : i32
        %get3A_1161 = arith.index_cast %get3A_1160 : i32 to index
        %get3A_1162 = arith.index_cast %add3A_1159 : i32 to index
        %get3A_1163 = arith.constant 16 : index
        %get3A_1164 = tpu.vector_load %arg7[%get3A_1161, %get3A_1162, %get3A_1163] {strides = array<i32>} : memref<2x320x64xf32, #tpu.memory_space<vmem>>, vector<1x1x16xf32>,
        %get3A_1165 = vector.shape_cast %get3A_1164 : vector<1x1x16xf32> to vector<16xf32>
        %add3A_1166 = arith.addf %get3A_1155, %get3A_1165 : vector<16xf32>
        %mul3A_1167 = arith.constant 20 : i32
        %mul3A_1168 = arith.muli %scan3A_923, %mul3A_1167 : i32
        %add3A_1169 = arith.constant 2 : i32
        %add3A_1170 = arith.addi %mul3A_1168, %add3A_1169 : i32
        %get3A_1171 = arith.constant 1 : i32
        %get3A_1172 = arith.index_cast %get3A_1171 : i32 to index
        %get3A_1173 = arith.index_cast %add3A_1170 : i32 to index
        %get3A_1174 = arith.constant 16 : index
        %get3A_1175 = tpu.vector_load %arg7[%get3A_1172, %get3A_1173, %get3A_1174] {strides = array<i32>} : memref<2x320x64xf32, #tpu.memory_space<vmem>>, vector<1x1x16xf32>,
        %get3A_1176 = vector.shape_cast %get3A_1175 : vector<1x1x16xf32> to vector<16xf32>
        %add3A_1177 = arith.addf %add3A_1166, %get3A_1176 : vector<16xf32>
        %mul3A_1178 = arith.constant 20 : i32
        %mul3A_1179 = arith.muli %scan3A_923, %mul3A_1178 : i32
        %add3A_1180 = arith.constant 3 : i32
        %add3A_1181 = arith.addi %mul3A_1179, %add3A_1180 : i32
        %get3A_1182 = arith.constant 1 : i32
        %get3A_1183 = arith.index_cast %get3A_1182 : i32 to index
        %get3A_1184 = arith.index_cast %add3A_1181 : i32 to index
        %get3A_1185 = arith.constant 16 : index
        %get3A_1186 = tpu.vector_load %arg7[%get3A_1183, %get3A_1184, %get3A_1185] {strides = array<i32>} : memref<2x320x64xf32, #tpu.memory_space<vmem>>, vector<1x1x16xf32>,
        %get3A_1187 = vector.shape_cast %get3A_1186 : vector<1x1x16xf32> to vector<16xf32>
        %add3A_1188 = arith.addf %add3A_1177, %get3A_1187 : vector<16xf32>
        %mul3A_1189 = arith.constant 20 : i32
        %mul3A_1190 = arith.muli %scan3A_923, %mul3A_1189 : i32
        %add3A_1191 = arith.constant 4 : i32
        %add3A_1192 = arith.addi %mul3A_1190, %add3A_1191 : i32
        %get3A_1193 = arith.constant 1 : i32
        %get3A_1194 = arith.index_cast %get3A_1193 : i32 to index
        %get3A_1195 = arith.index_cast %add3A_1192 : i32 to index
        %get3A_1196 = arith.constant 16 : index
        %get3A_1197 = tpu.vector_load %arg7[%get3A_1194, %get3A_1195, %get3A_1196] {strides = array<i32>} : memref<2x320x64xf32, #tpu.memory_space<vmem>>, vector<1x1x16xf32>,
        %get3A_1198 = vector.shape_cast %get3A_1197 : vector<1x1x16xf32> to vector<16xf32>
        %add3A_1199 = arith.addf %add3A_1188, %get3A_1198 : vector<16xf32>
        %mul3A_1200 = arith.constant 20 : i32
        %mul3A_1201 = arith.muli %scan3A_923, %mul3A_1200 : i32
        %add3A_1202 = arith.constant 5 : i32
        %add3A_1203 = arith.addi %mul3A_1201, %add3A_1202 : i32
        %get3A_1204 = arith.constant 1 : i32
        %get3A_1205 = arith.index_cast %get3A_1204 : i32 to index
        %get3A_1206 = arith.index_cast %add3A_1203 : i32 to index
        %get3A_1207 = arith.constant 16 : index
        %get3A_1208 = tpu.vector_load %arg7[%get3A_1205, %get3A_1206, %get3A_1207] {strides = array<i32>} : memref<2x320x64xf32, #tpu.memory_space<vmem>>, vector<1x1x16xf32>,
        %get3A_1209 = vector.shape_cast %get3A_1208 : vector<1x1x16xf32> to vector<16xf32>
        %add3A_1210 = arith.addf %add3A_1199, %get3A_1209 : vector<16xf32>
        %mul3A_1211 = arith.constant 20 : i32
        %mul3A_1212 = arith.muli %scan3A_923, %mul3A_1211 : i32
        %add3A_1213 = arith.constant 6 : i32
        %add3A_1214 = arith.addi %mul3A_1212, %add3A_1213 : i32
        %get3A_1215 = arith.constant 1 : i32
        %get3A_1216 = arith.index_cast %get3A_1215 : i32 to index
        %get3A_1217 = arith.index_cast %add3A_1214 : i32 to index
        %get3A_1218 = arith.constant 16 : index
        %get3A_1219 = tpu.vector_load %arg7[%get3A_1216, %get3A_1217, %get3A_1218] {strides = array<i32>} : memref<2x320x64xf32, #tpu.memory_space<vmem>>, vector<1x1x16xf32>,
        %get3A_1220 = vector.shape_cast %get3A_1219 : vector<1x1x16xf32> to vector<16xf32>
        %add3A_1221 = arith.addf %add3A_1210, %get3A_1220 : vector<16xf32>
        %mul3A_1222 = arith.constant 20 : i32
        %mul3A_1223 = arith.muli %scan3A_923, %mul3A_1222 : i32
        %add3A_1224 = arith.constant 7 : i32
        %add3A_1225 = arith.addi %mul3A_1223, %add3A_1224 : i32
        %get3A_1226 = arith.constant 1 : i32
        %get3A_1227 = arith.index_cast %get3A_1226 : i32 to index
        %get3A_1228 = arith.index_cast %add3A_1225 : i32 to index
        %get3A_1229 = arith.constant 16 : index
        %get3A_1230 = tpu.vector_load %arg7[%get3A_1227, %get3A_1228, %get3A_1229] {strides = array<i32>} : memref<2x320x64xf32, #tpu.memory_space<vmem>>, vector<1x1x16xf32>,
        %get3A_1231 = vector.shape_cast %get3A_1230 : vector<1x1x16xf32> to vector<16xf32>
        %add3A_1232 = arith.addf %add3A_1221, %get3A_1231 : vector<16xf32>
        %mul3A_1233 = arith.constant 20 : i32
        %mul3A_1234 = arith.muli %scan3A_923, %mul3A_1233 : i32
        %add3A_1235 = arith.constant 8 : i32
        %add3A_1236 = arith.addi %mul3A_1234, %add3A_1235 : i32
        %get3A_1237 = arith.constant 1 : i32
        %get3A_1238 = arith.index_cast %get3A_1237 : i32 to index
        %get3A_1239 = arith.index_cast %add3A_1236 : i32 to index
        %get3A_1240 = arith.constant 16 : index
        %get3A_1241 = tpu.vector_load %arg7[%get3A_1238, %get3A_1239, %get3A_1240] {strides = array<i32>} : memref<2x320x64xf32, #tpu.memory_space<vmem>>, vector<1x1x16xf32>,
        %get3A_1242 = vector.shape_cast %get3A_1241 : vector<1x1x16xf32> to vector<16xf32>
        %add3A_1243 = arith.addf %add3A_1232, %get3A_1242 : vector<16xf32>
        %mul3A_1244 = arith.constant 20 : i32
        %mul3A_1245 = arith.muli %scan3A_923, %mul3A_1244 : i32
        %add3A_1246 = arith.constant 9 : i32
        %add3A_1247 = arith.addi %mul3A_1245, %add3A_1246 : i32
        %get3A_1248 = arith.constant 1 : i32
        %get3A_1249 = arith.index_cast %get3A_1248 : i32 to index
        %get3A_1250 = arith.index_cast %add3A_1247 : i32 to index
        %get3A_1251 = arith.constant 16 : index
        %get3A_1252 = tpu.vector_load %arg7[%get3A_1249, %get3A_1250, %get3A_1251] {strides = array<i32>} : memref<2x320x64xf32, #tpu.memory_space<vmem>>, vector<1x1x16xf32>,
        %get3A_1253 = vector.shape_cast %get3A_1252 : vector<1x1x16xf32> to vector<16xf32>
        %add3A_1254 = arith.addf %add3A_1243, %get3A_1253 : vector<16xf32>
        %mul3A_1255 = arith.constant 20 : i32
        %mul3A_1256 = arith.muli %scan3A_923, %mul3A_1255 : i32
        %add3A_1257 = arith.constant 10 : i32
        %add3A_1258 = arith.addi %mul3A_1256, %add3A_1257 : i32
        %get3A_1259 = arith.constant 1 : i32
        %get3A_1260 = arith.index_cast %get3A_1259 : i32 to index
        %get3A_1261 = arith.index_cast %add3A_1258 : i32 to index
        %get3A_1262 = arith.constant 16 : index
        %get3A_1263 = tpu.vector_load %arg7[%get3A_1260, %get3A_1261, %get3A_1262] {strides = array<i32>} : memref<2x320x64xf32, #tpu.memory_space<vmem>>, vector<1x1x16xf32>,
        %get3A_1264 = vector.shape_cast %get3A_1263 : vector<1x1x16xf32> to vector<16xf32>
        %add3A_1265 = arith.addf %add3A_1254, %get3A_1264 : vector<16xf32>
        %mul3A_1266 = arith.constant 20 : i32
        %mul3A_1267 = arith.muli %scan3A_923, %mul3A_1266 : i32
        %add3A_1268 = arith.constant 11 : i32
        %add3A_1269 = arith.addi %mul3A_1267, %add3A_1268 : i32
        %get3A_1270 = arith.constant 1 : i32
        %get3A_1271 = arith.index_cast %get3A_1270 : i32 to index
        %get3A_1272 = arith.index_cast %add3A_1269 : i32 to index
        %get3A_1273 = arith.constant 16 : index
        %get3A_1274 = tpu.vector_load %arg7[%get3A_1271, %get3A_1272, %get3A_1273] {strides = array<i32>} : memref<2x320x64xf32, #tpu.memory_space<vmem>>, vector<1x1x16xf32>,
        %get3A_1275 = vector.shape_cast %get3A_1274 : vector<1x1x16xf32> to vector<16xf32>
        %add3A_1276 = arith.addf %add3A_1265, %get3A_1275 : vector<16xf32>
        %mul3A_1277 = arith.constant 20 : i32
        %mul3A_1278 = arith.muli %scan3A_923, %mul3A_1277 : i32
        %add3A_1279 = arith.constant 12 : i32
        %add3A_1280 = arith.addi %mul3A_1278, %add3A_1279 : i32
        %get3A_1281 = arith.constant 1 : i32
        %get3A_1282 = arith.index_cast %get3A_1281 : i32 to index
        %get3A_1283 = arith.index_cast %add3A_1280 : i32 to index
        %get3A_1284 = arith.constant 16 : index
        %get3A_1285 = tpu.vector_load %arg7[%get3A_1282, %get3A_1283, %get3A_1284] {strides = array<i32>} : memref<2x320x64xf32, #tpu.memory_space<vmem>>, vector<1x1x16xf32>,
        %get3A_1286 = vector.shape_cast %get3A_1285 : vector<1x1x16xf32> to vector<16xf32>
        %add3A_1287 = arith.addf %add3A_1276, %get3A_1286 : vector<16xf32>
        %mul3A_1288 = arith.constant 20 : i32
        %mul3A_1289 = arith.muli %scan3A_923, %mul3A_1288 : i32
        %add3A_1290 = arith.constant 13 : i32
        %add3A_1291 = arith.addi %mul3A_1289, %add3A_1290 : i32
        %get3A_1292 = arith.constant 1 : i32
        %get3A_1293 = arith.index_cast %get3A_1292 : i32 to index
        %get3A_1294 = arith.index_cast %add3A_1291 : i32 to index
        %get3A_1295 = arith.constant 16 : index
        %get3A_1296 = tpu.vector_load %arg7[%get3A_1293, %get3A_1294, %get3A_1295] {strides = array<i32>} : memref<2x320x64xf32, #tpu.memory_space<vmem>>, vector<1x1x16xf32>,
        %get3A_1297 = vector.shape_cast %get3A_1296 : vector<1x1x16xf32> to vector<16xf32>
        %add3A_1298 = arith.addf %add3A_1287, %get3A_1297 : vector<16xf32>
        %mul3A_1299 = arith.constant 20 : i32
        %mul3A_1300 = arith.muli %scan3A_923, %mul3A_1299 : i32
        %add3A_1301 = arith.constant 14 : i32
        %add3A_1302 = arith.addi %mul3A_1300, %add3A_1301 : i32
        %get3A_1303 = arith.constant 1 : i32
        %get3A_1304 = arith.index_cast %get3A_1303 : i32 to index
        %get3A_1305 = arith.index_cast %add3A_1302 : i32 to index
        %get3A_1306 = arith.constant 16 : index
        %get3A_1307 = tpu.vector_load %arg7[%get3A_1304, %get3A_1305, %get3A_1306] {strides = array<i32>} : memref<2x320x64xf32, #tpu.memory_space<vmem>>, vector<1x1x16xf32>,
        %get3A_1308 = vector.shape_cast %get3A_1307 : vector<1x1x16xf32> to vector<16xf32>
        %add3A_1309 = arith.addf %add3A_1298, %get3A_1308 : vector<16xf32>
        %mul3A_1310 = arith.constant 20 : i32
        %mul3A_1311 = arith.muli %scan3A_923, %mul3A_1310 : i32
        %add3A_1312 = arith.constant 15 : i32
        %add3A_1313 = arith.addi %mul3A_1311, %add3A_1312 : i32
        %get3A_1314 = arith.constant 1 : i32
        %get3A_1315 = arith.index_cast %get3A_1314 : i32 to index
        %get3A_1316 = arith.index_cast %add3A_1313 : i32 to index
        %get3A_1317 = arith.constant 16 : index
        %get3A_1318 = tpu.vector_load %arg7[%get3A_1315, %get3A_1316, %get3A_1317] {strides = array<i32>} : memref<2x320x64xf32, #tpu.memory_space<vmem>>, vector<1x1x16xf32>,
        %get3A_1319 = vector.shape_cast %get3A_1318 : vector<1x1x16xf32> to vector<16xf32>
        %add3A_1320 = arith.addf %add3A_1309, %get3A_1319 : vector<16xf32>
        %mul3A_1321 = arith.constant 20 : i32
        %mul3A_1322 = arith.muli %scan3A_923, %mul3A_1321 : i32
        %add3A_1323 = arith.constant 16 : i32
        %add3A_1324 = arith.addi %mul3A_1322, %add3A_1323 : i32
        %get3A_1325 = arith.constant 1 : i32
        %get3A_1326 = arith.index_cast %get3A_1325 : i32 to index
        %get3A_1327 = arith.index_cast %add3A_1324 : i32 to index
        %get3A_1328 = arith.constant 16 : index
        %get3A_1329 = tpu.vector_load %arg7[%get3A_1326, %get3A_1327, %get3A_1328] {strides = array<i32>} : memref<2x320x64xf32, #tpu.memory_space<vmem>>, vector<1x1x16xf32>,
        %get3A_1330 = vector.shape_cast %get3A_1329 : vector<1x1x16xf32> to vector<16xf32>
        %add3A_1331 = arith.addf %add3A_1320, %get3A_1330 : vector<16xf32>
        %mul3A_1332 = arith.constant 20 : i32
        %mul3A_1333 = arith.muli %scan3A_923, %mul3A_1332 : i32
        %add3A_1334 = arith.constant 17 : i32
        %add3A_1335 = arith.addi %mul3A_1333, %add3A_1334 : i32
        %get3A_1336 = arith.constant 1 : i32
        %get3A_1337 = arith.index_cast %get3A_1336 : i32 to index
        %get3A_1338 = arith.index_cast %add3A_1335 : i32 to index
        %get3A_1339 = arith.constant 16 : index
        %get3A_1340 = tpu.vector_load %arg7[%get3A_1337, %get3A_1338, %get3A_1339] {strides = array<i32>} : memref<2x320x64xf32, #tpu.memory_space<vmem>>, vector<1x1x16xf32>,
        %get3A_1341 = vector.shape_cast %get3A_1340 : vector<1x1x16xf32> to vector<16xf32>
        %add3A_1342 = arith.addf %add3A_1331, %get3A_1341 : vector<16xf32>
        %mul3A_1343 = arith.constant 20 : i32
        %mul3A_1344 = arith.muli %scan3A_923, %mul3A_1343 : i32
        %add3A_1345 = arith.constant 18 : i32
        %add3A_1346 = arith.addi %mul3A_1344, %add3A_1345 : i32
        %get3A_1347 = arith.constant 1 : i32
        %get3A_1348 = arith.index_cast %get3A_1347 : i32 to index
        %get3A_1349 = arith.index_cast %add3A_1346 : i32 to index
        %get3A_1350 = arith.constant 16 : index
        %get3A_1351 = tpu.vector_load %arg7[%get3A_1348, %get3A_1349, %get3A_1350] {strides = array<i32>} : memref<2x320x64xf32, #tpu.memory_space<vmem>>, vector<1x1x16xf32>,
        %get3A_1352 = vector.shape_cast %get3A_1351 : vector<1x1x16xf32> to vector<16xf32>
        %add3A_1353 = arith.addf %add3A_1342, %get3A_1352 : vector<16xf32>
        %mul3A_1354 = arith.constant 20 : i32
        %mul3A_1355 = arith.muli %scan3A_923, %mul3A_1354 : i32
        %add3A_1356 = arith.constant 19 : i32
        %add3A_1357 = arith.addi %mul3A_1355, %add3A_1356 : i32
        %get3A_1358 = arith.constant 1 : i32
        %get3A_1359 = arith.index_cast %get3A_1358 : i32 to index
        %get3A_1360 = arith.index_cast %add3A_1357 : i32 to index
        %get3A_1361 = arith.constant 16 : index
        %get3A_1362 = tpu.vector_load %arg7[%get3A_1359, %get3A_1360, %get3A_1361] {strides = array<i32>} : memref<2x320x64xf32, #tpu.memory_space<vmem>>, vector<1x1x16xf32>,
        %get3A_1363 = vector.shape_cast %get3A_1362 : vector<1x1x16xf32> to vector<16xf32>
        %add3A_1364 = arith.addf %add3A_1353, %get3A_1363 : vector<16xf32>
        %swap3A_1365 = arith.constant 1 : i32
        %swap3A_1366 = arith.index_cast %swap3A_1365 : i32 to index
        %swap3A_1367 = arith.index_cast %scan3A_923 : i32 to index
        %swap3A_1368 = arith.constant 16 : index
        %swap3A_1369 = tpu.vector_load %arg8[%swap3A_1366, %swap3A_1367, %swap3A_1368] {strides = array<i32>} : memref<2x16x64xf32, #tpu.memory_space<vmem>>, vector<1x1x16xf32>,
        %swap3A_1370 = vector.shape_cast %swap3A_1369 : vector<1x1x16xf32> to vector<16xf32>
        %swap3A_1371 = vector.shape_cast %add3A_1364 : vector<16xf32> to vector<1x1x16xf32>
        tpu.vector_store %arg8[%swap3A_1366, %swap3A_1367, %swap3A_1368], %swap3A_1371 {strides = array<i32>} : memref<2x16x64xf32, #tpu.memory_space<vmem>>, vector<1x1x16xf32>,
        %mul3A_1372 = arith.constant 20 : i32
        %mul3A_1373 = arith.muli %scan3A_923, %mul3A_1372 : i32
        %get3A_1374 = arith.constant 1 : i32
        %get3A_1375 = arith.index_cast %get3A_1374 : i32 to index
        %get3A_1376 = arith.index_cast %mul3A_1373 : i32 to index
        %get3A_1377 = arith.constant 32 : index
        %get3A_1378 = tpu.vector_load %arg7[%get3A_1375, %get3A_1376, %get3A_1377] {strides = array<i32>} : memref<2x320x64xf32, #tpu.memory_space<vmem>>, vector<1x1x16xf32>,
        %get3A_1379 = vector.shape_cast %get3A_1378 : vector<1x1x16xf32> to vector<16xf32>
        %mul3A_1380 = arith.constant 20 : i32
        %mul3A_1381 = arith.muli %scan3A_923, %mul3A_1380 : i32
        %add3A_1382 = arith.constant 1 : i32
        %add3A_1383 = arith.addi %mul3A_1381, %add3A_1382 : i32
        %get3A_1384 = arith.constant 1 : i32
        %get3A_1385 = arith.index_cast %get3A_1384 : i32 to index
        %get3A_1386 = arith.index_cast %add3A_1383 : i32 to index
        %get3A_1387 = arith.constant 32 : index
        %get3A_1388 = tpu.vector_load %arg7[%get3A_1385, %get3A_1386, %get3A_1387] {strides = array<i32>} : memref<2x320x64xf32, #tpu.memory_space<vmem>>, vector<1x1x16xf32>,
        %get3A_1389 = vector.shape_cast %get3A_1388 : vector<1x1x16xf32> to vector<16xf32>
        %add3A_1390 = arith.addf %get3A_1379, %get3A_1389 : vector<16xf32>
        %mul3A_1391 = arith.constant 20 : i32
        %mul3A_1392 = arith.muli %scan3A_923, %mul3A_1391 : i32
        %add3A_1393 = arith.constant 2 : i32
        %add3A_1394 = arith.addi %mul3A_1392, %add3A_1393 : i32
        %get3A_1395 = arith.constant 1 : i32
        %get3A_1396 = arith.index_cast %get3A_1395 : i32 to index
        %get3A_1397 = arith.index_cast %add3A_1394 : i32 to index
        %get3A_1398 = arith.constant 32 : index
        %get3A_1399 = tpu.vector_load %arg7[%get3A_1396, %get3A_1397, %get3A_1398] {strides = array<i32>} : memref<2x320x64xf32, #tpu.memory_space<vmem>>, vector<1x1x16xf32>,
        %get3A_1400 = vector.shape_cast %get3A_1399 : vector<1x1x16xf32> to vector<16xf32>
        %add3A_1401 = arith.addf %add3A_1390, %get3A_1400 : vector<16xf32>
        %mul3A_1402 = arith.constant 20 : i32
        %mul3A_1403 = arith.muli %scan3A_923, %mul3A_1402 : i32
        %add3A_1404 = arith.constant 3 : i32
        %add3A_1405 = arith.addi %mul3A_1403, %add3A_1404 : i32
        %get3A_1406 = arith.constant 1 : i32
        %get3A_1407 = arith.index_cast %get3A_1406 : i32 to index
        %get3A_1408 = arith.index_cast %add3A_1405 : i32 to index
        %get3A_1409 = arith.constant 32 : index
        %get3A_1410 = tpu.vector_load %arg7[%get3A_1407, %get3A_1408, %get3A_1409] {strides = array<i32>} : memref<2x320x64xf32, #tpu.memory_space<vmem>>, vector<1x1x16xf32>,
        %get3A_1411 = vector.shape_cast %get3A_1410 : vector<1x1x16xf32> to vector<16xf32>
        %add3A_1412 = arith.addf %add3A_1401, %get3A_1411 : vector<16xf32>
        %mul3A_1413 = arith.constant 20 : i32
        %mul3A_1414 = arith.muli %scan3A_923, %mul3A_1413 : i32
        %add3A_1415 = arith.constant 4 : i32
        %add3A_1416 = arith.addi %mul3A_1414, %add3A_1415 : i32
        %get3A_1417 = arith.constant 1 : i32
        %get3A_1418 = arith.index_cast %get3A_1417 : i32 to index
        %get3A_1419 = arith.index_cast %add3A_1416 : i32 to index
        %get3A_1420 = arith.constant 32 : index
        %get3A_1421 = tpu.vector_load %arg7[%get3A_1418, %get3A_1419, %get3A_1420] {strides = array<i32>} : memref<2x320x64xf32, #tpu.memory_space<vmem>>, vector<1x1x16xf32>,
        %get3A_1422 = vector.shape_cast %get3A_1421 : vector<1x1x16xf32> to vector<16xf32>
        %add3A_1423 = arith.addf %add3A_1412, %get3A_1422 : vector<16xf32>
        %mul3A_1424 = arith.constant 20 : i32
        %mul3A_1425 = arith.muli %scan3A_923, %mul3A_1424 : i32
        %add3A_1426 = arith.constant 5 : i32
        %add3A_1427 = arith.addi %mul3A_1425, %add3A_1426 : i32
        %get3A_1428 = arith.constant 1 : i32
        %get3A_1429 = arith.index_cast %get3A_1428 : i32 to index
        %get3A_1430 = arith.index_cast %add3A_1427 : i32 to index
        %get3A_1431 = arith.constant 32 : index
        %get3A_1432 = tpu.vector_load %arg7[%get3A_1429, %get3A_1430, %get3A_1431] {strides = array<i32>} : memref<2x320x64xf32, #tpu.memory_space<vmem>>, vector<1x1x16xf32>,
        %get3A_1433 = vector.shape_cast %get3A_1432 : vector<1x1x16xf32> to vector<16xf32>
        %add3A_1434 = arith.addf %add3A_1423, %get3A_1433 : vector<16xf32>
        %mul3A_1435 = arith.constant 20 : i32
        %mul3A_1436 = arith.muli %scan3A_923, %mul3A_1435 : i32
        %add3A_1437 = arith.constant 6 : i32
        %add3A_1438 = arith.addi %mul3A_1436, %add3A_1437 : i32
        %get3A_1439 = arith.constant 1 : i32
        %get3A_1440 = arith.index_cast %get3A_1439 : i32 to index
        %get3A_1441 = arith.index_cast %add3A_1438 : i32 to index
        %get3A_1442 = arith.constant 32 : index
        %get3A_1443 = tpu.vector_load %arg7[%get3A_1440, %get3A_1441, %get3A_1442] {strides = array<i32>} : memref<2x320x64xf32, #tpu.memory_space<vmem>>, vector<1x1x16xf32>,
        %get3A_1444 = vector.shape_cast %get3A_1443 : vector<1x1x16xf32> to vector<16xf32>
        %add3A_1445 = arith.addf %add3A_1434, %get3A_1444 : vector<16xf32>
        %mul3A_1446 = arith.constant 20 : i32
        %mul3A_1447 = arith.muli %scan3A_923, %mul3A_1446 : i32
        %add3A_1448 = arith.constant 7 : i32
        %add3A_1449 = arith.addi %mul3A_1447, %add3A_1448 : i32
        %get3A_1450 = arith.constant 1 : i32
        %get3A_1451 = arith.index_cast %get3A_1450 : i32 to index
        %get3A_1452 = arith.index_cast %add3A_1449 : i32 to index
        %get3A_1453 = arith.constant 32 : index
        %get3A_1454 = tpu.vector_load %arg7[%get3A_1451, %get3A_1452, %get3A_1453] {strides = array<i32>} : memref<2x320x64xf32, #tpu.memory_space<vmem>>, vector<1x1x16xf32>,
        %get3A_1455 = vector.shape_cast %get3A_1454 : vector<1x1x16xf32> to vector<16xf32>
        %add3A_1456 = arith.addf %add3A_1445, %get3A_1455 : vector<16xf32>
        %mul3A_1457 = arith.constant 20 : i32
        %mul3A_1458 = arith.muli %scan3A_923, %mul3A_1457 : i32
        %add3A_1459 = arith.constant 8 : i32
        %add3A_1460 = arith.addi %mul3A_1458, %add3A_1459 : i32
        %get3A_1461 = arith.constant 1 : i32
        %get3A_1462 = arith.index_cast %get3A_1461 : i32 to index
        %get3A_1463 = arith.index_cast %add3A_1460 : i32 to index
        %get3A_1464 = arith.constant 32 : index
        %get3A_1465 = tpu.vector_load %arg7[%get3A_1462, %get3A_1463, %get3A_1464] {strides = array<i32>} : memref<2x320x64xf32, #tpu.memory_space<vmem>>, vector<1x1x16xf32>,
        %get3A_1466 = vector.shape_cast %get3A_1465 : vector<1x1x16xf32> to vector<16xf32>
        %add3A_1467 = arith.addf %add3A_1456, %get3A_1466 : vector<16xf32>
        %mul3A_1468 = arith.constant 20 : i32
        %mul3A_1469 = arith.muli %scan3A_923, %mul3A_1468 : i32
        %add3A_1470 = arith.constant 9 : i32
        %add3A_1471 = arith.addi %mul3A_1469, %add3A_1470 : i32
        %get3A_1472 = arith.constant 1 : i32
        %get3A_1473 = arith.index_cast %get3A_1472 : i32 to index
        %get3A_1474 = arith.index_cast %add3A_1471 : i32 to index
        %get3A_1475 = arith.constant 32 : index
        %get3A_1476 = tpu.vector_load %arg7[%get3A_1473, %get3A_1474, %get3A_1475] {strides = array<i32>} : memref<2x320x64xf32, #tpu.memory_space<vmem>>, vector<1x1x16xf32>,
        %get3A_1477 = vector.shape_cast %get3A_1476 : vector<1x1x16xf32> to vector<16xf32>
        %add3A_1478 = arith.addf %add3A_1467, %get3A_1477 : vector<16xf32>
        %mul3A_1479 = arith.constant 20 : i32
        %mul3A_1480 = arith.muli %scan3A_923, %mul3A_1479 : i32
        %add3A_1481 = arith.constant 10 : i32
        %add3A_1482 = arith.addi %mul3A_1480, %add3A_1481 : i32
        %get3A_1483 = arith.constant 1 : i32
        %get3A_1484 = arith.index_cast %get3A_1483 : i32 to index
        %get3A_1485 = arith.index_cast %add3A_1482 : i32 to index
        %get3A_1486 = arith.constant 32 : index
        %get3A_1487 = tpu.vector_load %arg7[%get3A_1484, %get3A_1485, %get3A_1486] {strides = array<i32>} : memref<2x320x64xf32, #tpu.memory_space<vmem>>, vector<1x1x16xf32>,
        %get3A_1488 = vector.shape_cast %get3A_1487 : vector<1x1x16xf32> to vector<16xf32>
        %add3A_1489 = arith.addf %add3A_1478, %get3A_1488 : vector<16xf32>
        %mul3A_1490 = arith.constant 20 : i32
        %mul3A_1491 = arith.muli %scan3A_923, %mul3A_1490 : i32
        %add3A_1492 = arith.constant 11 : i32
        %add3A_1493 = arith.addi %mul3A_1491, %add3A_1492 : i32
        %get3A_1494 = arith.constant 1 : i32
        %get3A_1495 = arith.index_cast %get3A_1494 : i32 to index
        %get3A_1496 = arith.index_cast %add3A_1493 : i32 to index
        %get3A_1497 = arith.constant 32 : index
        %get3A_1498 = tpu.vector_load %arg7[%get3A_1495, %get3A_1496, %get3A_1497] {strides = array<i32>} : memref<2x320x64xf32, #tpu.memory_space<vmem>>, vector<1x1x16xf32>,
        %get3A_1499 = vector.shape_cast %get3A_1498 : vector<1x1x16xf32> to vector<16xf32>
        %add3A_1500 = arith.addf %add3A_1489, %get3A_1499 : vector<16xf32>
        %mul3A_1501 = arith.constant 20 : i32
        %mul3A_1502 = arith.muli %scan3A_923, %mul3A_1501 : i32
        %add3A_1503 = arith.constant 12 : i32
        %add3A_1504 = arith.addi %mul3A_1502, %add3A_1503 : i32
        %get3A_1505 = arith.constant 1 : i32
        %get3A_1506 = arith.index_cast %get3A_1505 : i32 to index
        %get3A_1507 = arith.index_cast %add3A_1504 : i32 to index
        %get3A_1508 = arith.constant 32 : index
        %get3A_1509 = tpu.vector_load %arg7[%get3A_1506, %get3A_1507, %get3A_1508] {strides = array<i32>} : memref<2x320x64xf32, #tpu.memory_space<vmem>>, vector<1x1x16xf32>,
        %get3A_1510 = vector.shape_cast %get3A_1509 : vector<1x1x16xf32> to vector<16xf32>
        %add3A_1511 = arith.addf %add3A_1500, %get3A_1510 : vector<16xf32>
        %mul3A_1512 = arith.constant 20 : i32
        %mul3A_1513 = arith.muli %scan3A_923, %mul3A_1512 : i32
        %add3A_1514 = arith.constant 13 : i32
        %add3A_1515 = arith.addi %mul3A_1513, %add3A_1514 : i32
        %get3A_1516 = arith.constant 1 : i32
        %get3A_1517 = arith.index_cast %get3A_1516 : i32 to index
        %get3A_1518 = arith.index_cast %add3A_1515 : i32 to index
        %get3A_1519 = arith.constant 32 : index
        %get3A_1520 = tpu.vector_load %arg7[%get3A_1517, %get3A_1518, %get3A_1519] {strides = array<i32>} : memref<2x320x64xf32, #tpu.memory_space<vmem>>, vector<1x1x16xf32>,
        %get3A_1521 = vector.shape_cast %get3A_1520 : vector<1x1x16xf32> to vector<16xf32>
        %add3A_1522 = arith.addf %add3A_1511, %get3A_1521 : vector<16xf32>
        %mul3A_1523 = arith.constant 20 : i32
        %mul3A_1524 = arith.muli %scan3A_923, %mul3A_1523 : i32
        %add3A_1525 = arith.constant 14 : i32
        %add3A_1526 = arith.addi %mul3A_1524, %add3A_1525 : i32
        %get3A_1527 = arith.constant 1 : i32
        %get3A_1528 = arith.index_cast %get3A_1527 : i32 to index
        %get3A_1529 = arith.index_cast %add3A_1526 : i32 to index
        %get3A_1530 = arith.constant 32 : index
        %get3A_1531 = tpu.vector_load %arg7[%get3A_1528, %get3A_1529, %get3A_1530] {strides = array<i32>} : memref<2x320x64xf32, #tpu.memory_space<vmem>>, vector<1x1x16xf32>,
        %get3A_1532 = vector.shape_cast %get3A_1531 : vector<1x1x16xf32> to vector<16xf32>
        %add3A_1533 = arith.addf %add3A_1522, %get3A_1532 : vector<16xf32>
        %mul3A_1534 = arith.constant 20 : i32
        %mul3A_1535 = arith.muli %scan3A_923, %mul3A_1534 : i32
        %add3A_1536 = arith.constant 15 : i32
        %add3A_1537 = arith.addi %mul3A_1535, %add3A_1536 : i32
        %get3A_1538 = arith.constant 1 : i32
        %get3A_1539 = arith.index_cast %get3A_1538 : i32 to index
        %get3A_1540 = arith.index_cast %add3A_1537 : i32 to index
        %get3A_1541 = arith.constant 32 : index
        %get3A_1542 = tpu.vector_load %arg7[%get3A_1539, %get3A_1540, %get3A_1541] {strides = array<i32>} : memref<2x320x64xf32, #tpu.memory_space<vmem>>, vector<1x1x16xf32>,
        %get3A_1543 = vector.shape_cast %get3A_1542 : vector<1x1x16xf32> to vector<16xf32>
        %add3A_1544 = arith.addf %add3A_1533, %get3A_1543 : vector<16xf32>
        %mul3A_1545 = arith.constant 20 : i32
        %mul3A_1546 = arith.muli %scan3A_923, %mul3A_1545 : i32
        %add3A_1547 = arith.constant 16 : i32
        %add3A_1548 = arith.addi %mul3A_1546, %add3A_1547 : i32
        %get3A_1549 = arith.constant 1 : i32
        %get3A_1550 = arith.index_cast %get3A_1549 : i32 to index
        %get3A_1551 = arith.index_cast %add3A_1548 : i32 to index
        %get3A_1552 = arith.constant 32 : index
        %get3A_1553 = tpu.vector_load %arg7[%get3A_1550, %get3A_1551, %get3A_1552] {strides = array<i32>} : memref<2x320x64xf32, #tpu.memory_space<vmem>>, vector<1x1x16xf32>,
        %get3A_1554 = vector.shape_cast %get3A_1553 : vector<1x1x16xf32> to vector<16xf32>
        %add3A_1555 = arith.addf %add3A_1544, %get3A_1554 : vector<16xf32>
        %mul3A_1556 = arith.constant 20 : i32
        %mul3A_1557 = arith.muli %scan3A_923, %mul3A_1556 : i32
        %add3A_1558 = arith.constant 17 : i32
        %add3A_1559 = arith.addi %mul3A_1557, %add3A_1558 : i32
        %get3A_1560 = arith.constant 1 : i32
        %get3A_1561 = arith.index_cast %get3A_1560 : i32 to index
        %get3A_1562 = arith.index_cast %add3A_1559 : i32 to index
        %get3A_1563 = arith.constant 32 : index
        %get3A_1564 = tpu.vector_load %arg7[%get3A_1561, %get3A_1562, %get3A_1563] {strides = array<i32>} : memref<2x320x64xf32, #tpu.memory_space<vmem>>, vector<1x1x16xf32>,
        %get3A_1565 = vector.shape_cast %get3A_1564 : vector<1x1x16xf32> to vector<16xf32>
        %add3A_1566 = arith.addf %add3A_1555, %get3A_1565 : vector<16xf32>
        %mul3A_1567 = arith.constant 20 : i32
        %mul3A_1568 = arith.muli %scan3A_923, %mul3A_1567 : i32
        %add3A_1569 = arith.constant 18 : i32
        %add3A_1570 = arith.addi %mul3A_1568, %add3A_1569 : i32
        %get3A_1571 = arith.constant 1 : i32
        %get3A_1572 = arith.index_cast %get3A_1571 : i32 to index
        %get3A_1573 = arith.index_cast %add3A_1570 : i32 to index
        %get3A_1574 = arith.constant 32 : index
        %get3A_1575 = tpu.vector_load %arg7[%get3A_1572, %get3A_1573, %get3A_1574] {strides = array<i32>} : memref<2x320x64xf32, #tpu.memory_space<vmem>>, vector<1x1x16xf32>,
        %get3A_1576 = vector.shape_cast %get3A_1575 : vector<1x1x16xf32> to vector<16xf32>
        %add3A_1577 = arith.addf %add3A_1566, %get3A_1576 : vector<16xf32>
        %mul3A_1578 = arith.constant 20 : i32
        %mul3A_1579 = arith.muli %scan3A_923, %mul3A_1578 : i32
        %add3A_1580 = arith.constant 19 : i32
        %add3A_1581 = arith.addi %mul3A_1579, %add3A_1580 : i32
        %get3A_1582 = arith.constant 1 : i32
        %get3A_1583 = arith.index_cast %get3A_1582 : i32 to index
        %get3A_1584 = arith.index_cast %add3A_1581 : i32 to index
        %get3A_1585 = arith.constant 32 : index
        %get3A_1586 = tpu.vector_load %arg7[%get3A_1583, %get3A_1584, %get3A_1585] {strides = array<i32>} : memref<2x320x64xf32, #tpu.memory_space<vmem>>, vector<1x1x16xf32>,
        %get3A_1587 = vector.shape_cast %get3A_1586 : vector<1x1x16xf32> to vector<16xf32>
        %add3A_1588 = arith.addf %add3A_1577, %get3A_1587 : vector<16xf32>
        %swap3A_1589 = arith.constant 1 : i32
        %swap3A_1590 = arith.index_cast %swap3A_1589 : i32 to index
        %swap3A_1591 = arith.index_cast %scan3A_923 : i32 to index
        %swap3A_1592 = arith.constant 32 : index
        %swap3A_1593 = tpu.vector_load %arg8[%swap3A_1590, %swap3A_1591, %swap3A_1592] {strides = array<i32>} : memref<2x16x64xf32, #tpu.memory_space<vmem>>, vector<1x1x16xf32>,
        %swap3A_1594 = vector.shape_cast %swap3A_1593 : vector<1x1x16xf32> to vector<16xf32>
        %swap3A_1595 = vector.shape_cast %add3A_1588 : vector<16xf32> to vector<1x1x16xf32>
        tpu.vector_store %arg8[%swap3A_1590, %swap3A_1591, %swap3A_1592], %swap3A_1595 {strides = array<i32>} : memref<2x16x64xf32, #tpu.memory_space<vmem>>, vector<1x1x16xf32>,
        %mul3A_1596 = arith.constant 20 : i32
        %mul3A_1597 = arith.muli %scan3A_923, %mul3A_1596 : i32
        %get3A_1598 = arith.constant 1 : i32
        %get3A_1599 = arith.index_cast %get3A_1598 : i32 to index
        %get3A_1600 = arith.index_cast %mul3A_1597 : i32 to index
        %get3A_1601 = arith.constant 48 : index
        %get3A_1602 = tpu.vector_load %arg7[%get3A_1599, %get3A_1600, %get3A_1601] {strides = array<i32>} : memref<2x320x64xf32, #tpu.memory_space<vmem>>, vector<1x1x16xf32>,
        %get3A_1603 = vector.shape_cast %get3A_1602 : vector<1x1x16xf32> to vector<16xf32>
        %mul3A_1604 = arith.constant 20 : i32
        %mul3A_1605 = arith.muli %scan3A_923, %mul3A_1604 : i32
        %add3A_1606 = arith.constant 1 : i32
        %add3A_1607 = arith.addi %mul3A_1605, %add3A_1606 : i32
        %get3A_1608 = arith.constant 1 : i32
        %get3A_1609 = arith.index_cast %get3A_1608 : i32 to index
        %get3A_1610 = arith.index_cast %add3A_1607 : i32 to index
        %get3A_1611 = arith.constant 48 : index
        %get3A_1612 = tpu.vector_load %arg7[%get3A_1609, %get3A_1610, %get3A_1611] {strides = array<i32>} : memref<2x320x64xf32, #tpu.memory_space<vmem>>, vector<1x1x16xf32>,
        %get3A_1613 = vector.shape_cast %get3A_1612 : vector<1x1x16xf32> to vector<16xf32>
        %add3A_1614 = arith.addf %get3A_1603, %get3A_1613 : vector<16xf32>
        %mul3A_1615 = arith.constant 20 : i32
        %mul3A_1616 = arith.muli %scan3A_923, %mul3A_1615 : i32
        %add3A_1617 = arith.constant 2 : i32
        %add3A_1618 = arith.addi %mul3A_1616, %add3A_1617 : i32
        %get3A_1619 = arith.constant 1 : i32
        %get3A_1620 = arith.index_cast %get3A_1619 : i32 to index
        %get3A_1621 = arith.index_cast %add3A_1618 : i32 to index
        %get3A_1622 = arith.constant 48 : index
        %get3A_1623 = tpu.vector_load %arg7[%get3A_1620, %get3A_1621, %get3A_1622] {strides = array<i32>} : memref<2x320x64xf32, #tpu.memory_space<vmem>>, vector<1x1x16xf32>,
        %get3A_1624 = vector.shape_cast %get3A_1623 : vector<1x1x16xf32> to vector<16xf32>
        %add3A_1625 = arith.addf %add3A_1614, %get3A_1624 : vector<16xf32>
        %mul3A_1626 = arith.constant 20 : i32
        %mul3A_1627 = arith.muli %scan3A_923, %mul3A_1626 : i32
        %add3A_1628 = arith.constant 3 : i32
        %add3A_1629 = arith.addi %mul3A_1627, %add3A_1628 : i32
        %get3A_1630 = arith.constant 1 : i32
        %get3A_1631 = arith.index_cast %get3A_1630 : i32 to index
        %get3A_1632 = arith.index_cast %add3A_1629 : i32 to index
        %get3A_1633 = arith.constant 48 : index
        %get3A_1634 = tpu.vector_load %arg7[%get3A_1631, %get3A_1632, %get3A_1633] {strides = array<i32>} : memref<2x320x64xf32, #tpu.memory_space<vmem>>, vector<1x1x16xf32>,
        %get3A_1635 = vector.shape_cast %get3A_1634 : vector<1x1x16xf32> to vector<16xf32>
        %add3A_1636 = arith.addf %add3A_1625, %get3A_1635 : vector<16xf32>
        %mul3A_1637 = arith.constant 20 : i32
        %mul3A_1638 = arith.muli %scan3A_923, %mul3A_1637 : i32
        %add3A_1639 = arith.constant 4 : i32
        %add3A_1640 = arith.addi %mul3A_1638, %add3A_1639 : i32
        %get3A_1641 = arith.constant 1 : i32
        %get3A_1642 = arith.index_cast %get3A_1641 : i32 to index
        %get3A_1643 = arith.index_cast %add3A_1640 : i32 to index
        %get3A_1644 = arith.constant 48 : index
        %get3A_1645 = tpu.vector_load %arg7[%get3A_1642, %get3A_1643, %get3A_1644] {strides = array<i32>} : memref<2x320x64xf32, #tpu.memory_space<vmem>>, vector<1x1x16xf32>,
        %get3A_1646 = vector.shape_cast %get3A_1645 : vector<1x1x16xf32> to vector<16xf32>
        %add3A_1647 = arith.addf %add3A_1636, %get3A_1646 : vector<16xf32>
        %mul3A_1648 = arith.constant 20 : i32
        %mul3A_1649 = arith.muli %scan3A_923, %mul3A_1648 : i32
        %add3A_1650 = arith.constant 5 : i32
        %add3A_1651 = arith.addi %mul3A_1649, %add3A_1650 : i32
        %get3A_1652 = arith.constant 1 : i32
        %get3A_1653 = arith.index_cast %get3A_1652 : i32 to index
        %get3A_1654 = arith.index_cast %add3A_1651 : i32 to index
        %get3A_1655 = arith.constant 48 : index
        %get3A_1656 = tpu.vector_load %arg7[%get3A_1653, %get3A_1654, %get3A_1655] {strides = array<i32>} : memref<2x320x64xf32, #tpu.memory_space<vmem>>, vector<1x1x16xf32>,
        %get3A_1657 = vector.shape_cast %get3A_1656 : vector<1x1x16xf32> to vector<16xf32>
        %add3A_1658 = arith.addf %add3A_1647, %get3A_1657 : vector<16xf32>
        %mul3A_1659 = arith.constant 20 : i32
        %mul3A_1660 = arith.muli %scan3A_923, %mul3A_1659 : i32
        %add3A_1661 = arith.constant 6 : i32
        %add3A_1662 = arith.addi %mul3A_1660, %add3A_1661 : i32
        %get3A_1663 = arith.constant 1 : i32
        %get3A_1664 = arith.index_cast %get3A_1663 : i32 to index
        %get3A_1665 = arith.index_cast %add3A_1662 : i32 to index
        %get3A_1666 = arith.constant 48 : index
        %get3A_1667 = tpu.vector_load %arg7[%get3A_1664, %get3A_1665, %get3A_1666] {strides = array<i32>} : memref<2x320x64xf32, #tpu.memory_space<vmem>>, vector<1x1x16xf32>,
        %get3A_1668 = vector.shape_cast %get3A_1667 : vector<1x1x16xf32> to vector<16xf32>
        %add3A_1669 = arith.addf %add3A_1658, %get3A_1668 : vector<16xf32>
        %mul3A_1670 = arith.constant 20 : i32
        %mul3A_1671 = arith.muli %scan3A_923, %mul3A_1670 : i32
        %add3A_1672 = arith.constant 7 : i32
        %add3A_1673 = arith.addi %mul3A_1671, %add3A_1672 : i32
        %get3A_1674 = arith.constant 1 : i32
        %get3A_1675 = arith.index_cast %get3A_1674 : i32 to index
        %get3A_1676 = arith.index_cast %add3A_1673 : i32 to index
        %get3A_1677 = arith.constant 48 : index
        %get3A_1678 = tpu.vector_load %arg7[%get3A_1675, %get3A_1676, %get3A_1677] {strides = array<i32>} : memref<2x320x64xf32, #tpu.memory_space<vmem>>, vector<1x1x16xf32>,
        %get3A_1679 = vector.shape_cast %get3A_1678 : vector<1x1x16xf32> to vector<16xf32>
        %add3A_1680 = arith.addf %add3A_1669, %get3A_1679 : vector<16xf32>
        %mul3A_1681 = arith.constant 20 : i32
        %mul3A_1682 = arith.muli %scan3A_923, %mul3A_1681 : i32
        %add3A_1683 = arith.constant 8 : i32
        %add3A_1684 = arith.addi %mul3A_1682, %add3A_1683 : i32
        %get3A_1685 = arith.constant 1 : i32
        %get3A_1686 = arith.index_cast %get3A_1685 : i32 to index
        %get3A_1687 = arith.index_cast %add3A_1684 : i32 to index
        %get3A_1688 = arith.constant 48 : index
        %get3A_1689 = tpu.vector_load %arg7[%get3A_1686, %get3A_1687, %get3A_1688] {strides = array<i32>} : memref<2x320x64xf32, #tpu.memory_space<vmem>>, vector<1x1x16xf32>,
        %get3A_1690 = vector.shape_cast %get3A_1689 : vector<1x1x16xf32> to vector<16xf32>
        %add3A_1691 = arith.addf %add3A_1680, %get3A_1690 : vector<16xf32>
        %mul3A_1692 = arith.constant 20 : i32
        %mul3A_1693 = arith.muli %scan3A_923, %mul3A_1692 : i32
        %add3A_1694 = arith.constant 9 : i32
        %add3A_1695 = arith.addi %mul3A_1693, %add3A_1694 : i32
        %get3A_1696 = arith.constant 1 : i32
        %get3A_1697 = arith.index_cast %get3A_1696 : i32 to index
        %get3A_1698 = arith.index_cast %add3A_1695 : i32 to index
        %get3A_1699 = arith.constant 48 : index
        %get3A_1700 = tpu.vector_load %arg7[%get3A_1697, %get3A_1698, %get3A_1699] {strides = array<i32>} : memref<2x320x64xf32, #tpu.memory_space<vmem>>, vector<1x1x16xf32>,
        %get3A_1701 = vector.shape_cast %get3A_1700 : vector<1x1x16xf32> to vector<16xf32>
        %add3A_1702 = arith.addf %add3A_1691, %get3A_1701 : vector<16xf32>
        %mul3A_1703 = arith.constant 20 : i32
        %mul3A_1704 = arith.muli %scan3A_923, %mul3A_1703 : i32
        %add3A_1705 = arith.constant 10 : i32
        %add3A_1706 = arith.addi %mul3A_1704, %add3A_1705 : i32
        %get3A_1707 = arith.constant 1 : i32
        %get3A_1708 = arith.index_cast %get3A_1707 : i32 to index
        %get3A_1709 = arith.index_cast %add3A_1706 : i32 to index
        %get3A_1710 = arith.constant 48 : index
        %get3A_1711 = tpu.vector_load %arg7[%get3A_1708, %get3A_1709, %get3A_1710] {strides = array<i32>} : memref<2x320x64xf32, #tpu.memory_space<vmem>>, vector<1x1x16xf32>,
        %get3A_1712 = vector.shape_cast %get3A_1711 : vector<1x1x16xf32> to vector<16xf32>
        %add3A_1713 = arith.addf %add3A_1702, %get3A_1712 : vector<16xf32>
        %mul3A_1714 = arith.constant 20 : i32
        %mul3A_1715 = arith.muli %scan3A_923, %mul3A_1714 : i32
        %add3A_1716 = arith.constant 11 : i32
        %add3A_1717 = arith.addi %mul3A_1715, %add3A_1716 : i32
        %get3A_1718 = arith.constant 1 : i32
        %get3A_1719 = arith.index_cast %get3A_1718 : i32 to index
        %get3A_1720 = arith.index_cast %add3A_1717 : i32 to index
        %get3A_1721 = arith.constant 48 : index
        %get3A_1722 = tpu.vector_load %arg7[%get3A_1719, %get3A_1720, %get3A_1721] {strides = array<i32>} : memref<2x320x64xf32, #tpu.memory_space<vmem>>, vector<1x1x16xf32>,
        %get3A_1723 = vector.shape_cast %get3A_1722 : vector<1x1x16xf32> to vector<16xf32>
        %add3A_1724 = arith.addf %add3A_1713, %get3A_1723 : vector<16xf32>
        %mul3A_1725 = arith.constant 20 : i32
        %mul3A_1726 = arith.muli %scan3A_923, %mul3A_1725 : i32
        %add3A_1727 = arith.constant 12 : i32
        %add3A_1728 = arith.addi %mul3A_1726, %add3A_1727 : i32
        %get3A_1729 = arith.constant 1 : i32
        %get3A_1730 = arith.index_cast %get3A_1729 : i32 to index
        %get3A_1731 = arith.index_cast %add3A_1728 : i32 to index
        %get3A_1732 = arith.constant 48 : index
        %get3A_1733 = tpu.vector_load %arg7[%get3A_1730, %get3A_1731, %get3A_1732] {strides = array<i32>} : memref<2x320x64xf32, #tpu.memory_space<vmem>>, vector<1x1x16xf32>,
        %get3A_1734 = vector.shape_cast %get3A_1733 : vector<1x1x16xf32> to vector<16xf32>
        %add3A_1735 = arith.addf %add3A_1724, %get3A_1734 : vector<16xf32>
        %mul3A_1736 = arith.constant 20 : i32
        %mul3A_1737 = arith.muli %scan3A_923, %mul3A_1736 : i32
        %add3A_1738 = arith.constant 13 : i32
        %add3A_1739 = arith.addi %mul3A_1737, %add3A_1738 : i32
        %get3A_1740 = arith.constant 1 : i32
        %get3A_1741 = arith.index_cast %get3A_1740 : i32 to index
        %get3A_1742 = arith.index_cast %add3A_1739 : i32 to index
        %get3A_1743 = arith.constant 48 : index
        %get3A_1744 = tpu.vector_load %arg7[%get3A_1741, %get3A_1742, %get3A_1743] {strides = array<i32>} : memref<2x320x64xf32, #tpu.memory_space<vmem>>, vector<1x1x16xf32>,
        %get3A_1745 = vector.shape_cast %get3A_1744 : vector<1x1x16xf32> to vector<16xf32>
        %add3A_1746 = arith.addf %add3A_1735, %get3A_1745 : vector<16xf32>
        %mul3A_1747 = arith.constant 20 : i32
        %mul3A_1748 = arith.muli %scan3A_923, %mul3A_1747 : i32
        %add3A_1749 = arith.constant 14 : i32
        %add3A_1750 = arith.addi %mul3A_1748, %add3A_1749 : i32
        %get3A_1751 = arith.constant 1 : i32
        %get3A_1752 = arith.index_cast %get3A_1751 : i32 to index
        %get3A_1753 = arith.index_cast %add3A_1750 : i32 to index
        %get3A_1754 = arith.constant 48 : index
        %get3A_1755 = tpu.vector_load %arg7[%get3A_1752, %get3A_1753, %get3A_1754] {strides = array<i32>} : memref<2x320x64xf32, #tpu.memory_space<vmem>>, vector<1x1x16xf32>,
        %get3A_1756 = vector.shape_cast %get3A_1755 : vector<1x1x16xf32> to vector<16xf32>
        %add3A_1757 = arith.addf %add3A_1746, %get3A_1756 : vector<16xf32>
        %mul3A_1758 = arith.constant 20 : i32
        %mul3A_1759 = arith.muli %scan3A_923, %mul3A_1758 : i32
        %add3A_1760 = arith.constant 15 : i32
        %add3A_1761 = arith.addi %mul3A_1759, %add3A_1760 : i32
        %get3A_1762 = arith.constant 1 : i32
        %get3A_1763 = arith.index_cast %get3A_1762 : i32 to index
        %get3A_1764 = arith.index_cast %add3A_1761 : i32 to index
        %get3A_1765 = arith.constant 48 : index
        %get3A_1766 = tpu.vector_load %arg7[%get3A_1763, %get3A_1764, %get3A_1765] {strides = array<i32>} : memref<2x320x64xf32, #tpu.memory_space<vmem>>, vector<1x1x16xf32>,
        %get3A_1767 = vector.shape_cast %get3A_1766 : vector<1x1x16xf32> to vector<16xf32>
        %add3A_1768 = arith.addf %add3A_1757, %get3A_1767 : vector<16xf32>
        %mul3A_1769 = arith.constant 20 : i32
        %mul3A_1770 = arith.muli %scan3A_923, %mul3A_1769 : i32
        %add3A_1771 = arith.constant 16 : i32
        %add3A_1772 = arith.addi %mul3A_1770, %add3A_1771 : i32
        %get3A_1773 = arith.constant 1 : i32
        %get3A_1774 = arith.index_cast %get3A_1773 : i32 to index
        %get3A_1775 = arith.index_cast %add3A_1772 : i32 to index
        %get3A_1776 = arith.constant 48 : index
        %get3A_1777 = tpu.vector_load %arg7[%get3A_1774, %get3A_1775, %get3A_1776] {strides = array<i32>} : memref<2x320x64xf32, #tpu.memory_space<vmem>>, vector<1x1x16xf32>,
        %get3A_1778 = vector.shape_cast %get3A_1777 : vector<1x1x16xf32> to vector<16xf32>
        %add3A_1779 = arith.addf %add3A_1768, %get3A_1778 : vector<16xf32>
        %mul3A_1780 = arith.constant 20 : i32
        %mul3A_1781 = arith.muli %scan3A_923, %mul3A_1780 : i32
        %add3A_1782 = arith.constant 17 : i32
        %add3A_1783 = arith.addi %mul3A_1781, %add3A_1782 : i32
        %get3A_1784 = arith.constant 1 : i32
        %get3A_1785 = arith.index_cast %get3A_1784 : i32 to index
        %get3A_1786 = arith.index_cast %add3A_1783 : i32 to index
        %get3A_1787 = arith.constant 48 : index
        %get3A_1788 = tpu.vector_load %arg7[%get3A_1785, %get3A_1786, %get3A_1787] {strides = array<i32>} : memref<2x320x64xf32, #tpu.memory_space<vmem>>, vector<1x1x16xf32>,
        %get3A_1789 = vector.shape_cast %get3A_1788 : vector<1x1x16xf32> to vector<16xf32>
        %add3A_1790 = arith.addf %add3A_1779, %get3A_1789 : vector<16xf32>
        %mul3A_1791 = arith.constant 20 : i32
        %mul3A_1792 = arith.muli %scan3A_923, %mul3A_1791 : i32
        %add3A_1793 = arith.constant 18 : i32
        %add3A_1794 = arith.addi %mul3A_1792, %add3A_1793 : i32
        %get3A_1795 = arith.constant 1 : i32
        %get3A_1796 = arith.index_cast %get3A_1795 : i32 to index
        %get3A_1797 = arith.index_cast %add3A_1794 : i32 to index
        %get3A_1798 = arith.constant 48 : index
        %get3A_1799 = tpu.vector_load %arg7[%get3A_1796, %get3A_1797, %get3A_1798] {strides = array<i32>} : memref<2x320x64xf32, #tpu.memory_space<vmem>>, vector<1x1x16xf32>,
        %get3A_1800 = vector.shape_cast %get3A_1799 : vector<1x1x16xf32> to vector<16xf32>
        %add3A_1801 = arith.addf %add3A_1790, %get3A_1800 : vector<16xf32>
        %mul3A_1802 = arith.constant 20 : i32
        %mul3A_1803 = arith.muli %scan3A_923, %mul3A_1802 : i32
        %add3A_1804 = arith.constant 19 : i32
        %add3A_1805 = arith.addi %mul3A_1803, %add3A_1804 : i32
        %get3A_1806 = arith.constant 1 : i32
        %get3A_1807 = arith.index_cast %get3A_1806 : i32 to index
        %get3A_1808 = arith.index_cast %add3A_1805 : i32 to index
        %get3A_1809 = arith.constant 48 : index
        %get3A_1810 = tpu.vector_load %arg7[%get3A_1807, %get3A_1808, %get3A_1809] {strides = array<i32>} : memref<2x320x64xf32, #tpu.memory_space<vmem>>, vector<1x1x16xf32>,
        %get3A_1811 = vector.shape_cast %get3A_1810 : vector<1x1x16xf32> to vector<16xf32>
        %add3A_1812 = arith.addf %add3A_1801, %get3A_1811 : vector<16xf32>
        %swap3A_1813 = arith.constant 1 : i32
        %swap3A_1814 = arith.index_cast %swap3A_1813 : i32 to index
        %swap3A_1815 = arith.index_cast %scan3A_923 : i32 to index
        %swap3A_1816 = arith.constant 48 : index
        %swap3A_1817 = tpu.vector_load %arg8[%swap3A_1814, %swap3A_1815, %swap3A_1816] {strides = array<i32>} : memref<2x16x64xf32, #tpu.memory_space<vmem>>, vector<1x1x16xf32>,
        %swap3A_1818 = vector.shape_cast %swap3A_1817 : vector<1x1x16xf32> to vector<16xf32>
        %swap3A_1819 = vector.shape_cast %add3A_1812 : vector<16xf32> to vector<1x1x16xf32>
        tpu.vector_store %arg8[%swap3A_1814, %swap3A_1815, %swap3A_1816], %swap3A_1819 {strides = array<i32>} : memref<2x16x64xf32, #tpu.memory_space<vmem>>, vector<1x1x16xf32>,
      }
      %scan3A_876 = arith.constant 16 : i32
      %mul3A_877 = arith.constant 16 : i32
      %mul3A_878 = arith.muli %add3A_776, %mul3A_877 : i32
      %add3A_879 = arith.addi %mul3A_2, %mul3A_878 : i32
      %jit3A_880 = arith.constant 4096 : i32
      %div3A_881 = arith.divsi %add3A_879, %jit3A_880 : i32
      %sign3A_882 = arith.constant 0 : i32
      %sign3A_883 = arith.cmpi sgt, %add3A_879, %sign3A_882 : i32
      %sign3A_884 = arith.extui %sign3A_883 : i1 to i32
      %sign3A_885 = arith.constant 0 : i32
      %sign3A_886 = arith.cmpi slt, %add3A_879, %sign3A_885 : i32
      %sign3A_887 = arith.extui %sign3A_886 : i1 to i32
      %sign3A_888 = arith.subi %sign3A_884, %sign3A_887 : i32
      %sign3A_889 = arith.constant 0 : i32
      %sign3A_890 = arith.cmpi sgt, %jit3A_880, %sign3A_889 : i32
      %sign3A_891 = arith.extui %sign3A_890 : i1 to i32
      %sign3A_892 = arith.constant 0 : i32
      %sign3A_893 = arith.cmpi slt, %jit3A_880, %sign3A_892 : i32
      %sign3A_894 = arith.extui %sign3A_893 : i1 to i32
      %sign3A_895 = arith.subi %sign3A_891, %sign3A_894 : i32
      %ne3A_896 = arith.cmpi ne, %sign3A_888, %sign3A_895 : i32
      %rem3A_897 = arith.remsi %add3A_879, %jit3A_880 : i32
      %ne3A_898 = arith.constant 0 : i32
      %ne3A_899 = arith.cmpi ne, %rem3A_897, %ne3A_898 : i32
      %and3A_900 = arith.andi %ne3A_896, %ne3A_899 : i1
      %sub3A_901 = arith.constant 1 : i32
      %sub3A_902 = arith.subi %div3A_881, %sub3A_901 : i32
      %select_n3A_903 = arith.select %and3A_900, %sub3A_902, %div3A_881 : i32
      %mul3A_904 = arith.constant 4096 : i32
      %mul3A_905 = arith.muli %select_n3A_903, %mul3A_904 : i32
      %sub3A_906 = arith.subi %add3A_879, %mul3A_905 : i32
      %mul3A_907 = arith.constant 64 : i32
      %mul3A_908 = arith.muli %select_n3A_903, %mul3A_907 : i32
      %dma_start3A_909 = arith.constant 1 : i32
      %dma_start3A_910 = arith.constant 1 : i32
      %dma_start3A_911 = arith.constant 0 : i32
      %dma_start3A_912 = arith.constant 0 : i32
      %dma_start3A_913 = tpu.memref_slice %arg8[%dma_start3A_909, %dma_start3A_911, %dma_start3A_912] : memref<2x16x64xf32, #tpu.memory_space<vmem>> -> memref<1x16x64xf32, #tpu.memory_space<vmem>>
      %dma_start3A_914 = tpu.memref_squeeze %dma_start3A_913 : memref<1x16x64xf32, #tpu.memory_space<vmem>> -> memref<16x64xf32, #tpu.memory_space<vmem>>
      %dma_start3A_915 = tpu.memref_slice %arg4[%sub3A_906, %mul3A_908] : memref<4096x1664xf32, #tpu.memory_space<hbm>> -> memref<16x64xf32, #tpu.memory_space<hbm>>
      %dma_start3A_916 = tpu.memref_slice %arg11[%dma_start3A_910] : memref<2x!tpu.dma_semaphore, #tpu.memory_space<semaphore_mem>> -> memref<1x!tpu.dma_semaphore, #tpu.memory_space<semaphore_mem>>
      %dma_start3A_917 = tpu.memref_squeeze %dma_start3A_916 : memref<1x!tpu.dma_semaphore, #tpu.memory_space<semaphore_mem>> -> memref<!tpu.dma_semaphore, #tpu.memory_space<semaphore_mem>>
      %dma_start3A_918 = tpu.memref_slice %arg4[%sub3A_906, %mul3A_908] : memref<4096x1664xf32, #tpu.memory_space<hbm>> -> memref<16x64xf32, #tpu.memory_space<hbm>>
      %dma_start3A_919 = arith.constant 0 : i32
      %dma_start3A_920 = arith.constant 0 : i32
      %dma_start3A_921 = tpu.memref_slice %arg8[%dma_start3A_909, %dma_start3A_919, %dma_start3A_920] : memref<2x16x64xf32, #tpu.memory_space<vmem>> -> memref<1x16x64xf32, #tpu.memory_space<vmem>>
      %dma_start3A_922 = tpu.memref_squeeze %dma_start3A_921 : memref<1x16x64xf32, #tpu.memory_space<vmem>> -> memref<16x64xf32, #tpu.memory_space<vmem>>
      tpu.enqueue_dma source(%dma_start3A_922 : memref<16x64xf32, #tpu.memory_space<vmem>>) target(%dma_start3A_918 : memref<16x64xf32, #tpu.memory_space<hbm>>) target_semaphore(%dma_start3A_917 : memref<!tpu.dma_semaphore, #tpu.memory_space<semaphore_mem>>)
    }
    %scan3A_535 = arith.constant 104 : i32
    %add3A_536 = arith.constant 3296 : i32
    %add3A_537 = arith.addi %mul3A_2, %add3A_536 : i32
    %jit3A_538 = arith.constant 4096 : i32
    %div3A_539 = arith.divsi %add3A_537, %jit3A_538 : i32
    %sign3A_540 = arith.constant 0 : i32
    %sign3A_541 = arith.cmpi sgt, %add3A_537, %sign3A_540 : i32
    %sign3A_542 = arith.extui %sign3A_541 : i1 to i32
    %sign3A_543 = arith.constant 0 : i32
    %sign3A_544 = arith.cmpi slt, %add3A_537, %sign3A_543 : i32
    %sign3A_545 = arith.extui %sign3A_544 : i1 to i32
    %sign3A_546 = arith.subi %sign3A_542, %sign3A_545 : i32
    %sign3A_547 = arith.constant 0 : i32
    %sign3A_548 = arith.cmpi sgt, %jit3A_538, %sign3A_547 : i32
    %sign3A_549 = arith.extui %sign3A_548 : i1 to i32
    %sign3A_550 = arith.constant 0 : i32
    %sign3A_551 = arith.cmpi slt, %jit3A_538, %sign3A_550 : i32
    %sign3A_552 = arith.extui %sign3A_551 : i1 to i32
    %sign3A_553 = arith.subi %sign3A_549, %sign3A_552 : i32
    %ne3A_554 = arith.cmpi ne, %sign3A_546, %sign3A_553 : i32
    %rem3A_555 = arith.remsi %add3A_537, %jit3A_538 : i32
    %ne3A_556 = arith.constant 0 : i32
    %ne3A_557 = arith.cmpi ne, %rem3A_555, %ne3A_556 : i32
    %and3A_558 = arith.andi %ne3A_554, %ne3A_557 : i1
    %sub3A_559 = arith.constant 1 : i32
    %sub3A_560 = arith.subi %div3A_539, %sub3A_559 : i32
    %select_n3A_561 = arith.select %and3A_558, %sub3A_560, %div3A_539 : i32
    %mul3A_562 = arith.constant 4096 : i32
    %mul3A_563 = arith.muli %select_n3A_561, %mul3A_562 : i32
    %sub3A_564 = arith.subi %add3A_537, %mul3A_563 : i32
    %mul3A_565 = arith.constant 64 : i32
    %mul3A_566 = arith.muli %select_n3A_561, %mul3A_565 : i32
    %dma_wait3A_567 = arith.constant 0 : i32
    %dma_wait3A_568 = arith.constant 0 : i32
    %dma_wait3A_569 = arith.constant 0 : i32
    %dma_wait3A_570 = arith.constant 0 : i32
    %dma_wait3A_571 = tpu.memref_slice %arg8[%dma_wait3A_567, %dma_wait3A_569, %dma_wait3A_570] : memref<2x16x64xf32, #tpu.memory_space<vmem>> -> memref<1x16x64xf32, #tpu.memory_space<vmem>>
    %dma_wait3A_572 = tpu.memref_squeeze %dma_wait3A_571 : memref<1x16x64xf32, #tpu.memory_space<vmem>> -> memref<16x64xf32, #tpu.memory_space<vmem>>
    %dma_wait3A_573 = tpu.memref_slice %arg4[%sub3A_564, %mul3A_566] : memref<4096x1664xf32, #tpu.memory_space<hbm>> -> memref<16x64xf32, #tpu.memory_space<hbm>>
    %dma_wait3A_574 = tpu.memref_slice %arg11[%dma_wait3A_568] : memref<2x!tpu.dma_semaphore, #tpu.memory_space<semaphore_mem>> -> memref<1x!tpu.dma_semaphore, #tpu.memory_space<semaphore_mem>>
    %dma_wait3A_575 = tpu.memref_squeeze %dma_wait3A_574 : memref<1x!tpu.dma_semaphore, #tpu.memory_space<semaphore_mem>> -> memref<!tpu.dma_semaphore, #tpu.memory_space<semaphore_mem>>
    %dma_wait3A_576 = tpu.memref_slice %arg4[%sub3A_564, %mul3A_566] : memref<4096x1664xf32, #tpu.memory_space<hbm>> -> memref<16x64xf32, #tpu.memory_space<hbm>>
    %dma_wait3A_577 = arith.constant 0 : i32
    %dma_wait3A_578 = arith.constant 0 : i32
    %dma_wait3A_579 = tpu.memref_slice %arg8[%dma_wait3A_567, %dma_wait3A_577, %dma_wait3A_578] : memref<2x16x64xf32, #tpu.memory_space<vmem>> -> memref<1x16x64xf32, #tpu.memory_space<vmem>>
    %dma_wait3A_580 = tpu.memref_squeeze %dma_wait3A_579 : memref<1x16x64xf32, #tpu.memory_space<vmem>> -> memref<16x64xf32, #tpu.memory_space<vmem>>
    tpu.wait_dma2 semaphore(%dma_wait3A_575 : memref<!tpu.dma_semaphore, #tpu.memory_space<semaphore_mem>>) src(%dma_wait3A_580 : memref<16x64xf32, #tpu.memory_space<vmem>>) dst(%dma_wait3A_576 : memref<16x64xf32, #tpu.memory_space<hbm>>)
    %add3A_581 = arith.constant 3312 : i32
    %add3A_582 = arith.addi %mul3A_2, %add3A_581 : i32
    %jit3A_583 = arith.constant 4096 : i32
    %div3A_584 = arith.divsi %add3A_582, %jit3A_583 : i32
    %sign3A_585 = arith.constant 0 : i32
    %sign3A_586 = arith.cmpi sgt, %add3A_582, %sign3A_585 : i32
    %sign3A_587 = arith.extui %sign3A_586 : i1 to i32
    %sign3A_588 = arith.constant 0 : i32
    %sign3A_589 = arith.cmpi slt, %add3A_582, %sign3A_588 : i32
    %sign3A_590 = arith.extui %sign3A_589 : i1 to i32
    %sign3A_591 = arith.subi %sign3A_587, %sign3A_590 : i32
    %sign3A_592 = arith.constant 0 : i32
    %sign3A_593 = arith.cmpi sgt, %jit3A_583, %sign3A_592 : i32
    %sign3A_594 = arith.extui %sign3A_593 : i1 to i32
    %sign3A_595 = arith.constant 0 : i32
    %sign3A_596 = arith.cmpi slt, %jit3A_583, %sign3A_595 : i32
    %sign3A_597 = arith.extui %sign3A_596 : i1 to i32
    %sign3A_598 = arith.subi %sign3A_594, %sign3A_597 : i32
    %ne3A_599 = arith.cmpi ne, %sign3A_591, %sign3A_598 : i32
    %rem3A_600 = arith.remsi %add3A_582, %jit3A_583 : i32
    %ne3A_601 = arith.constant 0 : i32
    %ne3A_602 = arith.cmpi ne, %rem3A_600, %ne3A_601 : i32
    %and3A_603 = arith.andi %ne3A_599, %ne3A_602 : i1
    %sub3A_604 = arith.constant 1 : i32
    %sub3A_605 = arith.subi %div3A_584, %sub3A_604 : i32
    %select_n3A_606 = arith.select %and3A_603, %sub3A_605, %div3A_584 : i32
    %mul3A_607 = arith.constant 4096 : i32
    %mul3A_608 = arith.muli %select_n3A_606, %mul3A_607 : i32
    %sub3A_609 = arith.subi %add3A_582, %mul3A_608 : i32
    %mul3A_610 = arith.constant 64 : i32
    %mul3A_611 = arith.muli %select_n3A_606, %mul3A_610 : i32
    %dma_wait3A_612 = arith.constant 1 : i32
    %dma_wait3A_613 = arith.constant 1 : i32
    %dma_wait3A_614 = arith.constant 0 : i32
    %dma_wait3A_615 = arith.constant 0 : i32
    %dma_wait3A_616 = tpu.memref_slice %arg8[%dma_wait3A_612, %dma_wait3A_614, %dma_wait3A_615] : memref<2x16x64xf32, #tpu.memory_space<vmem>> -> memref<1x16x64xf32, #tpu.memory_space<vmem>>
    %dma_wait3A_617 = tpu.memref_squeeze %dma_wait3A_616 : memref<1x16x64xf32, #tpu.memory_space<vmem>> -> memref<16x64xf32, #tpu.memory_space<vmem>>
    %dma_wait3A_618 = tpu.memref_slice %arg4[%sub3A_609, %mul3A_611] : memref<4096x1664xf32, #tpu.memory_space<hbm>> -> memref<16x64xf32, #tpu.memory_space<hbm>>
    %dma_wait3A_619 = tpu.memref_slice %arg11[%dma_wait3A_613] : memref<2x!tpu.dma_semaphore, #tpu.memory_space<semaphore_mem>> -> memref<1x!tpu.dma_semaphore, #tpu.memory_space<semaphore_mem>>
    %dma_wait3A_620 = tpu.memref_squeeze %dma_wait3A_619 : memref<1x!tpu.dma_semaphore, #tpu.memory_space<semaphore_mem>> -> memref<!tpu.dma_semaphore, #tpu.memory_space<semaphore_mem>>
    %dma_wait3A_621 = tpu.memref_slice %arg4[%sub3A_609, %mul3A_611] : memref<4096x1664xf32, #tpu.memory_space<hbm>> -> memref<16x64xf32, #tpu.memory_space<hbm>>
    %dma_wait3A_622 = arith.constant 0 : i32
    %dma_wait3A_623 = arith.constant 0 : i32
    %dma_wait3A_624 = tpu.memref_slice %arg8[%dma_wait3A_612, %dma_wait3A_622, %dma_wait3A_623] : memref<2x16x64xf32, #tpu.memory_space<vmem>> -> memref<1x16x64xf32, #tpu.memory_space<vmem>>
    %dma_wait3A_625 = tpu.memref_squeeze %dma_wait3A_624 : memref<1x16x64xf32, #tpu.memory_space<vmem>> -> memref<16x64xf32, #tpu.memory_space<vmem>>
    tpu.wait_dma2 semaphore(%dma_wait3A_620 : memref<!tpu.dma_semaphore, #tpu.memory_space<semaphore_mem>>) src(%dma_wait3A_625 : memref<16x64xf32, #tpu.memory_space<vmem>>) dst(%dma_wait3A_621 : memref<16x64xf32, #tpu.memory_space<hbm>>)
    return
  }
}

</mosaic_0001>

<sc_bundles>
// kernel: kernel.3.cloned.1.call-start
scs
__scs_entry_jumppad:
0x0: {  	(pc) =	sbr.rel $0x88, $3  }
0x1: {  	(tag) =	ssettag $0x0;
	lr =	simm.s32 $0x1  }
0x2: {  	[smem:$0x3F9F] =	sst lr;
	_ =	strace $0xD0000000  }
0x3: {  	_ = 	snop  }
0x4: {  	_ = 	snop  }
0x5: {  	_ = 	snop  }
0x6: {  	_ = 	snop  }
0x7: {  	_ = 	snop  }
__scs_overlays_trampoline_lowered:
0x8: {  	[smem:$0x3FAE] =	sst s0  }
0x9: {  	[smem:$0x3FAF] =	sst s1  }
0xa: {  	[smem:$0x3FB0] =	sst s2  }
0xb: {  	[smem:$0x3FB1] =	sst s3  }
0xc: {  	[smem:$0x3FB2] =	sst s4  }
0xd: {  	[smem:$0x3FB3] =	sst s5  }
0xe: {  	[smem:$0x3FB4] =	sst s6  }
0xf: {  	[smem:$0x3FB5] =	sst s7  }
0x10: {  	[smem:$0x3FB6] =	sst s8  }
0x11: {  	[smem:$0x3FB7] =	sst s9;
	s0 =	simm.s32 @!p0 $0x0  }
0x12: {  	s1 =	sld [smem:$0x3F9D];
	s0 =	simm.s32 @p0 $0x1  }
0x13: {  	[smem:$0x3FB8] =	sst s0;
	s0 =	simm.s32 @!p1 $0x0  }
0x14: {  	s2 =	sld [smem:$0x3F9C];
	s0 =	simm.s32 @p1 $0x1  }
0x15: {  	[smem:$0x3FB9] =	sst s0;
	s0 =	simm.s32 @!p2 $0x0  }
0x16: {  	s3 =	sld [smem:$0x3FDB];
	s0 =	simm.s32 @p2 $0x1  }
0x17: {  	s4 =	simm.s32 $0x1BF5;
	[smem:$0x3FBB] =	sst s0  }
0x18: {  	s0 =	sld [smem:$0x3F9E];
	_ =	swait.ge [sflag:s4], $0x0  }
0x19: {  	s7 =	sld [smem:$0x3F9F]  }
0x1a: {  	s8 =	sadd.s32 $0xFFFFE003, lr  }
0x1b: {  	s9 =	sadd.s32 $0xFFFFFEF7, lr;
	s5 =	simm.s32 $0xFFFFFFFF;
	p2 =	slt.u32 s8, $0xFFFFF086  }
0x1c: {  	p1 =	slt.u32 s9, $0xF7A;
	s5 =	simm.s32 @!p2 $0x0  }
0x1d: {  	s5 =	simm.s32 @p1 $0x1;
	p0 =	seq.s32 s7, s2  }
0x1e: {  	s7 =	smul.u32 @!p0 $0xF7A, s2;
	p2 =	seq.s32 @!p0 s5, $0x0  }
0x1f: {  	s9 =	smul.u32 $0xF7A, s1;
	s8 =	simm.s32 @!p0 $0x1BF5;
	p2 =	por !p2, p0  }
0x20: {  	[sflag:s8] =	ssyncset.s32 @!p0 $0xFFFFF086;
	s6 =	sadd.s32 @!p0 s3, s7;
	s7 =	simm.s32 @!p0 $0x108  }
0x21: {  	s3 =	sadd.s32 s3, s9;
	s6 =	sadd.s32 @!p0 $0x88, s6;
	s7 =	simm.s32 @p2 $0x1082  }
0x22: {  	[simem:s7], [sflag:s8] =	dma.local @!p0 [hbm:s6], $0xF7A  }
0x23: {  	s9 =	sor.u32 $0xD0000000, s2;
	s6 =	simm.s32 $0x108;
	_ =	swait.ge @!p0 [sflag:s8], $0x0  }
0x24: {  	s3 =	sadd.s32 $0x88, s3;
	s6 =	simm.s32 @!p1 $0x1082;
	[sflag:s4] =	ssyncset.s32 $0xFFFFF086  }
0x25: {  	[simem:s6], [sflag:s4] =	dma.local [hbm:s3], $0xF7A  }
0x26: {  	[smem:$0x3F9F] =	sst s1;
	(tag) =	ssettag s2;
	_ =	strace s9  }
0x27: {  	s1 =	sld [smem:$0x3FAF]  }
0x28: {  	s2 =	sld [smem:$0x3FB0]  }
0x29: {  	s4 =	sld [smem:$0x3FB2]  }
0x2a: {  	p0 =	seq.s32 s5, $0x0;
	s5 =	sld [smem:$0x3FB3]  }
0x2b: {  	s6 =	sld [smem:$0x3FB4]  }
0x2c: {  	s7 =	sld [smem:$0x3FB5]  }
0x2d: {  	s3 =	simm.s32 $0x108;
	s8 =	sld [smem:$0x3FB6]  }
0x2e: {  	s3 =	simm.s32 @!p0 $0x1082;
	s9 =	sld [smem:$0x3FB7]  }
0x2f: {  	lr =	sadd.s32 s0, s3;
	s0 =	sld [smem:$0x3FAE]  }
0x30: {  	s3 =	sld [smem:$0x3FB1]  }
0x31: {  	[smem:$0x3FBA] =	sst s10  }
0x32: {  	s10 =	sld [smem:$0x3FB8];
	_ =	sdelay $0x3  }
0x33: {  	p0 =	seq.s32 s10, $0x1;
	s10 =	sld [smem:$0x3FBA];
	_ =	sdelay $0x3  }
0x34: {  	[smem:$0x3FBA] =	sst s10  }
0x35: {  	s10 =	sld [smem:$0x3FB9];
	_ =	sdelay $0x3  }
0x36: {  	p1 =	seq.s32 s10, $0x1;
	s10 =	sld [smem:$0x3FBA];
	_ =	sdelay $0x3  }
0x37: {  	[smem:$0x3FBA] =	sst s10  }
0x38: {  	s10 =	sld [smem:$0x3FBB]  }
0x39: {  	_ = 	snop;
	(pc) =	sbr.ind lr, $3  }
0x3a: {  	_ = 	snop  }
0x3b: {  	_ = 	snop  }
0x3c: {  	p2 =	seq.s32 s10, $0x1;
	s10 =	sld [smem:$0x3FBA]  }
0x3d: {  	_ =	shalt  }
0x3e: {  	_ =	shalt  }
0x3f: {  	_ =	shalt  }
0x40: {  	_ =	shalt  }
0x41: {  	_ =	shalt  }
0x42: {  	_ =	shalt  }
0x43: {  	_ =	shalt  }
0x44: {  	_ =	shalt  }
0x45: {  	_ =	shalt  }
0x46: {  	_ =	shalt  }
0x47: {  	_ =	shalt  }
0x48: {  	_ =	shalt  }
0x49: {  	_ =	shalt  }
0x4a: {  	_ =	shalt  }
0x4b: {  	_ =	shalt  }
0x4c: {  	_ =	shalt  }
0x4d: {  	_ =	shalt  }
0x4e: {  	_ =	shalt  }
0x4f: {  	_ =	shalt  }
0x50: {  	_ =	shalt  }
0x51: {  	_ =	shalt  }
0x52: {  	_ =	shalt  }
0x53: {  	_ =	shalt  }
0x54: {  	_ =	shalt  }
0x55: {  	_ =	shalt  }
0x56: {  	_ =	shalt  }
0x57: {  	_ =	shalt  }
0x58: {  	_ =	shalt  }
0x59: {  	_ =	shalt  }
0x5a: {  	_ =	shalt  }
0x5b: {  	_ =	shalt  }
0x5c: {  	_ =	shalt  }
0x5d: {  	_ =	shalt  }
0x5e: {  	_ =	shalt  }
0x5f: {  	_ =	shalt  }
0x60: {  	_ =	shalt  }
0x61: {  	_ =	shalt  }
0x62: {  	_ =	shalt  }
0x63: {  	_ =	shalt  }
0x64: {  	_ =	shalt  }
0x65: {  	_ =	shalt  }
0x66: {  	_ =	shalt  }
0x67: {  	_ =	shalt  }
0x68: {  	_ =	shalt  }
0x69: {  	_ =	shalt  }
0x6a: {  	_ =	shalt  }
0x6b: {  	_ =	shalt  }
0x6c: {  	_ =	shalt  }
0x6d: {  	_ =	shalt  }
0x6e: {  	_ =	shalt  }
0x6f: {  	_ =	shalt  }
0x70: {  	_ =	shalt  }
0x71: {  	_ =	shalt  }
0x72: {  	_ =	shalt  }
0x73: {  	_ =	shalt  }
0x74: {  	_ =	shalt  }
0x75: {  	_ =	shalt  }
0x76: {  	_ =	shalt  }
0x77: {  	_ =	shalt  }
0x78: {  	_ =	shalt  }
0x79: {  	_ =	shalt  }
0x7a: {  	_ =	shalt  }
0x7b: {  	_ =	shalt  }
0x7c: {  	_ =	shalt  }
0x7d: {  	_ =	shalt  }
0x7e: {  	_ =	shalt  }
0x7f: {  	_ =	shalt  }
0x80: {  	_ =	shalt  }
0x81: {  	_ =	shalt  }
0x82: {  	_ =	shalt  }
0x83: {  	_ =	shalt  }
0x84: {  	_ =	shalt  }
0x85: {  	_ =	shalt  }
0x86: {  	_ =	shalt  }
0x87: {  	_ =	shalt  }
.Lfunc_end0:
.L_simem_size_0:
called_computation_lowered:
.L_overlay_start_0:
0x88: {  	s2 =	sld [smem:$0x3FD9]  }
0x89: {  	s3 =	sld [smem:$0x3FFE];
	_ =	sdelay $0x1  }
0x8a: {  	s1 =	srdreg.scid  }
0x8b: {  	s0 =	sand.u32 $0x1, s1  }
0x8c: {  	s17 =	sshll.u32 s0, $0xA;
	s2 =	sadd.s32 s3, s2  }
0x8d: {  	s2 =	sadd.s32 s2, s17  }
0x8e: {  	[smem:$0x3FC6] =	sst s2  }
0x8f: {  	_ = 	snop  }
0x90: {  	s2 =	sld [smem:$0x3FC9];
	(tm) =	ssettm $0x1  }
0x91: {  	s18 =	sld [smem:$0x3FFB];
	_ =	sdelay $0x3  }
0x92: {  	_ =	strace s18  }
0x93: {  	s3 =	sld [smem:$0x3FFC];
	_ =	sdelay $0x3  }
0x94: {  	_ =	strace s3  }
0x95: {  	s3 =	sld [smem:$0x3FFD];
	_ =	sdelay $0x3  }
0x96: {  	_ =	strace s3  }
0x97: {  	_ =	strace $0x8FFFFFFF  }
0x98: {  	s19 =	sld [smem:$0x3FDB];
	_ =	sdelay $0x1  }
0x99: {  	s4 =	simm.s32 $_scs_section_size  }
0x9a: {  	s5 =	simm.s32 $_size__tile_overlayer_lowered;
	s6 =	simm.s32 $_tile_overlayer_lowered  }
0x9b: {  	s22 =	simm.s32 $0x1BFF;
	s21 =	sshll.u32 s6, $0x1;
	s3 =	sadd.s32 s4, s19  }
0x9c: {  	s7 =	simm.s32 $0x0;
	s20 =	sshll.u32 s5, $0x1;
	s5 =	sadd.s32 s21, s3  }
0x9d: {  	[timem:s7], [sflag:s22] =	dma.local [hbm:s5], s20  }
0x9e: {  	_ =	swait.ge [sflag:s22], s20  }
0x9f: {  	s4 =	ssub.s32 $0x0, s20;
	[sflag:s22] =	ssyncset.done $0x0  }
0xa0: {  	[sflag:s22] =	ssyncadd.s32 s4;
	_ =	sdelay $0x1  }
0xa1: {  	s23 =	simm.s32 $0x1B8B  }
0xa2: {  	_ =	swait.ge [sflag:s23], $0x1  }
0xa3: {  	[sflag:s23] =	ssyncset.done $0x0  }
0xa4: {  	s25 =	simm.s32 $0x1B8E;
	s24 =	sld [smem:$0x3FFE];
	[sflag:s23] =	ssyncadd.s32 $0xFFFFFFFF  }
0xa5: {  	s26 =	simm.s32 $execute0_lowered;
	[smem:$0x3FD2] =	sst s25  }
0xa6: {  	s5 =	sshll.u32 s26, $0x1;
	_ =	strace $0x80000046;
	[dreg:$0x1] =	wrdreg $0xFFFFFFFF  }
0xa7: {  	s28 =	simm.s32 $_size_execute0_lowered;
	s3 =	sadd.s32 s3, s5;
	[dreg:$0x0] =	wrdreg $0x0  }
0xa8: {  	s5 =	sshll.u32 s28, $0x1;
	[dreg:$0x2] =	wrdreg s3  }
0xa9: {  	[dreg:$0x3] =	wrdreg s5  }
0xaa: {  	[dreg:$0x4] =	wrdreg $0xC0  }
0xab: {  	_ =	task [dreg:s7], $0x5FFFF  }
0xac: {  	[dreg:$0x1] =	wrdreg $0xFFFFFFFF  }
0xad: {  	[dreg:$0x0] =	wrdreg $0x60  }
0xae: {  	[dreg:$0x2] =	wrdreg s2  }
0xaf: {  	[dreg:$0x3] =	wrdreg s24  }
0xb0: {  	[dreg:$0x4] =	wrdreg $0x9  }
0xb1: {  	_ =	task.clear_ibuf [dreg:s7], $0x5FFFF;
	_ =	strace $0x90000046  }
0xb2: {  	s29 =	simm.s32 $0x9;
	_ =	strace $0x80000048  }
0xb3: {  	_ =	swait.ge [sflag:s29], $0x1  }
0xb4: {  	[sflag:s29] =	ssyncadd.s32 $0xFFFFFFFF  }
0xb5: {  	_ =	strace $0x90000048  }
0xb6: {  	_ =	sfence  }
0xb7: {  	s30 =	sld [smem:$0x0];
	_ =	sdelay $0x2  }
0xb8: {  	s31 =	sshll.u32 s1, $0xD;
	s1 =	sshrl.u32 s1, $0x2  }
0xb9: {  	s3 =	sand.u32 $0x4000, s31;
	s1 =	sadd.s32 s1, s30  }
0xba: {  	s0 =	sor.u32 s3, s0;
	s1 =	sshll.u32 s1, $0x11  }
0xbb: {  	s0 =	sor.u32 s1, s0  }
0xbc: {  	s0 =	sadd.s32 $0x8F2B, s0  }
0xbd: {  	[sflag:s0] =	ssyncadd.remote.s32 $0x1  }
0xbe: {  	_ =	sfence.sel $0xFFFF  }
0xbf: {  	[dreg:$0x0] =	wrdreg $0xFFFFFFFF;
	(pc) =	sbr.abs _section_cstart, $3  }
0xc0: {  	[dreg:$0x1] =	wrdreg $0xFFFFFFFF  }
0xc1: {  	_ =	task.clear_ibuf [dreg:s7], $0x2FFFF;
	_ =	strace $0x9FFFFFFF  }
0xc2: {  	(tm) =	ssettm $0x7FFFFFFF  }
0xc3: {  	_ =	shalt  }
tec
execute0_lowered:
.L_overlay_start_1:
0x0: {  	(tag) =	ssettag $0x1  }
0x1: {  	s2 =	rddreg [dreg:$0x0]  }
0x2: {  	s0 =	rddreg [dreg:$0x1]  }
0x3: {  	s1 =	srdreg.scid;
	s3 =	stileid.u32;
	s4 =	simm.s32 $0x0  }
0x4: {  	s12 =	simm.s32 $0x1;
	s14 =	simm.s32 $0x40;
	s25 =	simm.s32 $0x2  }
0x5: {  	s28 =	simm.s32 $0x5500;
	s29 =	simm.s32 $0x400;
	s30 =	simm.s32 $0x6500  }
0x6: {  	s31 =	simm.s32 $0x440;
	s8 =	simm.s32 $0x8500;
	s11 =	simm.s32 $0x4C0  }
0x7: {  	s13 =	simm.s32 $0x3;
	s15 =	simm.s32 $0x680;
	s16 =	simm.s32 $0xA500  }
0x8: {  	s17 =	simm.s32 $0x4;
	s1 =	sand.u32 $0x1, s1;
	s3 =	sshll.u32 s3, $0x1  }
0x9: {  	s18 =	simm.s32 $0xA900;
	s19 =	simm.s32 $0x0;
	s3 =	sor.u32 s1, s3  }
0xa: {  	[smem:$0x7FF] =	sst s4;
	s1 =	ssub.s32 $0x2, s1;
	s7 =	smul.u32 $0x2080, s3  }
0xb: {  	s4 =	sadd.s32 $0x27AC800, s0;
	s5 =	smul.u32 $0xD00, s3;
	s21 =	sshrl.u32 s1, $0x1  }
0xc: {  	s6 =	sadd.s32 $0x400, s0;
	_ =	strace $0x80000047;
	s0 =	ssub.s32 s1, s21  }
0xd: {  	s1 =	simm.s32 $0x480;
	s22 =	sadd.s32 s2, s7;
	s23 =	sshrl.u32 s5, $0xC  }
0xe: {  	s9 =	sor.u32 $0x10, s5;
	s26 =	sor.u32 $0x30, s5;
	[dreg:$0x3] =	wrdreg s22  }
0xf: {  	s0 =	smax.u32 s0, $0x1;
	s24 =	smul.u32 $0x186A0, s23;
	[dreg:$0x5] =	wrdreg s26  }
0x10: {  	s7 =	simm.s32 $0x9500;
	s3 =	sadd.s32 $0x28, s22;
	[dreg:$0x6] =	wrdreg s0  }
0x11: {  	s26 =	simm.s32 $0x3C0;
	s0 =	simm.s32 $0x7500;
	[dreg:$0x4] =	wrdreg s3;
	v0 =	vmov s24  }
.LBB2_1:
0x12: {  	[dreg:$0x7] =	wrdreg s19  }
0x13: {  	s3 =	simm.s32 $0x0;
	s10 =	rddreg [dreg:$0x3]  }
0x14: {  	[tilespmem:s3], [sflag:$0x1] =	stream.linear.gather [hbm4b:s10+s3], $0x140, $0x38;
	[tilespmem:$0xAD00] =	vst v63  }
0x15: {  	_ =	swait.ge [sflag:s12], $0x140  }
0x16: {  	[sflag:s12] =	ssyncset.done $0x0  }
0x17: {  	s20 =	simm.s32 $0x140;
	s19 =	rddreg [dreg:$0x4];
	[sflag:s12] =	ssyncadd.s32 $0xFFFFFEC0  }
0x18: {  	[tilespmem:s20], [sflag:$0x2] =	stream.linear.gather [hbm4b:s19+s3], $0x140, $0x38;
	[tilespmem:$0xAD00] =	vst v63  }
0x19: {  	v1 =	vld [tilespmem:$0x0]  }
0x1a: {  	v2 =	vld [tilespmem:$0x10]  }
0x1b: {  	v3 =	vld [tilespmem:$0x20]  }
0x1c: {  	v4 =	vld [tilespmem:$0x30]  }
0x1d: {  	v5 =	vld [tilespmem:$0x40]  }
0x1e: {  	v6 =	vld [tilespmem:$0x50];
	v1 =	vadd.s32 v0, v1  }
0x1f: {  	[tilespmem:$0x280] =	vst v1;
	v1 =	vadd.s32 v0, v2;
	v2 =	vld [tilespmem:$0x60]  }
0x20: {  	[tilespmem:$0x290] =	vst v1;
	v1 =	vadd.s32 v0, v3;
	v3 =	vld [tilespmem:$0x70]  }
0x21: {  	v56 =	vld [tilespmem:$0x80];
	[tilespmem:$0x2A0] =	vst v1;
	v1 =	vadd.s32 v0, v4  }
0x22: {  	v57 =	vld [tilespmem:$0x90];
	[tilespmem:$0x2B0] =	vst v1;
	v1 =	vadd.s32 v0, v5  }
0x23: {  	v58 =	vld [tilespmem:$0xA0];
	[tilespmem:$0x2C0] =	vst v1;
	v1 =	vadd.s32 v0, v6  }
0x24: {  	[tilespmem:$0x2D0] =	vst v1;
	v1 =	vadd.s32 v0, v2;
	v2 =	vld [tilespmem:$0xB0]  }
0x25: {  	[tilespmem:$0x2E0] =	vst v1;
	v1 =	vadd.s32 v0, v3;
	v3 =	vld [tilespmem:$0xC0]  }
0x26: {  	v59 =	vld [tilespmem:$0xD0];
	[tilespmem:$0x2F0] =	vst v1;
	v1 =	vadd.s32 v0, v56  }
0x27: {  	v60 =	vld [tilespmem:$0xE0];
	[tilespmem:$0x300] =	vst v1;
	v1 =	vadd.s32 v0, v57  }
0x28: {  	v61 =	vld [tilespmem:$0xF0];
	[tilespmem:$0x310] =	vst v1;
	v1 =	vadd.s32 v0, v58  }
0x29: {  	[tilespmem:$0x320] =	vst v1;
	v1 =	vadd.s32 v0, v2;
	v2 =	vld [tilespmem:$0x100]  }
0x2a: {  	[tilespmem:$0x330] =	vst v1;
	v1 =	vadd.s32 v0, v3;
	v3 =	vld [tilespmem:$0x110]  }
0x2b: {  	v62 =	vld [tilespmem:$0x120];
	[tilespmem:$0x340] =	vst v1;
	v1 =	vadd.s32 v0, v59  }
0x2c: {  	v63 =	vld [tilespmem:$0x130];
	[tilespmem:$0x350] =	vst v1;
	v1 =	vadd.s32 v0, v60  }
0x2d: {  	[tilespmem:$0x360] =	vst v1;
	v1 =	vadd.s32 v0, v61  }
0x2e: {  	[tilespmem:$0x370] =	vst v1;
	v1 =	vadd.s32 v0, v2  }
0x2f: {  	[tilespmem:$0x380] =	vst v1;
	v1 =	vadd.s32 v0, v3  }
0x30: {  	[tilespmem:$0x390] =	vst v1;
	v1 =	vadd.s32 v0, v62  }
0x31: {  	[tilespmem:$0x3A0] =	vst v1;
	v1 =	vadd.s32 v0, v63  }
0x32: {  	s21 =	simm.s32 $0x280;
	s22 =	simm.s32 $0x500;
	[tilespmem:$0x3B0] =	vst v1  }
0x33: {  	[tilespmem:s22], [sflag:$0x3] =	stream.indirect.gather [hbm4b:s4+s14], $0x40, s21, s14, $0xb8;
	[tilespmem:$0xAD00] =	vst v63  }
0x34: {  	s23 =	simm.s32 $0x2C0;
	s24 =	simm.s32 $0x1500  }
0x35: {  	[tilespmem:s24], [sflag:$0x3] =	stream.indirect.gather [hbm4b:s4+s14], $0x40, s23, s14, $0xb8;
	[tilespmem:$0xAD00] =	vst v63  }
0x36: {  	s19 =	simm.s32 $0x300;
	s20 =	simm.s32 $0x2500  }
0x37: {  	[tilespmem:s20], [sflag:$0x3] =	stream.indirect.gather [hbm4b:s4+s14], $0x40, s19, s14, $0xb8;
	[tilespmem:$0xAD00] =	vst v63  }
0x38: {  	s21 =	simm.s32 $0x340;
	s22 =	simm.s32 $0x3500  }
0x39: {  	[tilespmem:s22], [sflag:$0x3] =	stream.indirect.gather [hbm4b:s4+s14], $0x40, s21, s14, $0xb8;
	[tilespmem:$0xAD00] =	vst v63  }
0x3a: {  	s23 =	simm.s32 $0x380;
	s24 =	simm.s32 $0x4500;
	s19 =	simm.s32 $0x0  }
0x3b: {  	[tilespmem:s24], [sflag:$0x3] =	stream.indirect.gather [hbm4b:s4+s14], $0x40, s23, s14, $0xb8;
	[tilespmem:$0xAD00] =	vst v63  }
.LBB2_2:
0x3c: {  	s3 =	sshll.u32 s19, $0x1  }
0x3d: {  	p1 =	seq.s32 s19, $0x67;
	s21 =	sadd.s32 $0x2, s3  }
0x3e: {  	s3 =	sshll.u32 @!p1 s21, $0x4  }
0x3f: {  	s3 =	sadd.s32 @!p1 s5, s3  }
0x40: {  	s3 =	smul.u32 @!p1 $0x14, s3  }
0x41: {  	_ =	swait.ge [sflag:s25], $0x140  }
0x42: {  	[sflag:s25] =	ssyncset.done $0x0;
	s3 =	sshrl.u32 @!p1 s3, $0x3  }
0x43: {  	s10 =	simm.s32 @!p1 $0x0;
	[sflag:s25] =	ssyncadd.s32 $0xFFFFFEC0;
	s3 =	sadd.s32 @!p1 s2, s3  }
0x44: {  	[tilespmem:s10], [sflag:$0x1] =	stream.linear.gather @!p1 [hbm4b:s3+s10], $0x140, $0x38;
	[tilespmem:$0xAD00] =	vst v63  }
0x45: {  	s22 =	sshll.u32 s19, $0x5;
	v1 =	vld [tilespmem:$0x140]  }
0x46: {  	s20 =	sadd.s32 s22, s9;
	v2 =	vld [tilespmem:$0x150]  }
0x47: {  	s24 =	sshrl.u32 s20, $0xC;
	v3 =	vld [tilespmem:$0x160]  }
0x48: {  	s3 =	smul.u32 $0x186A0, s24;
	v4 =	vld [tilespmem:$0x170]  }
0x49: {  	v5 =	vld [tilespmem:$0x180]  }
0x4a: {  	v6 =	vld [tilespmem:$0x190];
	v1 =	vadd.s32 s3, v1  }
0x4b: {  	[tilespmem:$0x3C0] =	vst v1;
	v1 =	vadd.s32 s3, v2;
	v2 =	vld [tilespmem:$0x1A0]  }
0x4c: {  	[tilespmem:$0x3D0] =	vst v1;
	v1 =	vadd.s32 s3, v3;
	v3 =	vld [tilespmem:$0x1B0]  }
0x4d: {  	[tilespmem:$0x3E0] =	vst v1;
	v1 =	vadd.s32 s3, v4;
	v4 =	vld [tilespmem:$0x1C0]  }
0x4e: {  	[tilespmem:$0x3F0] =	vst v1;
	v1 =	vadd.s32 s3, v5;
	v5 =	vld [tilespmem:$0x1D0]  }
0x4f: {  	v62 =	vld [tilespmem:$0x1E0];
	[tilespmem:$0x400] =	vst v1;
	v1 =	vadd.s32 s3, v6  }
0x50: {  	[tilespmem:$0x410] =	vst v1;
	v1 =	vadd.s32 s3, v2;
	v2 =	vld [tilespmem:$0x1F0]  }
0x51: {  	[tilespmem:$0x420] =	vst v1;
	v1 =	vadd.s32 s3, v3;
	v3 =	vld [tilespmem:$0x200]  }
0x52: {  	[tilespmem:$0x430] =	vst v1;
	v1 =	vadd.s32 s3, v4;
	v4 =	vld [tilespmem:$0x210]  }
0x53: {  	[tilespmem:$0x440] =	vst v1;
	v1 =	vadd.s32 s3, v5;
	v5 =	vld [tilespmem:$0x220]  }
0x54: {  	v63 =	vld [tilespmem:$0x230];
	[tilespmem:$0x450] =	vst v1;
	v1 =	vadd.s32 s3, v62  }
0x55: {  	[tilespmem:$0x460] =	vst v1;
	v1 =	vadd.s32 s3, v2;
	v2 =	vld [tilespmem:$0x240]  }
0x56: {  	[tilespmem:$0x470] =	vst v1;
	v1 =	vadd.s32 s3, v3;
	v3 =	vld [tilespmem:$0x250]  }
0x57: {  	[tilespmem:$0x480] =	vst v1;
	v1 =	vadd.s32 s3, v4;
	v4 =	vld [tilespmem:$0x260]  }
0x58: {  	[tilespmem:$0x490] =	vst v1;
	v1 =	vadd.s32 s3, v5;
	v5 =	vld [tilespmem:$0x270]  }
0x59: {  	[tilespmem:$0x4A0] =	vst v1;
	v1 =	vadd.s32 s3, v63  }
0x5a: {  	[tilespmem:$0x4B0] =	vst v1;
	v1 =	vadd.s32 s3, v2  }
0x5b: {  	[tilespmem:$0x4C0] =	vst v1;
	v1 =	vadd.s32 s3, v3  }
0x5c: {  	[tilespmem:$0x4D0] =	vst v1;
	v1 =	vadd.s32 s3, v4  }
0x5d: {  	[tilespmem:$0x4E0] =	vst v1;
	v1 =	vadd.s32 s3, v5  }
0x5e: {  	[tilespmem:$0x4F0] =	vst v1  }
0x5f: {  	[tilespmem:s28], [sflag:$0x4] =	stream.indirect.gather [hbm4b:s4+s14], $0x40, s26, s14, $0xb8;
	[tilespmem:$0xAD00] =	vst v63  }
0x60: {  	_ = 	snop  }
0x61: {  	[tilespmem:s30], [sflag:$0x4] =	stream.indirect.gather [hbm4b:s4+s14], $0x40, s29, s14, $0xb8;
	[tilespmem:$0xAD00] =	vst v63  }
0x62: {  	_ = 	snop  }
0x63: {  	[tilespmem:s0], [sflag:$0x4] =	stream.indirect.gather [hbm4b:s4+s14], $0x40, s31, s14, $0xb8;
	[tilespmem:$0xAD00] =	vst v63  }
0x64: {  	_ = 	snop  }
0x65: {  	[tilespmem:s8], [sflag:$0x4] =	stream.indirect.gather [hbm4b:s4+s14], $0x40, s1, s14, $0xb8;
	[tilespmem:$0xAD00] =	vst v63  }
0x66: {  	_ = 	snop  }
0x67: {  	[tilespmem:s7], [sflag:$0x4] =	stream.indirect.gather [hbm4b:s4+s14], $0x40, s11, s14, $0xb8;
	[tilespmem:$0xAD00] =	vst v63  }
0x68: {  	_ =	swait.ge [sflag:s13], $0x1000  }
0x69: {  	[sflag:s13] =	ssyncset.done $0x0  }
0x6a: {  	[sflag:s13] =	ssyncadd.s32 $0xFFFFF000  }
0x6b: {  	_ =	swait.ge [sflag:s13], $0x1000  }
0x6c: {  	[sflag:s13] =	ssyncset.done $0x0  }
0x6d: {  	[sflag:s13] =	ssyncadd.s32 $0xFFFFF000  }
0x6e: {  	_ =	swait.ge [sflag:s13], $0x1000  }
0x6f: {  	[sflag:s13] =	ssyncset.done $0x0  }
0x70: {  	[sflag:s13] =	ssyncadd.s32 $0xFFFFF000  }
0x71: {  	_ =	swait.ge [sflag:s13], $0x1000  }
0x72: {  	[sflag:s13] =	ssyncset.done $0x0  }
0x73: {  	[sflag:s13] =	ssyncadd.s32 $0xFFFFF000  }
0x74: {  	_ =	swait.ge [sflag:s13], $0x1000  }
0x75: {  	p0 =	seq.s32 s19, $0x0;
	[sflag:s13] =	ssyncset.done $0x0  }
0x76: {  	s3 =	simm.s32 @!p0 $0x5;
	[sflag:s13] =	ssyncadd.s32 $0xFFFFF000  }
0x77: {  	_ =	swait.ge @!p0 [sflag:s3], $0x400  }
0x78: {  	[sflag:s3] =	ssyncset.done @!p0 $0x0  }
0x79: {  	s23 =	simm.s32 $0x780;
	[sflag:s3] =	ssyncadd.s32 @!p0 $0xFFFFFC00  }
0x7a: {  	v1 =	vld [tilespmem:s23+$0xFFFFFDC0]  }
0x7b: {  	v2 =	vld [tilespmem:s23+$0xFFFFFD80];
	_ =	sdelay $0x1  }
0x7c: {  	v3 =	vld [tilespmem:s23+$0xFFFFFE00];
	_ =	sdelay $0x1  }
0x7d: {  	v4 =	vld [tilespmem:s23+$0xFFFFFE40]  }
0x7e: {  	v1 =	vadd.f32 v1, v2  }
0x7f: {  	v2 =	vld [tilespmem:s23+$0xFFFFFE80]  }
0x80: {  	v1 =	vadd.f32 v3, v1  }
0x81: {  	v3 =	vld [tilespmem:s23+$0xFFFFFEC0]  }
0x82: {  	v1 =	vadd.f32 v4, v1  }
0x83: {  	v4 =	vld [tilespmem:s23+$0xFFFFFF00]  }
0x84: {  	v1 =	vadd.f32 v2, v1  }
0x85: {  	v2 =	vld [tilespmem:s23+$0xFFFFFF40]  }
0x86: {  	v1 =	vadd.f32 v3, v1  }
0x87: {  	v3 =	vld [tilespmem:s23+$0xFFFFFF80]  }
0x88: {  	v1 =	vadd.f32 v4, v1  }
0x89: {  	v4 =	vld [tilespmem:s23+$0xFFFFFFC0]  }
0x8a: {  	v1 =	vadd.f32 v2, v1  }
0x8b: {  	v2 =	vld [tilespmem:s23+$0x0]  }
0x8c: {  	v1 =	vadd.f32 v3, v1  }
0x8d: {  	v3 =	vld [tilespmem:s23+$0x40]  }
0x8e: {  	v1 =	vadd.f32 v4, v1  }
0x8f: {  	v4 =	vld [tilespmem:s23+$0x80]  }
0x90: {  	v1 =	vadd.f32 v2, v1  }
0x91: {  	v2 =	vld [tilespmem:s23+$0xC0]  }
0x92: {  	v1 =	vadd.f32 v3, v1  }
0x93: {  	v3 =	vld [tilespmem:s23+$0x100]  }
0x94: {  	v1 =	vadd.f32 v4, v1  }
0x95: {  	v4 =	vld [tilespmem:s23+$0x140]  }
0x96: {  	v1 =	vadd.f32 v2, v1  }
0x97: {  	v2 =	vld [tilespmem:s23+$0x180]  }
0x98: {  	v1 =	vadd.f32 v3, v1  }
0x99: {  	v3 =	vld [tilespmem:s23+$0x1C0]  }
0x9a: {  	v1 =	vadd.f32 v4, v1  }
0x9b: {  	v4 =	vld [tilespmem:s23+$0x200]  }
0x9c: {  	v1 =	vadd.f32 v2, v1  }
0x9d: {  	v2 =	vld [tilespmem:s23+$0x240]  }
0x9e: {  	v1 =	vadd.f32 v3, v1;
	_ =	sdelay $0x1  }
0x9f: {  	v1 =	vadd.f32 v4, v1;
	_ =	sdelay $0x1  }
0xa0: {  	v1 =	vadd.f32 v2, v1  }
0xa1: {  	s24 =	simm.s32 $0x0  }
0xa2: {  	[tilespmem:s24+$0xA500] =	vst v1  }
0xa3: {  	v1 =	vld [tilespmem:s23+$0xFFFFFD90]  }
0xa4: {  	v2 =	vld [tilespmem:s23+$0xFFFFFDD0];
	_ =	sdelay $0x1  }
0xa5: {  	v3 =	vld [tilespmem:s23+$0xFFFFFE10];
	_ =	sdelay $0x1  }
0xa6: {  	v4 =	vld [tilespmem:s23+$0xFFFFFE50]  }
0xa7: {  	v1 =	vadd.f32 v2, v1  }
0xa8: {  	v2 =	vld [tilespmem:s23+$0xFFFFFE90]  }
0xa9: {  	v1 =	vadd.f32 v3, v1  }
0xaa: {  	v3 =	vld [tilespmem:s23+$0xFFFFFED0]  }
0xab: {  	v1 =	vadd.f32 v4, v1  }
0xac: {  	v4 =	vld [tilespmem:s23+$0xFFFFFF10]  }
0xad: {  	v1 =	vadd.f32 v2, v1  }
0xae: {  	v2 =	vld [tilespmem:s23+$0xFFFFFF50]  }
0xaf: {  	v1 =	vadd.f32 v3, v1  }
0xb0: {  	v3 =	vld [tilespmem:s23+$0xFFFFFF90]  }
0xb1: {  	v1 =	vadd.f32 v4, v1  }
0xb2: {  	v4 =	vld [tilespmem:s23+$0xFFFFFFD0]  }
0xb3: {  	v1 =	vadd.f32 v2, v1  }
0xb4: {  	v2 =	vld [tilespmem:s23+$0x10]  }
0xb5: {  	v1 =	vadd.f32 v3, v1  }
0xb6: {  	v3 =	vld [tilespmem:s23+$0x50]  }
0xb7: {  	v1 =	vadd.f32 v4, v1  }
0xb8: {  	v4 =	vld [tilespmem:s23+$0x90]  }
0xb9: {  	v1 =	vadd.f32 v2, v1  }
0xba: {  	v2 =	vld [tilespmem:s23+$0xD0]  }
0xbb: {  	v1 =	vadd.f32 v3, v1  }
0xbc: {  	v3 =	vld [tilespmem:s23+$0x110]  }
0xbd: {  	v1 =	vadd.f32 v4, v1  }
0xbe: {  	v4 =	vld [tilespmem:s23+$0x150]  }
0xbf: {  	v1 =	vadd.f32 v2, v1  }
0xc0: {  	v2 =	vld [tilespmem:s23+$0x190]  }
0xc1: {  	v1 =	vadd.f32 v3, v1  }
0xc2: {  	v3 =	vld [tilespmem:s23+$0x1D0]  }
0xc3: {  	v1 =	vadd.f32 v4, v1  }
0xc4: {  	v4 =	vld [tilespmem:s23+$0x210]  }
0xc5: {  	v1 =	vadd.f32 v2, v1  }
0xc6: {  	v2 =	vld [tilespmem:s23+$0x250]  }
0xc7: {  	v1 =	vadd.f32 v3, v1;
	_ =	sdelay $0x1  }
0xc8: {  	v1 =	vadd.f32 v4, v1;
	_ =	sdelay $0x1  }
0xc9: {  	v1 =	vadd.f32 v2, v1;
	_ =	sdelay $0x1  }
0xca: {  	[tilespmem:s24+$0xA510] =	vst v1  }
0xcb: {  	v1 =	vld [tilespmem:s23+$0xFFFFFDA0]  }
0xcc: {  	v2 =	vld [tilespmem:s23+$0xFFFFFDE0];
	_ =	sdelay $0x1  }
0xcd: {  	v3 =	vld [tilespmem:s23+$0xFFFFFE20];
	_ =	sdelay $0x1  }
0xce: {  	v4 =	vld [tilespmem:s23+$0xFFFFFE60]  }
0xcf: {  	v1 =	vadd.f32 v2, v1  }
0xd0: {  	v2 =	vld [tilespmem:s23+$0xFFFFFEA0]  }
0xd1: {  	v1 =	vadd.f32 v3, v1  }
0xd2: {  	v3 =	vld [tilespmem:s23+$0xFFFFFEE0]  }
0xd3: {  	v1 =	vadd.f32 v4, v1  }
0xd4: {  	v4 =	vld [tilespmem:s23+$0xFFFFFF20]  }
0xd5: {  	v1 =	vadd.f32 v2, v1  }
0xd6: {  	v2 =	vld [tilespmem:s23+$0xFFFFFF60]  }
0xd7: {  	v1 =	vadd.f32 v3, v1  }
0xd8: {  	v3 =	vld [tilespmem:s23+$0xFFFFFFA0]  }
0xd9: {  	v1 =	vadd.f32 v4, v1  }
0xda: {  	v4 =	vld [tilespmem:s23+$0xFFFFFFE0]  }
0xdb: {  	v1 =	vadd.f32 v2, v1  }
0xdc: {  	v2 =	vld [tilespmem:s23+$0x20]  }
0xdd: {  	v1 =	vadd.f32 v3, v1  }
0xde: {  	v3 =	vld [tilespmem:s23+$0x60]  }
0xdf: {  	v1 =	vadd.f32 v4, v1  }
0xe0: {  	v4 =	vld [tilespmem:s23+$0xA0]  }
0xe1: {  	v1 =	vadd.f32 v2, v1  }
0xe2: {  	v2 =	vld [tilespmem:s23+$0xE0]  }
0xe3: {  	v1 =	vadd.f32 v3, v1  }
0xe4: {  	v3 =	vld [tilespmem:s23+$0x120]  }
0xe5: {  	v1 =	vadd.f32 v4, v1  }
0xe6: {  	v4 =	vld [tilespmem:s23+$0x160]  }
0xe7: {  	v1 =	vadd.f32 v2, v1  }
0xe8: {  	v2 =	vld [tilespmem:s23+$0x1A0]  }
0xe9: {  	v1 =	vadd.f32 v3, v1  }
0xea: {  	v3 =	vld [tilespmem:s23+$0x1E0]  }
0xeb: {  	v1 =	vadd.f32 v4, v1  }
0xec: {  	v4 =	vld [tilespmem:s23+$0x220]  }
0xed: {  	v1 =	vadd.f32 v2, v1  }
0xee: {  	v2 =	vld [tilespmem:s23+$0x260]  }
0xef: {  	v1 =	vadd.f32 v3, v1;
	_ =	sdelay $0x1  }
0xf0: {  	v1 =	vadd.f32 v4, v1;
	_ =	sdelay $0x1  }
0xf1: {  	v1 =	vadd.f32 v2, v1;
	_ =	sdelay $0x1  }
0xf2: {  	[tilespmem:s24+$0xA520] =	vst v1  }
0xf3: {  	v1 =	vld [tilespmem:s23+$0xFFFFFDB0]  }
0xf4: {  	v2 =	vld [tilespmem:s23+$0xFFFFFDF0];
	_ =	sdelay $0x1  }
0xf5: {  	v3 =	vld [tilespmem:s23+$0xFFFFFE30];
	_ =	sdelay $0x1  }
0xf6: {  	v4 =	vld [tilespmem:s23+$0xFFFFFE70]  }
0xf7: {  	v1 =	vadd.f32 v2, v1  }
0xf8: {  	v2 =	vld [tilespmem:s23+$0xFFFFFEB0]  }
0xf9: {  	v1 =	vadd.f32 v3, v1  }
0xfa: {  	v3 =	vld [tilespmem:s23+$0xFFFFFEF0]  }
0xfb: {  	v1 =	vadd.f32 v4, v1  }
0xfc: {  	v4 =	vld [tilespmem:s23+$0xFFFFFF30]  }
0xfd: {  	v1 =	vadd.f32 v2, v1  }
0xfe: {  	v2 =	vld [tilespmem:s23+$0xFFFFFF70]  }
0xff: {  	v1 =	vadd.f32 v3, v1  }
0x100: {  	v3 =	vld [tilespmem:s23+$0xFFFFFFB0]  }
0x101: {  	v1 =	vadd.f32 v4, v1  }
0x102: {  	v4 =	vld [tilespmem:s23+$0xFFFFFFF0]  }
0x103: {  	v1 =	vadd.f32 v2, v1  }
0x104: {  	v2 =	vld [tilespmem:s23+$0x30]  }
0x105: {  	v1 =	vadd.f32 v3, v1  }
0x106: {  	v3 =	vld [tilespmem:s23+$0x70]  }
0x107: {  	v1 =	vadd.f32 v4, v1  }
0x108: {  	v4 =	vld [tilespmem:s23+$0xB0]  }
0x109: {  	v1 =	vadd.f32 v2, v1  }
0x10a: {  	v2 =	vld [tilespmem:s23+$0xF0]  }
0x10b: {  	v1 =	vadd.f32 v3, v1  }
0x10c: {  	v3 =	vld [tilespmem:s23+$0x130]  }
0x10d: {  	v1 =	vadd.f32 v4, v1  }
0x10e: {  	v4 =	vld [tilespmem:s23+$0x170]  }
0x10f: {  	v1 =	vadd.f32 v2, v1  }
0x110: {  	v2 =	vld [tilespmem:s23+$0x1B0]  }
0x111: {  	v1 =	vadd.f32 v3, v1;
	_ =	sdelay $0x1  }
0x112: {  	v3 =	vld [tilespmem:s23+$0x1F0];
	v1 =	vadd.f32 v4, v1;
	_ =	sdelay $0x1  }
0x113: {  	v4 =	vadd.f32 v2, v1;
	v2 =	vld [tilespmem:s23+$0x230];
	_ =	sdelay $0x1  }
0x114: {  	v1 =	vld [tilespmem:s23+$0x270]  }
0x115: {  	s3 =	simm.s32 $0x100;
	v3 =	vadd.f32 v3, v4  }
.LBB2_3:
0x116: {  	p2 =	sne.s32 s3, $0xF00  }
0x117: {  	s23 =	sadd.s32 $0x500, s23;
	s10 =	smov.u32 s3;
	s3 =	sadd.s32 $0x100, s3;
	v2 =	vadd.f32 v2, v3  }
0x118: {  	_ = 	snop  }
0x119: {  	v1 =	vadd.f32 v1, v2;
	_ =	sdelay $0x1  }
0x11a: {  	[tilespmem:s24+$0xA530] =	vst v1  }
0x11b: {  	v1 =	vld [tilespmem:s23+$0xFFFFFDC0]  }
0x11c: {  	v2 =	vld [tilespmem:s23+$0xFFFFFD80];
	_ =	sdelay $0x1  }
0x11d: {  	v3 =	vld [tilespmem:s23+$0xFFFFFE00];
	_ =	sdelay $0x1  }
0x11e: {  	v4 =	vld [tilespmem:s23+$0xFFFFFE40]  }
0x11f: {  	v1 =	vadd.f32 v1, v2  }
0x120: {  	v2 =	vld [tilespmem:s23+$0xFFFFFE80]  }
0x121: {  	v1 =	vadd.f32 v3, v1  }
0x122: {  	v3 =	vld [tilespmem:s23+$0xFFFFFEC0]  }
0x123: {  	v1 =	vadd.f32 v4, v1  }
0x124: {  	v4 =	vld [tilespmem:s23+$0xFFFFFF00]  }
0x125: {  	v1 =	vadd.f32 v2, v1  }
0x126: {  	v2 =	vld [tilespmem:s23+$0xFFFFFF40]  }
0x127: {  	v1 =	vadd.f32 v3, v1  }
0x128: {  	v3 =	vld [tilespmem:s23+$0xFFFFFF80]  }
0x129: {  	v1 =	vadd.f32 v4, v1  }
0x12a: {  	v4 =	vld [tilespmem:s23+$0xFFFFFFC0]  }
0x12b: {  	v1 =	vadd.f32 v2, v1  }
0x12c: {  	v2 =	vld [tilespmem:s23+$0x0]  }
0x12d: {  	v1 =	vadd.f32 v3, v1  }
0x12e: {  	v3 =	vld [tilespmem:s23+$0x40]  }
0x12f: {  	v1 =	vadd.f32 v4, v1  }
0x130: {  	v4 =	vld [tilespmem:s23+$0x80]  }
0x131: {  	v1 =	vadd.f32 v2, v1  }
0x132: {  	v2 =	vld [tilespmem:s23+$0xC0]  }
0x133: {  	v1 =	vadd.f32 v3, v1  }
0x134: {  	v3 =	vld [tilespmem:s23+$0x100]  }
0x135: {  	v1 =	vadd.f32 v4, v1  }
0x136: {  	v4 =	vld [tilespmem:s23+$0x140]  }
0x137: {  	v1 =	vadd.f32 v2, v1  }
0x138: {  	v2 =	vld [tilespmem:s23+$0x180]  }
0x139: {  	v1 =	vadd.f32 v3, v1  }
0x13a: {  	v3 =	vld [tilespmem:s23+$0x1C0]  }
0x13b: {  	v1 =	vadd.f32 v4, v1  }
0x13c: {  	v4 =	vld [tilespmem:s23+$0x200]  }
0x13d: {  	v1 =	vadd.f32 v2, v1  }
0x13e: {  	v2 =	vld [tilespmem:s23+$0x240]  }
0x13f: {  	v1 =	vadd.f32 v3, v1;
	_ =	sdelay $0x1  }
0x140: {  	v1 =	vadd.f32 v4, v1;
	_ =	sdelay $0x1  }
0x141: {  	v1 =	vadd.f32 v2, v1  }
0x142: {  	s24 =	sshra.s32 s10, $0x2  }
0x143: {  	[tilespmem:s24+$0xA500] =	vst v1  }
0x144: {  	v1 =	vld [tilespmem:s23+$0xFFFFFD90]  }
0x145: {  	v2 =	vld [tilespmem:s23+$0xFFFFFDD0];
	_ =	sdelay $0x1  }
0x146: {  	v3 =	vld [tilespmem:s23+$0xFFFFFE10];
	_ =	sdelay $0x1  }
0x147: {  	v4 =	vld [tilespmem:s23+$0xFFFFFE50]  }
0x148: {  	v1 =	vadd.f32 v2, v1  }
0x149: {  	v2 =	vld [tilespmem:s23+$0xFFFFFE90]  }
0x14a: {  	v1 =	vadd.f32 v3, v1  }
0x14b: {  	v3 =	vld [tilespmem:s23+$0xFFFFFED0]  }
0x14c: {  	v1 =	vadd.f32 v4, v1  }
0x14d: {  	v4 =	vld [tilespmem:s23+$0xFFFFFF10]  }
0x14e: {  	v1 =	vadd.f32 v2, v1  }
0x14f: {  	v2 =	vld [tilespmem:s23+$0xFFFFFF50]  }
0x150: {  	v1 =	vadd.f32 v3, v1  }
0x151: {  	v3 =	vld [tilespmem:s23+$0xFFFFFF90]  }
0x152: {  	v1 =	vadd.f32 v4, v1  }
0x153: {  	v4 =	vld [tilespmem:s23+$0xFFFFFFD0]  }
0x154: {  	v1 =	vadd.f32 v2, v1  }
0x155: {  	v2 =	vld [tilespmem:s23+$0x10]  }
0x156: {  	v1 =	vadd.f32 v3, v1  }
0x157: {  	v3 =	vld [tilespmem:s23+$0x50]  }
0x158: {  	v1 =	vadd.f32 v4, v1  }
0x159: {  	v4 =	vld [tilespmem:s23+$0x90]  }
0x15a: {  	v1 =	vadd.f32 v2, v1  }
0x15b: {  	v2 =	vld [tilespmem:s23+$0xD0]  }
0x15c: {  	v1 =	vadd.f32 v3, v1  }
0x15d: {  	v3 =	vld [tilespmem:s23+$0x110]  }
0x15e: {  	v1 =	vadd.f32 v4, v1  }
0x15f: {  	v4 =	vld [tilespmem:s23+$0x150]  }
0x160: {  	v1 =	vadd.f32 v2, v1  }
0x161: {  	v2 =	vld [tilespmem:s23+$0x190]  }
0x162: {  	v1 =	vadd.f32 v3, v1  }
0x163: {  	v3 =	vld [tilespmem:s23+$0x1D0]  }
0x164: {  	v1 =	vadd.f32 v4, v1  }
0x165: {  	v4 =	vld [tilespmem:s23+$0x210]  }
0x166: {  	v1 =	vadd.f32 v2, v1  }
0x167: {  	v2 =	vld [tilespmem:s23+$0x250]  }
0x168: {  	v1 =	vadd.f32 v3, v1;
	_ =	sdelay $0x1  }
0x169: {  	v1 =	vadd.f32 v4, v1;
	_ =	sdelay $0x1  }
0x16a: {  	v1 =	vadd.f32 v2, v1;
	_ =	sdelay $0x1  }
0x16b: {  	[tilespmem:s24+$0xA510] =	vst v1  }
0x16c: {  	v1 =	vld [tilespmem:s23+$0xFFFFFDA0]  }
0x16d: {  	v2 =	vld [tilespmem:s23+$0xFFFFFDE0];
	_ =	sdelay $0x1  }
0x16e: {  	v3 =	vld [tilespmem:s23+$0xFFFFFE20];
	_ =	sdelay $0x1  }
0x16f: {  	v4 =	vld [tilespmem:s23+$0xFFFFFE60]  }
0x170: {  	v1 =	vadd.f32 v2, v1  }
0x171: {  	v2 =	vld [tilespmem:s23+$0xFFFFFEA0]  }
0x172: {  	v1 =	vadd.f32 v3, v1  }
0x173: {  	v3 =	vld [tilespmem:s23+$0xFFFFFEE0]  }
0x174: {  	v1 =	vadd.f32 v4, v1  }
0x175: {  	v4 =	vld [tilespmem:s23+$0xFFFFFF20]  }
0x176: {  	v1 =	vadd.f32 v2, v1  }
0x177: {  	v2 =	vld [tilespmem:s23+$0xFFFFFF60]  }
0x178: {  	v1 =	vadd.f32 v3, v1  }
0x179: {  	v3 =	vld [tilespmem:s23+$0xFFFFFFA0]  }
0x17a: {  	v1 =	vadd.f32 v4, v1  }
0x17b: {  	v4 =	vld [tilespmem:s23+$0xFFFFFFE0]  }
0x17c: {  	v1 =	vadd.f32 v2, v1  }
0x17d: {  	v2 =	vld [tilespmem:s23+$0x20]  }
0x17e: {  	v1 =	vadd.f32 v3, v1  }
0x17f: {  	v3 =	vld [tilespmem:s23+$0x60]  }
0x180: {  	v1 =	vadd.f32 v4, v1  }
0x181: {  	v4 =	vld [tilespmem:s23+$0xA0]  }
0x182: {  	v1 =	vadd.f32 v2, v1  }
0x183: {  	v2 =	vld [tilespmem:s23+$0xE0]  }
0x184: {  	v1 =	vadd.f32 v3, v1  }
0x185: {  	v3 =	vld [tilespmem:s23+$0x120]  }
0x186: {  	v1 =	vadd.f32 v4, v1  }
0x187: {  	v4 =	vld [tilespmem:s23+$0x160]  }
0x188: {  	v1 =	vadd.f32 v2, v1  }
0x189: {  	v2 =	vld [tilespmem:s23+$0x1A0]  }
0x18a: {  	v1 =	vadd.f32 v3, v1  }
0x18b: {  	v3 =	vld [tilespmem:s23+$0x1E0]  }
0x18c: {  	v1 =	vadd.f32 v4, v1  }
0x18d: {  	v4 =	vld [tilespmem:s23+$0x220]  }
0x18e: {  	v1 =	vadd.f32 v2, v1  }
0x18f: {  	v2 =	vld [tilespmem:s23+$0x260]  }
0x190: {  	v1 =	vadd.f32 v3, v1;
	_ =	sdelay $0x1  }
0x191: {  	v1 =	vadd.f32 v4, v1;
	_ =	sdelay $0x1  }
0x192: {  	v1 =	vadd.f32 v2, v1;
	_ =	sdelay $0x1  }
0x193: {  	[tilespmem:s24+$0xA520] =	vst v1  }
0x194: {  	v1 =	vld [tilespmem:s23+$0xFFFFFDB0]  }
0x195: {  	v2 =	vld [tilespmem:s23+$0xFFFFFDF0]  }
0x196: {  	v3 =	vld [tilespmem:s23+$0xFFFFFE30]  }
0x197: {  	v4 =	vld [tilespmem:s23+$0xFFFFFE70]  }
0x198: {  	v5 =	vld [tilespmem:s23+$0xFFFFFEB0]  }
0x199: {  	v6 =	vld [tilespmem:s23+$0xFFFFFEF0]  }
0x19a: {  	v1 =	vadd.f32 v2, v1;
	v2 =	vld [tilespmem:s23+$0xFFFFFF30]  }
0x19b: {  	v7 =	vld [tilespmem:s23+$0xFFFFFF70]  }
0x19c: {  	v1 =	vadd.f32 v3, v1;
	v3 =	vld [tilespmem:s23+$0xFFFFFFB0]  }
0x19d: {  	v8 =	vld [tilespmem:s23+$0xFFFFFFF0]  }
0x19e: {  	v1 =	vadd.f32 v4, v1;
	v4 =	vld [tilespmem:s23+$0x30]  }
0x19f: {  	v9 =	vld [tilespmem:s23+$0x70]  }
0x1a0: {  	v1 =	vadd.f32 v5, v1;
	v5 =	vld [tilespmem:s23+$0xB0]  }
0x1a1: {  	v10 =	vld [tilespmem:s23+$0xF0]  }
0x1a2: {  	v1 =	vadd.f32 v6, v1;
	v6 =	vld [tilespmem:s23+$0x130]  }
0x1a3: {  	v11 =	vld [tilespmem:s23+$0x170]  }
0x1a4: {  	v1 =	vadd.f32 v2, v1;
	v12 =	vld [tilespmem:s23+$0x1B0]  }
0x1a5: {  	v13 =	vld [tilespmem:s23+$0x1F0]  }
0x1a6: {  	v7 =	vadd.f32 v7, v1;
	v2 =	vld [tilespmem:s23+$0x230]  }
0x1a7: {  	v1 =	vld [tilespmem:s23+$0x270]  }
0x1a8: {  	v3 =	vadd.f32 v3, v7;
	_ =	sdelay $0x1  }
0x1a9: {  	v3 =	vadd.f32 v8, v3;
	_ =	sdelay $0x1  }
0x1aa: {  	v3 =	vadd.f32 v4, v3;
	_ =	sdelay $0x1  }
0x1ab: {  	v3 =	vadd.f32 v9, v3;
	_ =	sdelay $0x1  }
0x1ac: {  	v3 =	vadd.f32 v5, v3;
	_ =	sdelay $0x1  }
0x1ad: {  	v3 =	vadd.f32 v10, v3;
	_ =	sdelay $0x1  }
0x1ae: {  	v3 =	vadd.f32 v6, v3;
	_ =	sdelay $0x1  }
.Ltmp0:
0x1af: {  	v3 =	vadd.f32 v11, v3;
	(pc) =	sbr.rel @p2 .LBB2_3-.Ltmp0, $3  }
0x1b0: {  	_ = 	snop  }
0x1b1: {  	v3 =	vadd.f32 v12, v3;
	_ =	sdelay $0x1  }
0x1b2: {  	v3 =	vadd.f32 v13, v3  }
0x1b3: {  	s3 =	sadd.s32 s5, s22  }
0x1b4: {  	s10 =	sand.u32 $0xFE0, s3  }
0x1b5: {  	v2 =	vadd.f32 v2, v3;
	s3 =	sshrl.u32 s3, $0x6;
	s10 =	smul.u32 $0x680, s10  }
.Ltmp1:
0x1b6: {  	s3 =	sand.u32 $0x1FFFFC0, s3;
	(pc) =	sbr.rel @p1 .LBB2_6-.Ltmp1, $4  }
0x1b7: {  	v1 =	vadd.f32 v1, v2;
	s3 =	sadd.s32 s3, s10  }
0x1b8: {  	s3 =	sshrl.u32 s3, $0x3  }
0x1b9: {  	[tilespmem:s24+$0xA530] =	vst v1;
	s3 =	sadd.s32 s6, s3  }
0x1ba: {  	[hbm4b:s3+s14] =	stream.strided.scatter [tilespmem:s16], [sflag:$0x5], $0x400, s15, s14, $0x38;
	[tilespmem:$0xAD00] =	vst v63  }
0x1bb: {  	s3 =	rddreg [dreg:$0x5]  }
0x1bc: {  	s3 =	sadd.s32 s22, s3  }
0x1bd: {  	s3 =	smul.u32 $0x14, s3  }
0x1be: {  	_ =	swait.ge [sflag:s12], $0x140  }
0x1bf: {  	s10 =	simm.s32 $0x0;
	[sflag:s12] =	ssyncset.done $0x0;
	s3 =	sshrl.u32 s3, $0x3  }
0x1c0: {  	s24 =	simm.s32 $0x140;
	[sflag:s12] =	ssyncadd.s32 $0xFFFFFEC0;
	s3 =	sadd.s32 s2, s3  }
0x1c1: {  	[tilespmem:s24], [sflag:$0x2] =	stream.linear.gather [hbm4b:s3+s10], $0x140, $0x38;
	[tilespmem:$0xAD00] =	vst v63  }
0x1c2: {  	s22 =	sshll.u32 s21, $0x4;
	v1 =	vld [tilespmem:$0x0]  }
0x1c3: {  	s3 =	sadd.s32 s5, s22;
	v2 =	vld [tilespmem:$0x10]  }
0x1c4: {  	s3 =	sshrl.u32 s3, $0xC;
	v3 =	vld [tilespmem:$0x20]  }
0x1c5: {  	v4 =	vld [tilespmem:$0x30];
	s3 =	smul.u32 $0x186A0, s3  }
0x1c6: {  	v5 =	vld [tilespmem:$0x40]  }
0x1c7: {  	v6 =	vld [tilespmem:$0x50];
	v1 =	vadd.s32 s3, v1  }
0x1c8: {  	[tilespmem:$0x280] =	vst v1;
	v1 =	vadd.s32 s3, v2;
	v2 =	vld [tilespmem:$0x60]  }
0x1c9: {  	[tilespmem:$0x290] =	vst v1;
	v1 =	vadd.s32 s3, v3;
	v3 =	vld [tilespmem:$0x70]  }
0x1ca: {  	v56 =	vld [tilespmem:$0x80];
	[tilespmem:$0x2A0] =	vst v1;
	v1 =	vadd.s32 s3, v4  }
0x1cb: {  	v57 =	vld [tilespmem:$0x90];
	[tilespmem:$0x2B0] =	vst v1;
	v1 =	vadd.s32 s3, v5  }
0x1cc: {  	v58 =	vld [tilespmem:$0xA0];
	[tilespmem:$0x2C0] =	vst v1;
	v1 =	vadd.s32 s3, v6  }
0x1cd: {  	[tilespmem:$0x2D0] =	vst v1;
	v1 =	vadd.s32 s3, v2;
	v2 =	vld [tilespmem:$0xB0]  }
0x1ce: {  	[tilespmem:$0x2E0] =	vst v1;
	v1 =	vadd.s32 s3, v3;
	v3 =	vld [tilespmem:$0xC0]  }
0x1cf: {  	v59 =	vld [tilespmem:$0xD0];
	[tilespmem:$0x2F0] =	vst v1;
	v1 =	vadd.s32 s3, v56  }
0x1d0: {  	v60 =	vld [tilespmem:$0xE0];
	[tilespmem:$0x300] =	vst v1;
	v1 =	vadd.s32 s3, v57  }
0x1d1: {  	v61 =	vld [tilespmem:$0xF0];
	[tilespmem:$0x310] =	vst v1;
	v1 =	vadd.s32 s3, v58  }
0x1d2: {  	[tilespmem:$0x320] =	vst v1;
	v1 =	vadd.s32 s3, v2;
	v2 =	vld [tilespmem:$0x100]  }
0x1d3: {  	[tilespmem:$0x330] =	vst v1;
	v1 =	vadd.s32 s3, v3;
	v3 =	vld [tilespmem:$0x110]  }
0x1d4: {  	v62 =	vld [tilespmem:$0x120];
	[tilespmem:$0x340] =	vst v1;
	v1 =	vadd.s32 s3, v59  }
0x1d5: {  	v63 =	vld [tilespmem:$0x130];
	[tilespmem:$0x350] =	vst v1;
	v1 =	vadd.s32 s3, v60  }
0x1d6: {  	[tilespmem:$0x360] =	vst v1;
	v1 =	vadd.s32 s3, v61  }
0x1d7: {  	[tilespmem:$0x370] =	vst v1;
	v1 =	vadd.s32 s3, v2  }
0x1d8: {  	[tilespmem:$0x380] =	vst v1;
	v1 =	vadd.s32 s3, v3  }
0x1d9: {  	[tilespmem:$0x390] =	vst v1;
	v1 =	vadd.s32 s3, v62  }
0x1da: {  	[tilespmem:$0x3A0] =	vst v1;
	v1 =	vadd.s32 s3, v63  }
0x1db: {  	s23 =	simm.s32 $0x280;
	s24 =	simm.s32 $0x500;
	[tilespmem:$0x3B0] =	vst v1  }
0x1dc: {  	[tilespmem:s24], [sflag:$0x3] =	stream.indirect.gather [hbm4b:s4+s14], $0x40, s23, s14, $0xb8;
	[tilespmem:$0xAD00] =	vst v63  }
0x1dd: {  	s21 =	simm.s32 $0x2C0;
	s22 =	simm.s32 $0x1500  }
0x1de: {  	[tilespmem:s22], [sflag:$0x3] =	stream.indirect.gather [hbm4b:s4+s14], $0x40, s21, s14, $0xb8;
	[tilespmem:$0xAD00] =	vst v63  }
0x1df: {  	s23 =	simm.s32 $0x300;
	s24 =	simm.s32 $0x2500  }
0x1e0: {  	[tilespmem:s24], [sflag:$0x3] =	stream.indirect.gather [hbm4b:s4+s14], $0x40, s23, s14, $0xb8;
	[tilespmem:$0xAD00] =	vst v63  }
0x1e1: {  	s21 =	simm.s32 $0x340;
	s22 =	simm.s32 $0x3500  }
0x1e2: {  	[tilespmem:s22], [sflag:$0x3] =	stream.indirect.gather [hbm4b:s4+s14], $0x40, s21, s14, $0xb8;
	[tilespmem:$0xAD00] =	vst v63  }
0x1e3: {  	s23 =	simm.s32 $0x380;
	s24 =	simm.s32 $0x4500  }
0x1e4: {  	[tilespmem:s24], [sflag:$0x3] =	stream.indirect.gather [hbm4b:s4+s14], $0x40, s23, s14, $0xb8;
	[tilespmem:$0xAD00] =	vst v63  }
.LBB2_6:
0x1e5: {  	_ =	swait.ge [sflag:s17], $0x1000  }
0x1e6: {  	[sflag:s17] =	ssyncset.done $0x0  }
0x1e7: {  	[sflag:s17] =	ssyncadd.s32 $0xFFFFF000  }
0x1e8: {  	_ =	swait.ge [sflag:s17], $0x1000  }
0x1e9: {  	[sflag:s17] =	ssyncset.done $0x0  }
0x1ea: {  	[sflag:s17] =	ssyncadd.s32 $0xFFFFF000  }
0x1eb: {  	_ =	swait.ge [sflag:s17], $0x1000  }
0x1ec: {  	[sflag:s17] =	ssyncset.done $0x0  }
0x1ed: {  	[sflag:s17] =	ssyncadd.s32 $0xFFFFF000  }
0x1ee: {  	_ =	swait.ge [sflag:s17], $0x1000  }
0x1ef: {  	[sflag:s17] =	ssyncset.done $0x0  }
0x1f0: {  	[sflag:s17] =	ssyncadd.s32 $0xFFFFF000  }
0x1f1: {  	_ =	swait.ge [sflag:s17], $0x1000  }
0x1f2: {  	[sflag:s17] =	ssyncset.done $0x0  }
0x1f3: {  	s3 =	simm.s32 @!p0 $0x6;
	[sflag:s17] =	ssyncadd.s32 $0xFFFFF000  }
0x1f4: {  	_ =	swait.ge @!p0 [sflag:s3], $0x400  }
0x1f5: {  	[sflag:s3] =	ssyncset.done @!p0 $0x0  }
0x1f6: {  	s24 =	simm.s32 $0x0;
	[sflag:s3] =	ssyncadd.s32 @!p0 $0xFFFFFC00  }
0x1f7: {  	v1 =	vld [tilespmem:s24+$0x5500]  }
0x1f8: {  	v2 =	vld [tilespmem:s24+$0x5540];
	_ =	sdelay $0x1  }
0x1f9: {  	v3 =	vld [tilespmem:s24+$0x5580];
	_ =	sdelay $0x1  }
0x1fa: {  	v4 =	vld [tilespmem:s24+$0x55C0]  }
0x1fb: {  	v1 =	vadd.f32 v2, v1  }
0x1fc: {  	v2 =	vld [tilespmem:s24+$0x5600]  }
0x1fd: {  	v1 =	vadd.f32 v3, v1  }
0x1fe: {  	v3 =	vld [tilespmem:s24+$0x5640]  }
0x1ff: {  	v1 =	vadd.f32 v4, v1  }
0x200: {  	v4 =	vld [tilespmem:s24+$0x5680]  }
0x201: {  	v1 =	vadd.f32 v2, v1  }
0x202: {  	v2 =	vld [tilespmem:s24+$0x56C0]  }
0x203: {  	v1 =	vadd.f32 v3, v1  }
0x204: {  	v3 =	vld [tilespmem:s24+$0x5700]  }
0x205: {  	v1 =	vadd.f32 v4, v1  }
0x206: {  	v4 =	vld [tilespmem:s24+$0x5740]  }
0x207: {  	v1 =	vadd.f32 v2, v1  }
0x208: {  	v2 =	vld [tilespmem:s24+$0x5780]  }
0x209: {  	v1 =	vadd.f32 v3, v1  }
0x20a: {  	v3 =	vld [tilespmem:s24+$0x57C0]  }
0x20b: {  	v1 =	vadd.f32 v4, v1  }
0x20c: {  	v4 =	vld [tilespmem:s24+$0x5800]  }
0x20d: {  	v1 =	vadd.f32 v2, v1  }
0x20e: {  	v2 =	vld [tilespmem:s24+$0x5840]  }
0x20f: {  	v1 =	vadd.f32 v3, v1  }
0x210: {  	v3 =	vld [tilespmem:s24+$0x5880]  }
0x211: {  	v1 =	vadd.f32 v4, v1  }
0x212: {  	v4 =	vld [tilespmem:s24+$0x58C0]  }
0x213: {  	v1 =	vadd.f32 v2, v1  }
0x214: {  	v2 =	vld [tilespmem:s24+$0x5900]  }
0x215: {  	v1 =	vadd.f32 v3, v1  }
0x216: {  	v3 =	vld [tilespmem:s24+$0x5940]  }
0x217: {  	v1 =	vadd.f32 v4, v1  }
0x218: {  	v4 =	vld [tilespmem:s24+$0x5980]  }
0x219: {  	v1 =	vadd.f32 v2, v1  }
0x21a: {  	v2 =	vld [tilespmem:s24+$0x59C0]  }
0x21b: {  	v1 =	vadd.f32 v3, v1;
	_ =	sdelay $0x1  }
0x21c: {  	v1 =	vadd.f32 v4, v1;
	_ =	sdelay $0x1  }
0x21d: {  	v1 =	vadd.f32 v2, v1  }
0x21e: {  	s21 =	simm.s32 $0xA930  }
0x21f: {  	[tilespmem:s21+$0xFFFFFFD0] =	vst v1  }
0x220: {  	v1 =	vld [tilespmem:s24+$0x5510]  }
0x221: {  	v2 =	vld [tilespmem:s24+$0x5550];
	_ =	sdelay $0x1  }
0x222: {  	v3 =	vld [tilespmem:s24+$0x5590];
	_ =	sdelay $0x1  }
0x223: {  	v4 =	vld [tilespmem:s24+$0x55D0]  }
0x224: {  	v1 =	vadd.f32 v2, v1  }
0x225: {  	v2 =	vld [tilespmem:s24+$0x5610]  }
0x226: {  	v1 =	vadd.f32 v3, v1  }
0x227: {  	v3 =	vld [tilespmem:s24+$0x5650]  }
0x228: {  	v1 =	vadd.f32 v4, v1  }
0x229: {  	v4 =	vld [tilespmem:s24+$0x5690]  }
0x22a: {  	v1 =	vadd.f32 v2, v1  }
0x22b: {  	v2 =	vld [tilespmem:s24+$0x56D0]  }
0x22c: {  	v1 =	vadd.f32 v3, v1  }
0x22d: {  	v3 =	vld [tilespmem:s24+$0x5710]  }
0x22e: {  	v1 =	vadd.f32 v4, v1  }
0x22f: {  	v4 =	vld [tilespmem:s24+$0x5750]  }
0x230: {  	v1 =	vadd.f32 v2, v1  }
0x231: {  	v2 =	vld [tilespmem:s24+$0x5790]  }
0x232: {  	v1 =	vadd.f32 v3, v1  }
0x233: {  	v3 =	vld [tilespmem:s24+$0x57D0]  }
0x234: {  	v1 =	vadd.f32 v4, v1  }
0x235: {  	v4 =	vld [tilespmem:s24+$0x5810]  }
0x236: {  	v1 =	vadd.f32 v2, v1  }
0x237: {  	v2 =	vld [tilespmem:s24+$0x5850]  }
0x238: {  	v1 =	vadd.f32 v3, v1  }
0x239: {  	v3 =	vld [tilespmem:s24+$0x5890]  }
0x23a: {  	v1 =	vadd.f32 v4, v1  }
0x23b: {  	v4 =	vld [tilespmem:s24+$0x58D0]  }
0x23c: {  	v1 =	vadd.f32 v2, v1  }
0x23d: {  	v2 =	vld [tilespmem:s24+$0x5910]  }
0x23e: {  	v1 =	vadd.f32 v3, v1  }
0x23f: {  	v3 =	vld [tilespmem:s24+$0x5950]  }
0x240: {  	v1 =	vadd.f32 v4, v1  }
0x241: {  	v4 =	vld [tilespmem:s24+$0x5990]  }
0x242: {  	v1 =	vadd.f32 v2, v1  }
0x243: {  	v2 =	vld [tilespmem:s24+$0x59D0]  }
0x244: {  	v1 =	vadd.f32 v3, v1;
	_ =	sdelay $0x1  }
0x245: {  	v1 =	vadd.f32 v4, v1;
	_ =	sdelay $0x1  }
0x246: {  	v1 =	vadd.f32 v2, v1;
	_ =	sdelay $0x1  }
0x247: {  	[tilespmem:s21+$0xFFFFFFE0] =	vst v1  }
0x248: {  	v1 =	vld [tilespmem:s24+$0x5520]  }
0x249: {  	v2 =	vld [tilespmem:s24+$0x5560];
	_ =	sdelay $0x1  }
0x24a: {  	v3 =	vld [tilespmem:s24+$0x55A0];
	_ =	sdelay $0x1  }
0x24b: {  	v4 =	vld [tilespmem:s24+$0x55E0]  }
0x24c: {  	v1 =	vadd.f32 v2, v1  }
0x24d: {  	v2 =	vld [tilespmem:s24+$0x5620]  }
0x24e: {  	v1 =	vadd.f32 v3, v1  }
0x24f: {  	v3 =	vld [tilespmem:s24+$0x5660]  }
0x250: {  	v1 =	vadd.f32 v4, v1  }
0x251: {  	v4 =	vld [tilespmem:s24+$0x56A0]  }
0x252: {  	v1 =	vadd.f32 v2, v1  }
0x253: {  	v2 =	vld [tilespmem:s24+$0x56E0]  }
0x254: {  	v1 =	vadd.f32 v3, v1  }
0x255: {  	v3 =	vld [tilespmem:s24+$0x5720]  }
0x256: {  	v1 =	vadd.f32 v4, v1  }
0x257: {  	v4 =	vld [tilespmem:s24+$0x5760]  }
0x258: {  	v1 =	vadd.f32 v2, v1  }
0x259: {  	v2 =	vld [tilespmem:s24+$0x57A0]  }
0x25a: {  	v1 =	vadd.f32 v3, v1  }
0x25b: {  	v3 =	vld [tilespmem:s24+$0x57E0]  }
0x25c: {  	v1 =	vadd.f32 v4, v1  }
0x25d: {  	v4 =	vld [tilespmem:s24+$0x5820]  }
0x25e: {  	v1 =	vadd.f32 v2, v1  }
0x25f: {  	v2 =	vld [tilespmem:s24+$0x5860]  }
0x260: {  	v1 =	vadd.f32 v3, v1  }
0x261: {  	v3 =	vld [tilespmem:s24+$0x58A0]  }
0x262: {  	v1 =	vadd.f32 v4, v1  }
0x263: {  	v4 =	vld [tilespmem:s24+$0x58E0]  }
0x264: {  	v1 =	vadd.f32 v2, v1  }
0x265: {  	v2 =	vld [tilespmem:s24+$0x5920]  }
0x266: {  	v1 =	vadd.f32 v3, v1  }
0x267: {  	v3 =	vld [tilespmem:s24+$0x5960]  }
0x268: {  	v1 =	vadd.f32 v4, v1  }
0x269: {  	v4 =	vld [tilespmem:s24+$0x59A0]  }
0x26a: {  	v1 =	vadd.f32 v2, v1  }
0x26b: {  	v2 =	vld [tilespmem:s24+$0x59E0]  }
0x26c: {  	v1 =	vadd.f32 v3, v1;
	_ =	sdelay $0x1  }
0x26d: {  	v1 =	vadd.f32 v4, v1;
	_ =	sdelay $0x1  }
0x26e: {  	v1 =	vadd.f32 v2, v1;
	_ =	sdelay $0x1  }
0x26f: {  	[tilespmem:s21+$0xFFFFFFF0] =	vst v1  }
0x270: {  	v1 =	vld [tilespmem:s24+$0x5530]  }
0x271: {  	v2 =	vld [tilespmem:s24+$0x5570];
	_ =	sdelay $0x1  }
0x272: {  	v3 =	vld [tilespmem:s24+$0x55B0];
	_ =	sdelay $0x1  }
0x273: {  	v4 =	vld [tilespmem:s24+$0x55F0]  }
0x274: {  	v1 =	vadd.f32 v2, v1  }
0x275: {  	v2 =	vld [tilespmem:s24+$0x5630]  }
0x276: {  	v1 =	vadd.f32 v3, v1  }
0x277: {  	v3 =	vld [tilespmem:s24+$0x5670]  }
0x278: {  	v1 =	vadd.f32 v4, v1  }
0x279: {  	v4 =	vld [tilespmem:s24+$0x56B0]  }
0x27a: {  	v1 =	vadd.f32 v2, v1  }
0x27b: {  	v2 =	vld [tilespmem:s24+$0x56F0]  }
0x27c: {  	v1 =	vadd.f32 v3, v1  }
0x27d: {  	v3 =	vld [tilespmem:s24+$0x5730]  }
0x27e: {  	v1 =	vadd.f32 v4, v1  }
0x27f: {  	v4 =	vld [tilespmem:s24+$0x5770]  }
0x280: {  	v1 =	vadd.f32 v2, v1  }
0x281: {  	v2 =	vld [tilespmem:s24+$0x57B0]  }
0x282: {  	v1 =	vadd.f32 v3, v1  }
0x283: {  	v3 =	vld [tilespmem:s24+$0x57F0]  }
0x284: {  	v1 =	vadd.f32 v4, v1  }
0x285: {  	v4 =	vld [tilespmem:s24+$0x5830]  }
0x286: {  	v1 =	vadd.f32 v2, v1  }
0x287: {  	v2 =	vld [tilespmem:s24+$0x5870]  }
0x288: {  	v1 =	vadd.f32 v3, v1  }
0x289: {  	v3 =	vld [tilespmem:s24+$0x58B0]  }
0x28a: {  	v1 =	vadd.f32 v4, v1  }
0x28b: {  	v4 =	vld [tilespmem:s24+$0x58F0]  }
0x28c: {  	v1 =	vadd.f32 v2, v1  }
0x28d: {  	v2 =	vld [tilespmem:s24+$0x5930]  }
0x28e: {  	v1 =	vadd.f32 v3, v1  }
0x28f: {  	v3 =	vld [tilespmem:s24+$0x5970]  }
0x290: {  	v1 =	vadd.f32 v4, v1;
	_ =	sdelay $0x1  }
0x291: {  	v4 =	vadd.f32 v2, v1;
	v2 =	vld [tilespmem:s24+$0x59B0];
	_ =	sdelay $0x1  }
0x292: {  	s23 =	simm.s32 $0x1400;
	s22 =	simm.s32 $0xA930;
	v1 =	vld [tilespmem:s24+$0x59F0];
	v3 =	vadd.f32 v3, v4  }
.LBB2_7:
0x293: {  	p0 =	sne.s32 s23, $0x12C00  }
0x294: {  	s21 =	sadd.s32 $0x40, s21;
	s3 =	smov.u32 s23;
	s23 =	sadd.s32 $0x1400, s23  }
0x295: {  	v2 =	vadd.f32 v2, v3;
	_ =	sdelay $0x1  }
0x296: {  	v1 =	vadd.f32 v1, v2  }
0x297: {  	s3 =	sshra.s32 s3, $0x2  }
0x298: {  	[tilespmem:s22+$0x0] =	vst v1;
	s22 =	smov.u32 s21  }
0x299: {  	v1 =	vld [tilespmem:s3+$0x5500]  }
0x29a: {  	v2 =	vld [tilespmem:s3+$0x5540];
	_ =	sdelay $0x1  }
0x29b: {  	v3 =	vld [tilespmem:s3+$0x5580];
	_ =	sdelay $0x1  }
0x29c: {  	v4 =	vld [tilespmem:s3+$0x55C0]  }
0x29d: {  	v1 =	vadd.f32 v2, v1  }
0x29e: {  	v2 =	vld [tilespmem:s3+$0x5600]  }
0x29f: {  	v1 =	vadd.f32 v3, v1  }
0x2a0: {  	v3 =	vld [tilespmem:s3+$0x5640]  }
0x2a1: {  	v1 =	vadd.f32 v4, v1  }
0x2a2: {  	v4 =	vld [tilespmem:s3+$0x5680]  }
0x2a3: {  	v1 =	vadd.f32 v2, v1  }
0x2a4: {  	v2 =	vld [tilespmem:s3+$0x56C0]  }
0x2a5: {  	v1 =	vadd.f32 v3, v1  }
0x2a6: {  	v3 =	vld [tilespmem:s3+$0x5700]  }
0x2a7: {  	v1 =	vadd.f32 v4, v1  }
0x2a8: {  	v4 =	vld [tilespmem:s3+$0x5740]  }
0x2a9: {  	v1 =	vadd.f32 v2, v1  }
0x2aa: {  	v2 =	vld [tilespmem:s3+$0x5780]  }
0x2ab: {  	v1 =	vadd.f32 v3, v1  }
0x2ac: {  	v3 =	vld [tilespmem:s3+$0x57C0]  }
0x2ad: {  	v1 =	vadd.f32 v4, v1  }
0x2ae: {  	v4 =	vld [tilespmem:s3+$0x5800]  }
0x2af: {  	v1 =	vadd.f32 v2, v1  }
0x2b0: {  	v2 =	vld [tilespmem:s3+$0x5840]  }
0x2b1: {  	v1 =	vadd.f32 v3, v1  }
0x2b2: {  	v3 =	vld [tilespmem:s3+$0x5880]  }
0x2b3: {  	v1 =	vadd.f32 v4, v1  }
0x2b4: {  	v4 =	vld [tilespmem:s3+$0x58C0]  }
0x2b5: {  	v1 =	vadd.f32 v2, v1  }
0x2b6: {  	v2 =	vld [tilespmem:s3+$0x5900]  }
0x2b7: {  	v1 =	vadd.f32 v3, v1  }
0x2b8: {  	v3 =	vld [tilespmem:s3+$0x5940]  }
0x2b9: {  	v1 =	vadd.f32 v4, v1  }
0x2ba: {  	v4 =	vld [tilespmem:s3+$0x5980]  }
0x2bb: {  	v1 =	vadd.f32 v2, v1  }
0x2bc: {  	v2 =	vld [tilespmem:s3+$0x59C0]  }
0x2bd: {  	v1 =	vadd.f32 v3, v1;
	_ =	sdelay $0x1  }
0x2be: {  	v1 =	vadd.f32 v4, v1;
	_ =	sdelay $0x1  }
0x2bf: {  	v1 =	vadd.f32 v2, v1;
	_ =	sdelay $0x1  }
0x2c0: {  	[tilespmem:s21+$0xFFFFFFD0] =	vst v1  }
0x2c1: {  	v1 =	vld [tilespmem:s3+$0x5510]  }
0x2c2: {  	v2 =	vld [tilespmem:s3+$0x5550];
	_ =	sdelay $0x1  }
0x2c3: {  	v3 =	vld [tilespmem:s3+$0x5590];
	_ =	sdelay $0x1  }
0x2c4: {  	v4 =	vld [tilespmem:s3+$0x55D0]  }
0x2c5: {  	v1 =	vadd.f32 v2, v1  }
0x2c6: {  	v2 =	vld [tilespmem:s3+$0x5610]  }
0x2c7: {  	v1 =	vadd.f32 v3, v1  }
0x2c8: {  	v3 =	vld [tilespmem:s3+$0x5650]  }
0x2c9: {  	v1 =	vadd.f32 v4, v1  }
0x2ca: {  	v4 =	vld [tilespmem:s3+$0x5690]  }
0x2cb: {  	v1 =	vadd.f32 v2, v1  }
0x2cc: {  	v2 =	vld [tilespmem:s3+$0x56D0]  }
0x2cd: {  	v1 =	vadd.f32 v3, v1  }
0x2ce: {  	v3 =	vld [tilespmem:s3+$0x5710]  }
0x2cf: {  	v1 =	vadd.f32 v4, v1  }
0x2d0: {  	v4 =	vld [tilespmem:s3+$0x5750]  }
0x2d1: {  	v1 =	vadd.f32 v2, v1  }
0x2d2: {  	v2 =	vld [tilespmem:s3+$0x5790]  }
0x2d3: {  	v1 =	vadd.f32 v3, v1  }
0x2d4: {  	v3 =	vld [tilespmem:s3+$0x57D0]  }
0x2d5: {  	v1 =	vadd.f32 v4, v1  }
0x2d6: {  	v4 =	vld [tilespmem:s3+$0x5810]  }
0x2d7: {  	v1 =	vadd.f32 v2, v1  }
0x2d8: {  	v2 =	vld [tilespmem:s3+$0x5850]  }
0x2d9: {  	v1 =	vadd.f32 v3, v1  }
0x2da: {  	v3 =	vld [tilespmem:s3+$0x5890]  }
0x2db: {  	v1 =	vadd.f32 v4, v1  }
0x2dc: {  	v4 =	vld [tilespmem:s3+$0x58D0]  }
0x2dd: {  	v1 =	vadd.f32 v2, v1  }
0x2de: {  	v2 =	vld [tilespmem:s3+$0x5910]  }
0x2df: {  	v1 =	vadd.f32 v3, v1  }
0x2e0: {  	v3 =	vld [tilespmem:s3+$0x5950]  }
0x2e1: {  	v1 =	vadd.f32 v4, v1  }
0x2e2: {  	v4 =	vld [tilespmem:s3+$0x5990]  }
0x2e3: {  	v1 =	vadd.f32 v2, v1  }
0x2e4: {  	v2 =	vld [tilespmem:s3+$0x59D0]  }
0x2e5: {  	v1 =	vadd.f32 v3, v1;
	_ =	sdelay $0x1  }
0x2e6: {  	v1 =	vadd.f32 v4, v1;
	_ =	sdelay $0x1  }
0x2e7: {  	v1 =	vadd.f32 v2, v1;
	_ =	sdelay $0x1  }
0x2e8: {  	[tilespmem:s21+$0xFFFFFFE0] =	vst v1  }
0x2e9: {  	v1 =	vld [tilespmem:s3+$0x5520]  }
0x2ea: {  	v2 =	vld [tilespmem:s3+$0x5560];
	_ =	sdelay $0x1  }
0x2eb: {  	v3 =	vld [tilespmem:s3+$0x55A0];
	_ =	sdelay $0x1  }
0x2ec: {  	v4 =	vld [tilespmem:s3+$0x55E0]  }
0x2ed: {  	v1 =	vadd.f32 v2, v1  }
0x2ee: {  	v2 =	vld [tilespmem:s3+$0x5620]  }
0x2ef: {  	v1 =	vadd.f32 v3, v1  }
0x2f0: {  	v3 =	vld [tilespmem:s3+$0x5660]  }
0x2f1: {  	v1 =	vadd.f32 v4, v1  }
0x2f2: {  	v4 =	vld [tilespmem:s3+$0x56A0]  }
0x2f3: {  	v1 =	vadd.f32 v2, v1  }
0x2f4: {  	v2 =	vld [tilespmem:s3+$0x56E0]  }
0x2f5: {  	v1 =	vadd.f32 v3, v1  }
0x2f6: {  	v3 =	vld [tilespmem:s3+$0x5720]  }
0x2f7: {  	v1 =	vadd.f32 v4, v1  }
0x2f8: {  	v4 =	vld [tilespmem:s3+$0x5760]  }
0x2f9: {  	v1 =	vadd.f32 v2, v1  }
0x2fa: {  	v2 =	vld [tilespmem:s3+$0x57A0]  }
0x2fb: {  	v1 =	vadd.f32 v3, v1  }
0x2fc: {  	v3 =	vld [tilespmem:s3+$0x57E0]  }
0x2fd: {  	v1 =	vadd.f32 v4, v1  }
0x2fe: {  	v4 =	vld [tilespmem:s3+$0x5820]  }
0x2ff: {  	v1 =	vadd.f32 v2, v1  }
0x300: {  	v2 =	vld [tilespmem:s3+$0x5860]  }
0x301: {  	v1 =	vadd.f32 v3, v1  }
0x302: {  	v3 =	vld [tilespmem:s3+$0x58A0]  }
0x303: {  	v1 =	vadd.f32 v4, v1  }
0x304: {  	v4 =	vld [tilespmem:s3+$0x58E0]  }
0x305: {  	v1 =	vadd.f32 v2, v1  }
0x306: {  	v2 =	vld [tilespmem:s3+$0x5920]  }
0x307: {  	v1 =	vadd.f32 v3, v1  }
0x308: {  	v3 =	vld [tilespmem:s3+$0x5960]  }
0x309: {  	v1 =	vadd.f32 v4, v1  }
0x30a: {  	v4 =	vld [tilespmem:s3+$0x59A0]  }
0x30b: {  	v1 =	vadd.f32 v2, v1  }
0x30c: {  	v2 =	vld [tilespmem:s3+$0x59E0]  }
0x30d: {  	v1 =	vadd.f32 v3, v1;
	_ =	sdelay $0x1  }
0x30e: {  	v1 =	vadd.f32 v4, v1;
	_ =	sdelay $0x1  }
0x30f: {  	v1 =	vadd.f32 v2, v1;
	_ =	sdelay $0x1  }
0x310: {  	[tilespmem:s21+$0xFFFFFFF0] =	vst v1  }
0x311: {  	v1 =	vld [tilespmem:s3+$0x5530]  }
0x312: {  	v2 =	vld [tilespmem:s3+$0x5570]  }
0x313: {  	v3 =	vld [tilespmem:s3+$0x55B0]  }
0x314: {  	v4 =	vld [tilespmem:s3+$0x55F0]  }
0x315: {  	v5 =	vld [tilespmem:s3+$0x5630]  }
0x316: {  	v6 =	vld [tilespmem:s3+$0x5670]  }
0x317: {  	v1 =	vadd.f32 v2, v1;
	v2 =	vld [tilespmem:s3+$0x56B0]  }
0x318: {  	v7 =	vld [tilespmem:s3+$0x56F0]  }
0x319: {  	v1 =	vadd.f32 v3, v1;
	v3 =	vld [tilespmem:s3+$0x5730]  }
0x31a: {  	v8 =	vld [tilespmem:s3+$0x5770]  }
0x31b: {  	v1 =	vadd.f32 v4, v1;
	v4 =	vld [tilespmem:s3+$0x57B0]  }
0x31c: {  	v9 =	vld [tilespmem:s3+$0x57F0]  }
0x31d: {  	v1 =	vadd.f32 v5, v1;
	v5 =	vld [tilespmem:s3+$0x5830]  }
0x31e: {  	v10 =	vld [tilespmem:s3+$0x5870]  }
0x31f: {  	v1 =	vadd.f32 v6, v1;
	v6 =	vld [tilespmem:s3+$0x58B0]  }
0x320: {  	v11 =	vld [tilespmem:s3+$0x58F0]  }
0x321: {  	v1 =	vadd.f32 v2, v1;
	v12 =	vld [tilespmem:s3+$0x5930]  }
0x322: {  	v13 =	vld [tilespmem:s3+$0x5970]  }
0x323: {  	v7 =	vadd.f32 v7, v1;
	v2 =	vld [tilespmem:s3+$0x59B0]  }
0x324: {  	v1 =	vld [tilespmem:s3+$0x59F0]  }
0x325: {  	v3 =	vadd.f32 v3, v7;
	_ =	sdelay $0x1  }
0x326: {  	v3 =	vadd.f32 v8, v3;
	_ =	sdelay $0x1  }
0x327: {  	v3 =	vadd.f32 v4, v3;
	_ =	sdelay $0x1  }
0x328: {  	v3 =	vadd.f32 v9, v3;
	_ =	sdelay $0x1  }
0x329: {  	v3 =	vadd.f32 v5, v3;
	_ =	sdelay $0x1  }
0x32a: {  	v3 =	vadd.f32 v10, v3;
	_ =	sdelay $0x1  }
0x32b: {  	v3 =	vadd.f32 v6, v3;
	_ =	sdelay $0x1  }
.Ltmp2:
0x32c: {  	v3 =	vadd.f32 v11, v3;
	(pc) =	sbr.rel @p0 .LBB2_7-.Ltmp2, $3  }
0x32d: {  	_ = 	snop  }
0x32e: {  	v3 =	vadd.f32 v12, v3;
	_ =	sdelay $0x1  }
0x32f: {  	v3 =	vadd.f32 v13, v3  }
0x330: {  	s3 =	sand.u32 $0xFF0, s20;
	s19 =	sadd.s32 $0x1, s19  }
0x331: {  	s10 =	sshrl.u32 s20, $0x6;
	v2 =	vadd.f32 v2, v3;
	s3 =	smul.u32 $0x680, s3;
	p0 =	sne.s32 s19, $0x68  }
.Ltmp3:
0x332: {  	s10 =	sand.u32 $0x1FFFFC0, s10;
	(pc) =	sbr.rel @p0 .LBB2_2-.Ltmp3, $4  }
0x333: {  	v1 =	vadd.f32 v1, v2;
	s3 =	sadd.s32 s10, s3  }
0x334: {  	s3 =	sshrl.u32 s3, $0x3  }
0x335: {  	[tilespmem:s22+$0x0] =	vst v1;
	s3 =	sadd.s32 s6, s3  }
0x336: {  	[hbm4b:s3+s14] =	stream.strided.scatter [tilespmem:s18], [sflag:$0x6], $0x400, s15, s14, $0x38;
	[tilespmem:$0xAD00] =	vst v63  }
0x337: {  	s3 =	simm.s32 $0x5  }
0x338: {  	_ =	swait.ge [sflag:s3], $0x400  }
0x339: {  	[sflag:s3] =	ssyncset.done $0x0  }
0x33a: {  	s10 =	simm.s32 $0x6;
	[sflag:s3] =	ssyncadd.s32 $0xFFFFFC00  }
0x33b: {  	_ =	swait.ge [sflag:s10], $0x400  }
0x33c: {  	s19 =	rddreg [dreg:$0x7]  }
0x33d: {  	s24 =	rddreg [dreg:$0x6];
	s19 =	sadd.s32 $0x1, s19  }
0x33e: {  	p0 =	sne.s32 s19, s24  }
.Ltmp4:
0x33f: {  	_ = 	snop;
	(pc) =	sbr.rel @p0 .LBB2_1-.Ltmp4, $3  }
0x340: {  	_ =	sdelay $0x1  }
0x341: {  	[sflag:s10] =	ssyncset.done $0x0  }
0x342: {  	[sflag:s10] =	ssyncadd.s32 $0xFFFFFC00  }
0x343: {  	_ =	sfence.sel $0x180000  }
0x344: {  	[bflag:$0x0] =	sbarrier.arrive $0xFFFF  }
0x345: {  	_ =	strace $0x90000047  }
0x346: {  	s0 =	stileid.u32;
	[bflag:$0x2] =	sbarrier.arrive $0xFFFF  }
0x347: {  	p0 =	sne.s32 s0, $0x0;
	s0 =	rddreg [dreg:$0x2]  }
0x348: {  	s0 =	sadd.s32 @!p0 $0x100000, s0  }
0x349: {  	[sflag:s0] =	ssyncadd.tile.s32 @!p0 $0x1;
	_ =	shalt  }
.Lfunc_end2:
_tile_overlayer_lowered:
.L_overlay_start_2:
0x34a: {  	(tag) =	ssettag $0x2  }
0x34b: {  	s0 =	rddreg [dreg:$0x0];
	s2 =	stileid.u32  }
0x34c: {  	s1 =	rddreg [dreg:$0x1];
	p0 =	sne.s32 s2, $0x0  }
0x34d: {  	s3 =	rddreg [dreg:$0x2];
	[bflag:$0x3] =	sbarrier.arrive $0xFFFF;
	s2 =	simm.s32 @!p0 $0x1C07  }
0x34e: {  	[timem:s3], [sflag:s2] =	dma.local @!p0 [hbm:s0], s1  }
0x34f: {  	s0 =	simm.s32 @!p0 $0x7  }
0x350: {  	_ =	swait.ge @!p0 [sflag:s0], s1  }
0x351: {  	s1 =	ssub.s32 @!p0 $0x0, s1;
	[sflag:s0] =	ssyncset.done @!p0 $0x0  }
0x352: {  	[sflag:s0] =	ssyncadd.s32 @!p0 s1  }
0x353: {  	[bflag:$0x3] =	sbarrier.arrive $0xFFFF  }
0x354: {  	_ =	shalt  }

</sc_bundles>
